<compile_context>
chip_gen: v7x
topology: tpu7x:2x2x1
jax: 0.10.2.dev20260603
libtpu: 0.0.44.dev20260713+nightly
codegen_flags: <defaults>
</compile_context>

<pallas_src>
import functools

import jax
import jax.numpy as jnp
from jax import lax
from jax.experimental import pallas as pl
from jax.experimental.pallas import tpu as pltpu
from jax.experimental.pallas import tpu_sc as plsc

_N = 8192
_HALF = 4096
_D = 128
_MB = 256
_SC_ROWS = 2048
_R_TC = _N - _SC_ROWS
_NB1 = _R_TC // _MB
_NB2 = _N // _MB

_NC = 2
_NS = 16
_NW = _NC * _NS
_RPW = _SC_ROWS // _NW
_CH = 4
_NCH = _RPW // _CH


def _tc_deg_kernel(e_ref, dis_ref):
    s = jnp.sum(e_ref[...], axis=1, keepdims=True) + 1.0
    dis_ref[...] = jnp.where(s > 0.0, jax.lax.rsqrt(s), 0.0)


def _row_sum16(buf_ref, b, r):
    def body(j, accs):
        a0, a1, a2, a3 = accs
        base = j * 64
        a0 = a0 + buf_ref[b, r, pl.ds(base, 16)]
        a1 = a1 + buf_ref[b, r, pl.ds(base + 16, 16)]
        a2 = a2 + buf_ref[b, r, pl.ds(base + 32, 16)]
        a3 = a3 + buf_ref[b, r, pl.ds(base + 48, 16)]
        return a0, a1, a2, a3
    z = jnp.zeros((16,), jnp.float32)
    a0, a1, a2, a3 = lax.fori_loop(0, _N // 64, body, (z, z, z, z))
    return (a0 + a1) + (a2 + a3)


def _sc_deg_kernel(e_hbm, out_hbm, buf_ref, acc_ref, sem0, sem1):
    wid = lax.axis_index("s") * _NC + lax.axis_index("c")
    row0 = _R_TC + wid * _RPW
    sems = (sem0, sem1)

    def start(ch, b):
        return pltpu.async_copy(
            e_hbm.at[pl.ds(row0 + ch * _CH, _CH)], buf_ref.at[b], sems[b]
        )

    handles = {0: start(0, 0), 1: start(1, 1)}
    for ch in range(_NCH):
        b = ch % 2
        handles.pop(ch).wait()
        for r in range(_CH):
            acc_ref[ch * _CH + r, :] = _row_sum16(buf_ref, b, r)
        nxt = ch + 2
        if nxt < _NCH:
            handles[nxt] = start(nxt, b)
    pltpu.sync_copy(acc_ref, out_hbm.at[pl.ds(wid * _RPW, _RPW)])


def _tc_main_kernel(e_ref, x_ref, wr_ref, wd_ref, b_ref, dtc_ref, scp_ref,
                    o_ref, y_scr, dis_scr):
    p = pl.program_id(0)

    @pl.when(p == 0)
    def _project():
        s_sc = jnp.sum(scp_ref[...], axis=1, keepdims=True) + 1.0
        dis_sc = jnp.where(s_sc > 0.0, jax.lax.rsqrt(s_sc), 0.0)
        dis_scr[0:_R_TC, :] = dtc_ref[...]
        dis_scr[_R_TC:_N, :] = dis_sc
        top = jnp.dot(x_ref[0:_HALF, :], wr_ref[...],
                      preferred_element_type=jnp.float32)
        y_scr[0:_HALF, :] = dtc_ref[0:_HALF, :] * top
        mid = jnp.dot(x_ref[_HALF:_R_TC, :], wd_ref[...],
                      preferred_element_type=jnp.float32)
        y_scr[_HALF:_R_TC, :] = dtc_ref[_HALF:_R_TC, :] * mid
        tail = jnp.dot(x_ref[_R_TC:_N, :], wd_ref[...],
                       preferred_element_type=jnp.float32)
        y_scr[_R_TC:_N, :] = dis_sc * tail

    @pl.when(p > 0)
    def _matmul():
        j = p - 1
        z = jnp.dot(e_ref[...], y_scr[...], preferred_element_type=jnp.float32)
        o = (
            dis_scr[pl.ds(j * _MB, _MB), :] * (z + y_scr[pl.ds(j * _MB, _MB), :])
            + b_ref[...]
        )
        o_ref[...] = jnp.where(o >= 0.0, o, 0.01 * o)


_sc_deg = functools.partial(
    pl.kernel,
    mesh=plsc.VectorSubcoreMesh(core_axis_name="c", subcore_axis_name="s"),
    out_type=jax.ShapeDtypeStruct((_SC_ROWS, 16), jnp.float32),
    scratch_types=[
        pltpu.VMEM((2, _CH, _N), jnp.float32),
        pltpu.VMEM((_RPW, 16), jnp.float32),
        pltpu.SemaphoreType.DMA,
        pltpu.SemaphoreType.DMA,
    ],
)(_sc_deg_kernel)


def kernel(x, edge_index, weightr, weightd, bias):
    scpart = _sc_deg(edge_index)

    dis_tc = pl.pallas_call(
        _tc_deg_kernel,
        grid=(_NB1,),
        in_specs=[pl.BlockSpec((_MB, _N), lambda i: (i, 0))],
        out_specs=pl.BlockSpec((_MB, 1), lambda i: (i, 0)),
        out_shape=jax.ShapeDtypeStruct((_R_TC, 1), jnp.float32),
    )(edge_index)

    out = pl.pallas_call(
        _tc_main_kernel,
        grid=(1 + _NB2,),
        in_specs=[
            pl.BlockSpec((_MB, _N), lambda p: (jnp.where(p == 0, 0, p - 1), 0)),
            pl.BlockSpec((_N, _D), lambda p: (0, 0)),
            pl.BlockSpec((_D, _D), lambda p: (0, 0)),
            pl.BlockSpec((_D, _D), lambda p: (0, 0)),
            pl.BlockSpec((1, _D), lambda p: (0, 0)),
            pl.BlockSpec((_R_TC, 1), lambda p: (0, 0)),
            pl.BlockSpec((_SC_ROWS, 16), lambda p: (0, 0)),
        ],
        out_specs=pl.BlockSpec(
            (_MB, _D), lambda p: (jnp.where(p == 0, 0, p - 1), 0)
        ),
        out_shape=jax.ShapeDtypeStruct((_N, _D), jnp.float32),
        scratch_shapes=[
            pltpu.VMEM((_N, _D), jnp.float32),
            pltpu.VMEM((_N, 1), jnp.float32),
        ],
    )(edge_index, x, weightr, weightd, bias.reshape(1, _D), dis_tc, scpart)
    return out

# --- scband reference (transcript-rebuilt; emitter-appended) ---
"""Pipeline reference for scband-gcnconv-55585466744854 (READ-ONLY COPY).

The authoritative reference and input builder live on the scoring server;
editing this copy changes nothing except your own understanding.
"""

import jax, jax.numpy as jnp
import numpy as np

SIZE_U = 4096
SIZE_V = 4096
N = SIZE_U + SIZE_V
D_IN = 128
D_OUT = 128


def setup_inputs(seed: int = 0) -> dict:
    key = jax.random.key(seed)
    k1, k2, k3, k4 = jax.random.split(key, 4)
    x = jax.random.normal(k1, (N, D_IN), dtype=jnp.float32)
    # dense weighted adjacency (the torch module densifies edge_index anyway)
    edge_index = jax.random.uniform(k2, (N, N), dtype=jnp.float32)
    # xavier_uniform init for the two weight matrices
    limit = float(np.sqrt(6.0 / (D_IN + D_OUT)))
    weightr = jax.random.uniform(k3, (D_IN, D_OUT), dtype=jnp.float32, minval=-limit, maxval=limit)
    weightd = jax.random.uniform(k4, (D_IN, D_OUT), dtype=jnp.float32, minval=-limit, maxval=limit)
    bias = jnp.zeros((D_OUT,), dtype=jnp.float32)
    return {"x": x, "edge_index": edge_index, "weightr": weightr, "weightd": weightd, "bias": bias}


def reference(x, edge_index, weightr, weightd, bias):
    # gcn_norm with add_self_loops=True
    adj = edge_index + jnp.eye(N, dtype=edge_index.dtype)
    deg = jnp.sum(adj, axis=1)
    deg_inv_sqrt = jnp.power(deg, -0.5)
    deg_inv_sqrt = jnp.where(jnp.isinf(deg_inv_sqrt), 0.0, deg_inv_sqrt)
    adj = adj * deg_inv_sqrt[:, None]
    adj = adj * deg_inv_sqrt[None, :]
    # share=False branch: separate weights for the two node partitions
    R = jnp.matmul(x[:SIZE_U, :], weightr)
    D = jnp.matmul(x[SIZE_U:, :], weightd)
    xw = jnp.concatenate([R, D], axis=0)
    out = jnp.matmul(adj, xw)
    out = out + bias
    # dropout p=0.0 (inference) is identity
    # LeakyReLU, default negative_slope=0.01
    out = jnp.where(out >= 0, out, 0.01 * out)
    return out

if __name__ == "__main__":
    import jax
    _d = setup_inputs()
    print(jax.jit(kernel)(*tuple(_d.values())))

</pallas_src>

<mosaic_0001>
#map = affine_map<(d0, d1) -> (0, 0)>
module attributes {stable_mosaic.version = 14 : i64} {
  func.func @_sc_deg_kernel(%arg0: i32, %arg1: i32, %arg2: memref<8192x8192xf32, #tpu.memory_space<hbm>>, %arg3: memref<2048x16xf32, #tpu.memory_space<hbm>>, %arg4: memref<2x4x8192xf32, #tpu.memory_space<vmem>>, %arg5: memref<64x16xf32, #tpu.memory_space<vmem>>, %arg6: memref<!tpu.dma_semaphore, #tpu.memory_space<semaphore_mem>>, %arg7: memref<!tpu.dma_semaphore, #tpu.memory_space<semaphore_mem>>) attributes {dimension_semantics = [#tpu.dimension_semantics<core_parallel>, #tpu.dimension_semantics<subcore_parallel>], iteration_bounds = array<i64: 2, 16>, scalar_prefetch = 0 : i64, scratch_operands = 4 : i64, tpu.core_type = #tpu.core_type<sc_vector_subcore>, window_params = [{transform_indices = #map}, {transform_indices = #map}]} {
    %mul3A = arith.constant 2 : i32
    %mul3A_0 = arith.muli %arg1, %mul3A : i32
    %add3A = arith.addi %mul3A_0, %arg0 : i32
    %mul3A_1 = arith.constant 64 : i32
    %mul3A_2 = arith.muli %add3A, %mul3A_1 : i32
    %add3A_3 = arith.constant 6144 : i32
    %add3A_4 = arith.addi %add3A_3, %mul3A_2 : i32
    %add3A_5 = arith.constant 0 : i32
    %add3A_6 = arith.addi %add3A_4, %add3A_5 : i32
    %dma_start3A = arith.constant 0 : i32
    %dma_start3A_7 = arith.constant 0 : i32
    %dma_start3A_8 = arith.constant 0 : i32
    %dma_start3A_9 = tpu.memref_slice %arg4[%dma_start3A, %dma_start3A_7, %dma_start3A_8] : memref<2x4x8192xf32, #tpu.memory_space<vmem>> -> memref<1x4x8192xf32, #tpu.memory_space<vmem>>
    %dma_start3A_10 = tpu.memref_squeeze %dma_start3A_9 : memref<1x4x8192xf32, #tpu.memory_space<vmem>> -> memref<4x8192xf32, #tpu.memory_space<vmem>>
    %dma_start3A_11 = arith.constant 0 : i32
    %dma_start3A_12 = tpu.memref_slice %arg2[%add3A_6, %dma_start3A_11] : memref<8192x8192xf32, #tpu.memory_space<hbm>> -> memref<4x8192xf32, #tpu.memory_space<hbm>>
    %dma_start3A_13 = arith.constant 0 : i32
    %dma_start3A_14 = arith.constant 0 : i32
    %dma_start3A_15 = tpu.memref_slice %arg4[%dma_start3A, %dma_start3A_13, %dma_start3A_14] : memref<2x4x8192xf32, #tpu.memory_space<vmem>> -> memref<1x4x8192xf32, #tpu.memory_space<vmem>>
    %dma_start3A_16 = tpu.memref_squeeze %dma_start3A_15 : memref<1x4x8192xf32, #tpu.memory_space<vmem>> -> memref<4x8192xf32, #tpu.memory_space<vmem>>
    %dma_start3A_17 = arith.constant 0 : i32
    %dma_start3A_18 = tpu.memref_slice %arg2[%add3A_6, %dma_start3A_17] : memref<8192x8192xf32, #tpu.memory_space<hbm>> -> memref<4x8192xf32, #tpu.memory_space<hbm>>
    tpu.enqueue_dma source(%dma_start3A_18 : memref<4x8192xf32, #tpu.memory_space<hbm>>) target(%dma_start3A_16 : memref<4x8192xf32, #tpu.memory_space<vmem>>) target_semaphore(%arg6 : memref<!tpu.dma_semaphore, #tpu.memory_space<semaphore_mem>>)
    %add3A_19 = arith.constant 4 : i32
    %add3A_20 = arith.addi %add3A_4, %add3A_19 : i32
    %dma_start3A_21 = arith.constant 1 : i32
    %dma_start3A_22 = arith.constant 0 : i32
    %dma_start3A_23 = arith.constant 0 : i32
    %dma_start3A_24 = tpu.memref_slice %arg4[%dma_start3A_21, %dma_start3A_22, %dma_start3A_23] : memref<2x4x8192xf32, #tpu.memory_space<vmem>> -> memref<1x4x8192xf32, #tpu.memory_space<vmem>>
    %dma_start3A_25 = tpu.memref_squeeze %dma_start3A_24 : memref<1x4x8192xf32, #tpu.memory_space<vmem>> -> memref<4x8192xf32, #tpu.memory_space<vmem>>
    %dma_start3A_26 = arith.constant 0 : i32
    %dma_start3A_27 = tpu.memref_slice %arg2[%add3A_20, %dma_start3A_26] : memref<8192x8192xf32, #tpu.memory_space<hbm>> -> memref<4x8192xf32, #tpu.memory_space<hbm>>
    %dma_start3A_28 = arith.constant 0 : i32
    %dma_start3A_29 = arith.constant 0 : i32
    %dma_start3A_30 = tpu.memref_slice %arg4[%dma_start3A_21, %dma_start3A_28, %dma_start3A_29] : memref<2x4x8192xf32, #tpu.memory_space<vmem>> -> memref<1x4x8192xf32, #tpu.memory_space<vmem>>
    %dma_start3A_31 = tpu.memref_squeeze %dma_start3A_30 : memref<1x4x8192xf32, #tpu.memory_space<vmem>> -> memref<4x8192xf32, #tpu.memory_space<vmem>>
    %dma_start3A_32 = arith.constant 0 : i32
    %dma_start3A_33 = tpu.memref_slice %arg2[%add3A_20, %dma_start3A_32] : memref<8192x8192xf32, #tpu.memory_space<hbm>> -> memref<4x8192xf32, #tpu.memory_space<hbm>>
    tpu.enqueue_dma source(%dma_start3A_33 : memref<4x8192xf32, #tpu.memory_space<hbm>>) target(%dma_start3A_31 : memref<4x8192xf32, #tpu.memory_space<vmem>>) target_semaphore(%arg7 : memref<!tpu.dma_semaphore, #tpu.memory_space<semaphore_mem>>)
    %dma_wait3A = arith.constant 0 : i32
    %dma_wait3A_34 = arith.constant 0 : i32
    %dma_wait3A_35 = arith.constant 0 : i32
    %dma_wait3A_36 = tpu.memref_slice %arg4[%dma_wait3A, %dma_wait3A_34, %dma_wait3A_35] : memref<2x4x8192xf32, #tpu.memory_space<vmem>> -> memref<1x4x8192xf32, #tpu.memory_space<vmem>>
    %dma_wait3A_37 = tpu.memref_squeeze %dma_wait3A_36 : memref<1x4x8192xf32, #tpu.memory_space<vmem>> -> memref<4x8192xf32, #tpu.memory_space<vmem>>
    %dma_wait3A_38 = arith.constant 0 : i32
    %dma_wait3A_39 = tpu.memref_slice %arg2[%add3A_6, %dma_wait3A_38] : memref<8192x8192xf32, #tpu.memory_space<hbm>> -> memref<4x8192xf32, #tpu.memory_space<hbm>>
    %dma_wait3A_40 = arith.constant 0 : i32
    %dma_wait3A_41 = arith.constant 0 : i32
    %dma_wait3A_42 = tpu.memref_slice %arg4[%dma_wait3A, %dma_wait3A_40, %dma_wait3A_41] : memref<2x4x8192xf32, #tpu.memory_space<vmem>> -> memref<1x4x8192xf32, #tpu.memory_space<vmem>>
    %dma_wait3A_43 = tpu.memref_squeeze %dma_wait3A_42 : memref<1x4x8192xf32, #tpu.memory_space<vmem>> -> memref<4x8192xf32, #tpu.memory_space<vmem>>
    %dma_wait3A_44 = arith.constant 0 : i32
    %dma_wait3A_45 = tpu.memref_slice %arg2[%add3A_6, %dma_wait3A_44] : memref<8192x8192xf32, #tpu.memory_space<hbm>> -> memref<4x8192xf32, #tpu.memory_space<hbm>>
    tpu.wait_dma2 semaphore(%arg6 : memref<!tpu.dma_semaphore, #tpu.memory_space<semaphore_mem>>) src(%dma_wait3A_45 : memref<4x8192xf32, #tpu.memory_space<hbm>>) dst(%dma_wait3A_43 : memref<4x8192xf32, #tpu.memory_space<vmem>>)
    %broadcast_in_dim3A = arith.constant 0.000000e+00 : f32
    %broadcast_in_dim3A_46 = vector.broadcast %broadcast_in_dim3A : f32 to vector<16xf32>
    %scan3A = arith.constant 0 : i32
    %scan3A_47 = arith.constant 128 : i32
    %scan3A_48 = arith.addi %scan3A, %scan3A_47 : i32
    %scan3A_49 = arith.constant 1 : i32
    %scan3A_50:4 = scf.for %scan3A_1538 = %scan3A to %scan3A_48 step %scan3A_49 iter_args(%scan3A_1539 = %broadcast_in_dim3A_46, %scan3A_1540 = %broadcast_in_dim3A_46, %scan3A_1541 = %broadcast_in_dim3A_46, %scan3A_1542 = %broadcast_in_dim3A_46) -> (vector<16xf32>, vector<16xf32>, vector<16xf32>, vector<16xf32>)  : i32 {
      %mul3A_1543 = arith.constant 64 : i32
      %mul3A_1544 = arith.muli %scan3A_1538, %mul3A_1543 : i32
      %get3A = arith.constant 0 : i32
      %get3A_1545 = arith.constant 0 : i32
      %get3A_1546 = arith.index_cast %get3A : i32 to index
      %get3A_1547 = arith.index_cast %get3A_1545 : i32 to index
      %get3A_1548 = arith.index_cast %mul3A_1544 : i32 to index
      %get3A_1549 = tpu.vector_load %arg4[%get3A_1546, %get3A_1547, %get3A_1548] {strides = array<i32>} : memref<2x4x8192xf32, #tpu.memory_space<vmem>>, vector<1x1x16xf32>,
      %get3A_1550 = vector.shape_cast %get3A_1549 : vector<1x1x16xf32> to vector<16xf32>
      %add3A_1551 = arith.addf %scan3A_1539, %get3A_1550 : vector<16xf32>
      %add3A_1552 = arith.constant 16 : i32
      %add3A_1553 = arith.addi %mul3A_1544, %add3A_1552 : i32
      %get3A_1554 = arith.constant 0 : i32
      %get3A_1555 = arith.constant 0 : i32
      %get3A_1556 = arith.index_cast %get3A_1554 : i32 to index
      %get3A_1557 = arith.index_cast %get3A_1555 : i32 to index
      %get3A_1558 = arith.index_cast %add3A_1553 : i32 to index
      %get3A_1559 = tpu.vector_load %arg4[%get3A_1556, %get3A_1557, %get3A_1558] {strides = array<i32>} : memref<2x4x8192xf32, #tpu.memory_space<vmem>>, vector<1x1x16xf32>,
      %get3A_1560 = vector.shape_cast %get3A_1559 : vector<1x1x16xf32> to vector<16xf32>
      %add3A_1561 = arith.addf %scan3A_1540, %get3A_1560 : vector<16xf32>
      %add3A_1562 = arith.constant 32 : i32
      %add3A_1563 = arith.addi %mul3A_1544, %add3A_1562 : i32
      %get3A_1564 = arith.constant 0 : i32
      %get3A_1565 = arith.constant 0 : i32
      %get3A_1566 = arith.index_cast %get3A_1564 : i32 to index
      %get3A_1567 = arith.index_cast %get3A_1565 : i32 to index
      %get3A_1568 = arith.index_cast %add3A_1563 : i32 to index
      %get3A_1569 = tpu.vector_load %arg4[%get3A_1566, %get3A_1567, %get3A_1568] {strides = array<i32>} : memref<2x4x8192xf32, #tpu.memory_space<vmem>>, vector<1x1x16xf32>,
      %get3A_1570 = vector.shape_cast %get3A_1569 : vector<1x1x16xf32> to vector<16xf32>
      %add3A_1571 = arith.addf %scan3A_1541, %get3A_1570 : vector<16xf32>
      %add3A_1572 = arith.constant 48 : i32
      %add3A_1573 = arith.addi %mul3A_1544, %add3A_1572 : i32
      %get3A_1574 = arith.constant 0 : i32
      %get3A_1575 = arith.constant 0 : i32
      %get3A_1576 = arith.index_cast %get3A_1574 : i32 to index
      %get3A_1577 = arith.index_cast %get3A_1575 : i32 to index
      %get3A_1578 = arith.index_cast %add3A_1573 : i32 to index
      %get3A_1579 = tpu.vector_load %arg4[%get3A_1576, %get3A_1577, %get3A_1578] {strides = array<i32>} : memref<2x4x8192xf32, #tpu.memory_space<vmem>>, vector<1x1x16xf32>,
      %get3A_1580 = vector.shape_cast %get3A_1579 : vector<1x1x16xf32> to vector<16xf32>
      %add3A_1581 = arith.addf %scan3A_1542, %get3A_1580 : vector<16xf32>
      scf.yield %add3A_1551, %add3A_1561, %add3A_1571, %add3A_1581 : vector<16xf32>, vector<16xf32>, vector<16xf32>, vector<16xf32>
    }
    %scan3A_51 = arith.constant 128 : i32
    %add3A_52 = arith.addf %scan3A_50#0, %scan3A_50#1 : vector<16xf32>
    %add3A_53 = arith.addf %scan3A_50#2, %scan3A_50#3 : vector<16xf32>
    %add3A_54 = arith.addf %add3A_52, %add3A_53 : vector<16xf32>
    %swap3A = arith.constant 0 : i32
    %swap3A_55 = arith.index_cast %swap3A : i32 to index
    %swap3A_56 = arith.constant 0 : index
    %swap3A_57 = tpu.vector_load %arg5[%swap3A_55, %swap3A_56] {strides = array<i32>} : memref<64x16xf32, #tpu.memory_space<vmem>>, vector<1x16xf32>,
    %swap3A_58 = vector.shape_cast %swap3A_57 : vector<1x16xf32> to vector<16xf32>
    %swap3A_59 = vector.shape_cast %add3A_54 : vector<16xf32> to vector<1x16xf32>
    tpu.vector_store %arg5[%swap3A_55, %swap3A_56], %swap3A_59 {strides = array<i32>} : memref<64x16xf32, #tpu.memory_space<vmem>>, vector<1x16xf32>,
    %broadcast_in_dim3A_60 = arith.constant 0.000000e+00 : f32
    %broadcast_in_dim3A_61 = vector.broadcast %broadcast_in_dim3A_60 : f32 to vector<16xf32>
    %scan3A_62 = arith.constant 0 : i32
    %scan3A_63 = arith.constant 128 : i32
    %scan3A_64 = arith.addi %scan3A_62, %scan3A_63 : i32
    %scan3A_65 = arith.constant 1 : i32
    %scan3A_66:4 = scf.for %scan3A_1538 = %scan3A_62 to %scan3A_64 step %scan3A_65 iter_args(%scan3A_1539 = %broadcast_in_dim3A_61, %scan3A_1540 = %broadcast_in_dim3A_61, %scan3A_1541 = %broadcast_in_dim3A_61, %scan3A_1542 = %broadcast_in_dim3A_61) -> (vector<16xf32>, vector<16xf32>, vector<16xf32>, vector<16xf32>)  : i32 {
      %mul3A_1543 = arith.constant 64 : i32
      %mul3A_1544 = arith.muli %scan3A_1538, %mul3A_1543 : i32
      %get3A = arith.constant 0 : i32
      %get3A_1545 = arith.constant 1 : i32
      %get3A_1546 = arith.index_cast %get3A : i32 to index
      %get3A_1547 = arith.index_cast %get3A_1545 : i32 to index
      %get3A_1548 = arith.index_cast %mul3A_1544 : i32 to index
      %get3A_1549 = tpu.vector_load %arg4[%get3A_1546, %get3A_1547, %get3A_1548] {strides = array<i32>} : memref<2x4x8192xf32, #tpu.memory_space<vmem>>, vector<1x1x16xf32>,
      %get3A_1550 = vector.shape_cast %get3A_1549 : vector<1x1x16xf32> to vector<16xf32>
      %add3A_1551 = arith.addf %scan3A_1539, %get3A_1550 : vector<16xf32>
      %add3A_1552 = arith.constant 16 : i32
      %add3A_1553 = arith.addi %mul3A_1544, %add3A_1552 : i32
      %get3A_1554 = arith.constant 0 : i32
      %get3A_1555 = arith.constant 1 : i32
      %get3A_1556 = arith.index_cast %get3A_1554 : i32 to index
      %get3A_1557 = arith.index_cast %get3A_1555 : i32 to index
      %get3A_1558 = arith.index_cast %add3A_1553 : i32 to index
      %get3A_1559 = tpu.vector_load %arg4[%get3A_1556, %get3A_1557, %get3A_1558] {strides = array<i32>} : memref<2x4x8192xf32, #tpu.memory_space<vmem>>, vector<1x1x16xf32>,
      %get3A_1560 = vector.shape_cast %get3A_1559 : vector<1x1x16xf32> to vector<16xf32>
      %add3A_1561 = arith.addf %scan3A_1540, %get3A_1560 : vector<16xf32>
      %add3A_1562 = arith.constant 32 : i32
      %add3A_1563 = arith.addi %mul3A_1544, %add3A_1562 : i32
      %get3A_1564 = arith.constant 0 : i32
      %get3A_1565 = arith.constant 1 : i32
      %get3A_1566 = arith.index_cast %get3A_1564 : i32 to index
      %get3A_1567 = arith.index_cast %get3A_1565 : i32 to index
      %get3A_1568 = arith.index_cast %add3A_1563 : i32 to index
      %get3A_1569 = tpu.vector_load %arg4[%get3A_1566, %get3A_1567, %get3A_1568] {strides = array<i32>} : memref<2x4x8192xf32, #tpu.memory_space<vmem>>, vector<1x1x16xf32>,
      %get3A_1570 = vector.shape_cast %get3A_1569 : vector<1x1x16xf32> to vector<16xf32>
      %add3A_1571 = arith.addf %scan3A_1541, %get3A_1570 : vector<16xf32>
      %add3A_1572 = arith.constant 48 : i32
      %add3A_1573 = arith.addi %mul3A_1544, %add3A_1572 : i32
      %get3A_1574 = arith.constant 0 : i32
      %get3A_1575 = arith.constant 1 : i32
      %get3A_1576 = arith.index_cast %get3A_1574 : i32 to index
      %get3A_1577 = arith.index_cast %get3A_1575 : i32 to index
      %get3A_1578 = arith.index_cast %add3A_1573 : i32 to index
      %get3A_1579 = tpu.vector_load %arg4[%get3A_1576, %get3A_1577, %get3A_1578] {strides = array<i32>} : memref<2x4x8192xf32, #tpu.memory_space<vmem>>, vector<1x1x16xf32>,
      %get3A_1580 = vector.shape_cast %get3A_1579 : vector<1x1x16xf32> to vector<16xf32>
      %add3A_1581 = arith.addf %scan3A_1542, %get3A_1580 : vector<16xf32>
      scf.yield %add3A_1551, %add3A_1561, %add3A_1571, %add3A_1581 : vector<16xf32>, vector<16xf32>, vector<16xf32>, vector<16xf32>
    }
    %scan3A_67 = arith.constant 128 : i32
    %add3A_68 = arith.addf %scan3A_66#0, %scan3A_66#1 : vector<16xf32>
    %add3A_69 = arith.addf %scan3A_66#2, %scan3A_66#3 : vector<16xf32>
    %add3A_70 = arith.addf %add3A_68, %add3A_69 : vector<16xf32>
    %swap3A_71 = arith.constant 1 : i32
    %swap3A_72 = arith.index_cast %swap3A_71 : i32 to index
    %swap3A_73 = arith.constant 0 : index
    %swap3A_74 = tpu.vector_load %arg5[%swap3A_72, %swap3A_73] {strides = array<i32>} : memref<64x16xf32, #tpu.memory_space<vmem>>, vector<1x16xf32>,
    %swap3A_75 = vector.shape_cast %swap3A_74 : vector<1x16xf32> to vector<16xf32>
    %swap3A_76 = vector.shape_cast %add3A_70 : vector<16xf32> to vector<1x16xf32>
    tpu.vector_store %arg5[%swap3A_72, %swap3A_73], %swap3A_76 {strides = array<i32>} : memref<64x16xf32, #tpu.memory_space<vmem>>, vector<1x16xf32>,
    %broadcast_in_dim3A_77 = arith.constant 0.000000e+00 : f32
    %broadcast_in_dim3A_78 = vector.broadcast %broadcast_in_dim3A_77 : f32 to vector<16xf32>
    %scan3A_79 = arith.constant 0 : i32
    %scan3A_80 = arith.constant 128 : i32
    %scan3A_81 = arith.addi %scan3A_79, %scan3A_80 : i32
    %scan3A_82 = arith.constant 1 : i32
    %scan3A_83:4 = scf.for %scan3A_1538 = %scan3A_79 to %scan3A_81 step %scan3A_82 iter_args(%scan3A_1539 = %broadcast_in_dim3A_78, %scan3A_1540 = %broadcast_in_dim3A_78, %scan3A_1541 = %broadcast_in_dim3A_78, %scan3A_1542 = %broadcast_in_dim3A_78) -> (vector<16xf32>, vector<16xf32>, vector<16xf32>, vector<16xf32>)  : i32 {
      %mul3A_1543 = arith.constant 64 : i32
      %mul3A_1544 = arith.muli %scan3A_1538, %mul3A_1543 : i32
      %get3A = arith.constant 0 : i32
      %get3A_1545 = arith.constant 2 : i32
      %get3A_1546 = arith.index_cast %get3A : i32 to index
      %get3A_1547 = arith.index_cast %get3A_1545 : i32 to index
      %get3A_1548 = arith.index_cast %mul3A_1544 : i32 to index
      %get3A_1549 = tpu.vector_load %arg4[%get3A_1546, %get3A_1547, %get3A_1548] {strides = array<i32>} : memref<2x4x8192xf32, #tpu.memory_space<vmem>>, vector<1x1x16xf32>,
      %get3A_1550 = vector.shape_cast %get3A_1549 : vector<1x1x16xf32> to vector<16xf32>
      %add3A_1551 = arith.addf %scan3A_1539, %get3A_1550 : vector<16xf32>
      %add3A_1552 = arith.constant 16 : i32
      %add3A_1553 = arith.addi %mul3A_1544, %add3A_1552 : i32
      %get3A_1554 = arith.constant 0 : i32
      %get3A_1555 = arith.constant 2 : i32
      %get3A_1556 = arith.index_cast %get3A_1554 : i32 to index
      %get3A_1557 = arith.index_cast %get3A_1555 : i32 to index
      %get3A_1558 = arith.index_cast %add3A_1553 : i32 to index
      %get3A_1559 = tpu.vector_load %arg4[%get3A_1556, %get3A_1557, %get3A_1558] {strides = array<i32>} : memref<2x4x8192xf32, #tpu.memory_space<vmem>>, vector<1x1x16xf32>,
      %get3A_1560 = vector.shape_cast %get3A_1559 : vector<1x1x16xf32> to vector<16xf32>
      %add3A_1561 = arith.addf %scan3A_1540, %get3A_1560 : vector<16xf32>
      %add3A_1562 = arith.constant 32 : i32
      %add3A_1563 = arith.addi %mul3A_1544, %add3A_1562 : i32
      %get3A_1564 = arith.constant 0 : i32
      %get3A_1565 = arith.constant 2 : i32
      %get3A_1566 = arith.index_cast %get3A_1564 : i32 to index
      %get3A_1567 = arith.index_cast %get3A_1565 : i32 to index
      %get3A_1568 = arith.index_cast %add3A_1563 : i32 to index
      %get3A_1569 = tpu.vector_load %arg4[%get3A_1566, %get3A_1567, %get3A_1568] {strides = array<i32>} : memref<2x4x8192xf32, #tpu.memory_space<vmem>>, vector<1x1x16xf32>,
      %get3A_1570 = vector.shape_cast %get3A_1569 : vector<1x1x16xf32> to vector<16xf32>
      %add3A_1571 = arith.addf %scan3A_1541, %get3A_1570 : vector<16xf32>
      %add3A_1572 = arith.constant 48 : i32
      %add3A_1573 = arith.addi %mul3A_1544, %add3A_1572 : i32
      %get3A_1574 = arith.constant 0 : i32
      %get3A_1575 = arith.constant 2 : i32
      %get3A_1576 = arith.index_cast %get3A_1574 : i32 to index
      %get3A_1577 = arith.index_cast %get3A_1575 : i32 to index
      %get3A_1578 = arith.index_cast %add3A_1573 : i32 to index
      %get3A_1579 = tpu.vector_load %arg4[%get3A_1576, %get3A_1577, %get3A_1578] {strides = array<i32>} : memref<2x4x8192xf32, #tpu.memory_space<vmem>>, vector<1x1x16xf32>,
      %get3A_1580 = vector.shape_cast %get3A_1579 : vector<1x1x16xf32> to vector<16xf32>
      %add3A_1581 = arith.addf %scan3A_1542, %get3A_1580 : vector<16xf32>
      scf.yield %add3A_1551, %add3A_1561, %add3A_1571, %add3A_1581 : vector<16xf32>, vector<16xf32>, vector<16xf32>, vector<16xf32>
    }
    %scan3A_84 = arith.constant 128 : i32
    %add3A_85 = arith.addf %scan3A_83#0, %scan3A_83#1 : vector<16xf32>
    %add3A_86 = arith.addf %scan3A_83#2, %scan3A_83#3 : vector<16xf32>
    %add3A_87 = arith.addf %add3A_85, %add3A_86 : vector<16xf32>
    %swap3A_88 = arith.constant 2 : i32
    %swap3A_89 = arith.index_cast %swap3A_88 : i32 to index
    %swap3A_90 = arith.constant 0 : index
    %swap3A_91 = tpu.vector_load %arg5[%swap3A_89, %swap3A_90] {strides = array<i32>} : memref<64x16xf32, #tpu.memory_space<vmem>>, vector<1x16xf32>,
    %swap3A_92 = vector.shape_cast %swap3A_91 : vector<1x16xf32> to vector<16xf32>
    %swap3A_93 = vector.shape_cast %add3A_87 : vector<16xf32> to vector<1x16xf32>
    tpu.vector_store %arg5[%swap3A_89, %swap3A_90], %swap3A_93 {strides = array<i32>} : memref<64x16xf32, #tpu.memory_space<vmem>>, vector<1x16xf32>,
    %broadcast_in_dim3A_94 = arith.constant 0.000000e+00 : f32
    %broadcast_in_dim3A_95 = vector.broadcast %broadcast_in_dim3A_94 : f32 to vector<16xf32>
    %scan3A_96 = arith.constant 0 : i32
    %scan3A_97 = arith.constant 128 : i32
    %scan3A_98 = arith.addi %scan3A_96, %scan3A_97 : i32
    %scan3A_99 = arith.constant 1 : i32
    %scan3A_100:4 = scf.for %scan3A_1538 = %scan3A_96 to %scan3A_98 step %scan3A_99 iter_args(%scan3A_1539 = %broadcast_in_dim3A_95, %scan3A_1540 = %broadcast_in_dim3A_95, %scan3A_1541 = %broadcast_in_dim3A_95, %scan3A_1542 = %broadcast_in_dim3A_95) -> (vector<16xf32>, vector<16xf32>, vector<16xf32>, vector<16xf32>)  : i32 {
      %mul3A_1543 = arith.constant 64 : i32
      %mul3A_1544 = arith.muli %scan3A_1538, %mul3A_1543 : i32
      %get3A = arith.constant 0 : i32
      %get3A_1545 = arith.constant 3 : i32
      %get3A_1546 = arith.index_cast %get3A : i32 to index
      %get3A_1547 = arith.index_cast %get3A_1545 : i32 to index
      %get3A_1548 = arith.index_cast %mul3A_1544 : i32 to index
      %get3A_1549 = tpu.vector_load %arg4[%get3A_1546, %get3A_1547, %get3A_1548] {strides = array<i32>} : memref<2x4x8192xf32, #tpu.memory_space<vmem>>, vector<1x1x16xf32>,
      %get3A_1550 = vector.shape_cast %get3A_1549 : vector<1x1x16xf32> to vector<16xf32>
      %add3A_1551 = arith.addf %scan3A_1539, %get3A_1550 : vector<16xf32>
      %add3A_1552 = arith.constant 16 : i32
      %add3A_1553 = arith.addi %mul3A_1544, %add3A_1552 : i32
      %get3A_1554 = arith.constant 0 : i32
      %get3A_1555 = arith.constant 3 : i32
      %get3A_1556 = arith.index_cast %get3A_1554 : i32 to index
      %get3A_1557 = arith.index_cast %get3A_1555 : i32 to index
      %get3A_1558 = arith.index_cast %add3A_1553 : i32 to index
      %get3A_1559 = tpu.vector_load %arg4[%get3A_1556, %get3A_1557, %get3A_1558] {strides = array<i32>} : memref<2x4x8192xf32, #tpu.memory_space<vmem>>, vector<1x1x16xf32>,
      %get3A_1560 = vector.shape_cast %get3A_1559 : vector<1x1x16xf32> to vector<16xf32>
      %add3A_1561 = arith.addf %scan3A_1540, %get3A_1560 : vector<16xf32>
      %add3A_1562 = arith.constant 32 : i32
      %add3A_1563 = arith.addi %mul3A_1544, %add3A_1562 : i32
      %get3A_1564 = arith.constant 0 : i32
      %get3A_1565 = arith.constant 3 : i32
      %get3A_1566 = arith.index_cast %get3A_1564 : i32 to index
      %get3A_1567 = arith.index_cast %get3A_1565 : i32 to index
      %get3A_1568 = arith.index_cast %add3A_1563 : i32 to index
      %get3A_1569 = tpu.vector_load %arg4[%get3A_1566, %get3A_1567, %get3A_1568] {strides = array<i32>} : memref<2x4x8192xf32, #tpu.memory_space<vmem>>, vector<1x1x16xf32>,
      %get3A_1570 = vector.shape_cast %get3A_1569 : vector<1x1x16xf32> to vector<16xf32>
      %add3A_1571 = arith.addf %scan3A_1541, %get3A_1570 : vector<16xf32>
      %add3A_1572 = arith.constant 48 : i32
      %add3A_1573 = arith.addi %mul3A_1544, %add3A_1572 : i32
      %get3A_1574 = arith.constant 0 : i32
      %get3A_1575 = arith.constant 3 : i32
      %get3A_1576 = arith.index_cast %get3A_1574 : i32 to index
      %get3A_1577 = arith.index_cast %get3A_1575 : i32 to index
      %get3A_1578 = arith.index_cast %add3A_1573 : i32 to index
      %get3A_1579 = tpu.vector_load %arg4[%get3A_1576, %get3A_1577, %get3A_1578] {strides = array<i32>} : memref<2x4x8192xf32, #tpu.memory_space<vmem>>, vector<1x1x16xf32>,
      %get3A_1580 = vector.shape_cast %get3A_1579 : vector<1x1x16xf32> to vector<16xf32>
      %add3A_1581 = arith.addf %scan3A_1542, %get3A_1580 : vector<16xf32>
      scf.yield %add3A_1551, %add3A_1561, %add3A_1571, %add3A_1581 : vector<16xf32>, vector<16xf32>, vector<16xf32>, vector<16xf32>
    }
    %scan3A_101 = arith.constant 128 : i32
    %add3A_102 = arith.addf %scan3A_100#0, %scan3A_100#1 : vector<16xf32>
    %add3A_103 = arith.addf %scan3A_100#2, %scan3A_100#3 : vector<16xf32>
    %add3A_104 = arith.addf %add3A_102, %add3A_103 : vector<16xf32>
    %swap3A_105 = arith.constant 3 : i32
    %swap3A_106 = arith.index_cast %swap3A_105 : i32 to index
    %swap3A_107 = arith.constant 0 : index
    %swap3A_108 = tpu.vector_load %arg5[%swap3A_106, %swap3A_107] {strides = array<i32>} : memref<64x16xf32, #tpu.memory_space<vmem>>, vector<1x16xf32>,
    %swap3A_109 = vector.shape_cast %swap3A_108 : vector<1x16xf32> to vector<16xf32>
    %swap3A_110 = vector.shape_cast %add3A_104 : vector<16xf32> to vector<1x16xf32>
    tpu.vector_store %arg5[%swap3A_106, %swap3A_107], %swap3A_110 {strides = array<i32>} : memref<64x16xf32, #tpu.memory_space<vmem>>, vector<1x16xf32>,
    %add3A_111 = arith.constant 8 : i32
    %add3A_112 = arith.addi %add3A_4, %add3A_111 : i32
    %dma_start3A_113 = arith.constant 0 : i32
    %dma_start3A_114 = arith.constant 0 : i32
    %dma_start3A_115 = arith.constant 0 : i32
    %dma_start3A_116 = tpu.memref_slice %arg4[%dma_start3A_113, %dma_start3A_114, %dma_start3A_115] : memref<2x4x8192xf32, #tpu.memory_space<vmem>> -> memref<1x4x8192xf32, #tpu.memory_space<vmem>>
    %dma_start3A_117 = tpu.memref_squeeze %dma_start3A_116 : memref<1x4x8192xf32, #tpu.memory_space<vmem>> -> memref<4x8192xf32, #tpu.memory_space<vmem>>
    %dma_start3A_118 = arith.constant 0 : i32
    %dma_start3A_119 = tpu.memref_slice %arg2[%add3A_112, %dma_start3A_118] : memref<8192x8192xf32, #tpu.memory_space<hbm>> -> memref<4x8192xf32, #tpu.memory_space<hbm>>
    %dma_start3A_120 = arith.constant 0 : i32
    %dma_start3A_121 = arith.constant 0 : i32
    %dma_start3A_122 = tpu.memref_slice %arg4[%dma_start3A_113, %dma_start3A_120, %dma_start3A_121] : memref<2x4x8192xf32, #tpu.memory_space<vmem>> -> memref<1x4x8192xf32, #tpu.memory_space<vmem>>
    %dma_start3A_123 = tpu.memref_squeeze %dma_start3A_122 : memref<1x4x8192xf32, #tpu.memory_space<vmem>> -> memref<4x8192xf32, #tpu.memory_space<vmem>>
    %dma_start3A_124 = arith.constant 0 : i32
    %dma_start3A_125 = tpu.memref_slice %arg2[%add3A_112, %dma_start3A_124] : memref<8192x8192xf32, #tpu.memory_space<hbm>> -> memref<4x8192xf32, #tpu.memory_space<hbm>>
    tpu.enqueue_dma source(%dma_start3A_125 : memref<4x8192xf32, #tpu.memory_space<hbm>>) target(%dma_start3A_123 : memref<4x8192xf32, #tpu.memory_space<vmem>>) target_semaphore(%arg6 : memref<!tpu.dma_semaphore, #tpu.memory_space<semaphore_mem>>)
    %dma_wait3A_126 = arith.constant 1 : i32
    %dma_wait3A_127 = arith.constant 0 : i32
    %dma_wait3A_128 = arith.constant 0 : i32
    %dma_wait3A_129 = tpu.memref_slice %arg4[%dma_wait3A_126, %dma_wait3A_127, %dma_wait3A_128] : memref<2x4x8192xf32, #tpu.memory_space<vmem>> -> memref<1x4x8192xf32, #tpu.memory_space<vmem>>
    %dma_wait3A_130 = tpu.memref_squeeze %dma_wait3A_129 : memref<1x4x8192xf32, #tpu.memory_space<vmem>> -> memref<4x8192xf32, #tpu.memory_space<vmem>>
    %dma_wait3A_131 = arith.constant 0 : i32
    %dma_wait3A_132 = tpu.memref_slice %arg2[%add3A_20, %dma_wait3A_131] : memref<8192x8192xf32, #tpu.memory_space<hbm>> -> memref<4x8192xf32, #tpu.memory_space<hbm>>
    %dma_wait3A_133 = arith.constant 0 : i32
    %dma_wait3A_134 = arith.constant 0 : i32
    %dma_wait3A_135 = tpu.memref_slice %arg4[%dma_wait3A_126, %dma_wait3A_133, %dma_wait3A_134] : memref<2x4x8192xf32, #tpu.memory_space<vmem>> -> memref<1x4x8192xf32, #tpu.memory_space<vmem>>
    %dma_wait3A_136 = tpu.memref_squeeze %dma_wait3A_135 : memref<1x4x8192xf32, #tpu.memory_space<vmem>> -> memref<4x8192xf32, #tpu.memory_space<vmem>>
    %dma_wait3A_137 = arith.constant 0 : i32
    %dma_wait3A_138 = tpu.memref_slice %arg2[%add3A_20, %dma_wait3A_137] : memref<8192x8192xf32, #tpu.memory_space<hbm>> -> memref<4x8192xf32, #tpu.memory_space<hbm>>
    tpu.wait_dma2 semaphore(%arg7 : memref<!tpu.dma_semaphore, #tpu.memory_space<semaphore_mem>>) src(%dma_wait3A_138 : memref<4x8192xf32, #tpu.memory_space<hbm>>) dst(%dma_wait3A_136 : memref<4x8192xf32, #tpu.memory_space<vmem>>)
    %broadcast_in_dim3A_139 = arith.constant 0.000000e+00 : f32
    %broadcast_in_dim3A_140 = vector.broadcast %broadcast_in_dim3A_139 : f32 to vector<16xf32>
    %scan3A_141 = arith.constant 0 : i32
    %scan3A_142 = arith.constant 128 : i32
    %scan3A_143 = arith.addi %scan3A_141, %scan3A_142 : i32
    %scan3A_144 = arith.constant 1 : i32
    %scan3A_145:4 = scf.for %scan3A_1538 = %scan3A_141 to %scan3A_143 step %scan3A_144 iter_args(%scan3A_1539 = %broadcast_in_dim3A_140, %scan3A_1540 = %broadcast_in_dim3A_140, %scan3A_1541 = %broadcast_in_dim3A_140, %scan3A_1542 = %broadcast_in_dim3A_140) -> (vector<16xf32>, vector<16xf32>, vector<16xf32>, vector<16xf32>)  : i32 {
      %mul3A_1543 = arith.constant 64 : i32
      %mul3A_1544 = arith.muli %scan3A_1538, %mul3A_1543 : i32
      %get3A = arith.constant 1 : i32
      %get3A_1545 = arith.constant 0 : i32
      %get3A_1546 = arith.index_cast %get3A : i32 to index
      %get3A_1547 = arith.index_cast %get3A_1545 : i32 to index
      %get3A_1548 = arith.index_cast %mul3A_1544 : i32 to index
      %get3A_1549 = tpu.vector_load %arg4[%get3A_1546, %get3A_1547, %get3A_1548] {strides = array<i32>} : memref<2x4x8192xf32, #tpu.memory_space<vmem>>, vector<1x1x16xf32>,
      %get3A_1550 = vector.shape_cast %get3A_1549 : vector<1x1x16xf32> to vector<16xf32>
      %add3A_1551 = arith.addf %scan3A_1539, %get3A_1550 : vector<16xf32>
      %add3A_1552 = arith.constant 16 : i32
      %add3A_1553 = arith.addi %mul3A_1544, %add3A_1552 : i32
      %get3A_1554 = arith.constant 1 : i32
      %get3A_1555 = arith.constant 0 : i32
      %get3A_1556 = arith.index_cast %get3A_1554 : i32 to index
      %get3A_1557 = arith.index_cast %get3A_1555 : i32 to index
      %get3A_1558 = arith.index_cast %add3A_1553 : i32 to index
      %get3A_1559 = tpu.vector_load %arg4[%get3A_1556, %get3A_1557, %get3A_1558] {strides = array<i32>} : memref<2x4x8192xf32, #tpu.memory_space<vmem>>, vector<1x1x16xf32>,
      %get3A_1560 = vector.shape_cast %get3A_1559 : vector<1x1x16xf32> to vector<16xf32>
      %add3A_1561 = arith.addf %scan3A_1540, %get3A_1560 : vector<16xf32>
      %add3A_1562 = arith.constant 32 : i32
      %add3A_1563 = arith.addi %mul3A_1544, %add3A_1562 : i32
      %get3A_1564 = arith.constant 1 : i32
      %get3A_1565 = arith.constant 0 : i32
      %get3A_1566 = arith.index_cast %get3A_1564 : i32 to index
      %get3A_1567 = arith.index_cast %get3A_1565 : i32 to index
      %get3A_1568 = arith.index_cast %add3A_1563 : i32 to index
      %get3A_1569 = tpu.vector_load %arg4[%get3A_1566, %get3A_1567, %get3A_1568] {strides = array<i32>} : memref<2x4x8192xf32, #tpu.memory_space<vmem>>, vector<1x1x16xf32>,
      %get3A_1570 = vector.shape_cast %get3A_1569 : vector<1x1x16xf32> to vector<16xf32>
      %add3A_1571 = arith.addf %scan3A_1541, %get3A_1570 : vector<16xf32>
      %add3A_1572 = arith.constant 48 : i32
      %add3A_1573 = arith.addi %mul3A_1544, %add3A_1572 : i32
      %get3A_1574 = arith.constant 1 : i32
      %get3A_1575 = arith.constant 0 : i32
      %get3A_1576 = arith.index_cast %get3A_1574 : i32 to index
      %get3A_1577 = arith.index_cast %get3A_1575 : i32 to index
      %get3A_1578 = arith.index_cast %add3A_1573 : i32 to index
      %get3A_1579 = tpu.vector_load %arg4[%get3A_1576, %get3A_1577, %get3A_1578] {strides = array<i32>} : memref<2x4x8192xf32, #tpu.memory_space<vmem>>, vector<1x1x16xf32>,
      %get3A_1580 = vector.shape_cast %get3A_1579 : vector<1x1x16xf32> to vector<16xf32>
      %add3A_1581 = arith.addf %scan3A_1542, %get3A_1580 : vector<16xf32>
      scf.yield %add3A_1551, %add3A_1561, %add3A_1571, %add3A_1581 : vector<16xf32>, vector<16xf32>, vector<16xf32>, vector<16xf32>
    }
    %scan3A_146 = arith.constant 128 : i32
    %add3A_147 = arith.addf %scan3A_145#0, %scan3A_145#1 : vector<16xf32>
    %add3A_148 = arith.addf %scan3A_145#2, %scan3A_145#3 : vector<16xf32>
    %add3A_149 = arith.addf %add3A_147, %add3A_148 : vector<16xf32>
    %swap3A_150 = arith.constant 4 : i32
    %swap3A_151 = arith.index_cast %swap3A_150 : i32 to index
    %swap3A_152 = arith.constant 0 : index
    %swap3A_153 = tpu.vector_load %arg5[%swap3A_151, %swap3A_152] {strides = array<i32>} : memref<64x16xf32, #tpu.memory_space<vmem>>, vector<1x16xf32>,
    %swap3A_154 = vector.shape_cast %swap3A_153 : vector<1x16xf32> to vector<16xf32>
    %swap3A_155 = vector.shape_cast %add3A_149 : vector<16xf32> to vector<1x16xf32>
    tpu.vector_store %arg5[%swap3A_151, %swap3A_152], %swap3A_155 {strides = array<i32>} : memref<64x16xf32, #tpu.memory_space<vmem>>, vector<1x16xf32>,
    %broadcast_in_dim3A_156 = arith.constant 0.000000e+00 : f32
    %broadcast_in_dim3A_157 = vector.broadcast %broadcast_in_dim3A_156 : f32 to vector<16xf32>
    %scan3A_158 = arith.constant 0 : i32
    %scan3A_159 = arith.constant 128 : i32
    %scan3A_160 = arith.addi %scan3A_158, %scan3A_159 : i32
    %scan3A_161 = arith.constant 1 : i32
    %scan3A_162:4 = scf.for %scan3A_1538 = %scan3A_158 to %scan3A_160 step %scan3A_161 iter_args(%scan3A_1539 = %broadcast_in_dim3A_157, %scan3A_1540 = %broadcast_in_dim3A_157, %scan3A_1541 = %broadcast_in_dim3A_157, %scan3A_1542 = %broadcast_in_dim3A_157) -> (vector<16xf32>, vector<16xf32>, vector<16xf32>, vector<16xf32>)  : i32 {
      %mul3A_1543 = arith.constant 64 : i32
      %mul3A_1544 = arith.muli %scan3A_1538, %mul3A_1543 : i32
      %get3A = arith.constant 1 : i32
      %get3A_1545 = arith.constant 1 : i32
      %get3A_1546 = arith.index_cast %get3A : i32 to index
      %get3A_1547 = arith.index_cast %get3A_1545 : i32 to index
      %get3A_1548 = arith.index_cast %mul3A_1544 : i32 to index
      %get3A_1549 = tpu.vector_load %arg4[%get3A_1546, %get3A_1547, %get3A_1548] {strides = array<i32>} : memref<2x4x8192xf32, #tpu.memory_space<vmem>>, vector<1x1x16xf32>,
      %get3A_1550 = vector.shape_cast %get3A_1549 : vector<1x1x16xf32> to vector<16xf32>
      %add3A_1551 = arith.addf %scan3A_1539, %get3A_1550 : vector<16xf32>
      %add3A_1552 = arith.constant 16 : i32
      %add3A_1553 = arith.addi %mul3A_1544, %add3A_1552 : i32
      %get3A_1554 = arith.constant 1 : i32
      %get3A_1555 = arith.constant 1 : i32
      %get3A_1556 = arith.index_cast %get3A_1554 : i32 to index
      %get3A_1557 = arith.index_cast %get3A_1555 : i32 to index
      %get3A_1558 = arith.index_cast %add3A_1553 : i32 to index
      %get3A_1559 = tpu.vector_load %arg4[%get3A_1556, %get3A_1557, %get3A_1558] {strides = array<i32>} : memref<2x4x8192xf32, #tpu.memory_space<vmem>>, vector<1x1x16xf32>,
      %get3A_1560 = vector.shape_cast %get3A_1559 : vector<1x1x16xf32> to vector<16xf32>
      %add3A_1561 = arith.addf %scan3A_1540, %get3A_1560 : vector<16xf32>
      %add3A_1562 = arith.constant 32 : i32
      %add3A_1563 = arith.addi %mul3A_1544, %add3A_1562 : i32
      %get3A_1564 = arith.constant 1 : i32
      %get3A_1565 = arith.constant 1 : i32
      %get3A_1566 = arith.index_cast %get3A_1564 : i32 to index
      %get3A_1567 = arith.index_cast %get3A_1565 : i32 to index
      %get3A_1568 = arith.index_cast %add3A_1563 : i32 to index
      %get3A_1569 = tpu.vector_load %arg4[%get3A_1566, %get3A_1567, %get3A_1568] {strides = array<i32>} : memref<2x4x8192xf32, #tpu.memory_space<vmem>>, vector<1x1x16xf32>,
      %get3A_1570 = vector.shape_cast %get3A_1569 : vector<1x1x16xf32> to vector<16xf32>
      %add3A_1571 = arith.addf %scan3A_1541, %get3A_1570 : vector<16xf32>
      %add3A_1572 = arith.constant 48 : i32
      %add3A_1573 = arith.addi %mul3A_1544, %add3A_1572 : i32
      %get3A_1574 = arith.constant 1 : i32
      %get3A_1575 = arith.constant 1 : i32
      %get3A_1576 = arith.index_cast %get3A_1574 : i32 to index
      %get3A_1577 = arith.index_cast %get3A_1575 : i32 to index
      %get3A_1578 = arith.index_cast %add3A_1573 : i32 to index
      %get3A_1579 = tpu.vector_load %arg4[%get3A_1576, %get3A_1577, %get3A_1578] {strides = array<i32>} : memref<2x4x8192xf32, #tpu.memory_space<vmem>>, vector<1x1x16xf32>,
      %get3A_1580 = vector.shape_cast %get3A_1579 : vector<1x1x16xf32> to vector<16xf32>
      %add3A_1581 = arith.addf %scan3A_1542, %get3A_1580 : vector<16xf32>
      scf.yield %add3A_1551, %add3A_1561, %add3A_1571, %add3A_1581 : vector<16xf32>, vector<16xf32>, vector<16xf32>, vector<16xf32>
    }
    %scan3A_163 = arith.constant 128 : i32
    %add3A_164 = arith.addf %scan3A_162#0, %scan3A_162#1 : vector<16xf32>
    %add3A_165 = arith.addf %scan3A_162#2, %scan3A_162#3 : vector<16xf32>
    %add3A_166 = arith.addf %add3A_164, %add3A_165 : vector<16xf32>
    %swap3A_167 = arith.constant 5 : i32
    %swap3A_168 = arith.index_cast %swap3A_167 : i32 to index
    %swap3A_169 = arith.constant 0 : index
    %swap3A_170 = tpu.vector_load %arg5[%swap3A_168, %swap3A_169] {strides = array<i32>} : memref<64x16xf32, #tpu.memory_space<vmem>>, vector<1x16xf32>,
    %swap3A_171 = vector.shape_cast %swap3A_170 : vector<1x16xf32> to vector<16xf32>
    %swap3A_172 = vector.shape_cast %add3A_166 : vector<16xf32> to vector<1x16xf32>
    tpu.vector_store %arg5[%swap3A_168, %swap3A_169], %swap3A_172 {strides = array<i32>} : memref<64x16xf32, #tpu.memory_space<vmem>>, vector<1x16xf32>,
    %broadcast_in_dim3A_173 = arith.constant 0.000000e+00 : f32
    %broadcast_in_dim3A_174 = vector.broadcast %broadcast_in_dim3A_173 : f32 to vector<16xf32>
    %scan3A_175 = arith.constant 0 : i32
    %scan3A_176 = arith.constant 128 : i32
    %scan3A_177 = arith.addi %scan3A_175, %scan3A_176 : i32
    %scan3A_178 = arith.constant 1 : i32
    %scan3A_179:4 = scf.for %scan3A_1538 = %scan3A_175 to %scan3A_177 step %scan3A_178 iter_args(%scan3A_1539 = %broadcast_in_dim3A_174, %scan3A_1540 = %broadcast_in_dim3A_174, %scan3A_1541 = %broadcast_in_dim3A_174, %scan3A_1542 = %broadcast_in_dim3A_174) -> (vector<16xf32>, vector<16xf32>, vector<16xf32>, vector<16xf32>)  : i32 {
      %mul3A_1543 = arith.constant 64 : i32
      %mul3A_1544 = arith.muli %scan3A_1538, %mul3A_1543 : i32
      %get3A = arith.constant 1 : i32
      %get3A_1545 = arith.constant 2 : i32
      %get3A_1546 = arith.index_cast %get3A : i32 to index
      %get3A_1547 = arith.index_cast %get3A_1545 : i32 to index
      %get3A_1548 = arith.index_cast %mul3A_1544 : i32 to index
      %get3A_1549 = tpu.vector_load %arg4[%get3A_1546, %get3A_1547, %get3A_1548] {strides = array<i32>} : memref<2x4x8192xf32, #tpu.memory_space<vmem>>, vector<1x1x16xf32>,
      %get3A_1550 = vector.shape_cast %get3A_1549 : vector<1x1x16xf32> to vector<16xf32>
      %add3A_1551 = arith.addf %scan3A_1539, %get3A_1550 : vector<16xf32>
      %add3A_1552 = arith.constant 16 : i32
      %add3A_1553 = arith.addi %mul3A_1544, %add3A_1552 : i32
      %get3A_1554 = arith.constant 1 : i32
      %get3A_1555 = arith.constant 2 : i32
      %get3A_1556 = arith.index_cast %get3A_1554 : i32 to index
      %get3A_1557 = arith.index_cast %get3A_1555 : i32 to index
      %get3A_1558 = arith.index_cast %add3A_1553 : i32 to index
      %get3A_1559 = tpu.vector_load %arg4[%get3A_1556, %get3A_1557, %get3A_1558] {strides = array<i32>} : memref<2x4x8192xf32, #tpu.memory_space<vmem>>, vector<1x1x16xf32>,
      %get3A_1560 = vector.shape_cast %get3A_1559 : vector<1x1x16xf32> to vector<16xf32>
      %add3A_1561 = arith.addf %scan3A_1540, %get3A_1560 : vector<16xf32>
      %add3A_1562 = arith.constant 32 : i32
      %add3A_1563 = arith.addi %mul3A_1544, %add3A_1562 : i32
      %get3A_1564 = arith.constant 1 : i32
      %get3A_1565 = arith.constant 2 : i32
      %get3A_1566 = arith.index_cast %get3A_1564 : i32 to index
      %get3A_1567 = arith.index_cast %get3A_1565 : i32 to index
      %get3A_1568 = arith.index_cast %add3A_1563 : i32 to index
      %get3A_1569 = tpu.vector_load %arg4[%get3A_1566, %get3A_1567, %get3A_1568] {strides = array<i32>} : memref<2x4x8192xf32, #tpu.memory_space<vmem>>, vector<1x1x16xf32>,
      %get3A_1570 = vector.shape_cast %get3A_1569 : vector<1x1x16xf32> to vector<16xf32>
      %add3A_1571 = arith.addf %scan3A_1541, %get3A_1570 : vector<16xf32>
      %add3A_1572 = arith.constant 48 : i32
      %add3A_1573 = arith.addi %mul3A_1544, %add3A_1572 : i32
      %get3A_1574 = arith.constant 1 : i32
      %get3A_1575 = arith.constant 2 : i32
      %get3A_1576 = arith.index_cast %get3A_1574 : i32 to index
      %get3A_1577 = arith.index_cast %get3A_1575 : i32 to index
      %get3A_1578 = arith.index_cast %add3A_1573 : i32 to index
      %get3A_1579 = tpu.vector_load %arg4[%get3A_1576, %get3A_1577, %get3A_1578] {strides = array<i32>} : memref<2x4x8192xf32, #tpu.memory_space<vmem>>, vector<1x1x16xf32>,
      %get3A_1580 = vector.shape_cast %get3A_1579 : vector<1x1x16xf32> to vector<16xf32>
      %add3A_1581 = arith.addf %scan3A_1542, %get3A_1580 : vector<16xf32>
      scf.yield %add3A_1551, %add3A_1561, %add3A_1571, %add3A_1581 : vector<16xf32>, vector<16xf32>, vector<16xf32>, vector<16xf32>
    }
    %scan3A_180 = arith.constant 128 : i32
    %add3A_181 = arith.addf %scan3A_179#0, %scan3A_179#1 : vector<16xf32>
    %add3A_182 = arith.addf %scan3A_179#2, %scan3A_179#3 : vector<16xf32>
    %add3A_183 = arith.addf %add3A_181, %add3A_182 : vector<16xf32>
    %swap3A_184 = arith.constant 6 : i32
    %swap3A_185 = arith.index_cast %swap3A_184 : i32 to index
    %swap3A_186 = arith.constant 0 : index
    %swap3A_187 = tpu.vector_load %arg5[%swap3A_185, %swap3A_186] {strides = array<i32>} : memref<64x16xf32, #tpu.memory_space<vmem>>, vector<1x16xf32>,
    %swap3A_188 = vector.shape_cast %swap3A_187 : vector<1x16xf32> to vector<16xf32>
    %swap3A_189 = vector.shape_cast %add3A_183 : vector<16xf32> to vector<1x16xf32>
    tpu.vector_store %arg5[%swap3A_185, %swap3A_186], %swap3A_189 {strides = array<i32>} : memref<64x16xf32, #tpu.memory_space<vmem>>, vector<1x16xf32>,
    %broadcast_in_dim3A_190 = arith.constant 0.000000e+00 : f32
    %broadcast_in_dim3A_191 = vector.broadcast %broadcast_in_dim3A_190 : f32 to vector<16xf32>
    %scan3A_192 = arith.constant 0 : i32
    %scan3A_193 = arith.constant 128 : i32
    %scan3A_194 = arith.addi %scan3A_192, %scan3A_193 : i32
    %scan3A_195 = arith.constant 1 : i32
    %scan3A_196:4 = scf.for %scan3A_1538 = %scan3A_192 to %scan3A_194 step %scan3A_195 iter_args(%scan3A_1539 = %broadcast_in_dim3A_191, %scan3A_1540 = %broadcast_in_dim3A_191, %scan3A_1541 = %broadcast_in_dim3A_191, %scan3A_1542 = %broadcast_in_dim3A_191) -> (vector<16xf32>, vector<16xf32>, vector<16xf32>, vector<16xf32>)  : i32 {
      %mul3A_1543 = arith.constant 64 : i32
      %mul3A_1544 = arith.muli %scan3A_1538, %mul3A_1543 : i32
      %get3A = arith.constant 1 : i32
      %get3A_1545 = arith.constant 3 : i32
      %get3A_1546 = arith.index_cast %get3A : i32 to index
      %get3A_1547 = arith.index_cast %get3A_1545 : i32 to index
      %get3A_1548 = arith.index_cast %mul3A_1544 : i32 to index
      %get3A_1549 = tpu.vector_load %arg4[%get3A_1546, %get3A_1547, %get3A_1548] {strides = array<i32>} : memref<2x4x8192xf32, #tpu.memory_space<vmem>>, vector<1x1x16xf32>,
      %get3A_1550 = vector.shape_cast %get3A_1549 : vector<1x1x16xf32> to vector<16xf32>
      %add3A_1551 = arith.addf %scan3A_1539, %get3A_1550 : vector<16xf32>
      %add3A_1552 = arith.constant 16 : i32
      %add3A_1553 = arith.addi %mul3A_1544, %add3A_1552 : i32
      %get3A_1554 = arith.constant 1 : i32
      %get3A_1555 = arith.constant 3 : i32
      %get3A_1556 = arith.index_cast %get3A_1554 : i32 to index
      %get3A_1557 = arith.index_cast %get3A_1555 : i32 to index
      %get3A_1558 = arith.index_cast %add3A_1553 : i32 to index
      %get3A_1559 = tpu.vector_load %arg4[%get3A_1556, %get3A_1557, %get3A_1558] {strides = array<i32>} : memref<2x4x8192xf32, #tpu.memory_space<vmem>>, vector<1x1x16xf32>,
      %get3A_1560 = vector.shape_cast %get3A_1559 : vector<1x1x16xf32> to vector<16xf32>
      %add3A_1561 = arith.addf %scan3A_1540, %get3A_1560 : vector<16xf32>
      %add3A_1562 = arith.constant 32 : i32
      %add3A_1563 = arith.addi %mul3A_1544, %add3A_1562 : i32
      %get3A_1564 = arith.constant 1 : i32
      %get3A_1565 = arith.constant 3 : i32
      %get3A_1566 = arith.index_cast %get3A_1564 : i32 to index
      %get3A_1567 = arith.index_cast %get3A_1565 : i32 to index
      %get3A_1568 = arith.index_cast %add3A_1563 : i32 to index
      %get3A_1569 = tpu.vector_load %arg4[%get3A_1566, %get3A_1567, %get3A_1568] {strides = array<i32>} : memref<2x4x8192xf32, #tpu.memory_space<vmem>>, vector<1x1x16xf32>,
      %get3A_1570 = vector.shape_cast %get3A_1569 : vector<1x1x16xf32> to vector<16xf32>
      %add3A_1571 = arith.addf %scan3A_1541, %get3A_1570 : vector<16xf32>
      %add3A_1572 = arith.constant 48 : i32
      %add3A_1573 = arith.addi %mul3A_1544, %add3A_1572 : i32
      %get3A_1574 = arith.constant 1 : i32
      %get3A_1575 = arith.constant 3 : i32
      %get3A_1576 = arith.index_cast %get3A_1574 : i32 to index
      %get3A_1577 = arith.index_cast %get3A_1575 : i32 to index
      %get3A_1578 = arith.index_cast %add3A_1573 : i32 to index
      %get3A_1579 = tpu.vector_load %arg4[%get3A_1576, %get3A_1577, %get3A_1578] {strides = array<i32>} : memref<2x4x8192xf32, #tpu.memory_space<vmem>>, vector<1x1x16xf32>,
      %get3A_1580 = vector.shape_cast %get3A_1579 : vector<1x1x16xf32> to vector<16xf32>
      %add3A_1581 = arith.addf %scan3A_1542, %get3A_1580 : vector<16xf32>
      scf.yield %add3A_1551, %add3A_1561, %add3A_1571, %add3A_1581 : vector<16xf32>, vector<16xf32>, vector<16xf32>, vector<16xf32>
    }
    %scan3A_197 = arith.constant 128 : i32
    %add3A_198 = arith.addf %scan3A_196#0, %scan3A_196#1 : vector<16xf32>
    %add3A_199 = arith.addf %scan3A_196#2, %scan3A_196#3 : vector<16xf32>
    %add3A_200 = arith.addf %add3A_198, %add3A_199 : vector<16xf32>
    %swap3A_201 = arith.constant 7 : i32
    %swap3A_202 = arith.index_cast %swap3A_201 : i32 to index
    %swap3A_203 = arith.constant 0 : index
    %swap3A_204 = tpu.vector_load %arg5[%swap3A_202, %swap3A_203] {strides = array<i32>} : memref<64x16xf32, #tpu.memory_space<vmem>>, vector<1x16xf32>,
    %swap3A_205 = vector.shape_cast %swap3A_204 : vector<1x16xf32> to vector<16xf32>
    %swap3A_206 = vector.shape_cast %add3A_200 : vector<16xf32> to vector<1x16xf32>
    tpu.vector_store %arg5[%swap3A_202, %swap3A_203], %swap3A_206 {strides = array<i32>} : memref<64x16xf32, #tpu.memory_space<vmem>>, vector<1x16xf32>,
    %add3A_207 = arith.constant 12 : i32
    %add3A_208 = arith.addi %add3A_4, %add3A_207 : i32
    %dma_start3A_209 = arith.constant 1 : i32
    %dma_start3A_210 = arith.constant 0 : i32
    %dma_start3A_211 = arith.constant 0 : i32
    %dma_start3A_212 = tpu.memref_slice %arg4[%dma_start3A_209, %dma_start3A_210, %dma_start3A_211] : memref<2x4x8192xf32, #tpu.memory_space<vmem>> -> memref<1x4x8192xf32, #tpu.memory_space<vmem>>
    %dma_start3A_213 = tpu.memref_squeeze %dma_start3A_212 : memref<1x4x8192xf32, #tpu.memory_space<vmem>> -> memref<4x8192xf32, #tpu.memory_space<vmem>>
    %dma_start3A_214 = arith.constant 0 : i32
    %dma_start3A_215 = tpu.memref_slice %arg2[%add3A_208, %dma_start3A_214] : memref<8192x8192xf32, #tpu.memory_space<hbm>> -> memref<4x8192xf32, #tpu.memory_space<hbm>>
    %dma_start3A_216 = arith.constant 0 : i32
    %dma_start3A_217 = arith.constant 0 : i32
    %dma_start3A_218 = tpu.memref_slice %arg4[%dma_start3A_209, %dma_start3A_216, %dma_start3A_217] : memref<2x4x8192xf32, #tpu.memory_space<vmem>> -> memref<1x4x8192xf32, #tpu.memory_space<vmem>>
    %dma_start3A_219 = tpu.memref_squeeze %dma_start3A_218 : memref<1x4x8192xf32, #tpu.memory_space<vmem>> -> memref<4x8192xf32, #tpu.memory_space<vmem>>
    %dma_start3A_220 = arith.constant 0 : i32
    %dma_start3A_221 = tpu.memref_slice %arg2[%add3A_208, %dma_start3A_220] : memref<8192x8192xf32, #tpu.memory_space<hbm>> -> memref<4x8192xf32, #tpu.memory_space<hbm>>
    tpu.enqueue_dma source(%dma_start3A_221 : memref<4x8192xf32, #tpu.memory_space<hbm>>) target(%dma_start3A_219 : memref<4x8192xf32, #tpu.memory_space<vmem>>) target_semaphore(%arg7 : memref<!tpu.dma_semaphore, #tpu.memory_space<semaphore_mem>>)
    %dma_wait3A_222 = arith.constant 0 : i32
    %dma_wait3A_223 = arith.constant 0 : i32
    %dma_wait3A_224 = arith.constant 0 : i32
    %dma_wait3A_225 = tpu.memref_slice %arg4[%dma_wait3A_222, %dma_wait3A_223, %dma_wait3A_224] : memref<2x4x8192xf32, #tpu.memory_space<vmem>> -> memref<1x4x8192xf32, #tpu.memory_space<vmem>>
    %dma_wait3A_226 = tpu.memref_squeeze %dma_wait3A_225 : memref<1x4x8192xf32, #tpu.memory_space<vmem>> -> memref<4x8192xf32, #tpu.memory_space<vmem>>
    %dma_wait3A_227 = arith.constant 0 : i32
    %dma_wait3A_228 = tpu.memref_slice %arg2[%add3A_112, %dma_wait3A_227] : memref<8192x8192xf32, #tpu.memory_space<hbm>> -> memref<4x8192xf32, #tpu.memory_space<hbm>>
    %dma_wait3A_229 = arith.constant 0 : i32
    %dma_wait3A_230 = arith.constant 0 : i32
    %dma_wait3A_231 = tpu.memref_slice %arg4[%dma_wait3A_222, %dma_wait3A_229, %dma_wait3A_230] : memref<2x4x8192xf32, #tpu.memory_space<vmem>> -> memref<1x4x8192xf32, #tpu.memory_space<vmem>>
    %dma_wait3A_232 = tpu.memref_squeeze %dma_wait3A_231 : memref<1x4x8192xf32, #tpu.memory_space<vmem>> -> memref<4x8192xf32, #tpu.memory_space<vmem>>
    %dma_wait3A_233 = arith.constant 0 : i32
    %dma_wait3A_234 = tpu.memref_slice %arg2[%add3A_112, %dma_wait3A_233] : memref<8192x8192xf32, #tpu.memory_space<hbm>> -> memref<4x8192xf32, #tpu.memory_space<hbm>>
    tpu.wait_dma2 semaphore(%arg6 : memref<!tpu.dma_semaphore, #tpu.memory_space<semaphore_mem>>) src(%dma_wait3A_234 : memref<4x8192xf32, #tpu.memory_space<hbm>>) dst(%dma_wait3A_232 : memref<4x8192xf32, #tpu.memory_space<vmem>>)
    %broadcast_in_dim3A_235 = arith.constant 0.000000e+00 : f32
    %broadcast_in_dim3A_236 = vector.broadcast %broadcast_in_dim3A_235 : f32 to vector<16xf32>
    %scan3A_237 = arith.constant 0 : i32
    %scan3A_238 = arith.constant 128 : i32
    %scan3A_239 = arith.addi %scan3A_237, %scan3A_238 : i32
    %scan3A_240 = arith.constant 1 : i32
    %scan3A_241:4 = scf.for %scan3A_1538 = %scan3A_237 to %scan3A_239 step %scan3A_240 iter_args(%scan3A_1539 = %broadcast_in_dim3A_236, %scan3A_1540 = %broadcast_in_dim3A_236, %scan3A_1541 = %broadcast_in_dim3A_236, %scan3A_1542 = %broadcast_in_dim3A_236) -> (vector<16xf32>, vector<16xf32>, vector<16xf32>, vector<16xf32>)  : i32 {
      %mul3A_1543 = arith.constant 64 : i32
      %mul3A_1544 = arith.muli %scan3A_1538, %mul3A_1543 : i32
      %get3A = arith.constant 0 : i32
      %get3A_1545 = arith.constant 0 : i32
      %get3A_1546 = arith.index_cast %get3A : i32 to index
      %get3A_1547 = arith.index_cast %get3A_1545 : i32 to index
      %get3A_1548 = arith.index_cast %mul3A_1544 : i32 to index
      %get3A_1549 = tpu.vector_load %arg4[%get3A_1546, %get3A_1547, %get3A_1548] {strides = array<i32>} : memref<2x4x8192xf32, #tpu.memory_space<vmem>>, vector<1x1x16xf32>,
      %get3A_1550 = vector.shape_cast %get3A_1549 : vector<1x1x16xf32> to vector<16xf32>
      %add3A_1551 = arith.addf %scan3A_1539, %get3A_1550 : vector<16xf32>
      %add3A_1552 = arith.constant 16 : i32
      %add3A_1553 = arith.addi %mul3A_1544, %add3A_1552 : i32
      %get3A_1554 = arith.constant 0 : i32
      %get3A_1555 = arith.constant 0 : i32
      %get3A_1556 = arith.index_cast %get3A_1554 : i32 to index
      %get3A_1557 = arith.index_cast %get3A_1555 : i32 to index
      %get3A_1558 = arith.index_cast %add3A_1553 : i32 to index
      %get3A_1559 = tpu.vector_load %arg4[%get3A_1556, %get3A_1557, %get3A_1558] {strides = array<i32>} : memref<2x4x8192xf32, #tpu.memory_space<vmem>>, vector<1x1x16xf32>,
      %get3A_1560 = vector.shape_cast %get3A_1559 : vector<1x1x16xf32> to vector<16xf32>
      %add3A_1561 = arith.addf %scan3A_1540, %get3A_1560 : vector<16xf32>
      %add3A_1562 = arith.constant 32 : i32
      %add3A_1563 = arith.addi %mul3A_1544, %add3A_1562 : i32
      %get3A_1564 = arith.constant 0 : i32
      %get3A_1565 = arith.constant 0 : i32
      %get3A_1566 = arith.index_cast %get3A_1564 : i32 to index
      %get3A_1567 = arith.index_cast %get3A_1565 : i32 to index
      %get3A_1568 = arith.index_cast %add3A_1563 : i32 to index
      %get3A_1569 = tpu.vector_load %arg4[%get3A_1566, %get3A_1567, %get3A_1568] {strides = array<i32>} : memref<2x4x8192xf32, #tpu.memory_space<vmem>>, vector<1x1x16xf32>,
      %get3A_1570 = vector.shape_cast %get3A_1569 : vector<1x1x16xf32> to vector<16xf32>
      %add3A_1571 = arith.addf %scan3A_1541, %get3A_1570 : vector<16xf32>
      %add3A_1572 = arith.constant 48 : i32
      %add3A_1573 = arith.addi %mul3A_1544, %add3A_1572 : i32
      %get3A_1574 = arith.constant 0 : i32
      %get3A_1575 = arith.constant 0 : i32
      %get3A_1576 = arith.index_cast %get3A_1574 : i32 to index
      %get3A_1577 = arith.index_cast %get3A_1575 : i32 to index
      %get3A_1578 = arith.index_cast %add3A_1573 : i32 to index
      %get3A_1579 = tpu.vector_load %arg4[%get3A_1576, %get3A_1577, %get3A_1578] {strides = array<i32>} : memref<2x4x8192xf32, #tpu.memory_space<vmem>>, vector<1x1x16xf32>,
      %get3A_1580 = vector.shape_cast %get3A_1579 : vector<1x1x16xf32> to vector<16xf32>
      %add3A_1581 = arith.addf %scan3A_1542, %get3A_1580 : vector<16xf32>
      scf.yield %add3A_1551, %add3A_1561, %add3A_1571, %add3A_1581 : vector<16xf32>, vector<16xf32>, vector<16xf32>, vector<16xf32>
    }
    %scan3A_242 = arith.constant 128 : i32
    %add3A_243 = arith.addf %scan3A_241#0, %scan3A_241#1 : vector<16xf32>
    %add3A_244 = arith.addf %scan3A_241#2, %scan3A_241#3 : vector<16xf32>
    %add3A_245 = arith.addf %add3A_243, %add3A_244 : vector<16xf32>
    %swap3A_246 = arith.constant 8 : i32
    %swap3A_247 = arith.index_cast %swap3A_246 : i32 to index
    %swap3A_248 = arith.constant 0 : index
    %swap3A_249 = tpu.vector_load %arg5[%swap3A_247, %swap3A_248] {strides = array<i32>} : memref<64x16xf32, #tpu.memory_space<vmem>>, vector<1x16xf32>,
    %swap3A_250 = vector.shape_cast %swap3A_249 : vector<1x16xf32> to vector<16xf32>
    %swap3A_251 = vector.shape_cast %add3A_245 : vector<16xf32> to vector<1x16xf32>
    tpu.vector_store %arg5[%swap3A_247, %swap3A_248], %swap3A_251 {strides = array<i32>} : memref<64x16xf32, #tpu.memory_space<vmem>>, vector<1x16xf32>,
    %broadcast_in_dim3A_252 = arith.constant 0.000000e+00 : f32
    %broadcast_in_dim3A_253 = vector.broadcast %broadcast_in_dim3A_252 : f32 to vector<16xf32>
    %scan3A_254 = arith.constant 0 : i32
    %scan3A_255 = arith.constant 128 : i32
    %scan3A_256 = arith.addi %scan3A_254, %scan3A_255 : i32
    %scan3A_257 = arith.constant 1 : i32
    %scan3A_258:4 = scf.for %scan3A_1538 = %scan3A_254 to %scan3A_256 step %scan3A_257 iter_args(%scan3A_1539 = %broadcast_in_dim3A_253, %scan3A_1540 = %broadcast_in_dim3A_253, %scan3A_1541 = %broadcast_in_dim3A_253, %scan3A_1542 = %broadcast_in_dim3A_253) -> (vector<16xf32>, vector<16xf32>, vector<16xf32>, vector<16xf32>)  : i32 {
      %mul3A_1543 = arith.constant 64 : i32
      %mul3A_1544 = arith.muli %scan3A_1538, %mul3A_1543 : i32
      %get3A = arith.constant 0 : i32
      %get3A_1545 = arith.constant 1 : i32
      %get3A_1546 = arith.index_cast %get3A : i32 to index
      %get3A_1547 = arith.index_cast %get3A_1545 : i32 to index
      %get3A_1548 = arith.index_cast %mul3A_1544 : i32 to index
      %get3A_1549 = tpu.vector_load %arg4[%get3A_1546, %get3A_1547, %get3A_1548] {strides = array<i32>} : memref<2x4x8192xf32, #tpu.memory_space<vmem>>, vector<1x1x16xf32>,
      %get3A_1550 = vector.shape_cast %get3A_1549 : vector<1x1x16xf32> to vector<16xf32>
      %add3A_1551 = arith.addf %scan3A_1539, %get3A_1550 : vector<16xf32>
      %add3A_1552 = arith.constant 16 : i32
      %add3A_1553 = arith.addi %mul3A_1544, %add3A_1552 : i32
      %get3A_1554 = arith.constant 0 : i32
      %get3A_1555 = arith.constant 1 : i32
      %get3A_1556 = arith.index_cast %get3A_1554 : i32 to index
      %get3A_1557 = arith.index_cast %get3A_1555 : i32 to index
      %get3A_1558 = arith.index_cast %add3A_1553 : i32 to index
      %get3A_1559 = tpu.vector_load %arg4[%get3A_1556, %get3A_1557, %get3A_1558] {strides = array<i32>} : memref<2x4x8192xf32, #tpu.memory_space<vmem>>, vector<1x1x16xf32>,
      %get3A_1560 = vector.shape_cast %get3A_1559 : vector<1x1x16xf32> to vector<16xf32>
      %add3A_1561 = arith.addf %scan3A_1540, %get3A_1560 : vector<16xf32>
      %add3A_1562 = arith.constant 32 : i32
      %add3A_1563 = arith.addi %mul3A_1544, %add3A_1562 : i32
      %get3A_1564 = arith.constant 0 : i32
      %get3A_1565 = arith.constant 1 : i32
      %get3A_1566 = arith.index_cast %get3A_1564 : i32 to index
      %get3A_1567 = arith.index_cast %get3A_1565 : i32 to index
      %get3A_1568 = arith.index_cast %add3A_1563 : i32 to index
      %get3A_1569 = tpu.vector_load %arg4[%get3A_1566, %get3A_1567, %get3A_1568] {strides = array<i32>} : memref<2x4x8192xf32, #tpu.memory_space<vmem>>, vector<1x1x16xf32>,
      %get3A_1570 = vector.shape_cast %get3A_1569 : vector<1x1x16xf32> to vector<16xf32>
      %add3A_1571 = arith.addf %scan3A_1541, %get3A_1570 : vector<16xf32>
      %add3A_1572 = arith.constant 48 : i32
      %add3A_1573 = arith.addi %mul3A_1544, %add3A_1572 : i32
      %get3A_1574 = arith.constant 0 : i32
      %get3A_1575 = arith.constant 1 : i32
      %get3A_1576 = arith.index_cast %get3A_1574 : i32 to index
      %get3A_1577 = arith.index_cast %get3A_1575 : i32 to index
      %get3A_1578 = arith.index_cast %add3A_1573 : i32 to index
      %get3A_1579 = tpu.vector_load %arg4[%get3A_1576, %get3A_1577, %get3A_1578] {strides = array<i32>} : memref<2x4x8192xf32, #tpu.memory_space<vmem>>, vector<1x1x16xf32>,
      %get3A_1580 = vector.shape_cast %get3A_1579 : vector<1x1x16xf32> to vector<16xf32>
      %add3A_1581 = arith.addf %scan3A_1542, %get3A_1580 : vector<16xf32>
      scf.yield %add3A_1551, %add3A_1561, %add3A_1571, %add3A_1581 : vector<16xf32>, vector<16xf32>, vector<16xf32>, vector<16xf32>
    }
    %scan3A_259 = arith.constant 128 : i32
    %add3A_260 = arith.addf %scan3A_258#0, %scan3A_258#1 : vector<16xf32>
    %add3A_261 = arith.addf %scan3A_258#2, %scan3A_258#3 : vector<16xf32>
    %add3A_262 = arith.addf %add3A_260, %add3A_261 : vector<16xf32>
    %swap3A_263 = arith.constant 9 : i32
    %swap3A_264 = arith.index_cast %swap3A_263 : i32 to index
    %swap3A_265 = arith.constant 0 : index
    %swap3A_266 = tpu.vector_load %arg5[%swap3A_264, %swap3A_265] {strides = array<i32>} : memref<64x16xf32, #tpu.memory_space<vmem>>, vector<1x16xf32>,
    %swap3A_267 = vector.shape_cast %swap3A_266 : vector<1x16xf32> to vector<16xf32>
    %swap3A_268 = vector.shape_cast %add3A_262 : vector<16xf32> to vector<1x16xf32>
    tpu.vector_store %arg5[%swap3A_264, %swap3A_265], %swap3A_268 {strides = array<i32>} : memref<64x16xf32, #tpu.memory_space<vmem>>, vector<1x16xf32>,
    %broadcast_in_dim3A_269 = arith.constant 0.000000e+00 : f32
    %broadcast_in_dim3A_270 = vector.broadcast %broadcast_in_dim3A_269 : f32 to vector<16xf32>
    %scan3A_271 = arith.constant 0 : i32
    %scan3A_272 = arith.constant 128 : i32
    %scan3A_273 = arith.addi %scan3A_271, %scan3A_272 : i32
    %scan3A_274 = arith.constant 1 : i32
    %scan3A_275:4 = scf.for %scan3A_1538 = %scan3A_271 to %scan3A_273 step %scan3A_274 iter_args(%scan3A_1539 = %broadcast_in_dim3A_270, %scan3A_1540 = %broadcast_in_dim3A_270, %scan3A_1541 = %broadcast_in_dim3A_270, %scan3A_1542 = %broadcast_in_dim3A_270) -> (vector<16xf32>, vector<16xf32>, vector<16xf32>, vector<16xf32>)  : i32 {
      %mul3A_1543 = arith.constant 64 : i32
      %mul3A_1544 = arith.muli %scan3A_1538, %mul3A_1543 : i32
      %get3A = arith.constant 0 : i32
      %get3A_1545 = arith.constant 2 : i32
      %get3A_1546 = arith.index_cast %get3A : i32 to index
      %get3A_1547 = arith.index_cast %get3A_1545 : i32 to index
      %get3A_1548 = arith.index_cast %mul3A_1544 : i32 to index
      %get3A_1549 = tpu.vector_load %arg4[%get3A_1546, %get3A_1547, %get3A_1548] {strides = array<i32>} : memref<2x4x8192xf32, #tpu.memory_space<vmem>>, vector<1x1x16xf32>,
      %get3A_1550 = vector.shape_cast %get3A_1549 : vector<1x1x16xf32> to vector<16xf32>
      %add3A_1551 = arith.addf %scan3A_1539, %get3A_1550 : vector<16xf32>
      %add3A_1552 = arith.constant 16 : i32
      %add3A_1553 = arith.addi %mul3A_1544, %add3A_1552 : i32
      %get3A_1554 = arith.constant 0 : i32
      %get3A_1555 = arith.constant 2 : i32
      %get3A_1556 = arith.index_cast %get3A_1554 : i32 to index
      %get3A_1557 = arith.index_cast %get3A_1555 : i32 to index
      %get3A_1558 = arith.index_cast %add3A_1553 : i32 to index
      %get3A_1559 = tpu.vector_load %arg4[%get3A_1556, %get3A_1557, %get3A_1558] {strides = array<i32>} : memref<2x4x8192xf32, #tpu.memory_space<vmem>>, vector<1x1x16xf32>,
      %get3A_1560 = vector.shape_cast %get3A_1559 : vector<1x1x16xf32> to vector<16xf32>
      %add3A_1561 = arith.addf %scan3A_1540, %get3A_1560 : vector<16xf32>
      %add3A_1562 = arith.constant 32 : i32
      %add3A_1563 = arith.addi %mul3A_1544, %add3A_1562 : i32
      %get3A_1564 = arith.constant 0 : i32
      %get3A_1565 = arith.constant 2 : i32
      %get3A_1566 = arith.index_cast %get3A_1564 : i32 to index
      %get3A_1567 = arith.index_cast %get3A_1565 : i32 to index
      %get3A_1568 = arith.index_cast %add3A_1563 : i32 to index
      %get3A_1569 = tpu.vector_load %arg4[%get3A_1566, %get3A_1567, %get3A_1568] {strides = array<i32>} : memref<2x4x8192xf32, #tpu.memory_space<vmem>>, vector<1x1x16xf32>,
      %get3A_1570 = vector.shape_cast %get3A_1569 : vector<1x1x16xf32> to vector<16xf32>
      %add3A_1571 = arith.addf %scan3A_1541, %get3A_1570 : vector<16xf32>
      %add3A_1572 = arith.constant 48 : i32
      %add3A_1573 = arith.addi %mul3A_1544, %add3A_1572 : i32
      %get3A_1574 = arith.constant 0 : i32
      %get3A_1575 = arith.constant 2 : i32
      %get3A_1576 = arith.index_cast %get3A_1574 : i32 to index
      %get3A_1577 = arith.index_cast %get3A_1575 : i32 to index
      %get3A_1578 = arith.index_cast %add3A_1573 : i32 to index
      %get3A_1579 = tpu.vector_load %arg4[%get3A_1576, %get3A_1577, %get3A_1578] {strides = array<i32>} : memref<2x4x8192xf32, #tpu.memory_space<vmem>>, vector<1x1x16xf32>,
      %get3A_1580 = vector.shape_cast %get3A_1579 : vector<1x1x16xf32> to vector<16xf32>
      %add3A_1581 = arith.addf %scan3A_1542, %get3A_1580 : vector<16xf32>
      scf.yield %add3A_1551, %add3A_1561, %add3A_1571, %add3A_1581 : vector<16xf32>, vector<16xf32>, vector<16xf32>, vector<16xf32>
    }
    %scan3A_276 = arith.constant 128 : i32
    %add3A_277 = arith.addf %scan3A_275#0, %scan3A_275#1 : vector<16xf32>
    %add3A_278 = arith.addf %scan3A_275#2, %scan3A_275#3 : vector<16xf32>
    %add3A_279 = arith.addf %add3A_277, %add3A_278 : vector<16xf32>
    %swap3A_280 = arith.constant 10 : i32
    %swap3A_281 = arith.index_cast %swap3A_280 : i32 to index
    %swap3A_282 = arith.constant 0 : index
    %swap3A_283 = tpu.vector_load %arg5[%swap3A_281, %swap3A_282] {strides = array<i32>} : memref<64x16xf32, #tpu.memory_space<vmem>>, vector<1x16xf32>,
    %swap3A_284 = vector.shape_cast %swap3A_283 : vector<1x16xf32> to vector<16xf32>
    %swap3A_285 = vector.shape_cast %add3A_279 : vector<16xf32> to vector<1x16xf32>
    tpu.vector_store %arg5[%swap3A_281, %swap3A_282], %swap3A_285 {strides = array<i32>} : memref<64x16xf32, #tpu.memory_space<vmem>>, vector<1x16xf32>,
    %broadcast_in_dim3A_286 = arith.constant 0.000000e+00 : f32
    %broadcast_in_dim3A_287 = vector.broadcast %broadcast_in_dim3A_286 : f32 to vector<16xf32>
    %scan3A_288 = arith.constant 0 : i32
    %scan3A_289 = arith.constant 128 : i32
    %scan3A_290 = arith.addi %scan3A_288, %scan3A_289 : i32
    %scan3A_291 = arith.constant 1 : i32
    %scan3A_292:4 = scf.for %scan3A_1538 = %scan3A_288 to %scan3A_290 step %scan3A_291 iter_args(%scan3A_1539 = %broadcast_in_dim3A_287, %scan3A_1540 = %broadcast_in_dim3A_287, %scan3A_1541 = %broadcast_in_dim3A_287, %scan3A_1542 = %broadcast_in_dim3A_287) -> (vector<16xf32>, vector<16xf32>, vector<16xf32>, vector<16xf32>)  : i32 {
      %mul3A_1543 = arith.constant 64 : i32
      %mul3A_1544 = arith.muli %scan3A_1538, %mul3A_1543 : i32
      %get3A = arith.constant 0 : i32
      %get3A_1545 = arith.constant 3 : i32
      %get3A_1546 = arith.index_cast %get3A : i32 to index
      %get3A_1547 = arith.index_cast %get3A_1545 : i32 to index
      %get3A_1548 = arith.index_cast %mul3A_1544 : i32 to index
      %get3A_1549 = tpu.vector_load %arg4[%get3A_1546, %get3A_1547, %get3A_1548] {strides = array<i32>} : memref<2x4x8192xf32, #tpu.memory_space<vmem>>, vector<1x1x16xf32>,
      %get3A_1550 = vector.shape_cast %get3A_1549 : vector<1x1x16xf32> to vector<16xf32>
      %add3A_1551 = arith.addf %scan3A_1539, %get3A_1550 : vector<16xf32>
      %add3A_1552 = arith.constant 16 : i32
      %add3A_1553 = arith.addi %mul3A_1544, %add3A_1552 : i32
      %get3A_1554 = arith.constant 0 : i32
      %get3A_1555 = arith.constant 3 : i32
      %get3A_1556 = arith.index_cast %get3A_1554 : i32 to index
      %get3A_1557 = arith.index_cast %get3A_1555 : i32 to index
      %get3A_1558 = arith.index_cast %add3A_1553 : i32 to index
      %get3A_1559 = tpu.vector_load %arg4[%get3A_1556, %get3A_1557, %get3A_1558] {strides = array<i32>} : memref<2x4x8192xf32, #tpu.memory_space<vmem>>, vector<1x1x16xf32>,
      %get3A_1560 = vector.shape_cast %get3A_1559 : vector<1x1x16xf32> to vector<16xf32>
      %add3A_1561 = arith.addf %scan3A_1540, %get3A_1560 : vector<16xf32>
      %add3A_1562 = arith.constant 32 : i32
      %add3A_1563 = arith.addi %mul3A_1544, %add3A_1562 : i32
      %get3A_1564 = arith.constant 0 : i32
      %get3A_1565 = arith.constant 3 : i32
      %get3A_1566 = arith.index_cast %get3A_1564 : i32 to index
      %get3A_1567 = arith.index_cast %get3A_1565 : i32 to index
      %get3A_1568 = arith.index_cast %add3A_1563 : i32 to index
      %get3A_1569 = tpu.vector_load %arg4[%get3A_1566, %get3A_1567, %get3A_1568] {strides = array<i32>} : memref<2x4x8192xf32, #tpu.memory_space<vmem>>, vector<1x1x16xf32>,
      %get3A_1570 = vector.shape_cast %get3A_1569 : vector<1x1x16xf32> to vector<16xf32>
      %add3A_1571 = arith.addf %scan3A_1541, %get3A_1570 : vector<16xf32>
      %add3A_1572 = arith.constant 48 : i32
      %add3A_1573 = arith.addi %mul3A_1544, %add3A_1572 : i32
      %get3A_1574 = arith.constant 0 : i32
      %get3A_1575 = arith.constant 3 : i32
      %get3A_1576 = arith.index_cast %get3A_1574 : i32 to index
      %get3A_1577 = arith.index_cast %get3A_1575 : i32 to index
      %get3A_1578 = arith.index_cast %add3A_1573 : i32 to index
      %get3A_1579 = tpu.vector_load %arg4[%get3A_1576, %get3A_1577, %get3A_1578] {strides = array<i32>} : memref<2x4x8192xf32, #tpu.memory_space<vmem>>, vector<1x1x16xf32>,
      %get3A_1580 = vector.shape_cast %get3A_1579 : vector<1x1x16xf32> to vector<16xf32>
      %add3A_1581 = arith.addf %scan3A_1542, %get3A_1580 : vector<16xf32>
      scf.yield %add3A_1551, %add3A_1561, %add3A_1571, %add3A_1581 : vector<16xf32>, vector<16xf32>, vector<16xf32>, vector<16xf32>
    }
    %scan3A_293 = arith.constant 128 : i32
    %add3A_294 = arith.addf %scan3A_292#0, %scan3A_292#1 : vector<16xf32>
    %add3A_295 = arith.addf %scan3A_292#2, %scan3A_292#3 : vector<16xf32>
    %add3A_296 = arith.addf %add3A_294, %add3A_295 : vector<16xf32>
    %swap3A_297 = arith.constant 11 : i32
    %swap3A_298 = arith.index_cast %swap3A_297 : i32 to index
    %swap3A_299 = arith.constant 0 : index
    %swap3A_300 = tpu.vector_load %arg5[%swap3A_298, %swap3A_299] {strides = array<i32>} : memref<64x16xf32, #tpu.memory_space<vmem>>, vector<1x16xf32>,
    %swap3A_301 = vector.shape_cast %swap3A_300 : vector<1x16xf32> to vector<16xf32>
    %swap3A_302 = vector.shape_cast %add3A_296 : vector<16xf32> to vector<1x16xf32>
    tpu.vector_store %arg5[%swap3A_298, %swap3A_299], %swap3A_302 {strides = array<i32>} : memref<64x16xf32, #tpu.memory_space<vmem>>, vector<1x16xf32>,
    %add3A_303 = arith.constant 16 : i32
    %add3A_304 = arith.addi %add3A_4, %add3A_303 : i32
    %dma_start3A_305 = arith.constant 0 : i32
    %dma_start3A_306 = arith.constant 0 : i32
    %dma_start3A_307 = arith.constant 0 : i32
    %dma_start3A_308 = tpu.memref_slice %arg4[%dma_start3A_305, %dma_start3A_306, %dma_start3A_307] : memref<2x4x8192xf32, #tpu.memory_space<vmem>> -> memref<1x4x8192xf32, #tpu.memory_space<vmem>>
    %dma_start3A_309 = tpu.memref_squeeze %dma_start3A_308 : memref<1x4x8192xf32, #tpu.memory_space<vmem>> -> memref<4x8192xf32, #tpu.memory_space<vmem>>
    %dma_start3A_310 = arith.constant 0 : i32
    %dma_start3A_311 = tpu.memref_slice %arg2[%add3A_304, %dma_start3A_310] : memref<8192x8192xf32, #tpu.memory_space<hbm>> -> memref<4x8192xf32, #tpu.memory_space<hbm>>
    %dma_start3A_312 = arith.constant 0 : i32
    %dma_start3A_313 = arith.constant 0 : i32
    %dma_start3A_314 = tpu.memref_slice %arg4[%dma_start3A_305, %dma_start3A_312, %dma_start3A_313] : memref<2x4x8192xf32, #tpu.memory_space<vmem>> -> memref<1x4x8192xf32, #tpu.memory_space<vmem>>
    %dma_start3A_315 = tpu.memref_squeeze %dma_start3A_314 : memref<1x4x8192xf32, #tpu.memory_space<vmem>> -> memref<4x8192xf32, #tpu.memory_space<vmem>>
    %dma_start3A_316 = arith.constant 0 : i32
    %dma_start3A_317 = tpu.memref_slice %arg2[%add3A_304, %dma_start3A_316] : memref<8192x8192xf32, #tpu.memory_space<hbm>> -> memref<4x8192xf32, #tpu.memory_space<hbm>>
    tpu.enqueue_dma source(%dma_start3A_317 : memref<4x8192xf32, #tpu.memory_space<hbm>>) target(%dma_start3A_315 : memref<4x8192xf32, #tpu.memory_space<vmem>>) target_semaphore(%arg6 : memref<!tpu.dma_semaphore, #tpu.memory_space<semaphore_mem>>)
    %dma_wait3A_318 = arith.constant 1 : i32
    %dma_wait3A_319 = arith.constant 0 : i32
    %dma_wait3A_320 = arith.constant 0 : i32
    %dma_wait3A_321 = tpu.memref_slice %arg4[%dma_wait3A_318, %dma_wait3A_319, %dma_wait3A_320] : memref<2x4x8192xf32, #tpu.memory_space<vmem>> -> memref<1x4x8192xf32, #tpu.memory_space<vmem>>
    %dma_wait3A_322 = tpu.memref_squeeze %dma_wait3A_321 : memref<1x4x8192xf32, #tpu.memory_space<vmem>> -> memref<4x8192xf32, #tpu.memory_space<vmem>>
    %dma_wait3A_323 = arith.constant 0 : i32
    %dma_wait3A_324 = tpu.memref_slice %arg2[%add3A_208, %dma_wait3A_323] : memref<8192x8192xf32, #tpu.memory_space<hbm>> -> memref<4x8192xf32, #tpu.memory_space<hbm>>
    %dma_wait3A_325 = arith.constant 0 : i32
    %dma_wait3A_326 = arith.constant 0 : i32
    %dma_wait3A_327 = tpu.memref_slice %arg4[%dma_wait3A_318, %dma_wait3A_325, %dma_wait3A_326] : memref<2x4x8192xf32, #tpu.memory_space<vmem>> -> memref<1x4x8192xf32, #tpu.memory_space<vmem>>
    %dma_wait3A_328 = tpu.memref_squeeze %dma_wait3A_327 : memref<1x4x8192xf32, #tpu.memory_space<vmem>> -> memref<4x8192xf32, #tpu.memory_space<vmem>>
    %dma_wait3A_329 = arith.constant 0 : i32
    %dma_wait3A_330 = tpu.memref_slice %arg2[%add3A_208, %dma_wait3A_329] : memref<8192x8192xf32, #tpu.memory_space<hbm>> -> memref<4x8192xf32, #tpu.memory_space<hbm>>
    tpu.wait_dma2 semaphore(%arg7 : memref<!tpu.dma_semaphore, #tpu.memory_space<semaphore_mem>>) src(%dma_wait3A_330 : memref<4x8192xf32, #tpu.memory_space<hbm>>) dst(%dma_wait3A_328 : memref<4x8192xf32, #tpu.memory_space<vmem>>)
    %broadcast_in_dim3A_331 = arith.constant 0.000000e+00 : f32
    %broadcast_in_dim3A_332 = vector.broadcast %broadcast_in_dim3A_331 : f32 to vector<16xf32>
    %scan3A_333 = arith.constant 0 : i32
    %scan3A_334 = arith.constant 128 : i32
    %scan3A_335 = arith.addi %scan3A_333, %scan3A_334 : i32
    %scan3A_336 = arith.constant 1 : i32
    %scan3A_337:4 = scf.for %scan3A_1538 = %scan3A_333 to %scan3A_335 step %scan3A_336 iter_args(%scan3A_1539 = %broadcast_in_dim3A_332, %scan3A_1540 = %broadcast_in_dim3A_332, %scan3A_1541 = %broadcast_in_dim3A_332, %scan3A_1542 = %broadcast_in_dim3A_332) -> (vector<16xf32>, vector<16xf32>, vector<16xf32>, vector<16xf32>)  : i32 {
      %mul3A_1543 = arith.constant 64 : i32
      %mul3A_1544 = arith.muli %scan3A_1538, %mul3A_1543 : i32
      %get3A = arith.constant 1 : i32
      %get3A_1545 = arith.constant 0 : i32
      %get3A_1546 = arith.index_cast %get3A : i32 to index
      %get3A_1547 = arith.index_cast %get3A_1545 : i32 to index
      %get3A_1548 = arith.index_cast %mul3A_1544 : i32 to index
      %get3A_1549 = tpu.vector_load %arg4[%get3A_1546, %get3A_1547, %get3A_1548] {strides = array<i32>} : memref<2x4x8192xf32, #tpu.memory_space<vmem>>, vector<1x1x16xf32>,
      %get3A_1550 = vector.shape_cast %get3A_1549 : vector<1x1x16xf32> to vector<16xf32>
      %add3A_1551 = arith.addf %scan3A_1539, %get3A_1550 : vector<16xf32>
      %add3A_1552 = arith.constant 16 : i32
      %add3A_1553 = arith.addi %mul3A_1544, %add3A_1552 : i32
      %get3A_1554 = arith.constant 1 : i32
      %get3A_1555 = arith.constant 0 : i32
      %get3A_1556 = arith.index_cast %get3A_1554 : i32 to index
      %get3A_1557 = arith.index_cast %get3A_1555 : i32 to index
      %get3A_1558 = arith.index_cast %add3A_1553 : i32 to index
      %get3A_1559 = tpu.vector_load %arg4[%get3A_1556, %get3A_1557, %get3A_1558] {strides = array<i32>} : memref<2x4x8192xf32, #tpu.memory_space<vmem>>, vector<1x1x16xf32>,
      %get3A_1560 = vector.shape_cast %get3A_1559 : vector<1x1x16xf32> to vector<16xf32>
      %add3A_1561 = arith.addf %scan3A_1540, %get3A_1560 : vector<16xf32>
      %add3A_1562 = arith.constant 32 : i32
      %add3A_1563 = arith.addi %mul3A_1544, %add3A_1562 : i32
      %get3A_1564 = arith.constant 1 : i32
      %get3A_1565 = arith.constant 0 : i32
      %get3A_1566 = arith.index_cast %get3A_1564 : i32 to index
      %get3A_1567 = arith.index_cast %get3A_1565 : i32 to index
      %get3A_1568 = arith.index_cast %add3A_1563 : i32 to index
      %get3A_1569 = tpu.vector_load %arg4[%get3A_1566, %get3A_1567, %get3A_1568] {strides = array<i32>} : memref<2x4x8192xf32, #tpu.memory_space<vmem>>, vector<1x1x16xf32>,
      %get3A_1570 = vector.shape_cast %get3A_1569 : vector<1x1x16xf32> to vector<16xf32>
      %add3A_1571 = arith.addf %scan3A_1541, %get3A_1570 : vector<16xf32>
      %add3A_1572 = arith.constant 48 : i32
      %add3A_1573 = arith.addi %mul3A_1544, %add3A_1572 : i32
      %get3A_1574 = arith.constant 1 : i32
      %get3A_1575 = arith.constant 0 : i32
      %get3A_1576 = arith.index_cast %get3A_1574 : i32 to index
      %get3A_1577 = arith.index_cast %get3A_1575 : i32 to index
      %get3A_1578 = arith.index_cast %add3A_1573 : i32 to index
      %get3A_1579 = tpu.vector_load %arg4[%get3A_1576, %get3A_1577, %get3A_1578] {strides = array<i32>} : memref<2x4x8192xf32, #tpu.memory_space<vmem>>, vector<1x1x16xf32>,
      %get3A_1580 = vector.shape_cast %get3A_1579 : vector<1x1x16xf32> to vector<16xf32>
      %add3A_1581 = arith.addf %scan3A_1542, %get3A_1580 : vector<16xf32>
      scf.yield %add3A_1551, %add3A_1561, %add3A_1571, %add3A_1581 : vector<16xf32>, vector<16xf32>, vector<16xf32>, vector<16xf32>
    }
    %scan3A_338 = arith.constant 128 : i32
    %add3A_339 = arith.addf %scan3A_337#0, %scan3A_337#1 : vector<16xf32>
    %add3A_340 = arith.addf %scan3A_337#2, %scan3A_337#3 : vector<16xf32>
    %add3A_341 = arith.addf %add3A_339, %add3A_340 : vector<16xf32>
    %swap3A_342 = arith.constant 12 : i32
    %swap3A_343 = arith.index_cast %swap3A_342 : i32 to index
    %swap3A_344 = arith.constant 0 : index
    %swap3A_345 = tpu.vector_load %arg5[%swap3A_343, %swap3A_344] {strides = array<i32>} : memref<64x16xf32, #tpu.memory_space<vmem>>, vector<1x16xf32>,
    %swap3A_346 = vector.shape_cast %swap3A_345 : vector<1x16xf32> to vector<16xf32>
    %swap3A_347 = vector.shape_cast %add3A_341 : vector<16xf32> to vector<1x16xf32>
    tpu.vector_store %arg5[%swap3A_343, %swap3A_344], %swap3A_347 {strides = array<i32>} : memref<64x16xf32, #tpu.memory_space<vmem>>, vector<1x16xf32>,
    %broadcast_in_dim3A_348 = arith.constant 0.000000e+00 : f32
    %broadcast_in_dim3A_349 = vector.broadcast %broadcast_in_dim3A_348 : f32 to vector<16xf32>
    %scan3A_350 = arith.constant 0 : i32
    %scan3A_351 = arith.constant 128 : i32
    %scan3A_352 = arith.addi %scan3A_350, %scan3A_351 : i32
    %scan3A_353 = arith.constant 1 : i32
    %scan3A_354:4 = scf.for %scan3A_1538 = %scan3A_350 to %scan3A_352 step %scan3A_353 iter_args(%scan3A_1539 = %broadcast_in_dim3A_349, %scan3A_1540 = %broadcast_in_dim3A_349, %scan3A_1541 = %broadcast_in_dim3A_349, %scan3A_1542 = %broadcast_in_dim3A_349) -> (vector<16xf32>, vector<16xf32>, vector<16xf32>, vector<16xf32>)  : i32 {
      %mul3A_1543 = arith.constant 64 : i32
      %mul3A_1544 = arith.muli %scan3A_1538, %mul3A_1543 : i32
      %get3A = arith.constant 1 : i32
      %get3A_1545 = arith.constant 1 : i32
      %get3A_1546 = arith.index_cast %get3A : i32 to index
      %get3A_1547 = arith.index_cast %get3A_1545 : i32 to index
      %get3A_1548 = arith.index_cast %mul3A_1544 : i32 to index
      %get3A_1549 = tpu.vector_load %arg4[%get3A_1546, %get3A_1547, %get3A_1548] {strides = array<i32>} : memref<2x4x8192xf32, #tpu.memory_space<vmem>>, vector<1x1x16xf32>,
      %get3A_1550 = vector.shape_cast %get3A_1549 : vector<1x1x16xf32> to vector<16xf32>
      %add3A_1551 = arith.addf %scan3A_1539, %get3A_1550 : vector<16xf32>
      %add3A_1552 = arith.constant 16 : i32
      %add3A_1553 = arith.addi %mul3A_1544, %add3A_1552 : i32
      %get3A_1554 = arith.constant 1 : i32
      %get3A_1555 = arith.constant 1 : i32
      %get3A_1556 = arith.index_cast %get3A_1554 : i32 to index
      %get3A_1557 = arith.index_cast %get3A_1555 : i32 to index
      %get3A_1558 = arith.index_cast %add3A_1553 : i32 to index
      %get3A_1559 = tpu.vector_load %arg4[%get3A_1556, %get3A_1557, %get3A_1558] {strides = array<i32>} : memref<2x4x8192xf32, #tpu.memory_space<vmem>>, vector<1x1x16xf32>,
      %get3A_1560 = vector.shape_cast %get3A_1559 : vector<1x1x16xf32> to vector<16xf32>
      %add3A_1561 = arith.addf %scan3A_1540, %get3A_1560 : vector<16xf32>
      %add3A_1562 = arith.constant 32 : i32
      %add3A_1563 = arith.addi %mul3A_1544, %add3A_1562 : i32
      %get3A_1564 = arith.constant 1 : i32
      %get3A_1565 = arith.constant 1 : i32
      %get3A_1566 = arith.index_cast %get3A_1564 : i32 to index
      %get3A_1567 = arith.index_cast %get3A_1565 : i32 to index
      %get3A_1568 = arith.index_cast %add3A_1563 : i32 to index
      %get3A_1569 = tpu.vector_load %arg4[%get3A_1566, %get3A_1567, %get3A_1568] {strides = array<i32>} : memref<2x4x8192xf32, #tpu.memory_space<vmem>>, vector<1x1x16xf32>,
      %get3A_1570 = vector.shape_cast %get3A_1569 : vector<1x1x16xf32> to vector<16xf32>
      %add3A_1571 = arith.addf %scan3A_1541, %get3A_1570 : vector<16xf32>
      %add3A_1572 = arith.constant 48 : i32
      %add3A_1573 = arith.addi %mul3A_1544, %add3A_1572 : i32
      %get3A_1574 = arith.constant 1 : i32
      %get3A_1575 = arith.constant 1 : i32
      %get3A_1576 = arith.index_cast %get3A_1574 : i32 to index
      %get3A_1577 = arith.index_cast %get3A_1575 : i32 to index
      %get3A_1578 = arith.index_cast %add3A_1573 : i32 to index
      %get3A_1579 = tpu.vector_load %arg4[%get3A_1576, %get3A_1577, %get3A_1578] {strides = array<i32>} : memref<2x4x8192xf32, #tpu.memory_space<vmem>>, vector<1x1x16xf32>,
      %get3A_1580 = vector.shape_cast %get3A_1579 : vector<1x1x16xf32> to vector<16xf32>
      %add3A_1581 = arith.addf %scan3A_1542, %get3A_1580 : vector<16xf32>
      scf.yield %add3A_1551, %add3A_1561, %add3A_1571, %add3A_1581 : vector<16xf32>, vector<16xf32>, vector<16xf32>, vector<16xf32>
    }
    %scan3A_355 = arith.constant 128 : i32
    %add3A_356 = arith.addf %scan3A_354#0, %scan3A_354#1 : vector<16xf32>
    %add3A_357 = arith.addf %scan3A_354#2, %scan3A_354#3 : vector<16xf32>
    %add3A_358 = arith.addf %add3A_356, %add3A_357 : vector<16xf32>
    %swap3A_359 = arith.constant 13 : i32
    %swap3A_360 = arith.index_cast %swap3A_359 : i32 to index
    %swap3A_361 = arith.constant 0 : index
    %swap3A_362 = tpu.vector_load %arg5[%swap3A_360, %swap3A_361] {strides = array<i32>} : memref<64x16xf32, #tpu.memory_space<vmem>>, vector<1x16xf32>,
    %swap3A_363 = vector.shape_cast %swap3A_362 : vector<1x16xf32> to vector<16xf32>
    %swap3A_364 = vector.shape_cast %add3A_358 : vector<16xf32> to vector<1x16xf32>
    tpu.vector_store %arg5[%swap3A_360, %swap3A_361], %swap3A_364 {strides = array<i32>} : memref<64x16xf32, #tpu.memory_space<vmem>>, vector<1x16xf32>,
    %broadcast_in_dim3A_365 = arith.constant 0.000000e+00 : f32
    %broadcast_in_dim3A_366 = vector.broadcast %broadcast_in_dim3A_365 : f32 to vector<16xf32>
    %scan3A_367 = arith.constant 0 : i32
    %scan3A_368 = arith.constant 128 : i32
    %scan3A_369 = arith.addi %scan3A_367, %scan3A_368 : i32
    %scan3A_370 = arith.constant 1 : i32
    %scan3A_371:4 = scf.for %scan3A_1538 = %scan3A_367 to %scan3A_369 step %scan3A_370 iter_args(%scan3A_1539 = %broadcast_in_dim3A_366, %scan3A_1540 = %broadcast_in_dim3A_366, %scan3A_1541 = %broadcast_in_dim3A_366, %scan3A_1542 = %broadcast_in_dim3A_366) -> (vector<16xf32>, vector<16xf32>, vector<16xf32>, vector<16xf32>)  : i32 {
      %mul3A_1543 = arith.constant 64 : i32
      %mul3A_1544 = arith.muli %scan3A_1538, %mul3A_1543 : i32
      %get3A = arith.constant 1 : i32
      %get3A_1545 = arith.constant 2 : i32
      %get3A_1546 = arith.index_cast %get3A : i32 to index
      %get3A_1547 = arith.index_cast %get3A_1545 : i32 to index
      %get3A_1548 = arith.index_cast %mul3A_1544 : i32 to index
      %get3A_1549 = tpu.vector_load %arg4[%get3A_1546, %get3A_1547, %get3A_1548] {strides = array<i32>} : memref<2x4x8192xf32, #tpu.memory_space<vmem>>, vector<1x1x16xf32>,
      %get3A_1550 = vector.shape_cast %get3A_1549 : vector<1x1x16xf32> to vector<16xf32>
      %add3A_1551 = arith.addf %scan3A_1539, %get3A_1550 : vector<16xf32>
      %add3A_1552 = arith.constant 16 : i32
      %add3A_1553 = arith.addi %mul3A_1544, %add3A_1552 : i32
      %get3A_1554 = arith.constant 1 : i32
      %get3A_1555 = arith.constant 2 : i32
      %get3A_1556 = arith.index_cast %get3A_1554 : i32 to index
      %get3A_1557 = arith.index_cast %get3A_1555 : i32 to index
      %get3A_1558 = arith.index_cast %add3A_1553 : i32 to index
      %get3A_1559 = tpu.vector_load %arg4[%get3A_1556, %get3A_1557, %get3A_1558] {strides = array<i32>} : memref<2x4x8192xf32, #tpu.memory_space<vmem>>, vector<1x1x16xf32>,
      %get3A_1560 = vector.shape_cast %get3A_1559 : vector<1x1x16xf32> to vector<16xf32>
      %add3A_1561 = arith.addf %scan3A_1540, %get3A_1560 : vector<16xf32>
      %add3A_1562 = arith.constant 32 : i32
      %add3A_1563 = arith.addi %mul3A_1544, %add3A_1562 : i32
      %get3A_1564 = arith.constant 1 : i32
      %get3A_1565 = arith.constant 2 : i32
      %get3A_1566 = arith.index_cast %get3A_1564 : i32 to index
      %get3A_1567 = arith.index_cast %get3A_1565 : i32 to index
      %get3A_1568 = arith.index_cast %add3A_1563 : i32 to index
      %get3A_1569 = tpu.vector_load %arg4[%get3A_1566, %get3A_1567, %get3A_1568] {strides = array<i32>} : memref<2x4x8192xf32, #tpu.memory_space<vmem>>, vector<1x1x16xf32>,
      %get3A_1570 = vector.shape_cast %get3A_1569 : vector<1x1x16xf32> to vector<16xf32>
      %add3A_1571 = arith.addf %scan3A_1541, %get3A_1570 : vector<16xf32>
      %add3A_1572 = arith.constant 48 : i32
      %add3A_1573 = arith.addi %mul3A_1544, %add3A_1572 : i32
      %get3A_1574 = arith.constant 1 : i32
      %get3A_1575 = arith.constant 2 : i32
      %get3A_1576 = arith.index_cast %get3A_1574 : i32 to index
      %get3A_1577 = arith.index_cast %get3A_1575 : i32 to index
      %get3A_1578 = arith.index_cast %add3A_1573 : i32 to index
      %get3A_1579 = tpu.vector_load %arg4[%get3A_1576, %get3A_1577, %get3A_1578] {strides = array<i32>} : memref<2x4x8192xf32, #tpu.memory_space<vmem>>, vector<1x1x16xf32>,
      %get3A_1580 = vector.shape_cast %get3A_1579 : vector<1x1x16xf32> to vector<16xf32>
      %add3A_1581 = arith.addf %scan3A_1542, %get3A_1580 : vector<16xf32>
      scf.yield %add3A_1551, %add3A_1561, %add3A_1571, %add3A_1581 : vector<16xf32>, vector<16xf32>, vector<16xf32>, vector<16xf32>
    }
    %scan3A_372 = arith.constant 128 : i32
    %add3A_373 = arith.addf %scan3A_371#0, %scan3A_371#1 : vector<16xf32>
    %add3A_374 = arith.addf %scan3A_371#2, %scan3A_371#3 : vector<16xf32>
    %add3A_375 = arith.addf %add3A_373, %add3A_374 : vector<16xf32>
    %swap3A_376 = arith.constant 14 : i32
    %swap3A_377 = arith.index_cast %swap3A_376 : i32 to index
    %swap3A_378 = arith.constant 0 : index
    %swap3A_379 = tpu.vector_load %arg5[%swap3A_377, %swap3A_378] {strides = array<i32>} : memref<64x16xf32, #tpu.memory_space<vmem>>, vector<1x16xf32>,
    %swap3A_380 = vector.shape_cast %swap3A_379 : vector<1x16xf32> to vector<16xf32>
    %swap3A_381 = vector.shape_cast %add3A_375 : vector<16xf32> to vector<1x16xf32>
    tpu.vector_store %arg5[%swap3A_377, %swap3A_378], %swap3A_381 {strides = array<i32>} : memref<64x16xf32, #tpu.memory_space<vmem>>, vector<1x16xf32>,
    %broadcast_in_dim3A_382 = arith.constant 0.000000e+00 : f32
    %broadcast_in_dim3A_383 = vector.broadcast %broadcast_in_dim3A_382 : f32 to vector<16xf32>
    %scan3A_384 = arith.constant 0 : i32
    %scan3A_385 = arith.constant 128 : i32
    %scan3A_386 = arith.addi %scan3A_384, %scan3A_385 : i32
    %scan3A_387 = arith.constant 1 : i32
    %scan3A_388:4 = scf.for %scan3A_1538 = %scan3A_384 to %scan3A_386 step %scan3A_387 iter_args(%scan3A_1539 = %broadcast_in_dim3A_383, %scan3A_1540 = %broadcast_in_dim3A_383, %scan3A_1541 = %broadcast_in_dim3A_383, %scan3A_1542 = %broadcast_in_dim3A_383) -> (vector<16xf32>, vector<16xf32>, vector<16xf32>, vector<16xf32>)  : i32 {
      %mul3A_1543 = arith.constant 64 : i32
      %mul3A_1544 = arith.muli %scan3A_1538, %mul3A_1543 : i32
      %get3A = arith.constant 1 : i32
      %get3A_1545 = arith.constant 3 : i32
      %get3A_1546 = arith.index_cast %get3A : i32 to index
      %get3A_1547 = arith.index_cast %get3A_1545 : i32 to index
      %get3A_1548 = arith.index_cast %mul3A_1544 : i32 to index
      %get3A_1549 = tpu.vector_load %arg4[%get3A_1546, %get3A_1547, %get3A_1548] {strides = array<i32>} : memref<2x4x8192xf32, #tpu.memory_space<vmem>>, vector<1x1x16xf32>,
      %get3A_1550 = vector.shape_cast %get3A_1549 : vector<1x1x16xf32> to vector<16xf32>
      %add3A_1551 = arith.addf %scan3A_1539, %get3A_1550 : vector<16xf32>
      %add3A_1552 = arith.constant 16 : i32
      %add3A_1553 = arith.addi %mul3A_1544, %add3A_1552 : i32
      %get3A_1554 = arith.constant 1 : i32
      %get3A_1555 = arith.constant 3 : i32
      %get3A_1556 = arith.index_cast %get3A_1554 : i32 to index
      %get3A_1557 = arith.index_cast %get3A_1555 : i32 to index
      %get3A_1558 = arith.index_cast %add3A_1553 : i32 to index
      %get3A_1559 = tpu.vector_load %arg4[%get3A_1556, %get3A_1557, %get3A_1558] {strides = array<i32>} : memref<2x4x8192xf32, #tpu.memory_space<vmem>>, vector<1x1x16xf32>,
      %get3A_1560 = vector.shape_cast %get3A_1559 : vector<1x1x16xf32> to vector<16xf32>
      %add3A_1561 = arith.addf %scan3A_1540, %get3A_1560 : vector<16xf32>
      %add3A_1562 = arith.constant 32 : i32
      %add3A_1563 = arith.addi %mul3A_1544, %add3A_1562 : i32
      %get3A_1564 = arith.constant 1 : i32
      %get3A_1565 = arith.constant 3 : i32
      %get3A_1566 = arith.index_cast %get3A_1564 : i32 to index
      %get3A_1567 = arith.index_cast %get3A_1565 : i32 to index
      %get3A_1568 = arith.index_cast %add3A_1563 : i32 to index
      %get3A_1569 = tpu.vector_load %arg4[%get3A_1566, %get3A_1567, %get3A_1568] {strides = array<i32>} : memref<2x4x8192xf32, #tpu.memory_space<vmem>>, vector<1x1x16xf32>,
      %get3A_1570 = vector.shape_cast %get3A_1569 : vector<1x1x16xf32> to vector<16xf32>
      %add3A_1571 = arith.addf %scan3A_1541, %get3A_1570 : vector<16xf32>
      %add3A_1572 = arith.constant 48 : i32
      %add3A_1573 = arith.addi %mul3A_1544, %add3A_1572 : i32
      %get3A_1574 = arith.constant 1 : i32
      %get3A_1575 = arith.constant 3 : i32
      %get3A_1576 = arith.index_cast %get3A_1574 : i32 to index
      %get3A_1577 = arith.index_cast %get3A_1575 : i32 to index
      %get3A_1578 = arith.index_cast %add3A_1573 : i32 to index
      %get3A_1579 = tpu.vector_load %arg4[%get3A_1576, %get3A_1577, %get3A_1578] {strides = array<i32>} : memref<2x4x8192xf32, #tpu.memory_space<vmem>>, vector<1x1x16xf32>,
      %get3A_1580 = vector.shape_cast %get3A_1579 : vector<1x1x16xf32> to vector<16xf32>
      %add3A_1581 = arith.addf %scan3A_1542, %get3A_1580 : vector<16xf32>
      scf.yield %add3A_1551, %add3A_1561, %add3A_1571, %add3A_1581 : vector<16xf32>, vector<16xf32>, vector<16xf32>, vector<16xf32>
    }
    %scan3A_389 = arith.constant 128 : i32
    %add3A_390 = arith.addf %scan3A_388#0, %scan3A_388#1 : vector<16xf32>
    %add3A_391 = arith.addf %scan3A_388#2, %scan3A_388#3 : vector<16xf32>
    %add3A_392 = arith.addf %add3A_390, %add3A_391 : vector<16xf32>
    %swap3A_393 = arith.constant 15 : i32
    %swap3A_394 = arith.index_cast %swap3A_393 : i32 to index
    %swap3A_395 = arith.constant 0 : index
    %swap3A_396 = tpu.vector_load %arg5[%swap3A_394, %swap3A_395] {strides = array<i32>} : memref<64x16xf32, #tpu.memory_space<vmem>>, vector<1x16xf32>,
    %swap3A_397 = vector.shape_cast %swap3A_396 : vector<1x16xf32> to vector<16xf32>
    %swap3A_398 = vector.shape_cast %add3A_392 : vector<16xf32> to vector<1x16xf32>
    tpu.vector_store %arg5[%swap3A_394, %swap3A_395], %swap3A_398 {strides = array<i32>} : memref<64x16xf32, #tpu.memory_space<vmem>>, vector<1x16xf32>,
    %add3A_399 = arith.constant 20 : i32
    %add3A_400 = arith.addi %add3A_4, %add3A_399 : i32
    %dma_start3A_401 = arith.constant 1 : i32
    %dma_start3A_402 = arith.constant 0 : i32
    %dma_start3A_403 = arith.constant 0 : i32
    %dma_start3A_404 = tpu.memref_slice %arg4[%dma_start3A_401, %dma_start3A_402, %dma_start3A_403] : memref<2x4x8192xf32, #tpu.memory_space<vmem>> -> memref<1x4x8192xf32, #tpu.memory_space<vmem>>
    %dma_start3A_405 = tpu.memref_squeeze %dma_start3A_404 : memref<1x4x8192xf32, #tpu.memory_space<vmem>> -> memref<4x8192xf32, #tpu.memory_space<vmem>>
    %dma_start3A_406 = arith.constant 0 : i32
    %dma_start3A_407 = tpu.memref_slice %arg2[%add3A_400, %dma_start3A_406] : memref<8192x8192xf32, #tpu.memory_space<hbm>> -> memref<4x8192xf32, #tpu.memory_space<hbm>>
    %dma_start3A_408 = arith.constant 0 : i32
    %dma_start3A_409 = arith.constant 0 : i32
    %dma_start3A_410 = tpu.memref_slice %arg4[%dma_start3A_401, %dma_start3A_408, %dma_start3A_409] : memref<2x4x8192xf32, #tpu.memory_space<vmem>> -> memref<1x4x8192xf32, #tpu.memory_space<vmem>>
    %dma_start3A_411 = tpu.memref_squeeze %dma_start3A_410 : memref<1x4x8192xf32, #tpu.memory_space<vmem>> -> memref<4x8192xf32, #tpu.memory_space<vmem>>
    %dma_start3A_412 = arith.constant 0 : i32
    %dma_start3A_413 = tpu.memref_slice %arg2[%add3A_400, %dma_start3A_412] : memref<8192x8192xf32, #tpu.memory_space<hbm>> -> memref<4x8192xf32, #tpu.memory_space<hbm>>
    tpu.enqueue_dma source(%dma_start3A_413 : memref<4x8192xf32, #tpu.memory_space<hbm>>) target(%dma_start3A_411 : memref<4x8192xf32, #tpu.memory_space<vmem>>) target_semaphore(%arg7 : memref<!tpu.dma_semaphore, #tpu.memory_space<semaphore_mem>>)
    %dma_wait3A_414 = arith.constant 0 : i32
    %dma_wait3A_415 = arith.constant 0 : i32
    %dma_wait3A_416 = arith.constant 0 : i32
    %dma_wait3A_417 = tpu.memref_slice %arg4[%dma_wait3A_414, %dma_wait3A_415, %dma_wait3A_416] : memref<2x4x8192xf32, #tpu.memory_space<vmem>> -> memref<1x4x8192xf32, #tpu.memory_space<vmem>>
    %dma_wait3A_418 = tpu.memref_squeeze %dma_wait3A_417 : memref<1x4x8192xf32, #tpu.memory_space<vmem>> -> memref<4x8192xf32, #tpu.memory_space<vmem>>
    %dma_wait3A_419 = arith.constant 0 : i32
    %dma_wait3A_420 = tpu.memref_slice %arg2[%add3A_304, %dma_wait3A_419] : memref<8192x8192xf32, #tpu.memory_space<hbm>> -> memref<4x8192xf32, #tpu.memory_space<hbm>>
    %dma_wait3A_421 = arith.constant 0 : i32
    %dma_wait3A_422 = arith.constant 0 : i32
    %dma_wait3A_423 = tpu.memref_slice %arg4[%dma_wait3A_414, %dma_wait3A_421, %dma_wait3A_422] : memref<2x4x8192xf32, #tpu.memory_space<vmem>> -> memref<1x4x8192xf32, #tpu.memory_space<vmem>>
    %dma_wait3A_424 = tpu.memref_squeeze %dma_wait3A_423 : memref<1x4x8192xf32, #tpu.memory_space<vmem>> -> memref<4x8192xf32, #tpu.memory_space<vmem>>
    %dma_wait3A_425 = arith.constant 0 : i32
    %dma_wait3A_426 = tpu.memref_slice %arg2[%add3A_304, %dma_wait3A_425] : memref<8192x8192xf32, #tpu.memory_space<hbm>> -> memref<4x8192xf32, #tpu.memory_space<hbm>>
    tpu.wait_dma2 semaphore(%arg6 : memref<!tpu.dma_semaphore, #tpu.memory_space<semaphore_mem>>) src(%dma_wait3A_426 : memref<4x8192xf32, #tpu.memory_space<hbm>>) dst(%dma_wait3A_424 : memref<4x8192xf32, #tpu.memory_space<vmem>>)
    %broadcast_in_dim3A_427 = arith.constant 0.000000e+00 : f32
    %broadcast_in_dim3A_428 = vector.broadcast %broadcast_in_dim3A_427 : f32 to vector<16xf32>
    %scan3A_429 = arith.constant 0 : i32
    %scan3A_430 = arith.constant 128 : i32
    %scan3A_431 = arith.addi %scan3A_429, %scan3A_430 : i32
    %scan3A_432 = arith.constant 1 : i32
    %scan3A_433:4 = scf.for %scan3A_1538 = %scan3A_429 to %scan3A_431 step %scan3A_432 iter_args(%scan3A_1539 = %broadcast_in_dim3A_428, %scan3A_1540 = %broadcast_in_dim3A_428, %scan3A_1541 = %broadcast_in_dim3A_428, %scan3A_1542 = %broadcast_in_dim3A_428) -> (vector<16xf32>, vector<16xf32>, vector<16xf32>, vector<16xf32>)  : i32 {
      %mul3A_1543 = arith.constant 64 : i32
      %mul3A_1544 = arith.muli %scan3A_1538, %mul3A_1543 : i32
      %get3A = arith.constant 0 : i32
      %get3A_1545 = arith.constant 0 : i32
      %get3A_1546 = arith.index_cast %get3A : i32 to index
      %get3A_1547 = arith.index_cast %get3A_1545 : i32 to index
      %get3A_1548 = arith.index_cast %mul3A_1544 : i32 to index
      %get3A_1549 = tpu.vector_load %arg4[%get3A_1546, %get3A_1547, %get3A_1548] {strides = array<i32>} : memref<2x4x8192xf32, #tpu.memory_space<vmem>>, vector<1x1x16xf32>,
      %get3A_1550 = vector.shape_cast %get3A_1549 : vector<1x1x16xf32> to vector<16xf32>
      %add3A_1551 = arith.addf %scan3A_1539, %get3A_1550 : vector<16xf32>
      %add3A_1552 = arith.constant 16 : i32
      %add3A_1553 = arith.addi %mul3A_1544, %add3A_1552 : i32
      %get3A_1554 = arith.constant 0 : i32
      %get3A_1555 = arith.constant 0 : i32
      %get3A_1556 = arith.index_cast %get3A_1554 : i32 to index
      %get3A_1557 = arith.index_cast %get3A_1555 : i32 to index
      %get3A_1558 = arith.index_cast %add3A_1553 : i32 to index
      %get3A_1559 = tpu.vector_load %arg4[%get3A_1556, %get3A_1557, %get3A_1558] {strides = array<i32>} : memref<2x4x8192xf32, #tpu.memory_space<vmem>>, vector<1x1x16xf32>,
      %get3A_1560 = vector.shape_cast %get3A_1559 : vector<1x1x16xf32> to vector<16xf32>
      %add3A_1561 = arith.addf %scan3A_1540, %get3A_1560 : vector<16xf32>
      %add3A_1562 = arith.constant 32 : i32
      %add3A_1563 = arith.addi %mul3A_1544, %add3A_1562 : i32
      %get3A_1564 = arith.constant 0 : i32
      %get3A_1565 = arith.constant 0 : i32
      %get3A_1566 = arith.index_cast %get3A_1564 : i32 to index
      %get3A_1567 = arith.index_cast %get3A_1565 : i32 to index
      %get3A_1568 = arith.index_cast %add3A_1563 : i32 to index
      %get3A_1569 = tpu.vector_load %arg4[%get3A_1566, %get3A_1567, %get3A_1568] {strides = array<i32>} : memref<2x4x8192xf32, #tpu.memory_space<vmem>>, vector<1x1x16xf32>,
      %get3A_1570 = vector.shape_cast %get3A_1569 : vector<1x1x16xf32> to vector<16xf32>
      %add3A_1571 = arith.addf %scan3A_1541, %get3A_1570 : vector<16xf32>
      %add3A_1572 = arith.constant 48 : i32
      %add3A_1573 = arith.addi %mul3A_1544, %add3A_1572 : i32
      %get3A_1574 = arith.constant 0 : i32
      %get3A_1575 = arith.constant 0 : i32
      %get3A_1576 = arith.index_cast %get3A_1574 : i32 to index
      %get3A_1577 = arith.index_cast %get3A_1575 : i32 to index
      %get3A_1578 = arith.index_cast %add3A_1573 : i32 to index
      %get3A_1579 = tpu.vector_load %arg4[%get3A_1576, %get3A_1577, %get3A_1578] {strides = array<i32>} : memref<2x4x8192xf32, #tpu.memory_space<vmem>>, vector<1x1x16xf32>,
      %get3A_1580 = vector.shape_cast %get3A_1579 : vector<1x1x16xf32> to vector<16xf32>
      %add3A_1581 = arith.addf %scan3A_1542, %get3A_1580 : vector<16xf32>
      scf.yield %add3A_1551, %add3A_1561, %add3A_1571, %add3A_1581 : vector<16xf32>, vector<16xf32>, vector<16xf32>, vector<16xf32>
    }
    %scan3A_434 = arith.constant 128 : i32
    %add3A_435 = arith.addf %scan3A_433#0, %scan3A_433#1 : vector<16xf32>
    %add3A_436 = arith.addf %scan3A_433#2, %scan3A_433#3 : vector<16xf32>
    %add3A_437 = arith.addf %add3A_435, %add3A_436 : vector<16xf32>
    %swap3A_438 = arith.constant 16 : i32
    %swap3A_439 = arith.index_cast %swap3A_438 : i32 to index
    %swap3A_440 = arith.constant 0 : index
    %swap3A_441 = tpu.vector_load %arg5[%swap3A_439, %swap3A_440] {strides = array<i32>} : memref<64x16xf32, #tpu.memory_space<vmem>>, vector<1x16xf32>,
    %swap3A_442 = vector.shape_cast %swap3A_441 : vector<1x16xf32> to vector<16xf32>
    %swap3A_443 = vector.shape_cast %add3A_437 : vector<16xf32> to vector<1x16xf32>
    tpu.vector_store %arg5[%swap3A_439, %swap3A_440], %swap3A_443 {strides = array<i32>} : memref<64x16xf32, #tpu.memory_space<vmem>>, vector<1x16xf32>,
    %broadcast_in_dim3A_444 = arith.constant 0.000000e+00 : f32
    %broadcast_in_dim3A_445 = vector.broadcast %broadcast_in_dim3A_444 : f32 to vector<16xf32>
    %scan3A_446 = arith.constant 0 : i32
    %scan3A_447 = arith.constant 128 : i32
    %scan3A_448 = arith.addi %scan3A_446, %scan3A_447 : i32
    %scan3A_449 = arith.constant 1 : i32
    %scan3A_450:4 = scf.for %scan3A_1538 = %scan3A_446 to %scan3A_448 step %scan3A_449 iter_args(%scan3A_1539 = %broadcast_in_dim3A_445, %scan3A_1540 = %broadcast_in_dim3A_445, %scan3A_1541 = %broadcast_in_dim3A_445, %scan3A_1542 = %broadcast_in_dim3A_445) -> (vector<16xf32>, vector<16xf32>, vector<16xf32>, vector<16xf32>)  : i32 {
      %mul3A_1543 = arith.constant 64 : i32
      %mul3A_1544 = arith.muli %scan3A_1538, %mul3A_1543 : i32
      %get3A = arith.constant 0 : i32
      %get3A_1545 = arith.constant 1 : i32
      %get3A_1546 = arith.index_cast %get3A : i32 to index
      %get3A_1547 = arith.index_cast %get3A_1545 : i32 to index
      %get3A_1548 = arith.index_cast %mul3A_1544 : i32 to index
      %get3A_1549 = tpu.vector_load %arg4[%get3A_1546, %get3A_1547, %get3A_1548] {strides = array<i32>} : memref<2x4x8192xf32, #tpu.memory_space<vmem>>, vector<1x1x16xf32>,
      %get3A_1550 = vector.shape_cast %get3A_1549 : vector<1x1x16xf32> to vector<16xf32>
      %add3A_1551 = arith.addf %scan3A_1539, %get3A_1550 : vector<16xf32>
      %add3A_1552 = arith.constant 16 : i32
      %add3A_1553 = arith.addi %mul3A_1544, %add3A_1552 : i32
      %get3A_1554 = arith.constant 0 : i32
      %get3A_1555 = arith.constant 1 : i32
      %get3A_1556 = arith.index_cast %get3A_1554 : i32 to index
      %get3A_1557 = arith.index_cast %get3A_1555 : i32 to index
      %get3A_1558 = arith.index_cast %add3A_1553 : i32 to index
      %get3A_1559 = tpu.vector_load %arg4[%get3A_1556, %get3A_1557, %get3A_1558] {strides = array<i32>} : memref<2x4x8192xf32, #tpu.memory_space<vmem>>, vector<1x1x16xf32>,
      %get3A_1560 = vector.shape_cast %get3A_1559 : vector<1x1x16xf32> to vector<16xf32>
      %add3A_1561 = arith.addf %scan3A_1540, %get3A_1560 : vector<16xf32>
      %add3A_1562 = arith.constant 32 : i32
      %add3A_1563 = arith.addi %mul3A_1544, %add3A_1562 : i32
      %get3A_1564 = arith.constant 0 : i32
      %get3A_1565 = arith.constant 1 : i32
      %get3A_1566 = arith.index_cast %get3A_1564 : i32 to index
      %get3A_1567 = arith.index_cast %get3A_1565 : i32 to index
      %get3A_1568 = arith.index_cast %add3A_1563 : i32 to index
      %get3A_1569 = tpu.vector_load %arg4[%get3A_1566, %get3A_1567, %get3A_1568] {strides = array<i32>} : memref<2x4x8192xf32, #tpu.memory_space<vmem>>, vector<1x1x16xf32>,
      %get3A_1570 = vector.shape_cast %get3A_1569 : vector<1x1x16xf32> to vector<16xf32>
      %add3A_1571 = arith.addf %scan3A_1541, %get3A_1570 : vector<16xf32>
      %add3A_1572 = arith.constant 48 : i32
      %add3A_1573 = arith.addi %mul3A_1544, %add3A_1572 : i32
      %get3A_1574 = arith.constant 0 : i32
      %get3A_1575 = arith.constant 1 : i32
      %get3A_1576 = arith.index_cast %get3A_1574 : i32 to index
      %get3A_1577 = arith.index_cast %get3A_1575 : i32 to index
      %get3A_1578 = arith.index_cast %add3A_1573 : i32 to index
      %get3A_1579 = tpu.vector_load %arg4[%get3A_1576, %get3A_1577, %get3A_1578] {strides = array<i32>} : memref<2x4x8192xf32, #tpu.memory_space<vmem>>, vector<1x1x16xf32>,
      %get3A_1580 = vector.shape_cast %get3A_1579 : vector<1x1x16xf32> to vector<16xf32>
      %add3A_1581 = arith.addf %scan3A_1542, %get3A_1580 : vector<16xf32>
      scf.yield %add3A_1551, %add3A_1561, %add3A_1571, %add3A_1581 : vector<16xf32>, vector<16xf32>, vector<16xf32>, vector<16xf32>
    }
    %scan3A_451 = arith.constant 128 : i32
    %add3A_452 = arith.addf %scan3A_450#0, %scan3A_450#1 : vector<16xf32>
    %add3A_453 = arith.addf %scan3A_450#2, %scan3A_450#3 : vector<16xf32>
    %add3A_454 = arith.addf %add3A_452, %add3A_453 : vector<16xf32>
    %swap3A_455 = arith.constant 17 : i32
    %swap3A_456 = arith.index_cast %swap3A_455 : i32 to index
    %swap3A_457 = arith.constant 0 : index
    %swap3A_458 = tpu.vector_load %arg5[%swap3A_456, %swap3A_457] {strides = array<i32>} : memref<64x16xf32, #tpu.memory_space<vmem>>, vector<1x16xf32>,
    %swap3A_459 = vector.shape_cast %swap3A_458 : vector<1x16xf32> to vector<16xf32>
    %swap3A_460 = vector.shape_cast %add3A_454 : vector<16xf32> to vector<1x16xf32>
    tpu.vector_store %arg5[%swap3A_456, %swap3A_457], %swap3A_460 {strides = array<i32>} : memref<64x16xf32, #tpu.memory_space<vmem>>, vector<1x16xf32>,
    %broadcast_in_dim3A_461 = arith.constant 0.000000e+00 : f32
    %broadcast_in_dim3A_462 = vector.broadcast %broadcast_in_dim3A_461 : f32 to vector<16xf32>
    %scan3A_463 = arith.constant 0 : i32
    %scan3A_464 = arith.constant 128 : i32
    %scan3A_465 = arith.addi %scan3A_463, %scan3A_464 : i32
    %scan3A_466 = arith.constant 1 : i32
    %scan3A_467:4 = scf.for %scan3A_1538 = %scan3A_463 to %scan3A_465 step %scan3A_466 iter_args(%scan3A_1539 = %broadcast_in_dim3A_462, %scan3A_1540 = %broadcast_in_dim3A_462, %scan3A_1541 = %broadcast_in_dim3A_462, %scan3A_1542 = %broadcast_in_dim3A_462) -> (vector<16xf32>, vector<16xf32>, vector<16xf32>, vector<16xf32>)  : i32 {
      %mul3A_1543 = arith.constant 64 : i32
      %mul3A_1544 = arith.muli %scan3A_1538, %mul3A_1543 : i32
      %get3A = arith.constant 0 : i32
      %get3A_1545 = arith.constant 2 : i32
      %get3A_1546 = arith.index_cast %get3A : i32 to index
      %get3A_1547 = arith.index_cast %get3A_1545 : i32 to index
      %get3A_1548 = arith.index_cast %mul3A_1544 : i32 to index
      %get3A_1549 = tpu.vector_load %arg4[%get3A_1546, %get3A_1547, %get3A_1548] {strides = array<i32>} : memref<2x4x8192xf32, #tpu.memory_space<vmem>>, vector<1x1x16xf32>,
      %get3A_1550 = vector.shape_cast %get3A_1549 : vector<1x1x16xf32> to vector<16xf32>
      %add3A_1551 = arith.addf %scan3A_1539, %get3A_1550 : vector<16xf32>
      %add3A_1552 = arith.constant 16 : i32
      %add3A_1553 = arith.addi %mul3A_1544, %add3A_1552 : i32
      %get3A_1554 = arith.constant 0 : i32
      %get3A_1555 = arith.constant 2 : i32
      %get3A_1556 = arith.index_cast %get3A_1554 : i32 to index
      %get3A_1557 = arith.index_cast %get3A_1555 : i32 to index
      %get3A_1558 = arith.index_cast %add3A_1553 : i32 to index
      %get3A_1559 = tpu.vector_load %arg4[%get3A_1556, %get3A_1557, %get3A_1558] {strides = array<i32>} : memref<2x4x8192xf32, #tpu.memory_space<vmem>>, vector<1x1x16xf32>,
      %get3A_1560 = vector.shape_cast %get3A_1559 : vector<1x1x16xf32> to vector<16xf32>
      %add3A_1561 = arith.addf %scan3A_1540, %get3A_1560 : vector<16xf32>
      %add3A_1562 = arith.constant 32 : i32
      %add3A_1563 = arith.addi %mul3A_1544, %add3A_1562 : i32
      %get3A_1564 = arith.constant 0 : i32
      %get3A_1565 = arith.constant 2 : i32
      %get3A_1566 = arith.index_cast %get3A_1564 : i32 to index
      %get3A_1567 = arith.index_cast %get3A_1565 : i32 to index
      %get3A_1568 = arith.index_cast %add3A_1563 : i32 to index
      %get3A_1569 = tpu.vector_load %arg4[%get3A_1566, %get3A_1567, %get3A_1568] {strides = array<i32>} : memref<2x4x8192xf32, #tpu.memory_space<vmem>>, vector<1x1x16xf32>,
      %get3A_1570 = vector.shape_cast %get3A_1569 : vector<1x1x16xf32> to vector<16xf32>
      %add3A_1571 = arith.addf %scan3A_1541, %get3A_1570 : vector<16xf32>
      %add3A_1572 = arith.constant 48 : i32
      %add3A_1573 = arith.addi %mul3A_1544, %add3A_1572 : i32
      %get3A_1574 = arith.constant 0 : i32
      %get3A_1575 = arith.constant 2 : i32
      %get3A_1576 = arith.index_cast %get3A_1574 : i32 to index
      %get3A_1577 = arith.index_cast %get3A_1575 : i32 to index
      %get3A_1578 = arith.index_cast %add3A_1573 : i32 to index
      %get3A_1579 = tpu.vector_load %arg4[%get3A_1576, %get3A_1577, %get3A_1578] {strides = array<i32>} : memref<2x4x8192xf32, #tpu.memory_space<vmem>>, vector<1x1x16xf32>,
      %get3A_1580 = vector.shape_cast %get3A_1579 : vector<1x1x16xf32> to vector<16xf32>
      %add3A_1581 = arith.addf %scan3A_1542, %get3A_1580 : vector<16xf32>
      scf.yield %add3A_1551, %add3A_1561, %add3A_1571, %add3A_1581 : vector<16xf32>, vector<16xf32>, vector<16xf32>, vector<16xf32>
    }
    %scan3A_468 = arith.constant 128 : i32
    %add3A_469 = arith.addf %scan3A_467#0, %scan3A_467#1 : vector<16xf32>
    %add3A_470 = arith.addf %scan3A_467#2, %scan3A_467#3 : vector<16xf32>
    %add3A_471 = arith.addf %add3A_469, %add3A_470 : vector<16xf32>
    %swap3A_472 = arith.constant 18 : i32
    %swap3A_473 = arith.index_cast %swap3A_472 : i32 to index
    %swap3A_474 = arith.constant 0 : index
    %swap3A_475 = tpu.vector_load %arg5[%swap3A_473, %swap3A_474] {strides = array<i32>} : memref<64x16xf32, #tpu.memory_space<vmem>>, vector<1x16xf32>,
    %swap3A_476 = vector.shape_cast %swap3A_475 : vector<1x16xf32> to vector<16xf32>
    %swap3A_477 = vector.shape_cast %add3A_471 : vector<16xf32> to vector<1x16xf32>
    tpu.vector_store %arg5[%swap3A_473, %swap3A_474], %swap3A_477 {strides = array<i32>} : memref<64x16xf32, #tpu.memory_space<vmem>>, vector<1x16xf32>,
    %broadcast_in_dim3A_478 = arith.constant 0.000000e+00 : f32
    %broadcast_in_dim3A_479 = vector.broadcast %broadcast_in_dim3A_478 : f32 to vector<16xf32>
    %scan3A_480 = arith.constant 0 : i32
    %scan3A_481 = arith.constant 128 : i32
    %scan3A_482 = arith.addi %scan3A_480, %scan3A_481 : i32
    %scan3A_483 = arith.constant 1 : i32
    %scan3A_484:4 = scf.for %scan3A_1538 = %scan3A_480 to %scan3A_482 step %scan3A_483 iter_args(%scan3A_1539 = %broadcast_in_dim3A_479, %scan3A_1540 = %broadcast_in_dim3A_479, %scan3A_1541 = %broadcast_in_dim3A_479, %scan3A_1542 = %broadcast_in_dim3A_479) -> (vector<16xf32>, vector<16xf32>, vector<16xf32>, vector<16xf32>)  : i32 {
      %mul3A_1543 = arith.constant 64 : i32
      %mul3A_1544 = arith.muli %scan3A_1538, %mul3A_1543 : i32
      %get3A = arith.constant 0 : i32
      %get3A_1545 = arith.constant 3 : i32
      %get3A_1546 = arith.index_cast %get3A : i32 to index
      %get3A_1547 = arith.index_cast %get3A_1545 : i32 to index
      %get3A_1548 = arith.index_cast %mul3A_1544 : i32 to index
      %get3A_1549 = tpu.vector_load %arg4[%get3A_1546, %get3A_1547, %get3A_1548] {strides = array<i32>} : memref<2x4x8192xf32, #tpu.memory_space<vmem>>, vector<1x1x16xf32>,
      %get3A_1550 = vector.shape_cast %get3A_1549 : vector<1x1x16xf32> to vector<16xf32>
      %add3A_1551 = arith.addf %scan3A_1539, %get3A_1550 : vector<16xf32>
      %add3A_1552 = arith.constant 16 : i32
      %add3A_1553 = arith.addi %mul3A_1544, %add3A_1552 : i32
      %get3A_1554 = arith.constant 0 : i32
      %get3A_1555 = arith.constant 3 : i32
      %get3A_1556 = arith.index_cast %get3A_1554 : i32 to index
      %get3A_1557 = arith.index_cast %get3A_1555 : i32 to index
      %get3A_1558 = arith.index_cast %add3A_1553 : i32 to index
      %get3A_1559 = tpu.vector_load %arg4[%get3A_1556, %get3A_1557, %get3A_1558] {strides = array<i32>} : memref<2x4x8192xf32, #tpu.memory_space<vmem>>, vector<1x1x16xf32>,
      %get3A_1560 = vector.shape_cast %get3A_1559 : vector<1x1x16xf32> to vector<16xf32>
      %add3A_1561 = arith.addf %scan3A_1540, %get3A_1560 : vector<16xf32>
      %add3A_1562 = arith.constant 32 : i32
      %add3A_1563 = arith.addi %mul3A_1544, %add3A_1562 : i32
      %get3A_1564 = arith.constant 0 : i32
      %get3A_1565 = arith.constant 3 : i32
      %get3A_1566 = arith.index_cast %get3A_1564 : i32 to index
      %get3A_1567 = arith.index_cast %get3A_1565 : i32 to index
      %get3A_1568 = arith.index_cast %add3A_1563 : i32 to index
      %get3A_1569 = tpu.vector_load %arg4[%get3A_1566, %get3A_1567, %get3A_1568] {strides = array<i32>} : memref<2x4x8192xf32, #tpu.memory_space<vmem>>, vector<1x1x16xf32>,
      %get3A_1570 = vector.shape_cast %get3A_1569 : vector<1x1x16xf32> to vector<16xf32>
      %add3A_1571 = arith.addf %scan3A_1541, %get3A_1570 : vector<16xf32>
      %add3A_1572 = arith.constant 48 : i32
      %add3A_1573 = arith.addi %mul3A_1544, %add3A_1572 : i32
      %get3A_1574 = arith.constant 0 : i32
      %get3A_1575 = arith.constant 3 : i32
      %get3A_1576 = arith.index_cast %get3A_1574 : i32 to index
      %get3A_1577 = arith.index_cast %get3A_1575 : i32 to index
      %get3A_1578 = arith.index_cast %add3A_1573 : i32 to index
      %get3A_1579 = tpu.vector_load %arg4[%get3A_1576, %get3A_1577, %get3A_1578] {strides = array<i32>} : memref<2x4x8192xf32, #tpu.memory_space<vmem>>, vector<1x1x16xf32>,
      %get3A_1580 = vector.shape_cast %get3A_1579 : vector<1x1x16xf32> to vector<16xf32>
      %add3A_1581 = arith.addf %scan3A_1542, %get3A_1580 : vector<16xf32>
      scf.yield %add3A_1551, %add3A_1561, %add3A_1571, %add3A_1581 : vector<16xf32>, vector<16xf32>, vector<16xf32>, vector<16xf32>
    }
    %scan3A_485 = arith.constant 128 : i32
    %add3A_486 = arith.addf %scan3A_484#0, %scan3A_484#1 : vector<16xf32>
    %add3A_487 = arith.addf %scan3A_484#2, %scan3A_484#3 : vector<16xf32>
    %add3A_488 = arith.addf %add3A_486, %add3A_487 : vector<16xf32>
    %swap3A_489 = arith.constant 19 : i32
    %swap3A_490 = arith.index_cast %swap3A_489 : i32 to index
    %swap3A_491 = arith.constant 0 : index
    %swap3A_492 = tpu.vector_load %arg5[%swap3A_490, %swap3A_491] {strides = array<i32>} : memref<64x16xf32, #tpu.memory_space<vmem>>, vector<1x16xf32>,
    %swap3A_493 = vector.shape_cast %swap3A_492 : vector<1x16xf32> to vector<16xf32>
    %swap3A_494 = vector.shape_cast %add3A_488 : vector<16xf32> to vector<1x16xf32>
    tpu.vector_store %arg5[%swap3A_490, %swap3A_491], %swap3A_494 {strides = array<i32>} : memref<64x16xf32, #tpu.memory_space<vmem>>, vector<1x16xf32>,
    %add3A_495 = arith.constant 24 : i32
    %add3A_496 = arith.addi %add3A_4, %add3A_495 : i32
    %dma_start3A_497 = arith.constant 0 : i32
    %dma_start3A_498 = arith.constant 0 : i32
    %dma_start3A_499 = arith.constant 0 : i32
    %dma_start3A_500 = tpu.memref_slice %arg4[%dma_start3A_497, %dma_start3A_498, %dma_start3A_499] : memref<2x4x8192xf32, #tpu.memory_space<vmem>> -> memref<1x4x8192xf32, #tpu.memory_space<vmem>>
    %dma_start3A_501 = tpu.memref_squeeze %dma_start3A_500 : memref<1x4x8192xf32, #tpu.memory_space<vmem>> -> memref<4x8192xf32, #tpu.memory_space<vmem>>
    %dma_start3A_502 = arith.constant 0 : i32
    %dma_start3A_503 = tpu.memref_slice %arg2[%add3A_496, %dma_start3A_502] : memref<8192x8192xf32, #tpu.memory_space<hbm>> -> memref<4x8192xf32, #tpu.memory_space<hbm>>
    %dma_start3A_504 = arith.constant 0 : i32
    %dma_start3A_505 = arith.constant 0 : i32
    %dma_start3A_506 = tpu.memref_slice %arg4[%dma_start3A_497, %dma_start3A_504, %dma_start3A_505] : memref<2x4x8192xf32, #tpu.memory_space<vmem>> -> memref<1x4x8192xf32, #tpu.memory_space<vmem>>
    %dma_start3A_507 = tpu.memref_squeeze %dma_start3A_506 : memref<1x4x8192xf32, #tpu.memory_space<vmem>> -> memref<4x8192xf32, #tpu.memory_space<vmem>>
    %dma_start3A_508 = arith.constant 0 : i32
    %dma_start3A_509 = tpu.memref_slice %arg2[%add3A_496, %dma_start3A_508] : memref<8192x8192xf32, #tpu.memory_space<hbm>> -> memref<4x8192xf32, #tpu.memory_space<hbm>>
    tpu.enqueue_dma source(%dma_start3A_509 : memref<4x8192xf32, #tpu.memory_space<hbm>>) target(%dma_start3A_507 : memref<4x8192xf32, #tpu.memory_space<vmem>>) target_semaphore(%arg6 : memref<!tpu.dma_semaphore, #tpu.memory_space<semaphore_mem>>)
    %dma_wait3A_510 = arith.constant 1 : i32
    %dma_wait3A_511 = arith.constant 0 : i32
    %dma_wait3A_512 = arith.constant 0 : i32
    %dma_wait3A_513 = tpu.memref_slice %arg4[%dma_wait3A_510, %dma_wait3A_511, %dma_wait3A_512] : memref<2x4x8192xf32, #tpu.memory_space<vmem>> -> memref<1x4x8192xf32, #tpu.memory_space<vmem>>
    %dma_wait3A_514 = tpu.memref_squeeze %dma_wait3A_513 : memref<1x4x8192xf32, #tpu.memory_space<vmem>> -> memref<4x8192xf32, #tpu.memory_space<vmem>>
    %dma_wait3A_515 = arith.constant 0 : i32
    %dma_wait3A_516 = tpu.memref_slice %arg2[%add3A_400, %dma_wait3A_515] : memref<8192x8192xf32, #tpu.memory_space<hbm>> -> memref<4x8192xf32, #tpu.memory_space<hbm>>
    %dma_wait3A_517 = arith.constant 0 : i32
    %dma_wait3A_518 = arith.constant 0 : i32
    %dma_wait3A_519 = tpu.memref_slice %arg4[%dma_wait3A_510, %dma_wait3A_517, %dma_wait3A_518] : memref<2x4x8192xf32, #tpu.memory_space<vmem>> -> memref<1x4x8192xf32, #tpu.memory_space<vmem>>
    %dma_wait3A_520 = tpu.memref_squeeze %dma_wait3A_519 : memref<1x4x8192xf32, #tpu.memory_space<vmem>> -> memref<4x8192xf32, #tpu.memory_space<vmem>>
    %dma_wait3A_521 = arith.constant 0 : i32
    %dma_wait3A_522 = tpu.memref_slice %arg2[%add3A_400, %dma_wait3A_521] : memref<8192x8192xf32, #tpu.memory_space<hbm>> -> memref<4x8192xf32, #tpu.memory_space<hbm>>
    tpu.wait_dma2 semaphore(%arg7 : memref<!tpu.dma_semaphore, #tpu.memory_space<semaphore_mem>>) src(%dma_wait3A_522 : memref<4x8192xf32, #tpu.memory_space<hbm>>) dst(%dma_wait3A_520 : memref<4x8192xf32, #tpu.memory_space<vmem>>)
    %broadcast_in_dim3A_523 = arith.constant 0.000000e+00 : f32
    %broadcast_in_dim3A_524 = vector.broadcast %broadcast_in_dim3A_523 : f32 to vector<16xf32>
    %scan3A_525 = arith.constant 0 : i32
    %scan3A_526 = arith.constant 128 : i32
    %scan3A_527 = arith.addi %scan3A_525, %scan3A_526 : i32
    %scan3A_528 = arith.constant 1 : i32
    %scan3A_529:4 = scf.for %scan3A_1538 = %scan3A_525 to %scan3A_527 step %scan3A_528 iter_args(%scan3A_1539 = %broadcast_in_dim3A_524, %scan3A_1540 = %broadcast_in_dim3A_524, %scan3A_1541 = %broadcast_in_dim3A_524, %scan3A_1542 = %broadcast_in_dim3A_524) -> (vector<16xf32>, vector<16xf32>, vector<16xf32>, vector<16xf32>)  : i32 {
      %mul3A_1543 = arith.constant 64 : i32
      %mul3A_1544 = arith.muli %scan3A_1538, %mul3A_1543 : i32
      %get3A = arith.constant 1 : i32
      %get3A_1545 = arith.constant 0 : i32
      %get3A_1546 = arith.index_cast %get3A : i32 to index
      %get3A_1547 = arith.index_cast %get3A_1545 : i32 to index
      %get3A_1548 = arith.index_cast %mul3A_1544 : i32 to index
      %get3A_1549 = tpu.vector_load %arg4[%get3A_1546, %get3A_1547, %get3A_1548] {strides = array<i32>} : memref<2x4x8192xf32, #tpu.memory_space<vmem>>, vector<1x1x16xf32>,
      %get3A_1550 = vector.shape_cast %get3A_1549 : vector<1x1x16xf32> to vector<16xf32>
      %add3A_1551 = arith.addf %scan3A_1539, %get3A_1550 : vector<16xf32>
      %add3A_1552 = arith.constant 16 : i32
      %add3A_1553 = arith.addi %mul3A_1544, %add3A_1552 : i32
      %get3A_1554 = arith.constant 1 : i32
      %get3A_1555 = arith.constant 0 : i32
      %get3A_1556 = arith.index_cast %get3A_1554 : i32 to index
      %get3A_1557 = arith.index_cast %get3A_1555 : i32 to index
      %get3A_1558 = arith.index_cast %add3A_1553 : i32 to index
      %get3A_1559 = tpu.vector_load %arg4[%get3A_1556, %get3A_1557, %get3A_1558] {strides = array<i32>} : memref<2x4x8192xf32, #tpu.memory_space<vmem>>, vector<1x1x16xf32>,
      %get3A_1560 = vector.shape_cast %get3A_1559 : vector<1x1x16xf32> to vector<16xf32>
      %add3A_1561 = arith.addf %scan3A_1540, %get3A_1560 : vector<16xf32>
      %add3A_1562 = arith.constant 32 : i32
      %add3A_1563 = arith.addi %mul3A_1544, %add3A_1562 : i32
      %get3A_1564 = arith.constant 1 : i32
      %get3A_1565 = arith.constant 0 : i32
      %get3A_1566 = arith.index_cast %get3A_1564 : i32 to index
      %get3A_1567 = arith.index_cast %get3A_1565 : i32 to index
      %get3A_1568 = arith.index_cast %add3A_1563 : i32 to index
      %get3A_1569 = tpu.vector_load %arg4[%get3A_1566, %get3A_1567, %get3A_1568] {strides = array<i32>} : memref<2x4x8192xf32, #tpu.memory_space<vmem>>, vector<1x1x16xf32>,
      %get3A_1570 = vector.shape_cast %get3A_1569 : vector<1x1x16xf32> to vector<16xf32>
      %add3A_1571 = arith.addf %scan3A_1541, %get3A_1570 : vector<16xf32>
      %add3A_1572 = arith.constant 48 : i32
      %add3A_1573 = arith.addi %mul3A_1544, %add3A_1572 : i32
      %get3A_1574 = arith.constant 1 : i32
      %get3A_1575 = arith.constant 0 : i32
      %get3A_1576 = arith.index_cast %get3A_1574 : i32 to index
      %get3A_1577 = arith.index_cast %get3A_1575 : i32 to index
      %get3A_1578 = arith.index_cast %add3A_1573 : i32 to index
      %get3A_1579 = tpu.vector_load %arg4[%get3A_1576, %get3A_1577, %get3A_1578] {strides = array<i32>} : memref<2x4x8192xf32, #tpu.memory_space<vmem>>, vector<1x1x16xf32>,
      %get3A_1580 = vector.shape_cast %get3A_1579 : vector<1x1x16xf32> to vector<16xf32>
      %add3A_1581 = arith.addf %scan3A_1542, %get3A_1580 : vector<16xf32>
      scf.yield %add3A_1551, %add3A_1561, %add3A_1571, %add3A_1581 : vector<16xf32>, vector<16xf32>, vector<16xf32>, vector<16xf32>
    }
    %scan3A_530 = arith.constant 128 : i32
    %add3A_531 = arith.addf %scan3A_529#0, %scan3A_529#1 : vector<16xf32>
    %add3A_532 = arith.addf %scan3A_529#2, %scan3A_529#3 : vector<16xf32>
    %add3A_533 = arith.addf %add3A_531, %add3A_532 : vector<16xf32>
    %swap3A_534 = arith.constant 20 : i32
    %swap3A_535 = arith.index_cast %swap3A_534 : i32 to index
    %swap3A_536 = arith.constant 0 : index
    %swap3A_537 = tpu.vector_load %arg5[%swap3A_535, %swap3A_536] {strides = array<i32>} : memref<64x16xf32, #tpu.memory_space<vmem>>, vector<1x16xf32>,
    %swap3A_538 = vector.shape_cast %swap3A_537 : vector<1x16xf32> to vector<16xf32>
    %swap3A_539 = vector.shape_cast %add3A_533 : vector<16xf32> to vector<1x16xf32>
    tpu.vector_store %arg5[%swap3A_535, %swap3A_536], %swap3A_539 {strides = array<i32>} : memref<64x16xf32, #tpu.memory_space<vmem>>, vector<1x16xf32>,
    %broadcast_in_dim3A_540 = arith.constant 0.000000e+00 : f32
    %broadcast_in_dim3A_541 = vector.broadcast %broadcast_in_dim3A_540 : f32 to vector<16xf32>
    %scan3A_542 = arith.constant 0 : i32
    %scan3A_543 = arith.constant 128 : i32
    %scan3A_544 = arith.addi %scan3A_542, %scan3A_543 : i32
    %scan3A_545 = arith.constant 1 : i32
    %scan3A_546:4 = scf.for %scan3A_1538 = %scan3A_542 to %scan3A_544 step %scan3A_545 iter_args(%scan3A_1539 = %broadcast_in_dim3A_541, %scan3A_1540 = %broadcast_in_dim3A_541, %scan3A_1541 = %broadcast_in_dim3A_541, %scan3A_1542 = %broadcast_in_dim3A_541) -> (vector<16xf32>, vector<16xf32>, vector<16xf32>, vector<16xf32>)  : i32 {
      %mul3A_1543 = arith.constant 64 : i32
      %mul3A_1544 = arith.muli %scan3A_1538, %mul3A_1543 : i32
      %get3A = arith.constant 1 : i32
      %get3A_1545 = arith.constant 1 : i32
      %get3A_1546 = arith.index_cast %get3A : i32 to index
      %get3A_1547 = arith.index_cast %get3A_1545 : i32 to index
      %get3A_1548 = arith.index_cast %mul3A_1544 : i32 to index
      %get3A_1549 = tpu.vector_load %arg4[%get3A_1546, %get3A_1547, %get3A_1548] {strides = array<i32>} : memref<2x4x8192xf32, #tpu.memory_space<vmem>>, vector<1x1x16xf32>,
      %get3A_1550 = vector.shape_cast %get3A_1549 : vector<1x1x16xf32> to vector<16xf32>
      %add3A_1551 = arith.addf %scan3A_1539, %get3A_1550 : vector<16xf32>
      %add3A_1552 = arith.constant 16 : i32
      %add3A_1553 = arith.addi %mul3A_1544, %add3A_1552 : i32
      %get3A_1554 = arith.constant 1 : i32
      %get3A_1555 = arith.constant 1 : i32
      %get3A_1556 = arith.index_cast %get3A_1554 : i32 to index
      %get3A_1557 = arith.index_cast %get3A_1555 : i32 to index
      %get3A_1558 = arith.index_cast %add3A_1553 : i32 to index
      %get3A_1559 = tpu.vector_load %arg4[%get3A_1556, %get3A_1557, %get3A_1558] {strides = array<i32>} : memref<2x4x8192xf32, #tpu.memory_space<vmem>>, vector<1x1x16xf32>,
      %get3A_1560 = vector.shape_cast %get3A_1559 : vector<1x1x16xf32> to vector<16xf32>
      %add3A_1561 = arith.addf %scan3A_1540, %get3A_1560 : vector<16xf32>
      %add3A_1562 = arith.constant 32 : i32
      %add3A_1563 = arith.addi %mul3A_1544, %add3A_1562 : i32
      %get3A_1564 = arith.constant 1 : i32
      %get3A_1565 = arith.constant 1 : i32
      %get3A_1566 = arith.index_cast %get3A_1564 : i32 to index
      %get3A_1567 = arith.index_cast %get3A_1565 : i32 to index
      %get3A_1568 = arith.index_cast %add3A_1563 : i32 to index
      %get3A_1569 = tpu.vector_load %arg4[%get3A_1566, %get3A_1567, %get3A_1568] {strides = array<i32>} : memref<2x4x8192xf32, #tpu.memory_space<vmem>>, vector<1x1x16xf32>,
      %get3A_1570 = vector.shape_cast %get3A_1569 : vector<1x1x16xf32> to vector<16xf32>
      %add3A_1571 = arith.addf %scan3A_1541, %get3A_1570 : vector<16xf32>
      %add3A_1572 = arith.constant 48 : i32
      %add3A_1573 = arith.addi %mul3A_1544, %add3A_1572 : i32
      %get3A_1574 = arith.constant 1 : i32
      %get3A_1575 = arith.constant 1 : i32
      %get3A_1576 = arith.index_cast %get3A_1574 : i32 to index
      %get3A_1577 = arith.index_cast %get3A_1575 : i32 to index
      %get3A_1578 = arith.index_cast %add3A_1573 : i32 to index
      %get3A_1579 = tpu.vector_load %arg4[%get3A_1576, %get3A_1577, %get3A_1578] {strides = array<i32>} : memref<2x4x8192xf32, #tpu.memory_space<vmem>>, vector<1x1x16xf32>,
      %get3A_1580 = vector.shape_cast %get3A_1579 : vector<1x1x16xf32> to vector<16xf32>
      %add3A_1581 = arith.addf %scan3A_1542, %get3A_1580 : vector<16xf32>
      scf.yield %add3A_1551, %add3A_1561, %add3A_1571, %add3A_1581 : vector<16xf32>, vector<16xf32>, vector<16xf32>, vector<16xf32>
    }
    %scan3A_547 = arith.constant 128 : i32
    %add3A_548 = arith.addf %scan3A_546#0, %scan3A_546#1 : vector<16xf32>
    %add3A_549 = arith.addf %scan3A_546#2, %scan3A_546#3 : vector<16xf32>
    %add3A_550 = arith.addf %add3A_548, %add3A_549 : vector<16xf32>
    %swap3A_551 = arith.constant 21 : i32
    %swap3A_552 = arith.index_cast %swap3A_551 : i32 to index
    %swap3A_553 = arith.constant 0 : index
    %swap3A_554 = tpu.vector_load %arg5[%swap3A_552, %swap3A_553] {strides = array<i32>} : memref<64x16xf32, #tpu.memory_space<vmem>>, vector<1x16xf32>,
    %swap3A_555 = vector.shape_cast %swap3A_554 : vector<1x16xf32> to vector<16xf32>
    %swap3A_556 = vector.shape_cast %add3A_550 : vector<16xf32> to vector<1x16xf32>
    tpu.vector_store %arg5[%swap3A_552, %swap3A_553], %swap3A_556 {strides = array<i32>} : memref<64x16xf32, #tpu.memory_space<vmem>>, vector<1x16xf32>,
    %broadcast_in_dim3A_557 = arith.constant 0.000000e+00 : f32
    %broadcast_in_dim3A_558 = vector.broadcast %broadcast_in_dim3A_557 : f32 to vector<16xf32>
    %scan3A_559 = arith.constant 0 : i32
    %scan3A_560 = arith.constant 128 : i32
    %scan3A_561 = arith.addi %scan3A_559, %scan3A_560 : i32
    %scan3A_562 = arith.constant 1 : i32
    %scan3A_563:4 = scf.for %scan3A_1538 = %scan3A_559 to %scan3A_561 step %scan3A_562 iter_args(%scan3A_1539 = %broadcast_in_dim3A_558, %scan3A_1540 = %broadcast_in_dim3A_558, %scan3A_1541 = %broadcast_in_dim3A_558, %scan3A_1542 = %broadcast_in_dim3A_558) -> (vector<16xf32>, vector<16xf32>, vector<16xf32>, vector<16xf32>)  : i32 {
      %mul3A_1543 = arith.constant 64 : i32
      %mul3A_1544 = arith.muli %scan3A_1538, %mul3A_1543 : i32
      %get3A = arith.constant 1 : i32
      %get3A_1545 = arith.constant 2 : i32
      %get3A_1546 = arith.index_cast %get3A : i32 to index
      %get3A_1547 = arith.index_cast %get3A_1545 : i32 to index
      %get3A_1548 = arith.index_cast %mul3A_1544 : i32 to index
      %get3A_1549 = tpu.vector_load %arg4[%get3A_1546, %get3A_1547, %get3A_1548] {strides = array<i32>} : memref<2x4x8192xf32, #tpu.memory_space<vmem>>, vector<1x1x16xf32>,
      %get3A_1550 = vector.shape_cast %get3A_1549 : vector<1x1x16xf32> to vector<16xf32>
      %add3A_1551 = arith.addf %scan3A_1539, %get3A_1550 : vector<16xf32>
      %add3A_1552 = arith.constant 16 : i32
      %add3A_1553 = arith.addi %mul3A_1544, %add3A_1552 : i32
      %get3A_1554 = arith.constant 1 : i32
      %get3A_1555 = arith.constant 2 : i32
      %get3A_1556 = arith.index_cast %get3A_1554 : i32 to index
      %get3A_1557 = arith.index_cast %get3A_1555 : i32 to index
      %get3A_1558 = arith.index_cast %add3A_1553 : i32 to index
      %get3A_1559 = tpu.vector_load %arg4[%get3A_1556, %get3A_1557, %get3A_1558] {strides = array<i32>} : memref<2x4x8192xf32, #tpu.memory_space<vmem>>, vector<1x1x16xf32>,
      %get3A_1560 = vector.shape_cast %get3A_1559 : vector<1x1x16xf32> to vector<16xf32>
      %add3A_1561 = arith.addf %scan3A_1540, %get3A_1560 : vector<16xf32>
      %add3A_1562 = arith.constant 32 : i32
      %add3A_1563 = arith.addi %mul3A_1544, %add3A_1562 : i32
      %get3A_1564 = arith.constant 1 : i32
      %get3A_1565 = arith.constant 2 : i32
      %get3A_1566 = arith.index_cast %get3A_1564 : i32 to index
      %get3A_1567 = arith.index_cast %get3A_1565 : i32 to index
      %get3A_1568 = arith.index_cast %add3A_1563 : i32 to index
      %get3A_1569 = tpu.vector_load %arg4[%get3A_1566, %get3A_1567, %get3A_1568] {strides = array<i32>} : memref<2x4x8192xf32, #tpu.memory_space<vmem>>, vector<1x1x16xf32>,
      %get3A_1570 = vector.shape_cast %get3A_1569 : vector<1x1x16xf32> to vector<16xf32>
      %add3A_1571 = arith.addf %scan3A_1541, %get3A_1570 : vector<16xf32>
      %add3A_1572 = arith.constant 48 : i32
      %add3A_1573 = arith.addi %mul3A_1544, %add3A_1572 : i32
      %get3A_1574 = arith.constant 1 : i32
      %get3A_1575 = arith.constant 2 : i32
      %get3A_1576 = arith.index_cast %get3A_1574 : i32 to index
      %get3A_1577 = arith.index_cast %get3A_1575 : i32 to index
      %get3A_1578 = arith.index_cast %add3A_1573 : i32 to index
      %get3A_1579 = tpu.vector_load %arg4[%get3A_1576, %get3A_1577, %get3A_1578] {strides = array<i32>} : memref<2x4x8192xf32, #tpu.memory_space<vmem>>, vector<1x1x16xf32>,
      %get3A_1580 = vector.shape_cast %get3A_1579 : vector<1x1x16xf32> to vector<16xf32>
      %add3A_1581 = arith.addf %scan3A_1542, %get3A_1580 : vector<16xf32>
      scf.yield %add3A_1551, %add3A_1561, %add3A_1571, %add3A_1581 : vector<16xf32>, vector<16xf32>, vector<16xf32>, vector<16xf32>
    }
    %scan3A_564 = arith.constant 128 : i32
    %add3A_565 = arith.addf %scan3A_563#0, %scan3A_563#1 : vector<16xf32>
    %add3A_566 = arith.addf %scan3A_563#2, %scan3A_563#3 : vector<16xf32>
    %add3A_567 = arith.addf %add3A_565, %add3A_566 : vector<16xf32>
    %swap3A_568 = arith.constant 22 : i32
    %swap3A_569 = arith.index_cast %swap3A_568 : i32 to index
    %swap3A_570 = arith.constant 0 : index
    %swap3A_571 = tpu.vector_load %arg5[%swap3A_569, %swap3A_570] {strides = array<i32>} : memref<64x16xf32, #tpu.memory_space<vmem>>, vector<1x16xf32>,
    %swap3A_572 = vector.shape_cast %swap3A_571 : vector<1x16xf32> to vector<16xf32>
    %swap3A_573 = vector.shape_cast %add3A_567 : vector<16xf32> to vector<1x16xf32>
    tpu.vector_store %arg5[%swap3A_569, %swap3A_570], %swap3A_573 {strides = array<i32>} : memref<64x16xf32, #tpu.memory_space<vmem>>, vector<1x16xf32>,
    %broadcast_in_dim3A_574 = arith.constant 0.000000e+00 : f32
    %broadcast_in_dim3A_575 = vector.broadcast %broadcast_in_dim3A_574 : f32 to vector<16xf32>
    %scan3A_576 = arith.constant 0 : i32
    %scan3A_577 = arith.constant 128 : i32
    %scan3A_578 = arith.addi %scan3A_576, %scan3A_577 : i32
    %scan3A_579 = arith.constant 1 : i32
    %scan3A_580:4 = scf.for %scan3A_1538 = %scan3A_576 to %scan3A_578 step %scan3A_579 iter_args(%scan3A_1539 = %broadcast_in_dim3A_575, %scan3A_1540 = %broadcast_in_dim3A_575, %scan3A_1541 = %broadcast_in_dim3A_575, %scan3A_1542 = %broadcast_in_dim3A_575) -> (vector<16xf32>, vector<16xf32>, vector<16xf32>, vector<16xf32>)  : i32 {
      %mul3A_1543 = arith.constant 64 : i32
      %mul3A_1544 = arith.muli %scan3A_1538, %mul3A_1543 : i32
      %get3A = arith.constant 1 : i32
      %get3A_1545 = arith.constant 3 : i32
      %get3A_1546 = arith.index_cast %get3A : i32 to index
      %get3A_1547 = arith.index_cast %get3A_1545 : i32 to index
      %get3A_1548 = arith.index_cast %mul3A_1544 : i32 to index
      %get3A_1549 = tpu.vector_load %arg4[%get3A_1546, %get3A_1547, %get3A_1548] {strides = array<i32>} : memref<2x4x8192xf32, #tpu.memory_space<vmem>>, vector<1x1x16xf32>,
      %get3A_1550 = vector.shape_cast %get3A_1549 : vector<1x1x16xf32> to vector<16xf32>
      %add3A_1551 = arith.addf %scan3A_1539, %get3A_1550 : vector<16xf32>
      %add3A_1552 = arith.constant 16 : i32
      %add3A_1553 = arith.addi %mul3A_1544, %add3A_1552 : i32
      %get3A_1554 = arith.constant 1 : i32
      %get3A_1555 = arith.constant 3 : i32
      %get3A_1556 = arith.index_cast %get3A_1554 : i32 to index
      %get3A_1557 = arith.index_cast %get3A_1555 : i32 to index
      %get3A_1558 = arith.index_cast %add3A_1553 : i32 to index
      %get3A_1559 = tpu.vector_load %arg4[%get3A_1556, %get3A_1557, %get3A_1558] {strides = array<i32>} : memref<2x4x8192xf32, #tpu.memory_space<vmem>>, vector<1x1x16xf32>,
      %get3A_1560 = vector.shape_cast %get3A_1559 : vector<1x1x16xf32> to vector<16xf32>
      %add3A_1561 = arith.addf %scan3A_1540, %get3A_1560 : vector<16xf32>
      %add3A_1562 = arith.constant 32 : i32
      %add3A_1563 = arith.addi %mul3A_1544, %add3A_1562 : i32
      %get3A_1564 = arith.constant 1 : i32
      %get3A_1565 = arith.constant 3 : i32
      %get3A_1566 = arith.index_cast %get3A_1564 : i32 to index
      %get3A_1567 = arith.index_cast %get3A_1565 : i32 to index
      %get3A_1568 = arith.index_cast %add3A_1563 : i32 to index
      %get3A_1569 = tpu.vector_load %arg4[%get3A_1566, %get3A_1567, %get3A_1568] {strides = array<i32>} : memref<2x4x8192xf32, #tpu.memory_space<vmem>>, vector<1x1x16xf32>,
      %get3A_1570 = vector.shape_cast %get3A_1569 : vector<1x1x16xf32> to vector<16xf32>
      %add3A_1571 = arith.addf %scan3A_1541, %get3A_1570 : vector<16xf32>
      %add3A_1572 = arith.constant 48 : i32
      %add3A_1573 = arith.addi %mul3A_1544, %add3A_1572 : i32
      %get3A_1574 = arith.constant 1 : i32
      %get3A_1575 = arith.constant 3 : i32
      %get3A_1576 = arith.index_cast %get3A_1574 : i32 to index
      %get3A_1577 = arith.index_cast %get3A_1575 : i32 to index
      %get3A_1578 = arith.index_cast %add3A_1573 : i32 to index
      %get3A_1579 = tpu.vector_load %arg4[%get3A_1576, %get3A_1577, %get3A_1578] {strides = array<i32>} : memref<2x4x8192xf32, #tpu.memory_space<vmem>>, vector<1x1x16xf32>,
      %get3A_1580 = vector.shape_cast %get3A_1579 : vector<1x1x16xf32> to vector<16xf32>
      %add3A_1581 = arith.addf %scan3A_1542, %get3A_1580 : vector<16xf32>
      scf.yield %add3A_1551, %add3A_1561, %add3A_1571, %add3A_1581 : vector<16xf32>, vector<16xf32>, vector<16xf32>, vector<16xf32>
    }
    %scan3A_581 = arith.constant 128 : i32
    %add3A_582 = arith.addf %scan3A_580#0, %scan3A_580#1 : vector<16xf32>
    %add3A_583 = arith.addf %scan3A_580#2, %scan3A_580#3 : vector<16xf32>
    %add3A_584 = arith.addf %add3A_582, %add3A_583 : vector<16xf32>
    %swap3A_585 = arith.constant 23 : i32
    %swap3A_586 = arith.index_cast %swap3A_585 : i32 to index
    %swap3A_587 = arith.constant 0 : index
    %swap3A_588 = tpu.vector_load %arg5[%swap3A_586, %swap3A_587] {strides = array<i32>} : memref<64x16xf32, #tpu.memory_space<vmem>>, vector<1x16xf32>,
    %swap3A_589 = vector.shape_cast %swap3A_588 : vector<1x16xf32> to vector<16xf32>
    %swap3A_590 = vector.shape_cast %add3A_584 : vector<16xf32> to vector<1x16xf32>
    tpu.vector_store %arg5[%swap3A_586, %swap3A_587], %swap3A_590 {strides = array<i32>} : memref<64x16xf32, #tpu.memory_space<vmem>>, vector<1x16xf32>,
    %add3A_591 = arith.constant 28 : i32
    %add3A_592 = arith.addi %add3A_4, %add3A_591 : i32
    %dma_start3A_593 = arith.constant 1 : i32
    %dma_start3A_594 = arith.constant 0 : i32
    %dma_start3A_595 = arith.constant 0 : i32
    %dma_start3A_596 = tpu.memref_slice %arg4[%dma_start3A_593, %dma_start3A_594, %dma_start3A_595] : memref<2x4x8192xf32, #tpu.memory_space<vmem>> -> memref<1x4x8192xf32, #tpu.memory_space<vmem>>
    %dma_start3A_597 = tpu.memref_squeeze %dma_start3A_596 : memref<1x4x8192xf32, #tpu.memory_space<vmem>> -> memref<4x8192xf32, #tpu.memory_space<vmem>>
    %dma_start3A_598 = arith.constant 0 : i32
    %dma_start3A_599 = tpu.memref_slice %arg2[%add3A_592, %dma_start3A_598] : memref<8192x8192xf32, #tpu.memory_space<hbm>> -> memref<4x8192xf32, #tpu.memory_space<hbm>>
    %dma_start3A_600 = arith.constant 0 : i32
    %dma_start3A_601 = arith.constant 0 : i32
    %dma_start3A_602 = tpu.memref_slice %arg4[%dma_start3A_593, %dma_start3A_600, %dma_start3A_601] : memref<2x4x8192xf32, #tpu.memory_space<vmem>> -> memref<1x4x8192xf32, #tpu.memory_space<vmem>>
    %dma_start3A_603 = tpu.memref_squeeze %dma_start3A_602 : memref<1x4x8192xf32, #tpu.memory_space<vmem>> -> memref<4x8192xf32, #tpu.memory_space<vmem>>
    %dma_start3A_604 = arith.constant 0 : i32
    %dma_start3A_605 = tpu.memref_slice %arg2[%add3A_592, %dma_start3A_604] : memref<8192x8192xf32, #tpu.memory_space<hbm>> -> memref<4x8192xf32, #tpu.memory_space<hbm>>
    tpu.enqueue_dma source(%dma_start3A_605 : memref<4x8192xf32, #tpu.memory_space<hbm>>) target(%dma_start3A_603 : memref<4x8192xf32, #tpu.memory_space<vmem>>) target_semaphore(%arg7 : memref<!tpu.dma_semaphore, #tpu.memory_space<semaphore_mem>>)
    %dma_wait3A_606 = arith.constant 0 : i32
    %dma_wait3A_607 = arith.constant 0 : i32
    %dma_wait3A_608 = arith.constant 0 : i32
    %dma_wait3A_609 = tpu.memref_slice %arg4[%dma_wait3A_606, %dma_wait3A_607, %dma_wait3A_608] : memref<2x4x8192xf32, #tpu.memory_space<vmem>> -> memref<1x4x8192xf32, #tpu.memory_space<vmem>>
    %dma_wait3A_610 = tpu.memref_squeeze %dma_wait3A_609 : memref<1x4x8192xf32, #tpu.memory_space<vmem>> -> memref<4x8192xf32, #tpu.memory_space<vmem>>
    %dma_wait3A_611 = arith.constant 0 : i32
    %dma_wait3A_612 = tpu.memref_slice %arg2[%add3A_496, %dma_wait3A_611] : memref<8192x8192xf32, #tpu.memory_space<hbm>> -> memref<4x8192xf32, #tpu.memory_space<hbm>>
    %dma_wait3A_613 = arith.constant 0 : i32
    %dma_wait3A_614 = arith.constant 0 : i32
    %dma_wait3A_615 = tpu.memref_slice %arg4[%dma_wait3A_606, %dma_wait3A_613, %dma_wait3A_614] : memref<2x4x8192xf32, #tpu.memory_space<vmem>> -> memref<1x4x8192xf32, #tpu.memory_space<vmem>>
    %dma_wait3A_616 = tpu.memref_squeeze %dma_wait3A_615 : memref<1x4x8192xf32, #tpu.memory_space<vmem>> -> memref<4x8192xf32, #tpu.memory_space<vmem>>
    %dma_wait3A_617 = arith.constant 0 : i32
    %dma_wait3A_618 = tpu.memref_slice %arg2[%add3A_496, %dma_wait3A_617] : memref<8192x8192xf32, #tpu.memory_space<hbm>> -> memref<4x8192xf32, #tpu.memory_space<hbm>>
    tpu.wait_dma2 semaphore(%arg6 : memref<!tpu.dma_semaphore, #tpu.memory_space<semaphore_mem>>) src(%dma_wait3A_618 : memref<4x8192xf32, #tpu.memory_space<hbm>>) dst(%dma_wait3A_616 : memref<4x8192xf32, #tpu.memory_space<vmem>>)
    %broadcast_in_dim3A_619 = arith.constant 0.000000e+00 : f32
    %broadcast_in_dim3A_620 = vector.broadcast %broadcast_in_dim3A_619 : f32 to vector<16xf32>
    %scan3A_621 = arith.constant 0 : i32
    %scan3A_622 = arith.constant 128 : i32
    %scan3A_623 = arith.addi %scan3A_621, %scan3A_622 : i32
    %scan3A_624 = arith.constant 1 : i32
    %scan3A_625:4 = scf.for %scan3A_1538 = %scan3A_621 to %scan3A_623 step %scan3A_624 iter_args(%scan3A_1539 = %broadcast_in_dim3A_620, %scan3A_1540 = %broadcast_in_dim3A_620, %scan3A_1541 = %broadcast_in_dim3A_620, %scan3A_1542 = %broadcast_in_dim3A_620) -> (vector<16xf32>, vector<16xf32>, vector<16xf32>, vector<16xf32>)  : i32 {
      %mul3A_1543 = arith.constant 64 : i32
      %mul3A_1544 = arith.muli %scan3A_1538, %mul3A_1543 : i32
      %get3A = arith.constant 0 : i32
      %get3A_1545 = arith.constant 0 : i32
      %get3A_1546 = arith.index_cast %get3A : i32 to index
      %get3A_1547 = arith.index_cast %get3A_1545 : i32 to index
      %get3A_1548 = arith.index_cast %mul3A_1544 : i32 to index
      %get3A_1549 = tpu.vector_load %arg4[%get3A_1546, %get3A_1547, %get3A_1548] {strides = array<i32>} : memref<2x4x8192xf32, #tpu.memory_space<vmem>>, vector<1x1x16xf32>,
      %get3A_1550 = vector.shape_cast %get3A_1549 : vector<1x1x16xf32> to vector<16xf32>
      %add3A_1551 = arith.addf %scan3A_1539, %get3A_1550 : vector<16xf32>
      %add3A_1552 = arith.constant 16 : i32
      %add3A_1553 = arith.addi %mul3A_1544, %add3A_1552 : i32
      %get3A_1554 = arith.constant 0 : i32
      %get3A_1555 = arith.constant 0 : i32
      %get3A_1556 = arith.index_cast %get3A_1554 : i32 to index
      %get3A_1557 = arith.index_cast %get3A_1555 : i32 to index
      %get3A_1558 = arith.index_cast %add3A_1553 : i32 to index
      %get3A_1559 = tpu.vector_load %arg4[%get3A_1556, %get3A_1557, %get3A_1558] {strides = array<i32>} : memref<2x4x8192xf32, #tpu.memory_space<vmem>>, vector<1x1x16xf32>,
      %get3A_1560 = vector.shape_cast %get3A_1559 : vector<1x1x16xf32> to vector<16xf32>
      %add3A_1561 = arith.addf %scan3A_1540, %get3A_1560 : vector<16xf32>
      %add3A_1562 = arith.constant 32 : i32
      %add3A_1563 = arith.addi %mul3A_1544, %add3A_1562 : i32
      %get3A_1564 = arith.constant 0 : i32
      %get3A_1565 = arith.constant 0 : i32
      %get3A_1566 = arith.index_cast %get3A_1564 : i32 to index
      %get3A_1567 = arith.index_cast %get3A_1565 : i32 to index
      %get3A_1568 = arith.index_cast %add3A_1563 : i32 to index
      %get3A_1569 = tpu.vector_load %arg4[%get3A_1566, %get3A_1567, %get3A_1568] {strides = array<i32>} : memref<2x4x8192xf32, #tpu.memory_space<vmem>>, vector<1x1x16xf32>,
      %get3A_1570 = vector.shape_cast %get3A_1569 : vector<1x1x16xf32> to vector<16xf32>
      %add3A_1571 = arith.addf %scan3A_1541, %get3A_1570 : vector<16xf32>
      %add3A_1572 = arith.constant 48 : i32
      %add3A_1573 = arith.addi %mul3A_1544, %add3A_1572 : i32
      %get3A_1574 = arith.constant 0 : i32
      %get3A_1575 = arith.constant 0 : i32
      %get3A_1576 = arith.index_cast %get3A_1574 : i32 to index
      %get3A_1577 = arith.index_cast %get3A_1575 : i32 to index
      %get3A_1578 = arith.index_cast %add3A_1573 : i32 to index
      %get3A_1579 = tpu.vector_load %arg4[%get3A_1576, %get3A_1577, %get3A_1578] {strides = array<i32>} : memref<2x4x8192xf32, #tpu.memory_space<vmem>>, vector<1x1x16xf32>,
      %get3A_1580 = vector.shape_cast %get3A_1579 : vector<1x1x16xf32> to vector<16xf32>
      %add3A_1581 = arith.addf %scan3A_1542, %get3A_1580 : vector<16xf32>
      scf.yield %add3A_1551, %add3A_1561, %add3A_1571, %add3A_1581 : vector<16xf32>, vector<16xf32>, vector<16xf32>, vector<16xf32>
    }
    %scan3A_626 = arith.constant 128 : i32
    %add3A_627 = arith.addf %scan3A_625#0, %scan3A_625#1 : vector<16xf32>
    %add3A_628 = arith.addf %scan3A_625#2, %scan3A_625#3 : vector<16xf32>
    %add3A_629 = arith.addf %add3A_627, %add3A_628 : vector<16xf32>
    %swap3A_630 = arith.constant 24 : i32
    %swap3A_631 = arith.index_cast %swap3A_630 : i32 to index
    %swap3A_632 = arith.constant 0 : index
    %swap3A_633 = tpu.vector_load %arg5[%swap3A_631, %swap3A_632] {strides = array<i32>} : memref<64x16xf32, #tpu.memory_space<vmem>>, vector<1x16xf32>,
    %swap3A_634 = vector.shape_cast %swap3A_633 : vector<1x16xf32> to vector<16xf32>
    %swap3A_635 = vector.shape_cast %add3A_629 : vector<16xf32> to vector<1x16xf32>
    tpu.vector_store %arg5[%swap3A_631, %swap3A_632], %swap3A_635 {strides = array<i32>} : memref<64x16xf32, #tpu.memory_space<vmem>>, vector<1x16xf32>,
    %broadcast_in_dim3A_636 = arith.constant 0.000000e+00 : f32
    %broadcast_in_dim3A_637 = vector.broadcast %broadcast_in_dim3A_636 : f32 to vector<16xf32>
    %scan3A_638 = arith.constant 0 : i32
    %scan3A_639 = arith.constant 128 : i32
    %scan3A_640 = arith.addi %scan3A_638, %scan3A_639 : i32
    %scan3A_641 = arith.constant 1 : i32
    %scan3A_642:4 = scf.for %scan3A_1538 = %scan3A_638 to %scan3A_640 step %scan3A_641 iter_args(%scan3A_1539 = %broadcast_in_dim3A_637, %scan3A_1540 = %broadcast_in_dim3A_637, %scan3A_1541 = %broadcast_in_dim3A_637, %scan3A_1542 = %broadcast_in_dim3A_637) -> (vector<16xf32>, vector<16xf32>, vector<16xf32>, vector<16xf32>)  : i32 {
      %mul3A_1543 = arith.constant 64 : i32
      %mul3A_1544 = arith.muli %scan3A_1538, %mul3A_1543 : i32
      %get3A = arith.constant 0 : i32
      %get3A_1545 = arith.constant 1 : i32
      %get3A_1546 = arith.index_cast %get3A : i32 to index
      %get3A_1547 = arith.index_cast %get3A_1545 : i32 to index
      %get3A_1548 = arith.index_cast %mul3A_1544 : i32 to index
      %get3A_1549 = tpu.vector_load %arg4[%get3A_1546, %get3A_1547, %get3A_1548] {strides = array<i32>} : memref<2x4x8192xf32, #tpu.memory_space<vmem>>, vector<1x1x16xf32>,
      %get3A_1550 = vector.shape_cast %get3A_1549 : vector<1x1x16xf32> to vector<16xf32>
      %add3A_1551 = arith.addf %scan3A_1539, %get3A_1550 : vector<16xf32>
      %add3A_1552 = arith.constant 16 : i32
      %add3A_1553 = arith.addi %mul3A_1544, %add3A_1552 : i32
      %get3A_1554 = arith.constant 0 : i32
      %get3A_1555 = arith.constant 1 : i32
      %get3A_1556 = arith.index_cast %get3A_1554 : i32 to index
      %get3A_1557 = arith.index_cast %get3A_1555 : i32 to index
      %get3A_1558 = arith.index_cast %add3A_1553 : i32 to index
      %get3A_1559 = tpu.vector_load %arg4[%get3A_1556, %get3A_1557, %get3A_1558] {strides = array<i32>} : memref<2x4x8192xf32, #tpu.memory_space<vmem>>, vector<1x1x16xf32>,
      %get3A_1560 = vector.shape_cast %get3A_1559 : vector<1x1x16xf32> to vector<16xf32>
      %add3A_1561 = arith.addf %scan3A_1540, %get3A_1560 : vector<16xf32>
      %add3A_1562 = arith.constant 32 : i32
      %add3A_1563 = arith.addi %mul3A_1544, %add3A_1562 : i32
      %get3A_1564 = arith.constant 0 : i32
      %get3A_1565 = arith.constant 1 : i32
      %get3A_1566 = arith.index_cast %get3A_1564 : i32 to index
      %get3A_1567 = arith.index_cast %get3A_1565 : i32 to index
      %get3A_1568 = arith.index_cast %add3A_1563 : i32 to index
      %get3A_1569 = tpu.vector_load %arg4[%get3A_1566, %get3A_1567, %get3A_1568] {strides = array<i32>} : memref<2x4x8192xf32, #tpu.memory_space<vmem>>, vector<1x1x16xf32>,
      %get3A_1570 = vector.shape_cast %get3A_1569 : vector<1x1x16xf32> to vector<16xf32>
      %add3A_1571 = arith.addf %scan3A_1541, %get3A_1570 : vector<16xf32>
      %add3A_1572 = arith.constant 48 : i32
      %add3A_1573 = arith.addi %mul3A_1544, %add3A_1572 : i32
      %get3A_1574 = arith.constant 0 : i32
      %get3A_1575 = arith.constant 1 : i32
      %get3A_1576 = arith.index_cast %get3A_1574 : i32 to index
      %get3A_1577 = arith.index_cast %get3A_1575 : i32 to index
      %get3A_1578 = arith.index_cast %add3A_1573 : i32 to index
      %get3A_1579 = tpu.vector_load %arg4[%get3A_1576, %get3A_1577, %get3A_1578] {strides = array<i32>} : memref<2x4x8192xf32, #tpu.memory_space<vmem>>, vector<1x1x16xf32>,
      %get3A_1580 = vector.shape_cast %get3A_1579 : vector<1x1x16xf32> to vector<16xf32>
      %add3A_1581 = arith.addf %scan3A_1542, %get3A_1580 : vector<16xf32>
      scf.yield %add3A_1551, %add3A_1561, %add3A_1571, %add3A_1581 : vector<16xf32>, vector<16xf32>, vector<16xf32>, vector<16xf32>
    }
    %scan3A_643 = arith.constant 128 : i32
    %add3A_644 = arith.addf %scan3A_642#0, %scan3A_642#1 : vector<16xf32>
    %add3A_645 = arith.addf %scan3A_642#2, %scan3A_642#3 : vector<16xf32>
    %add3A_646 = arith.addf %add3A_644, %add3A_645 : vector<16xf32>
    %swap3A_647 = arith.constant 25 : i32
    %swap3A_648 = arith.index_cast %swap3A_647 : i32 to index
    %swap3A_649 = arith.constant 0 : index
    %swap3A_650 = tpu.vector_load %arg5[%swap3A_648, %swap3A_649] {strides = array<i32>} : memref<64x16xf32, #tpu.memory_space<vmem>>, vector<1x16xf32>,
    %swap3A_651 = vector.shape_cast %swap3A_650 : vector<1x16xf32> to vector<16xf32>
    %swap3A_652 = vector.shape_cast %add3A_646 : vector<16xf32> to vector<1x16xf32>
    tpu.vector_store %arg5[%swap3A_648, %swap3A_649], %swap3A_652 {strides = array<i32>} : memref<64x16xf32, #tpu.memory_space<vmem>>, vector<1x16xf32>,
    %broadcast_in_dim3A_653 = arith.constant 0.000000e+00 : f32
    %broadcast_in_dim3A_654 = vector.broadcast %broadcast_in_dim3A_653 : f32 to vector<16xf32>
    %scan3A_655 = arith.constant 0 : i32
    %scan3A_656 = arith.constant 128 : i32
    %scan3A_657 = arith.addi %scan3A_655, %scan3A_656 : i32
    %scan3A_658 = arith.constant 1 : i32
    %scan3A_659:4 = scf.for %scan3A_1538 = %scan3A_655 to %scan3A_657 step %scan3A_658 iter_args(%scan3A_1539 = %broadcast_in_dim3A_654, %scan3A_1540 = %broadcast_in_dim3A_654, %scan3A_1541 = %broadcast_in_dim3A_654, %scan3A_1542 = %broadcast_in_dim3A_654) -> (vector<16xf32>, vector<16xf32>, vector<16xf32>, vector<16xf32>)  : i32 {
      %mul3A_1543 = arith.constant 64 : i32
      %mul3A_1544 = arith.muli %scan3A_1538, %mul3A_1543 : i32
      %get3A = arith.constant 0 : i32
      %get3A_1545 = arith.constant 2 : i32
      %get3A_1546 = arith.index_cast %get3A : i32 to index
      %get3A_1547 = arith.index_cast %get3A_1545 : i32 to index
      %get3A_1548 = arith.index_cast %mul3A_1544 : i32 to index
      %get3A_1549 = tpu.vector_load %arg4[%get3A_1546, %get3A_1547, %get3A_1548] {strides = array<i32>} : memref<2x4x8192xf32, #tpu.memory_space<vmem>>, vector<1x1x16xf32>,
      %get3A_1550 = vector.shape_cast %get3A_1549 : vector<1x1x16xf32> to vector<16xf32>
      %add3A_1551 = arith.addf %scan3A_1539, %get3A_1550 : vector<16xf32>
      %add3A_1552 = arith.constant 16 : i32
      %add3A_1553 = arith.addi %mul3A_1544, %add3A_1552 : i32
      %get3A_1554 = arith.constant 0 : i32
      %get3A_1555 = arith.constant 2 : i32
      %get3A_1556 = arith.index_cast %get3A_1554 : i32 to index
      %get3A_1557 = arith.index_cast %get3A_1555 : i32 to index
      %get3A_1558 = arith.index_cast %add3A_1553 : i32 to index
      %get3A_1559 = tpu.vector_load %arg4[%get3A_1556, %get3A_1557, %get3A_1558] {strides = array<i32>} : memref<2x4x8192xf32, #tpu.memory_space<vmem>>, vector<1x1x16xf32>,
      %get3A_1560 = vector.shape_cast %get3A_1559 : vector<1x1x16xf32> to vector<16xf32>
      %add3A_1561 = arith.addf %scan3A_1540, %get3A_1560 : vector<16xf32>
      %add3A_1562 = arith.constant 32 : i32
      %add3A_1563 = arith.addi %mul3A_1544, %add3A_1562 : i32
      %get3A_1564 = arith.constant 0 : i32
      %get3A_1565 = arith.constant 2 : i32
      %get3A_1566 = arith.index_cast %get3A_1564 : i32 to index
      %get3A_1567 = arith.index_cast %get3A_1565 : i32 to index
      %get3A_1568 = arith.index_cast %add3A_1563 : i32 to index
      %get3A_1569 = tpu.vector_load %arg4[%get3A_1566, %get3A_1567, %get3A_1568] {strides = array<i32>} : memref<2x4x8192xf32, #tpu.memory_space<vmem>>, vector<1x1x16xf32>,
      %get3A_1570 = vector.shape_cast %get3A_1569 : vector<1x1x16xf32> to vector<16xf32>
      %add3A_1571 = arith.addf %scan3A_1541, %get3A_1570 : vector<16xf32>
      %add3A_1572 = arith.constant 48 : i32
      %add3A_1573 = arith.addi %mul3A_1544, %add3A_1572 : i32
      %get3A_1574 = arith.constant 0 : i32
      %get3A_1575 = arith.constant 2 : i32
      %get3A_1576 = arith.index_cast %get3A_1574 : i32 to index
      %get3A_1577 = arith.index_cast %get3A_1575 : i32 to index
      %get3A_1578 = arith.index_cast %add3A_1573 : i32 to index
      %get3A_1579 = tpu.vector_load %arg4[%get3A_1576, %get3A_1577, %get3A_1578] {strides = array<i32>} : memref<2x4x8192xf32, #tpu.memory_space<vmem>>, vector<1x1x16xf32>,
      %get3A_1580 = vector.shape_cast %get3A_1579 : vector<1x1x16xf32> to vector<16xf32>
      %add3A_1581 = arith.addf %scan3A_1542, %get3A_1580 : vector<16xf32>
      scf.yield %add3A_1551, %add3A_1561, %add3A_1571, %add3A_1581 : vector<16xf32>, vector<16xf32>, vector<16xf32>, vector<16xf32>
    }
    %scan3A_660 = arith.constant 128 : i32
    %add3A_661 = arith.addf %scan3A_659#0, %scan3A_659#1 : vector<16xf32>
    %add3A_662 = arith.addf %scan3A_659#2, %scan3A_659#3 : vector<16xf32>
    %add3A_663 = arith.addf %add3A_661, %add3A_662 : vector<16xf32>
    %swap3A_664 = arith.constant 26 : i32
    %swap3A_665 = arith.index_cast %swap3A_664 : i32 to index
    %swap3A_666 = arith.constant 0 : index
    %swap3A_667 = tpu.vector_load %arg5[%swap3A_665, %swap3A_666] {strides = array<i32>} : memref<64x16xf32, #tpu.memory_space<vmem>>, vector<1x16xf32>,
    %swap3A_668 = vector.shape_cast %swap3A_667 : vector<1x16xf32> to vector<16xf32>
    %swap3A_669 = vector.shape_cast %add3A_663 : vector<16xf32> to vector<1x16xf32>
    tpu.vector_store %arg5[%swap3A_665, %swap3A_666], %swap3A_669 {strides = array<i32>} : memref<64x16xf32, #tpu.memory_space<vmem>>, vector<1x16xf32>,
    %broadcast_in_dim3A_670 = arith.constant 0.000000e+00 : f32
    %broadcast_in_dim3A_671 = vector.broadcast %broadcast_in_dim3A_670 : f32 to vector<16xf32>
    %scan3A_672 = arith.constant 0 : i32
    %scan3A_673 = arith.constant 128 : i32
    %scan3A_674 = arith.addi %scan3A_672, %scan3A_673 : i32
    %scan3A_675 = arith.constant 1 : i32
    %scan3A_676:4 = scf.for %scan3A_1538 = %scan3A_672 to %scan3A_674 step %scan3A_675 iter_args(%scan3A_1539 = %broadcast_in_dim3A_671, %scan3A_1540 = %broadcast_in_dim3A_671, %scan3A_1541 = %broadcast_in_dim3A_671, %scan3A_1542 = %broadcast_in_dim3A_671) -> (vector<16xf32>, vector<16xf32>, vector<16xf32>, vector<16xf32>)  : i32 {
      %mul3A_1543 = arith.constant 64 : i32
      %mul3A_1544 = arith.muli %scan3A_1538, %mul3A_1543 : i32
      %get3A = arith.constant 0 : i32
      %get3A_1545 = arith.constant 3 : i32
      %get3A_1546 = arith.index_cast %get3A : i32 to index
      %get3A_1547 = arith.index_cast %get3A_1545 : i32 to index
      %get3A_1548 = arith.index_cast %mul3A_1544 : i32 to index
      %get3A_1549 = tpu.vector_load %arg4[%get3A_1546, %get3A_1547, %get3A_1548] {strides = array<i32>} : memref<2x4x8192xf32, #tpu.memory_space<vmem>>, vector<1x1x16xf32>,
      %get3A_1550 = vector.shape_cast %get3A_1549 : vector<1x1x16xf32> to vector<16xf32>
      %add3A_1551 = arith.addf %scan3A_1539, %get3A_1550 : vector<16xf32>
      %add3A_1552 = arith.constant 16 : i32
      %add3A_1553 = arith.addi %mul3A_1544, %add3A_1552 : i32
      %get3A_1554 = arith.constant 0 : i32
      %get3A_1555 = arith.constant 3 : i32
      %get3A_1556 = arith.index_cast %get3A_1554 : i32 to index
      %get3A_1557 = arith.index_cast %get3A_1555 : i32 to index
      %get3A_1558 = arith.index_cast %add3A_1553 : i32 to index
      %get3A_1559 = tpu.vector_load %arg4[%get3A_1556, %get3A_1557, %get3A_1558] {strides = array<i32>} : memref<2x4x8192xf32, #tpu.memory_space<vmem>>, vector<1x1x16xf32>,
      %get3A_1560 = vector.shape_cast %get3A_1559 : vector<1x1x16xf32> to vector<16xf32>
      %add3A_1561 = arith.addf %scan3A_1540, %get3A_1560 : vector<16xf32>
      %add3A_1562 = arith.constant 32 : i32
      %add3A_1563 = arith.addi %mul3A_1544, %add3A_1562 : i32
      %get3A_1564 = arith.constant 0 : i32
      %get3A_1565 = arith.constant 3 : i32
      %get3A_1566 = arith.index_cast %get3A_1564 : i32 to index
      %get3A_1567 = arith.index_cast %get3A_1565 : i32 to index
      %get3A_1568 = arith.index_cast %add3A_1563 : i32 to index
      %get3A_1569 = tpu.vector_load %arg4[%get3A_1566, %get3A_1567, %get3A_1568] {strides = array<i32>} : memref<2x4x8192xf32, #tpu.memory_space<vmem>>, vector<1x1x16xf32>,
      %get3A_1570 = vector.shape_cast %get3A_1569 : vector<1x1x16xf32> to vector<16xf32>
      %add3A_1571 = arith.addf %scan3A_1541, %get3A_1570 : vector<16xf32>
      %add3A_1572 = arith.constant 48 : i32
      %add3A_1573 = arith.addi %mul3A_1544, %add3A_1572 : i32
      %get3A_1574 = arith.constant 0 : i32
      %get3A_1575 = arith.constant 3 : i32
      %get3A_1576 = arith.index_cast %get3A_1574 : i32 to index
      %get3A_1577 = arith.index_cast %get3A_1575 : i32 to index
      %get3A_1578 = arith.index_cast %add3A_1573 : i32 to index
      %get3A_1579 = tpu.vector_load %arg4[%get3A_1576, %get3A_1577, %get3A_1578] {strides = array<i32>} : memref<2x4x8192xf32, #tpu.memory_space<vmem>>, vector<1x1x16xf32>,
      %get3A_1580 = vector.shape_cast %get3A_1579 : vector<1x1x16xf32> to vector<16xf32>
      %add3A_1581 = arith.addf %scan3A_1542, %get3A_1580 : vector<16xf32>
      scf.yield %add3A_1551, %add3A_1561, %add3A_1571, %add3A_1581 : vector<16xf32>, vector<16xf32>, vector<16xf32>, vector<16xf32>
    }
    %scan3A_677 = arith.constant 128 : i32
    %add3A_678 = arith.addf %scan3A_676#0, %scan3A_676#1 : vector<16xf32>
    %add3A_679 = arith.addf %scan3A_676#2, %scan3A_676#3 : vector<16xf32>
    %add3A_680 = arith.addf %add3A_678, %add3A_679 : vector<16xf32>
    %swap3A_681 = arith.constant 27 : i32
    %swap3A_682 = arith.index_cast %swap3A_681 : i32 to index
    %swap3A_683 = arith.constant 0 : index
    %swap3A_684 = tpu.vector_load %arg5[%swap3A_682, %swap3A_683] {strides = array<i32>} : memref<64x16xf32, #tpu.memory_space<vmem>>, vector<1x16xf32>,
    %swap3A_685 = vector.shape_cast %swap3A_684 : vector<1x16xf32> to vector<16xf32>
    %swap3A_686 = vector.shape_cast %add3A_680 : vector<16xf32> to vector<1x16xf32>
    tpu.vector_store %arg5[%swap3A_682, %swap3A_683], %swap3A_686 {strides = array<i32>} : memref<64x16xf32, #tpu.memory_space<vmem>>, vector<1x16xf32>,
    %add3A_687 = arith.constant 32 : i32
    %add3A_688 = arith.addi %add3A_4, %add3A_687 : i32
    %dma_start3A_689 = arith.constant 0 : i32
    %dma_start3A_690 = arith.constant 0 : i32
    %dma_start3A_691 = arith.constant 0 : i32
    %dma_start3A_692 = tpu.memref_slice %arg4[%dma_start3A_689, %dma_start3A_690, %dma_start3A_691] : memref<2x4x8192xf32, #tpu.memory_space<vmem>> -> memref<1x4x8192xf32, #tpu.memory_space<vmem>>
    %dma_start3A_693 = tpu.memref_squeeze %dma_start3A_692 : memref<1x4x8192xf32, #tpu.memory_space<vmem>> -> memref<4x8192xf32, #tpu.memory_space<vmem>>
    %dma_start3A_694 = arith.constant 0 : i32
    %dma_start3A_695 = tpu.memref_slice %arg2[%add3A_688, %dma_start3A_694] : memref<8192x8192xf32, #tpu.memory_space<hbm>> -> memref<4x8192xf32, #tpu.memory_space<hbm>>
    %dma_start3A_696 = arith.constant 0 : i32
    %dma_start3A_697 = arith.constant 0 : i32
    %dma_start3A_698 = tpu.memref_slice %arg4[%dma_start3A_689, %dma_start3A_696, %dma_start3A_697] : memref<2x4x8192xf32, #tpu.memory_space<vmem>> -> memref<1x4x8192xf32, #tpu.memory_space<vmem>>
    %dma_start3A_699 = tpu.memref_squeeze %dma_start3A_698 : memref<1x4x8192xf32, #tpu.memory_space<vmem>> -> memref<4x8192xf32, #tpu.memory_space<vmem>>
    %dma_start3A_700 = arith.constant 0 : i32
    %dma_start3A_701 = tpu.memref_slice %arg2[%add3A_688, %dma_start3A_700] : memref<8192x8192xf32, #tpu.memory_space<hbm>> -> memref<4x8192xf32, #tpu.memory_space<hbm>>
    tpu.enqueue_dma source(%dma_start3A_701 : memref<4x8192xf32, #tpu.memory_space<hbm>>) target(%dma_start3A_699 : memref<4x8192xf32, #tpu.memory_space<vmem>>) target_semaphore(%arg6 : memref<!tpu.dma_semaphore, #tpu.memory_space<semaphore_mem>>)
    %dma_wait3A_702 = arith.constant 1 : i32
    %dma_wait3A_703 = arith.constant 0 : i32
    %dma_wait3A_704 = arith.constant 0 : i32
    %dma_wait3A_705 = tpu.memref_slice %arg4[%dma_wait3A_702, %dma_wait3A_703, %dma_wait3A_704] : memref<2x4x8192xf32, #tpu.memory_space<vmem>> -> memref<1x4x8192xf32, #tpu.memory_space<vmem>>
    %dma_wait3A_706 = tpu.memref_squeeze %dma_wait3A_705 : memref<1x4x8192xf32, #tpu.memory_space<vmem>> -> memref<4x8192xf32, #tpu.memory_space<vmem>>
    %dma_wait3A_707 = arith.constant 0 : i32
    %dma_wait3A_708 = tpu.memref_slice %arg2[%add3A_592, %dma_wait3A_707] : memref<8192x8192xf32, #tpu.memory_space<hbm>> -> memref<4x8192xf32, #tpu.memory_space<hbm>>
    %dma_wait3A_709 = arith.constant 0 : i32
    %dma_wait3A_710 = arith.constant 0 : i32
    %dma_wait3A_711 = tpu.memref_slice %arg4[%dma_wait3A_702, %dma_wait3A_709, %dma_wait3A_710] : memref<2x4x8192xf32, #tpu.memory_space<vmem>> -> memref<1x4x8192xf32, #tpu.memory_space<vmem>>
    %dma_wait3A_712 = tpu.memref_squeeze %dma_wait3A_711 : memref<1x4x8192xf32, #tpu.memory_space<vmem>> -> memref<4x8192xf32, #tpu.memory_space<vmem>>
    %dma_wait3A_713 = arith.constant 0 : i32
    %dma_wait3A_714 = tpu.memref_slice %arg2[%add3A_592, %dma_wait3A_713] : memref<8192x8192xf32, #tpu.memory_space<hbm>> -> memref<4x8192xf32, #tpu.memory_space<hbm>>
    tpu.wait_dma2 semaphore(%arg7 : memref<!tpu.dma_semaphore, #tpu.memory_space<semaphore_mem>>) src(%dma_wait3A_714 : memref<4x8192xf32, #tpu.memory_space<hbm>>) dst(%dma_wait3A_712 : memref<4x8192xf32, #tpu.memory_space<vmem>>)
    %broadcast_in_dim3A_715 = arith.constant 0.000000e+00 : f32
    %broadcast_in_dim3A_716 = vector.broadcast %broadcast_in_dim3A_715 : f32 to vector<16xf32>
    %scan3A_717 = arith.constant 0 : i32
    %scan3A_718 = arith.constant 128 : i32
    %scan3A_719 = arith.addi %scan3A_717, %scan3A_718 : i32
    %scan3A_720 = arith.constant 1 : i32
    %scan3A_721:4 = scf.for %scan3A_1538 = %scan3A_717 to %scan3A_719 step %scan3A_720 iter_args(%scan3A_1539 = %broadcast_in_dim3A_716, %scan3A_1540 = %broadcast_in_dim3A_716, %scan3A_1541 = %broadcast_in_dim3A_716, %scan3A_1542 = %broadcast_in_dim3A_716) -> (vector<16xf32>, vector<16xf32>, vector<16xf32>, vector<16xf32>)  : i32 {
      %mul3A_1543 = arith.constant 64 : i32
      %mul3A_1544 = arith.muli %scan3A_1538, %mul3A_1543 : i32
      %get3A = arith.constant 1 : i32
      %get3A_1545 = arith.constant 0 : i32
      %get3A_1546 = arith.index_cast %get3A : i32 to index
      %get3A_1547 = arith.index_cast %get3A_1545 : i32 to index
      %get3A_1548 = arith.index_cast %mul3A_1544 : i32 to index
      %get3A_1549 = tpu.vector_load %arg4[%get3A_1546, %get3A_1547, %get3A_1548] {strides = array<i32>} : memref<2x4x8192xf32, #tpu.memory_space<vmem>>, vector<1x1x16xf32>,
      %get3A_1550 = vector.shape_cast %get3A_1549 : vector<1x1x16xf32> to vector<16xf32>
      %add3A_1551 = arith.addf %scan3A_1539, %get3A_1550 : vector<16xf32>
      %add3A_1552 = arith.constant 16 : i32
      %add3A_1553 = arith.addi %mul3A_1544, %add3A_1552 : i32
      %get3A_1554 = arith.constant 1 : i32
      %get3A_1555 = arith.constant 0 : i32
      %get3A_1556 = arith.index_cast %get3A_1554 : i32 to index
      %get3A_1557 = arith.index_cast %get3A_1555 : i32 to index
      %get3A_1558 = arith.index_cast %add3A_1553 : i32 to index
      %get3A_1559 = tpu.vector_load %arg4[%get3A_1556, %get3A_1557, %get3A_1558] {strides = array<i32>} : memref<2x4x8192xf32, #tpu.memory_space<vmem>>, vector<1x1x16xf32>,
      %get3A_1560 = vector.shape_cast %get3A_1559 : vector<1x1x16xf32> to vector<16xf32>
      %add3A_1561 = arith.addf %scan3A_1540, %get3A_1560 : vector<16xf32>
      %add3A_1562 = arith.constant 32 : i32
      %add3A_1563 = arith.addi %mul3A_1544, %add3A_1562 : i32
      %get3A_1564 = arith.constant 1 : i32
      %get3A_1565 = arith.constant 0 : i32
      %get3A_1566 = arith.index_cast %get3A_1564 : i32 to index
      %get3A_1567 = arith.index_cast %get3A_1565 : i32 to index
      %get3A_1568 = arith.index_cast %add3A_1563 : i32 to index
      %get3A_1569 = tpu.vector_load %arg4[%get3A_1566, %get3A_1567, %get3A_1568] {strides = array<i32>} : memref<2x4x8192xf32, #tpu.memory_space<vmem>>, vector<1x1x16xf32>,
      %get3A_1570 = vector.shape_cast %get3A_1569 : vector<1x1x16xf32> to vector<16xf32>
      %add3A_1571 = arith.addf %scan3A_1541, %get3A_1570 : vector<16xf32>
      %add3A_1572 = arith.constant 48 : i32
      %add3A_1573 = arith.addi %mul3A_1544, %add3A_1572 : i32
      %get3A_1574 = arith.constant 1 : i32
      %get3A_1575 = arith.constant 0 : i32
      %get3A_1576 = arith.index_cast %get3A_1574 : i32 to index
      %get3A_1577 = arith.index_cast %get3A_1575 : i32 to index
      %get3A_1578 = arith.index_cast %add3A_1573 : i32 to index
      %get3A_1579 = tpu.vector_load %arg4[%get3A_1576, %get3A_1577, %get3A_1578] {strides = array<i32>} : memref<2x4x8192xf32, #tpu.memory_space<vmem>>, vector<1x1x16xf32>,
      %get3A_1580 = vector.shape_cast %get3A_1579 : vector<1x1x16xf32> to vector<16xf32>
      %add3A_1581 = arith.addf %scan3A_1542, %get3A_1580 : vector<16xf32>
      scf.yield %add3A_1551, %add3A_1561, %add3A_1571, %add3A_1581 : vector<16xf32>, vector<16xf32>, vector<16xf32>, vector<16xf32>
    }
    %scan3A_722 = arith.constant 128 : i32
    %add3A_723 = arith.addf %scan3A_721#0, %scan3A_721#1 : vector<16xf32>
    %add3A_724 = arith.addf %scan3A_721#2, %scan3A_721#3 : vector<16xf32>
    %add3A_725 = arith.addf %add3A_723, %add3A_724 : vector<16xf32>
    %swap3A_726 = arith.constant 28 : i32
    %swap3A_727 = arith.index_cast %swap3A_726 : i32 to index
    %swap3A_728 = arith.constant 0 : index
    %swap3A_729 = tpu.vector_load %arg5[%swap3A_727, %swap3A_728] {strides = array<i32>} : memref<64x16xf32, #tpu.memory_space<vmem>>, vector<1x16xf32>,
    %swap3A_730 = vector.shape_cast %swap3A_729 : vector<1x16xf32> to vector<16xf32>
    %swap3A_731 = vector.shape_cast %add3A_725 : vector<16xf32> to vector<1x16xf32>
    tpu.vector_store %arg5[%swap3A_727, %swap3A_728], %swap3A_731 {strides = array<i32>} : memref<64x16xf32, #tpu.memory_space<vmem>>, vector<1x16xf32>,
    %broadcast_in_dim3A_732 = arith.constant 0.000000e+00 : f32
    %broadcast_in_dim3A_733 = vector.broadcast %broadcast_in_dim3A_732 : f32 to vector<16xf32>
    %scan3A_734 = arith.constant 0 : i32
    %scan3A_735 = arith.constant 128 : i32
    %scan3A_736 = arith.addi %scan3A_734, %scan3A_735 : i32
    %scan3A_737 = arith.constant 1 : i32
    %scan3A_738:4 = scf.for %scan3A_1538 = %scan3A_734 to %scan3A_736 step %scan3A_737 iter_args(%scan3A_1539 = %broadcast_in_dim3A_733, %scan3A_1540 = %broadcast_in_dim3A_733, %scan3A_1541 = %broadcast_in_dim3A_733, %scan3A_1542 = %broadcast_in_dim3A_733) -> (vector<16xf32>, vector<16xf32>, vector<16xf32>, vector<16xf32>)  : i32 {
      %mul3A_1543 = arith.constant 64 : i32
      %mul3A_1544 = arith.muli %scan3A_1538, %mul3A_1543 : i32
      %get3A = arith.constant 1 : i32
      %get3A_1545 = arith.constant 1 : i32
      %get3A_1546 = arith.index_cast %get3A : i32 to index
      %get3A_1547 = arith.index_cast %get3A_1545 : i32 to index
      %get3A_1548 = arith.index_cast %mul3A_1544 : i32 to index
      %get3A_1549 = tpu.vector_load %arg4[%get3A_1546, %get3A_1547, %get3A_1548] {strides = array<i32>} : memref<2x4x8192xf32, #tpu.memory_space<vmem>>, vector<1x1x16xf32>,
      %get3A_1550 = vector.shape_cast %get3A_1549 : vector<1x1x16xf32> to vector<16xf32>
      %add3A_1551 = arith.addf %scan3A_1539, %get3A_1550 : vector<16xf32>
      %add3A_1552 = arith.constant 16 : i32
      %add3A_1553 = arith.addi %mul3A_1544, %add3A_1552 : i32
      %get3A_1554 = arith.constant 1 : i32
      %get3A_1555 = arith.constant 1 : i32
      %get3A_1556 = arith.index_cast %get3A_1554 : i32 to index
      %get3A_1557 = arith.index_cast %get3A_1555 : i32 to index
      %get3A_1558 = arith.index_cast %add3A_1553 : i32 to index
      %get3A_1559 = tpu.vector_load %arg4[%get3A_1556, %get3A_1557, %get3A_1558] {strides = array<i32>} : memref<2x4x8192xf32, #tpu.memory_space<vmem>>, vector<1x1x16xf32>,
      %get3A_1560 = vector.shape_cast %get3A_1559 : vector<1x1x16xf32> to vector<16xf32>
      %add3A_1561 = arith.addf %scan3A_1540, %get3A_1560 : vector<16xf32>
      %add3A_1562 = arith.constant 32 : i32
      %add3A_1563 = arith.addi %mul3A_1544, %add3A_1562 : i32
      %get3A_1564 = arith.constant 1 : i32
      %get3A_1565 = arith.constant 1 : i32
      %get3A_1566 = arith.index_cast %get3A_1564 : i32 to index
      %get3A_1567 = arith.index_cast %get3A_1565 : i32 to index
      %get3A_1568 = arith.index_cast %add3A_1563 : i32 to index
      %get3A_1569 = tpu.vector_load %arg4[%get3A_1566, %get3A_1567, %get3A_1568] {strides = array<i32>} : memref<2x4x8192xf32, #tpu.memory_space<vmem>>, vector<1x1x16xf32>,
      %get3A_1570 = vector.shape_cast %get3A_1569 : vector<1x1x16xf32> to vector<16xf32>
      %add3A_1571 = arith.addf %scan3A_1541, %get3A_1570 : vector<16xf32>
      %add3A_1572 = arith.constant 48 : i32
      %add3A_1573 = arith.addi %mul3A_1544, %add3A_1572 : i32
      %get3A_1574 = arith.constant 1 : i32
      %get3A_1575 = arith.constant 1 : i32
      %get3A_1576 = arith.index_cast %get3A_1574 : i32 to index
      %get3A_1577 = arith.index_cast %get3A_1575 : i32 to index
      %get3A_1578 = arith.index_cast %add3A_1573 : i32 to index
      %get3A_1579 = tpu.vector_load %arg4[%get3A_1576, %get3A_1577, %get3A_1578] {strides = array<i32>} : memref<2x4x8192xf32, #tpu.memory_space<vmem>>, vector<1x1x16xf32>,
      %get3A_1580 = vector.shape_cast %get3A_1579 : vector<1x1x16xf32> to vector<16xf32>
      %add3A_1581 = arith.addf %scan3A_1542, %get3A_1580 : vector<16xf32>
      scf.yield %add3A_1551, %add3A_1561, %add3A_1571, %add3A_1581 : vector<16xf32>, vector<16xf32>, vector<16xf32>, vector<16xf32>
    }
    %scan3A_739 = arith.constant 128 : i32
    %add3A_740 = arith.addf %scan3A_738#0, %scan3A_738#1 : vector<16xf32>
    %add3A_741 = arith.addf %scan3A_738#2, %scan3A_738#3 : vector<16xf32>
    %add3A_742 = arith.addf %add3A_740, %add3A_741 : vector<16xf32>
    %swap3A_743 = arith.constant 29 : i32
    %swap3A_744 = arith.index_cast %swap3A_743 : i32 to index
    %swap3A_745 = arith.constant 0 : index
    %swap3A_746 = tpu.vector_load %arg5[%swap3A_744, %swap3A_745] {strides = array<i32>} : memref<64x16xf32, #tpu.memory_space<vmem>>, vector<1x16xf32>,
    %swap3A_747 = vector.shape_cast %swap3A_746 : vector<1x16xf32> to vector<16xf32>
    %swap3A_748 = vector.shape_cast %add3A_742 : vector<16xf32> to vector<1x16xf32>
    tpu.vector_store %arg5[%swap3A_744, %swap3A_745], %swap3A_748 {strides = array<i32>} : memref<64x16xf32, #tpu.memory_space<vmem>>, vector<1x16xf32>,
    %broadcast_in_dim3A_749 = arith.constant 0.000000e+00 : f32
    %broadcast_in_dim3A_750 = vector.broadcast %broadcast_in_dim3A_749 : f32 to vector<16xf32>
    %scan3A_751 = arith.constant 0 : i32
    %scan3A_752 = arith.constant 128 : i32
    %scan3A_753 = arith.addi %scan3A_751, %scan3A_752 : i32
    %scan3A_754 = arith.constant 1 : i32
    %scan3A_755:4 = scf.for %scan3A_1538 = %scan3A_751 to %scan3A_753 step %scan3A_754 iter_args(%scan3A_1539 = %broadcast_in_dim3A_750, %scan3A_1540 = %broadcast_in_dim3A_750, %scan3A_1541 = %broadcast_in_dim3A_750, %scan3A_1542 = %broadcast_in_dim3A_750) -> (vector<16xf32>, vector<16xf32>, vector<16xf32>, vector<16xf32>)  : i32 {
      %mul3A_1543 = arith.constant 64 : i32
      %mul3A_1544 = arith.muli %scan3A_1538, %mul3A_1543 : i32
      %get3A = arith.constant 1 : i32
      %get3A_1545 = arith.constant 2 : i32
      %get3A_1546 = arith.index_cast %get3A : i32 to index
      %get3A_1547 = arith.index_cast %get3A_1545 : i32 to index
      %get3A_1548 = arith.index_cast %mul3A_1544 : i32 to index
      %get3A_1549 = tpu.vector_load %arg4[%get3A_1546, %get3A_1547, %get3A_1548] {strides = array<i32>} : memref<2x4x8192xf32, #tpu.memory_space<vmem>>, vector<1x1x16xf32>,
      %get3A_1550 = vector.shape_cast %get3A_1549 : vector<1x1x16xf32> to vector<16xf32>
      %add3A_1551 = arith.addf %scan3A_1539, %get3A_1550 : vector<16xf32>
      %add3A_1552 = arith.constant 16 : i32
      %add3A_1553 = arith.addi %mul3A_1544, %add3A_1552 : i32
      %get3A_1554 = arith.constant 1 : i32
      %get3A_1555 = arith.constant 2 : i32
      %get3A_1556 = arith.index_cast %get3A_1554 : i32 to index
      %get3A_1557 = arith.index_cast %get3A_1555 : i32 to index
      %get3A_1558 = arith.index_cast %add3A_1553 : i32 to index
      %get3A_1559 = tpu.vector_load %arg4[%get3A_1556, %get3A_1557, %get3A_1558] {strides = array<i32>} : memref<2x4x8192xf32, #tpu.memory_space<vmem>>, vector<1x1x16xf32>,
      %get3A_1560 = vector.shape_cast %get3A_1559 : vector<1x1x16xf32> to vector<16xf32>
      %add3A_1561 = arith.addf %scan3A_1540, %get3A_1560 : vector<16xf32>
      %add3A_1562 = arith.constant 32 : i32
      %add3A_1563 = arith.addi %mul3A_1544, %add3A_1562 : i32
      %get3A_1564 = arith.constant 1 : i32
      %get3A_1565 = arith.constant 2 : i32
      %get3A_1566 = arith.index_cast %get3A_1564 : i32 to index
      %get3A_1567 = arith.index_cast %get3A_1565 : i32 to index
      %get3A_1568 = arith.index_cast %add3A_1563 : i32 to index
      %get3A_1569 = tpu.vector_load %arg4[%get3A_1566, %get3A_1567, %get3A_1568] {strides = array<i32>} : memref<2x4x8192xf32, #tpu.memory_space<vmem>>, vector<1x1x16xf32>,
      %get3A_1570 = vector.shape_cast %get3A_1569 : vector<1x1x16xf32> to vector<16xf32>
      %add3A_1571 = arith.addf %scan3A_1541, %get3A_1570 : vector<16xf32>
      %add3A_1572 = arith.constant 48 : i32
      %add3A_1573 = arith.addi %mul3A_1544, %add3A_1572 : i32
      %get3A_1574 = arith.constant 1 : i32
      %get3A_1575 = arith.constant 2 : i32
      %get3A_1576 = arith.index_cast %get3A_1574 : i32 to index
      %get3A_1577 = arith.index_cast %get3A_1575 : i32 to index
      %get3A_1578 = arith.index_cast %add3A_1573 : i32 to index
      %get3A_1579 = tpu.vector_load %arg4[%get3A_1576, %get3A_1577, %get3A_1578] {strides = array<i32>} : memref<2x4x8192xf32, #tpu.memory_space<vmem>>, vector<1x1x16xf32>,
      %get3A_1580 = vector.shape_cast %get3A_1579 : vector<1x1x16xf32> to vector<16xf32>
      %add3A_1581 = arith.addf %scan3A_1542, %get3A_1580 : vector<16xf32>
      scf.yield %add3A_1551, %add3A_1561, %add3A_1571, %add3A_1581 : vector<16xf32>, vector<16xf32>, vector<16xf32>, vector<16xf32>
    }
    %scan3A_756 = arith.constant 128 : i32
    %add3A_757 = arith.addf %scan3A_755#0, %scan3A_755#1 : vector<16xf32>
    %add3A_758 = arith.addf %scan3A_755#2, %scan3A_755#3 : vector<16xf32>
    %add3A_759 = arith.addf %add3A_757, %add3A_758 : vector<16xf32>
    %swap3A_760 = arith.constant 30 : i32
    %swap3A_761 = arith.index_cast %swap3A_760 : i32 to index
    %swap3A_762 = arith.constant 0 : index
    %swap3A_763 = tpu.vector_load %arg5[%swap3A_761, %swap3A_762] {strides = array<i32>} : memref<64x16xf32, #tpu.memory_space<vmem>>, vector<1x16xf32>,
    %swap3A_764 = vector.shape_cast %swap3A_763 : vector<1x16xf32> to vector<16xf32>
    %swap3A_765 = vector.shape_cast %add3A_759 : vector<16xf32> to vector<1x16xf32>
    tpu.vector_store %arg5[%swap3A_761, %swap3A_762], %swap3A_765 {strides = array<i32>} : memref<64x16xf32, #tpu.memory_space<vmem>>, vector<1x16xf32>,
    %broadcast_in_dim3A_766 = arith.constant 0.000000e+00 : f32
    %broadcast_in_dim3A_767 = vector.broadcast %broadcast_in_dim3A_766 : f32 to vector<16xf32>
    %scan3A_768 = arith.constant 0 : i32
    %scan3A_769 = arith.constant 128 : i32
    %scan3A_770 = arith.addi %scan3A_768, %scan3A_769 : i32
    %scan3A_771 = arith.constant 1 : i32
    %scan3A_772:4 = scf.for %scan3A_1538 = %scan3A_768 to %scan3A_770 step %scan3A_771 iter_args(%scan3A_1539 = %broadcast_in_dim3A_767, %scan3A_1540 = %broadcast_in_dim3A_767, %scan3A_1541 = %broadcast_in_dim3A_767, %scan3A_1542 = %broadcast_in_dim3A_767) -> (vector<16xf32>, vector<16xf32>, vector<16xf32>, vector<16xf32>)  : i32 {
      %mul3A_1543 = arith.constant 64 : i32
      %mul3A_1544 = arith.muli %scan3A_1538, %mul3A_1543 : i32
      %get3A = arith.constant 1 : i32
      %get3A_1545 = arith.constant 3 : i32
      %get3A_1546 = arith.index_cast %get3A : i32 to index
      %get3A_1547 = arith.index_cast %get3A_1545 : i32 to index
      %get3A_1548 = arith.index_cast %mul3A_1544 : i32 to index
      %get3A_1549 = tpu.vector_load %arg4[%get3A_1546, %get3A_1547, %get3A_1548] {strides = array<i32>} : memref<2x4x8192xf32, #tpu.memory_space<vmem>>, vector<1x1x16xf32>,
      %get3A_1550 = vector.shape_cast %get3A_1549 : vector<1x1x16xf32> to vector<16xf32>
      %add3A_1551 = arith.addf %scan3A_1539, %get3A_1550 : vector<16xf32>
      %add3A_1552 = arith.constant 16 : i32
      %add3A_1553 = arith.addi %mul3A_1544, %add3A_1552 : i32
      %get3A_1554 = arith.constant 1 : i32
      %get3A_1555 = arith.constant 3 : i32
      %get3A_1556 = arith.index_cast %get3A_1554 : i32 to index
      %get3A_1557 = arith.index_cast %get3A_1555 : i32 to index
      %get3A_1558 = arith.index_cast %add3A_1553 : i32 to index
      %get3A_1559 = tpu.vector_load %arg4[%get3A_1556, %get3A_1557, %get3A_1558] {strides = array<i32>} : memref<2x4x8192xf32, #tpu.memory_space<vmem>>, vector<1x1x16xf32>,
      %get3A_1560 = vector.shape_cast %get3A_1559 : vector<1x1x16xf32> to vector<16xf32>
      %add3A_1561 = arith.addf %scan3A_1540, %get3A_1560 : vector<16xf32>
      %add3A_1562 = arith.constant 32 : i32
      %add3A_1563 = arith.addi %mul3A_1544, %add3A_1562 : i32
      %get3A_1564 = arith.constant 1 : i32
      %get3A_1565 = arith.constant 3 : i32
      %get3A_1566 = arith.index_cast %get3A_1564 : i32 to index
      %get3A_1567 = arith.index_cast %get3A_1565 : i32 to index
      %get3A_1568 = arith.index_cast %add3A_1563 : i32 to index
      %get3A_1569 = tpu.vector_load %arg4[%get3A_1566, %get3A_1567, %get3A_1568] {strides = array<i32>} : memref<2x4x8192xf32, #tpu.memory_space<vmem>>, vector<1x1x16xf32>,
      %get3A_1570 = vector.shape_cast %get3A_1569 : vector<1x1x16xf32> to vector<16xf32>
      %add3A_1571 = arith.addf %scan3A_1541, %get3A_1570 : vector<16xf32>
      %add3A_1572 = arith.constant 48 : i32
      %add3A_1573 = arith.addi %mul3A_1544, %add3A_1572 : i32
      %get3A_1574 = arith.constant 1 : i32
      %get3A_1575 = arith.constant 3 : i32
      %get3A_1576 = arith.index_cast %get3A_1574 : i32 to index
      %get3A_1577 = arith.index_cast %get3A_1575 : i32 to index
      %get3A_1578 = arith.index_cast %add3A_1573 : i32 to index
      %get3A_1579 = tpu.vector_load %arg4[%get3A_1576, %get3A_1577, %get3A_1578] {strides = array<i32>} : memref<2x4x8192xf32, #tpu.memory_space<vmem>>, vector<1x1x16xf32>,
      %get3A_1580 = vector.shape_cast %get3A_1579 : vector<1x1x16xf32> to vector<16xf32>
      %add3A_1581 = arith.addf %scan3A_1542, %get3A_1580 : vector<16xf32>
      scf.yield %add3A_1551, %add3A_1561, %add3A_1571, %add3A_1581 : vector<16xf32>, vector<16xf32>, vector<16xf32>, vector<16xf32>
    }
    %scan3A_773 = arith.constant 128 : i32
    %add3A_774 = arith.addf %scan3A_772#0, %scan3A_772#1 : vector<16xf32>
    %add3A_775 = arith.addf %scan3A_772#2, %scan3A_772#3 : vector<16xf32>
    %add3A_776 = arith.addf %add3A_774, %add3A_775 : vector<16xf32>
    %swap3A_777 = arith.constant 31 : i32
    %swap3A_778 = arith.index_cast %swap3A_777 : i32 to index
    %swap3A_779 = arith.constant 0 : index
    %swap3A_780 = tpu.vector_load %arg5[%swap3A_778, %swap3A_779] {strides = array<i32>} : memref<64x16xf32, #tpu.memory_space<vmem>>, vector<1x16xf32>,
    %swap3A_781 = vector.shape_cast %swap3A_780 : vector<1x16xf32> to vector<16xf32>
    %swap3A_782 = vector.shape_cast %add3A_776 : vector<16xf32> to vector<1x16xf32>
    tpu.vector_store %arg5[%swap3A_778, %swap3A_779], %swap3A_782 {strides = array<i32>} : memref<64x16xf32, #tpu.memory_space<vmem>>, vector<1x16xf32>,
    %add3A_783 = arith.constant 36 : i32
    %add3A_784 = arith.addi %add3A_4, %add3A_783 : i32
    %dma_start3A_785 = arith.constant 1 : i32
    %dma_start3A_786 = arith.constant 0 : i32
    %dma_start3A_787 = arith.constant 0 : i32
    %dma_start3A_788 = tpu.memref_slice %arg4[%dma_start3A_785, %dma_start3A_786, %dma_start3A_787] : memref<2x4x8192xf32, #tpu.memory_space<vmem>> -> memref<1x4x8192xf32, #tpu.memory_space<vmem>>
    %dma_start3A_789 = tpu.memref_squeeze %dma_start3A_788 : memref<1x4x8192xf32, #tpu.memory_space<vmem>> -> memref<4x8192xf32, #tpu.memory_space<vmem>>
    %dma_start3A_790 = arith.constant 0 : i32
    %dma_start3A_791 = tpu.memref_slice %arg2[%add3A_784, %dma_start3A_790] : memref<8192x8192xf32, #tpu.memory_space<hbm>> -> memref<4x8192xf32, #tpu.memory_space<hbm>>
    %dma_start3A_792 = arith.constant 0 : i32
    %dma_start3A_793 = arith.constant 0 : i32
    %dma_start3A_794 = tpu.memref_slice %arg4[%dma_start3A_785, %dma_start3A_792, %dma_start3A_793] : memref<2x4x8192xf32, #tpu.memory_space<vmem>> -> memref<1x4x8192xf32, #tpu.memory_space<vmem>>
    %dma_start3A_795 = tpu.memref_squeeze %dma_start3A_794 : memref<1x4x8192xf32, #tpu.memory_space<vmem>> -> memref<4x8192xf32, #tpu.memory_space<vmem>>
    %dma_start3A_796 = arith.constant 0 : i32
    %dma_start3A_797 = tpu.memref_slice %arg2[%add3A_784, %dma_start3A_796] : memref<8192x8192xf32, #tpu.memory_space<hbm>> -> memref<4x8192xf32, #tpu.memory_space<hbm>>
    tpu.enqueue_dma source(%dma_start3A_797 : memref<4x8192xf32, #tpu.memory_space<hbm>>) target(%dma_start3A_795 : memref<4x8192xf32, #tpu.memory_space<vmem>>) target_semaphore(%arg7 : memref<!tpu.dma_semaphore, #tpu.memory_space<semaphore_mem>>)
    %dma_wait3A_798 = arith.constant 0 : i32
    %dma_wait3A_799 = arith.constant 0 : i32
    %dma_wait3A_800 = arith.constant 0 : i32
    %dma_wait3A_801 = tpu.memref_slice %arg4[%dma_wait3A_798, %dma_wait3A_799, %dma_wait3A_800] : memref<2x4x8192xf32, #tpu.memory_space<vmem>> -> memref<1x4x8192xf32, #tpu.memory_space<vmem>>
    %dma_wait3A_802 = tpu.memref_squeeze %dma_wait3A_801 : memref<1x4x8192xf32, #tpu.memory_space<vmem>> -> memref<4x8192xf32, #tpu.memory_space<vmem>>
    %dma_wait3A_803 = arith.constant 0 : i32
    %dma_wait3A_804 = tpu.memref_slice %arg2[%add3A_688, %dma_wait3A_803] : memref<8192x8192xf32, #tpu.memory_space<hbm>> -> memref<4x8192xf32, #tpu.memory_space<hbm>>
    %dma_wait3A_805 = arith.constant 0 : i32
    %dma_wait3A_806 = arith.constant 0 : i32
    %dma_wait3A_807 = tpu.memref_slice %arg4[%dma_wait3A_798, %dma_wait3A_805, %dma_wait3A_806] : memref<2x4x8192xf32, #tpu.memory_space<vmem>> -> memref<1x4x8192xf32, #tpu.memory_space<vmem>>
    %dma_wait3A_808 = tpu.memref_squeeze %dma_wait3A_807 : memref<1x4x8192xf32, #tpu.memory_space<vmem>> -> memref<4x8192xf32, #tpu.memory_space<vmem>>
    %dma_wait3A_809 = arith.constant 0 : i32
    %dma_wait3A_810 = tpu.memref_slice %arg2[%add3A_688, %dma_wait3A_809] : memref<8192x8192xf32, #tpu.memory_space<hbm>> -> memref<4x8192xf32, #tpu.memory_space<hbm>>
    tpu.wait_dma2 semaphore(%arg6 : memref<!tpu.dma_semaphore, #tpu.memory_space<semaphore_mem>>) src(%dma_wait3A_810 : memref<4x8192xf32, #tpu.memory_space<hbm>>) dst(%dma_wait3A_808 : memref<4x8192xf32, #tpu.memory_space<vmem>>)
    %broadcast_in_dim3A_811 = arith.constant 0.000000e+00 : f32
    %broadcast_in_dim3A_812 = vector.broadcast %broadcast_in_dim3A_811 : f32 to vector<16xf32>
    %scan3A_813 = arith.constant 0 : i32
    %scan3A_814 = arith.constant 128 : i32
    %scan3A_815 = arith.addi %scan3A_813, %scan3A_814 : i32
    %scan3A_816 = arith.constant 1 : i32
    %scan3A_817:4 = scf.for %scan3A_1538 = %scan3A_813 to %scan3A_815 step %scan3A_816 iter_args(%scan3A_1539 = %broadcast_in_dim3A_812, %scan3A_1540 = %broadcast_in_dim3A_812, %scan3A_1541 = %broadcast_in_dim3A_812, %scan3A_1542 = %broadcast_in_dim3A_812) -> (vector<16xf32>, vector<16xf32>, vector<16xf32>, vector<16xf32>)  : i32 {
      %mul3A_1543 = arith.constant 64 : i32
      %mul3A_1544 = arith.muli %scan3A_1538, %mul3A_1543 : i32
      %get3A = arith.constant 0 : i32
      %get3A_1545 = arith.constant 0 : i32
      %get3A_1546 = arith.index_cast %get3A : i32 to index
      %get3A_1547 = arith.index_cast %get3A_1545 : i32 to index
      %get3A_1548 = arith.index_cast %mul3A_1544 : i32 to index
      %get3A_1549 = tpu.vector_load %arg4[%get3A_1546, %get3A_1547, %get3A_1548] {strides = array<i32>} : memref<2x4x8192xf32, #tpu.memory_space<vmem>>, vector<1x1x16xf32>,
      %get3A_1550 = vector.shape_cast %get3A_1549 : vector<1x1x16xf32> to vector<16xf32>
      %add3A_1551 = arith.addf %scan3A_1539, %get3A_1550 : vector<16xf32>
      %add3A_1552 = arith.constant 16 : i32
      %add3A_1553 = arith.addi %mul3A_1544, %add3A_1552 : i32
      %get3A_1554 = arith.constant 0 : i32
      %get3A_1555 = arith.constant 0 : i32
      %get3A_1556 = arith.index_cast %get3A_1554 : i32 to index
      %get3A_1557 = arith.index_cast %get3A_1555 : i32 to index
      %get3A_1558 = arith.index_cast %add3A_1553 : i32 to index
      %get3A_1559 = tpu.vector_load %arg4[%get3A_1556, %get3A_1557, %get3A_1558] {strides = array<i32>} : memref<2x4x8192xf32, #tpu.memory_space<vmem>>, vector<1x1x16xf32>,
      %get3A_1560 = vector.shape_cast %get3A_1559 : vector<1x1x16xf32> to vector<16xf32>
      %add3A_1561 = arith.addf %scan3A_1540, %get3A_1560 : vector<16xf32>
      %add3A_1562 = arith.constant 32 : i32
      %add3A_1563 = arith.addi %mul3A_1544, %add3A_1562 : i32
      %get3A_1564 = arith.constant 0 : i32
      %get3A_1565 = arith.constant 0 : i32
      %get3A_1566 = arith.index_cast %get3A_1564 : i32 to index
      %get3A_1567 = arith.index_cast %get3A_1565 : i32 to index
      %get3A_1568 = arith.index_cast %add3A_1563 : i32 to index
      %get3A_1569 = tpu.vector_load %arg4[%get3A_1566, %get3A_1567, %get3A_1568] {strides = array<i32>} : memref<2x4x8192xf32, #tpu.memory_space<vmem>>, vector<1x1x16xf32>,
      %get3A_1570 = vector.shape_cast %get3A_1569 : vector<1x1x16xf32> to vector<16xf32>
      %add3A_1571 = arith.addf %scan3A_1541, %get3A_1570 : vector<16xf32>
      %add3A_1572 = arith.constant 48 : i32
      %add3A_1573 = arith.addi %mul3A_1544, %add3A_1572 : i32
      %get3A_1574 = arith.constant 0 : i32
      %get3A_1575 = arith.constant 0 : i32
      %get3A_1576 = arith.index_cast %get3A_1574 : i32 to index
      %get3A_1577 = arith.index_cast %get3A_1575 : i32 to index
      %get3A_1578 = arith.index_cast %add3A_1573 : i32 to index
      %get3A_1579 = tpu.vector_load %arg4[%get3A_1576, %get3A_1577, %get3A_1578] {strides = array<i32>} : memref<2x4x8192xf32, #tpu.memory_space<vmem>>, vector<1x1x16xf32>,
      %get3A_1580 = vector.shape_cast %get3A_1579 : vector<1x1x16xf32> to vector<16xf32>
      %add3A_1581 = arith.addf %scan3A_1542, %get3A_1580 : vector<16xf32>
      scf.yield %add3A_1551, %add3A_1561, %add3A_1571, %add3A_1581 : vector<16xf32>, vector<16xf32>, vector<16xf32>, vector<16xf32>
    }
    %scan3A_818 = arith.constant 128 : i32
    %add3A_819 = arith.addf %scan3A_817#0, %scan3A_817#1 : vector<16xf32>
    %add3A_820 = arith.addf %scan3A_817#2, %scan3A_817#3 : vector<16xf32>
    %add3A_821 = arith.addf %add3A_819, %add3A_820 : vector<16xf32>
    %swap3A_822 = arith.constant 32 : i32
    %swap3A_823 = arith.index_cast %swap3A_822 : i32 to index
    %swap3A_824 = arith.constant 0 : index
    %swap3A_825 = tpu.vector_load %arg5[%swap3A_823, %swap3A_824] {strides = array<i32>} : memref<64x16xf32, #tpu.memory_space<vmem>>, vector<1x16xf32>,
    %swap3A_826 = vector.shape_cast %swap3A_825 : vector<1x16xf32> to vector<16xf32>
    %swap3A_827 = vector.shape_cast %add3A_821 : vector<16xf32> to vector<1x16xf32>
    tpu.vector_store %arg5[%swap3A_823, %swap3A_824], %swap3A_827 {strides = array<i32>} : memref<64x16xf32, #tpu.memory_space<vmem>>, vector<1x16xf32>,
    %broadcast_in_dim3A_828 = arith.constant 0.000000e+00 : f32
    %broadcast_in_dim3A_829 = vector.broadcast %broadcast_in_dim3A_828 : f32 to vector<16xf32>
    %scan3A_830 = arith.constant 0 : i32
    %scan3A_831 = arith.constant 128 : i32
    %scan3A_832 = arith.addi %scan3A_830, %scan3A_831 : i32
    %scan3A_833 = arith.constant 1 : i32
    %scan3A_834:4 = scf.for %scan3A_1538 = %scan3A_830 to %scan3A_832 step %scan3A_833 iter_args(%scan3A_1539 = %broadcast_in_dim3A_829, %scan3A_1540 = %broadcast_in_dim3A_829, %scan3A_1541 = %broadcast_in_dim3A_829, %scan3A_1542 = %broadcast_in_dim3A_829) -> (vector<16xf32>, vector<16xf32>, vector<16xf32>, vector<16xf32>)  : i32 {
      %mul3A_1543 = arith.constant 64 : i32
      %mul3A_1544 = arith.muli %scan3A_1538, %mul3A_1543 : i32
      %get3A = arith.constant 0 : i32
      %get3A_1545 = arith.constant 1 : i32
      %get3A_1546 = arith.index_cast %get3A : i32 to index
      %get3A_1547 = arith.index_cast %get3A_1545 : i32 to index
      %get3A_1548 = arith.index_cast %mul3A_1544 : i32 to index
      %get3A_1549 = tpu.vector_load %arg4[%get3A_1546, %get3A_1547, %get3A_1548] {strides = array<i32>} : memref<2x4x8192xf32, #tpu.memory_space<vmem>>, vector<1x1x16xf32>,
      %get3A_1550 = vector.shape_cast %get3A_1549 : vector<1x1x16xf32> to vector<16xf32>
      %add3A_1551 = arith.addf %scan3A_1539, %get3A_1550 : vector<16xf32>
      %add3A_1552 = arith.constant 16 : i32
      %add3A_1553 = arith.addi %mul3A_1544, %add3A_1552 : i32
      %get3A_1554 = arith.constant 0 : i32
      %get3A_1555 = arith.constant 1 : i32
      %get3A_1556 = arith.index_cast %get3A_1554 : i32 to index
      %get3A_1557 = arith.index_cast %get3A_1555 : i32 to index
      %get3A_1558 = arith.index_cast %add3A_1553 : i32 to index
      %get3A_1559 = tpu.vector_load %arg4[%get3A_1556, %get3A_1557, %get3A_1558] {strides = array<i32>} : memref<2x4x8192xf32, #tpu.memory_space<vmem>>, vector<1x1x16xf32>,
      %get3A_1560 = vector.shape_cast %get3A_1559 : vector<1x1x16xf32> to vector<16xf32>
      %add3A_1561 = arith.addf %scan3A_1540, %get3A_1560 : vector<16xf32>
      %add3A_1562 = arith.constant 32 : i32
      %add3A_1563 = arith.addi %mul3A_1544, %add3A_1562 : i32
      %get3A_1564 = arith.constant 0 : i32
      %get3A_1565 = arith.constant 1 : i32
      %get3A_1566 = arith.index_cast %get3A_1564 : i32 to index
      %get3A_1567 = arith.index_cast %get3A_1565 : i32 to index
      %get3A_1568 = arith.index_cast %add3A_1563 : i32 to index
      %get3A_1569 = tpu.vector_load %arg4[%get3A_1566, %get3A_1567, %get3A_1568] {strides = array<i32>} : memref<2x4x8192xf32, #tpu.memory_space<vmem>>, vector<1x1x16xf32>,
      %get3A_1570 = vector.shape_cast %get3A_1569 : vector<1x1x16xf32> to vector<16xf32>
      %add3A_1571 = arith.addf %scan3A_1541, %get3A_1570 : vector<16xf32>
      %add3A_1572 = arith.constant 48 : i32
      %add3A_1573 = arith.addi %mul3A_1544, %add3A_1572 : i32
      %get3A_1574 = arith.constant 0 : i32
      %get3A_1575 = arith.constant 1 : i32
      %get3A_1576 = arith.index_cast %get3A_1574 : i32 to index
      %get3A_1577 = arith.index_cast %get3A_1575 : i32 to index
      %get3A_1578 = arith.index_cast %add3A_1573 : i32 to index
      %get3A_1579 = tpu.vector_load %arg4[%get3A_1576, %get3A_1577, %get3A_1578] {strides = array<i32>} : memref<2x4x8192xf32, #tpu.memory_space<vmem>>, vector<1x1x16xf32>,
      %get3A_1580 = vector.shape_cast %get3A_1579 : vector<1x1x16xf32> to vector<16xf32>
      %add3A_1581 = arith.addf %scan3A_1542, %get3A_1580 : vector<16xf32>
      scf.yield %add3A_1551, %add3A_1561, %add3A_1571, %add3A_1581 : vector<16xf32>, vector<16xf32>, vector<16xf32>, vector<16xf32>
    }
    %scan3A_835 = arith.constant 128 : i32
    %add3A_836 = arith.addf %scan3A_834#0, %scan3A_834#1 : vector<16xf32>
    %add3A_837 = arith.addf %scan3A_834#2, %scan3A_834#3 : vector<16xf32>
    %add3A_838 = arith.addf %add3A_836, %add3A_837 : vector<16xf32>
    %swap3A_839 = arith.constant 33 : i32
    %swap3A_840 = arith.index_cast %swap3A_839 : i32 to index
    %swap3A_841 = arith.constant 0 : index
    %swap3A_842 = tpu.vector_load %arg5[%swap3A_840, %swap3A_841] {strides = array<i32>} : memref<64x16xf32, #tpu.memory_space<vmem>>, vector<1x16xf32>,
    %swap3A_843 = vector.shape_cast %swap3A_842 : vector<1x16xf32> to vector<16xf32>
    %swap3A_844 = vector.shape_cast %add3A_838 : vector<16xf32> to vector<1x16xf32>
    tpu.vector_store %arg5[%swap3A_840, %swap3A_841], %swap3A_844 {strides = array<i32>} : memref<64x16xf32, #tpu.memory_space<vmem>>, vector<1x16xf32>,
    %broadcast_in_dim3A_845 = arith.constant 0.000000e+00 : f32
    %broadcast_in_dim3A_846 = vector.broadcast %broadcast_in_dim3A_845 : f32 to vector<16xf32>
    %scan3A_847 = arith.constant 0 : i32
    %scan3A_848 = arith.constant 128 : i32
    %scan3A_849 = arith.addi %scan3A_847, %scan3A_848 : i32
    %scan3A_850 = arith.constant 1 : i32
    %scan3A_851:4 = scf.for %scan3A_1538 = %scan3A_847 to %scan3A_849 step %scan3A_850 iter_args(%scan3A_1539 = %broadcast_in_dim3A_846, %scan3A_1540 = %broadcast_in_dim3A_846, %scan3A_1541 = %broadcast_in_dim3A_846, %scan3A_1542 = %broadcast_in_dim3A_846) -> (vector<16xf32>, vector<16xf32>, vector<16xf32>, vector<16xf32>)  : i32 {
      %mul3A_1543 = arith.constant 64 : i32
      %mul3A_1544 = arith.muli %scan3A_1538, %mul3A_1543 : i32
      %get3A = arith.constant 0 : i32
      %get3A_1545 = arith.constant 2 : i32
      %get3A_1546 = arith.index_cast %get3A : i32 to index
      %get3A_1547 = arith.index_cast %get3A_1545 : i32 to index
      %get3A_1548 = arith.index_cast %mul3A_1544 : i32 to index
      %get3A_1549 = tpu.vector_load %arg4[%get3A_1546, %get3A_1547, %get3A_1548] {strides = array<i32>} : memref<2x4x8192xf32, #tpu.memory_space<vmem>>, vector<1x1x16xf32>,
      %get3A_1550 = vector.shape_cast %get3A_1549 : vector<1x1x16xf32> to vector<16xf32>
      %add3A_1551 = arith.addf %scan3A_1539, %get3A_1550 : vector<16xf32>
      %add3A_1552 = arith.constant 16 : i32
      %add3A_1553 = arith.addi %mul3A_1544, %add3A_1552 : i32
      %get3A_1554 = arith.constant 0 : i32
      %get3A_1555 = arith.constant 2 : i32
      %get3A_1556 = arith.index_cast %get3A_1554 : i32 to index
      %get3A_1557 = arith.index_cast %get3A_1555 : i32 to index
      %get3A_1558 = arith.index_cast %add3A_1553 : i32 to index
      %get3A_1559 = tpu.vector_load %arg4[%get3A_1556, %get3A_1557, %get3A_1558] {strides = array<i32>} : memref<2x4x8192xf32, #tpu.memory_space<vmem>>, vector<1x1x16xf32>,
      %get3A_1560 = vector.shape_cast %get3A_1559 : vector<1x1x16xf32> to vector<16xf32>
      %add3A_1561 = arith.addf %scan3A_1540, %get3A_1560 : vector<16xf32>
      %add3A_1562 = arith.constant 32 : i32
      %add3A_1563 = arith.addi %mul3A_1544, %add3A_1562 : i32
      %get3A_1564 = arith.constant 0 : i32
      %get3A_1565 = arith.constant 2 : i32
      %get3A_1566 = arith.index_cast %get3A_1564 : i32 to index
      %get3A_1567 = arith.index_cast %get3A_1565 : i32 to index
      %get3A_1568 = arith.index_cast %add3A_1563 : i32 to index
      %get3A_1569 = tpu.vector_load %arg4[%get3A_1566, %get3A_1567, %get3A_1568] {strides = array<i32>} : memref<2x4x8192xf32, #tpu.memory_space<vmem>>, vector<1x1x16xf32>,
      %get3A_1570 = vector.shape_cast %get3A_1569 : vector<1x1x16xf32> to vector<16xf32>
      %add3A_1571 = arith.addf %scan3A_1541, %get3A_1570 : vector<16xf32>
      %add3A_1572 = arith.constant 48 : i32
      %add3A_1573 = arith.addi %mul3A_1544, %add3A_1572 : i32
      %get3A_1574 = arith.constant 0 : i32
      %get3A_1575 = arith.constant 2 : i32
      %get3A_1576 = arith.index_cast %get3A_1574 : i32 to index
      %get3A_1577 = arith.index_cast %get3A_1575 : i32 to index
      %get3A_1578 = arith.index_cast %add3A_1573 : i32 to index
      %get3A_1579 = tpu.vector_load %arg4[%get3A_1576, %get3A_1577, %get3A_1578] {strides = array<i32>} : memref<2x4x8192xf32, #tpu.memory_space<vmem>>, vector<1x1x16xf32>,
      %get3A_1580 = vector.shape_cast %get3A_1579 : vector<1x1x16xf32> to vector<16xf32>
      %add3A_1581 = arith.addf %scan3A_1542, %get3A_1580 : vector<16xf32>
      scf.yield %add3A_1551, %add3A_1561, %add3A_1571, %add3A_1581 : vector<16xf32>, vector<16xf32>, vector<16xf32>, vector<16xf32>
    }
    %scan3A_852 = arith.constant 128 : i32
    %add3A_853 = arith.addf %scan3A_851#0, %scan3A_851#1 : vector<16xf32>
    %add3A_854 = arith.addf %scan3A_851#2, %scan3A_851#3 : vector<16xf32>
    %add3A_855 = arith.addf %add3A_853, %add3A_854 : vector<16xf32>
    %swap3A_856 = arith.constant 34 : i32
    %swap3A_857 = arith.index_cast %swap3A_856 : i32 to index
    %swap3A_858 = arith.constant 0 : index
    %swap3A_859 = tpu.vector_load %arg5[%swap3A_857, %swap3A_858] {strides = array<i32>} : memref<64x16xf32, #tpu.memory_space<vmem>>, vector<1x16xf32>,
    %swap3A_860 = vector.shape_cast %swap3A_859 : vector<1x16xf32> to vector<16xf32>
    %swap3A_861 = vector.shape_cast %add3A_855 : vector<16xf32> to vector<1x16xf32>
    tpu.vector_store %arg5[%swap3A_857, %swap3A_858], %swap3A_861 {strides = array<i32>} : memref<64x16xf32, #tpu.memory_space<vmem>>, vector<1x16xf32>,
    %broadcast_in_dim3A_862 = arith.constant 0.000000e+00 : f32
    %broadcast_in_dim3A_863 = vector.broadcast %broadcast_in_dim3A_862 : f32 to vector<16xf32>
    %scan3A_864 = arith.constant 0 : i32
    %scan3A_865 = arith.constant 128 : i32
    %scan3A_866 = arith.addi %scan3A_864, %scan3A_865 : i32
    %scan3A_867 = arith.constant 1 : i32
    %scan3A_868:4 = scf.for %scan3A_1538 = %scan3A_864 to %scan3A_866 step %scan3A_867 iter_args(%scan3A_1539 = %broadcast_in_dim3A_863, %scan3A_1540 = %broadcast_in_dim3A_863, %scan3A_1541 = %broadcast_in_dim3A_863, %scan3A_1542 = %broadcast_in_dim3A_863) -> (vector<16xf32>, vector<16xf32>, vector<16xf32>, vector<16xf32>)  : i32 {
      %mul3A_1543 = arith.constant 64 : i32
      %mul3A_1544 = arith.muli %scan3A_1538, %mul3A_1543 : i32
      %get3A = arith.constant 0 : i32
      %get3A_1545 = arith.constant 3 : i32
      %get3A_1546 = arith.index_cast %get3A : i32 to index
      %get3A_1547 = arith.index_cast %get3A_1545 : i32 to index
      %get3A_1548 = arith.index_cast %mul3A_1544 : i32 to index
      %get3A_1549 = tpu.vector_load %arg4[%get3A_1546, %get3A_1547, %get3A_1548] {strides = array<i32>} : memref<2x4x8192xf32, #tpu.memory_space<vmem>>, vector<1x1x16xf32>,
      %get3A_1550 = vector.shape_cast %get3A_1549 : vector<1x1x16xf32> to vector<16xf32>
      %add3A_1551 = arith.addf %scan3A_1539, %get3A_1550 : vector<16xf32>
      %add3A_1552 = arith.constant 16 : i32
      %add3A_1553 = arith.addi %mul3A_1544, %add3A_1552 : i32
      %get3A_1554 = arith.constant 0 : i32
      %get3A_1555 = arith.constant 3 : i32
      %get3A_1556 = arith.index_cast %get3A_1554 : i32 to index
      %get3A_1557 = arith.index_cast %get3A_1555 : i32 to index
      %get3A_1558 = arith.index_cast %add3A_1553 : i32 to index
      %get3A_1559 = tpu.vector_load %arg4[%get3A_1556, %get3A_1557, %get3A_1558] {strides = array<i32>} : memref<2x4x8192xf32, #tpu.memory_space<vmem>>, vector<1x1x16xf32>,
      %get3A_1560 = vector.shape_cast %get3A_1559 : vector<1x1x16xf32> to vector<16xf32>
      %add3A_1561 = arith.addf %scan3A_1540, %get3A_1560 : vector<16xf32>
      %add3A_1562 = arith.constant 32 : i32
      %add3A_1563 = arith.addi %mul3A_1544, %add3A_1562 : i32
      %get3A_1564 = arith.constant 0 : i32
      %get3A_1565 = arith.constant 3 : i32
      %get3A_1566 = arith.index_cast %get3A_1564 : i32 to index
      %get3A_1567 = arith.index_cast %get3A_1565 : i32 to index
      %get3A_1568 = arith.index_cast %add3A_1563 : i32 to index
      %get3A_1569 = tpu.vector_load %arg4[%get3A_1566, %get3A_1567, %get3A_1568] {strides = array<i32>} : memref<2x4x8192xf32, #tpu.memory_space<vmem>>, vector<1x1x16xf32>,
      %get3A_1570 = vector.shape_cast %get3A_1569 : vector<1x1x16xf32> to vector<16xf32>
      %add3A_1571 = arith.addf %scan3A_1541, %get3A_1570 : vector<16xf32>
      %add3A_1572 = arith.constant 48 : i32
      %add3A_1573 = arith.addi %mul3A_1544, %add3A_1572 : i32
      %get3A_1574 = arith.constant 0 : i32
      %get3A_1575 = arith.constant 3 : i32
      %get3A_1576 = arith.index_cast %get3A_1574 : i32 to index
      %get3A_1577 = arith.index_cast %get3A_1575 : i32 to index
      %get3A_1578 = arith.index_cast %add3A_1573 : i32 to index
      %get3A_1579 = tpu.vector_load %arg4[%get3A_1576, %get3A_1577, %get3A_1578] {strides = array<i32>} : memref<2x4x8192xf32, #tpu.memory_space<vmem>>, vector<1x1x16xf32>,
      %get3A_1580 = vector.shape_cast %get3A_1579 : vector<1x1x16xf32> to vector<16xf32>
      %add3A_1581 = arith.addf %scan3A_1542, %get3A_1580 : vector<16xf32>
      scf.yield %add3A_1551, %add3A_1561, %add3A_1571, %add3A_1581 : vector<16xf32>, vector<16xf32>, vector<16xf32>, vector<16xf32>
    }
    %scan3A_869 = arith.constant 128 : i32
    %add3A_870 = arith.addf %scan3A_868#0, %scan3A_868#1 : vector<16xf32>
    %add3A_871 = arith.addf %scan3A_868#2, %scan3A_868#3 : vector<16xf32>
    %add3A_872 = arith.addf %add3A_870, %add3A_871 : vector<16xf32>
    %swap3A_873 = arith.constant 35 : i32
    %swap3A_874 = arith.index_cast %swap3A_873 : i32 to index
    %swap3A_875 = arith.constant 0 : index
    %swap3A_876 = tpu.vector_load %arg5[%swap3A_874, %swap3A_875] {strides = array<i32>} : memref<64x16xf32, #tpu.memory_space<vmem>>, vector<1x16xf32>,
    %swap3A_877 = vector.shape_cast %swap3A_876 : vector<1x16xf32> to vector<16xf32>
    %swap3A_878 = vector.shape_cast %add3A_872 : vector<16xf32> to vector<1x16xf32>
    tpu.vector_store %arg5[%swap3A_874, %swap3A_875], %swap3A_878 {strides = array<i32>} : memref<64x16xf32, #tpu.memory_space<vmem>>, vector<1x16xf32>,
    %add3A_879 = arith.constant 40 : i32
    %add3A_880 = arith.addi %add3A_4, %add3A_879 : i32
    %dma_start3A_881 = arith.constant 0 : i32
    %dma_start3A_882 = arith.constant 0 : i32
    %dma_start3A_883 = arith.constant 0 : i32
    %dma_start3A_884 = tpu.memref_slice %arg4[%dma_start3A_881, %dma_start3A_882, %dma_start3A_883] : memref<2x4x8192xf32, #tpu.memory_space<vmem>> -> memref<1x4x8192xf32, #tpu.memory_space<vmem>>
    %dma_start3A_885 = tpu.memref_squeeze %dma_start3A_884 : memref<1x4x8192xf32, #tpu.memory_space<vmem>> -> memref<4x8192xf32, #tpu.memory_space<vmem>>
    %dma_start3A_886 = arith.constant 0 : i32
    %dma_start3A_887 = tpu.memref_slice %arg2[%add3A_880, %dma_start3A_886] : memref<8192x8192xf32, #tpu.memory_space<hbm>> -> memref<4x8192xf32, #tpu.memory_space<hbm>>
    %dma_start3A_888 = arith.constant 0 : i32
    %dma_start3A_889 = arith.constant 0 : i32
    %dma_start3A_890 = tpu.memref_slice %arg4[%dma_start3A_881, %dma_start3A_888, %dma_start3A_889] : memref<2x4x8192xf32, #tpu.memory_space<vmem>> -> memref<1x4x8192xf32, #tpu.memory_space<vmem>>
    %dma_start3A_891 = tpu.memref_squeeze %dma_start3A_890 : memref<1x4x8192xf32, #tpu.memory_space<vmem>> -> memref<4x8192xf32, #tpu.memory_space<vmem>>
    %dma_start3A_892 = arith.constant 0 : i32
    %dma_start3A_893 = tpu.memref_slice %arg2[%add3A_880, %dma_start3A_892] : memref<8192x8192xf32, #tpu.memory_space<hbm>> -> memref<4x8192xf32, #tpu.memory_space<hbm>>
    tpu.enqueue_dma source(%dma_start3A_893 : memref<4x8192xf32, #tpu.memory_space<hbm>>) target(%dma_start3A_891 : memref<4x8192xf32, #tpu.memory_space<vmem>>) target_semaphore(%arg6 : memref<!tpu.dma_semaphore, #tpu.memory_space<semaphore_mem>>)
    %dma_wait3A_894 = arith.constant 1 : i32
    %dma_wait3A_895 = arith.constant 0 : i32
    %dma_wait3A_896 = arith.constant 0 : i32
    %dma_wait3A_897 = tpu.memref_slice %arg4[%dma_wait3A_894, %dma_wait3A_895, %dma_wait3A_896] : memref<2x4x8192xf32, #tpu.memory_space<vmem>> -> memref<1x4x8192xf32, #tpu.memory_space<vmem>>
    %dma_wait3A_898 = tpu.memref_squeeze %dma_wait3A_897 : memref<1x4x8192xf32, #tpu.memory_space<vmem>> -> memref<4x8192xf32, #tpu.memory_space<vmem>>
    %dma_wait3A_899 = arith.constant 0 : i32
    %dma_wait3A_900 = tpu.memref_slice %arg2[%add3A_784, %dma_wait3A_899] : memref<8192x8192xf32, #tpu.memory_space<hbm>> -> memref<4x8192xf32, #tpu.memory_space<hbm>>
    %dma_wait3A_901 = arith.constant 0 : i32
    %dma_wait3A_902 = arith.constant 0 : i32
    %dma_wait3A_903 = tpu.memref_slice %arg4[%dma_wait3A_894, %dma_wait3A_901, %dma_wait3A_902] : memref<2x4x8192xf32, #tpu.memory_space<vmem>> -> memref<1x4x8192xf32, #tpu.memory_space<vmem>>
    %dma_wait3A_904 = tpu.memref_squeeze %dma_wait3A_903 : memref<1x4x8192xf32, #tpu.memory_space<vmem>> -> memref<4x8192xf32, #tpu.memory_space<vmem>>
    %dma_wait3A_905 = arith.constant 0 : i32
    %dma_wait3A_906 = tpu.memref_slice %arg2[%add3A_784, %dma_wait3A_905] : memref<8192x8192xf32, #tpu.memory_space<hbm>> -> memref<4x8192xf32, #tpu.memory_space<hbm>>
    tpu.wait_dma2 semaphore(%arg7 : memref<!tpu.dma_semaphore, #tpu.memory_space<semaphore_mem>>) src(%dma_wait3A_906 : memref<4x8192xf32, #tpu.memory_space<hbm>>) dst(%dma_wait3A_904 : memref<4x8192xf32, #tpu.memory_space<vmem>>)
    %broadcast_in_dim3A_907 = arith.constant 0.000000e+00 : f32
    %broadcast_in_dim3A_908 = vector.broadcast %broadcast_in_dim3A_907 : f32 to vector<16xf32>
    %scan3A_909 = arith.constant 0 : i32
    %scan3A_910 = arith.constant 128 : i32
    %scan3A_911 = arith.addi %scan3A_909, %scan3A_910 : i32
    %scan3A_912 = arith.constant 1 : i32
    %scan3A_913:4 = scf.for %scan3A_1538 = %scan3A_909 to %scan3A_911 step %scan3A_912 iter_args(%scan3A_1539 = %broadcast_in_dim3A_908, %scan3A_1540 = %broadcast_in_dim3A_908, %scan3A_1541 = %broadcast_in_dim3A_908, %scan3A_1542 = %broadcast_in_dim3A_908) -> (vector<16xf32>, vector<16xf32>, vector<16xf32>, vector<16xf32>)  : i32 {
      %mul3A_1543 = arith.constant 64 : i32
      %mul3A_1544 = arith.muli %scan3A_1538, %mul3A_1543 : i32
      %get3A = arith.constant 1 : i32
      %get3A_1545 = arith.constant 0 : i32
      %get3A_1546 = arith.index_cast %get3A : i32 to index
      %get3A_1547 = arith.index_cast %get3A_1545 : i32 to index
      %get3A_1548 = arith.index_cast %mul3A_1544 : i32 to index
      %get3A_1549 = tpu.vector_load %arg4[%get3A_1546, %get3A_1547, %get3A_1548] {strides = array<i32>} : memref<2x4x8192xf32, #tpu.memory_space<vmem>>, vector<1x1x16xf32>,
      %get3A_1550 = vector.shape_cast %get3A_1549 : vector<1x1x16xf32> to vector<16xf32>
      %add3A_1551 = arith.addf %scan3A_1539, %get3A_1550 : vector<16xf32>
      %add3A_1552 = arith.constant 16 : i32
      %add3A_1553 = arith.addi %mul3A_1544, %add3A_1552 : i32
      %get3A_1554 = arith.constant 1 : i32
      %get3A_1555 = arith.constant 0 : i32
      %get3A_1556 = arith.index_cast %get3A_1554 : i32 to index
      %get3A_1557 = arith.index_cast %get3A_1555 : i32 to index
      %get3A_1558 = arith.index_cast %add3A_1553 : i32 to index
      %get3A_1559 = tpu.vector_load %arg4[%get3A_1556, %get3A_1557, %get3A_1558] {strides = array<i32>} : memref<2x4x8192xf32, #tpu.memory_space<vmem>>, vector<1x1x16xf32>,
      %get3A_1560 = vector.shape_cast %get3A_1559 : vector<1x1x16xf32> to vector<16xf32>
      %add3A_1561 = arith.addf %scan3A_1540, %get3A_1560 : vector<16xf32>
      %add3A_1562 = arith.constant 32 : i32
      %add3A_1563 = arith.addi %mul3A_1544, %add3A_1562 : i32
      %get3A_1564 = arith.constant 1 : i32
      %get3A_1565 = arith.constant 0 : i32
      %get3A_1566 = arith.index_cast %get3A_1564 : i32 to index
      %get3A_1567 = arith.index_cast %get3A_1565 : i32 to index
      %get3A_1568 = arith.index_cast %add3A_1563 : i32 to index
      %get3A_1569 = tpu.vector_load %arg4[%get3A_1566, %get3A_1567, %get3A_1568] {strides = array<i32>} : memref<2x4x8192xf32, #tpu.memory_space<vmem>>, vector<1x1x16xf32>,
      %get3A_1570 = vector.shape_cast %get3A_1569 : vector<1x1x16xf32> to vector<16xf32>
      %add3A_1571 = arith.addf %scan3A_1541, %get3A_1570 : vector<16xf32>
      %add3A_1572 = arith.constant 48 : i32
      %add3A_1573 = arith.addi %mul3A_1544, %add3A_1572 : i32
      %get3A_1574 = arith.constant 1 : i32
      %get3A_1575 = arith.constant 0 : i32
      %get3A_1576 = arith.index_cast %get3A_1574 : i32 to index
      %get3A_1577 = arith.index_cast %get3A_1575 : i32 to index
      %get3A_1578 = arith.index_cast %add3A_1573 : i32 to index
      %get3A_1579 = tpu.vector_load %arg4[%get3A_1576, %get3A_1577, %get3A_1578] {strides = array<i32>} : memref<2x4x8192xf32, #tpu.memory_space<vmem>>, vector<1x1x16xf32>,
      %get3A_1580 = vector.shape_cast %get3A_1579 : vector<1x1x16xf32> to vector<16xf32>
      %add3A_1581 = arith.addf %scan3A_1542, %get3A_1580 : vector<16xf32>
      scf.yield %add3A_1551, %add3A_1561, %add3A_1571, %add3A_1581 : vector<16xf32>, vector<16xf32>, vector<16xf32>, vector<16xf32>
    }
    %scan3A_914 = arith.constant 128 : i32
    %add3A_915 = arith.addf %scan3A_913#0, %scan3A_913#1 : vector<16xf32>
    %add3A_916 = arith.addf %scan3A_913#2, %scan3A_913#3 : vector<16xf32>
    %add3A_917 = arith.addf %add3A_915, %add3A_916 : vector<16xf32>
    %swap3A_918 = arith.constant 36 : i32
    %swap3A_919 = arith.index_cast %swap3A_918 : i32 to index
    %swap3A_920 = arith.constant 0 : index
    %swap3A_921 = tpu.vector_load %arg5[%swap3A_919, %swap3A_920] {strides = array<i32>} : memref<64x16xf32, #tpu.memory_space<vmem>>, vector<1x16xf32>,
    %swap3A_922 = vector.shape_cast %swap3A_921 : vector<1x16xf32> to vector<16xf32>
    %swap3A_923 = vector.shape_cast %add3A_917 : vector<16xf32> to vector<1x16xf32>
    tpu.vector_store %arg5[%swap3A_919, %swap3A_920], %swap3A_923 {strides = array<i32>} : memref<64x16xf32, #tpu.memory_space<vmem>>, vector<1x16xf32>,
    %broadcast_in_dim3A_924 = arith.constant 0.000000e+00 : f32
    %broadcast_in_dim3A_925 = vector.broadcast %broadcast_in_dim3A_924 : f32 to vector<16xf32>
    %scan3A_926 = arith.constant 0 : i32
    %scan3A_927 = arith.constant 128 : i32
    %scan3A_928 = arith.addi %scan3A_926, %scan3A_927 : i32
    %scan3A_929 = arith.constant 1 : i32
    %scan3A_930:4 = scf.for %scan3A_1538 = %scan3A_926 to %scan3A_928 step %scan3A_929 iter_args(%scan3A_1539 = %broadcast_in_dim3A_925, %scan3A_1540 = %broadcast_in_dim3A_925, %scan3A_1541 = %broadcast_in_dim3A_925, %scan3A_1542 = %broadcast_in_dim3A_925) -> (vector<16xf32>, vector<16xf32>, vector<16xf32>, vector<16xf32>)  : i32 {
      %mul3A_1543 = arith.constant 64 : i32
      %mul3A_1544 = arith.muli %scan3A_1538, %mul3A_1543 : i32
      %get3A = arith.constant 1 : i32
      %get3A_1545 = arith.constant 1 : i32
      %get3A_1546 = arith.index_cast %get3A : i32 to index
      %get3A_1547 = arith.index_cast %get3A_1545 : i32 to index
      %get3A_1548 = arith.index_cast %mul3A_1544 : i32 to index
      %get3A_1549 = tpu.vector_load %arg4[%get3A_1546, %get3A_1547, %get3A_1548] {strides = array<i32>} : memref<2x4x8192xf32, #tpu.memory_space<vmem>>, vector<1x1x16xf32>,
      %get3A_1550 = vector.shape_cast %get3A_1549 : vector<1x1x16xf32> to vector<16xf32>
      %add3A_1551 = arith.addf %scan3A_1539, %get3A_1550 : vector<16xf32>
      %add3A_1552 = arith.constant 16 : i32
      %add3A_1553 = arith.addi %mul3A_1544, %add3A_1552 : i32
      %get3A_1554 = arith.constant 1 : i32
      %get3A_1555 = arith.constant 1 : i32
      %get3A_1556 = arith.index_cast %get3A_1554 : i32 to index
      %get3A_1557 = arith.index_cast %get3A_1555 : i32 to index
      %get3A_1558 = arith.index_cast %add3A_1553 : i32 to index
      %get3A_1559 = tpu.vector_load %arg4[%get3A_1556, %get3A_1557, %get3A_1558] {strides = array<i32>} : memref<2x4x8192xf32, #tpu.memory_space<vmem>>, vector<1x1x16xf32>,
      %get3A_1560 = vector.shape_cast %get3A_1559 : vector<1x1x16xf32> to vector<16xf32>
      %add3A_1561 = arith.addf %scan3A_1540, %get3A_1560 : vector<16xf32>
      %add3A_1562 = arith.constant 32 : i32
      %add3A_1563 = arith.addi %mul3A_1544, %add3A_1562 : i32
      %get3A_1564 = arith.constant 1 : i32
      %get3A_1565 = arith.constant 1 : i32
      %get3A_1566 = arith.index_cast %get3A_1564 : i32 to index
      %get3A_1567 = arith.index_cast %get3A_1565 : i32 to index
      %get3A_1568 = arith.index_cast %add3A_1563 : i32 to index
      %get3A_1569 = tpu.vector_load %arg4[%get3A_1566, %get3A_1567, %get3A_1568] {strides = array<i32>} : memref<2x4x8192xf32, #tpu.memory_space<vmem>>, vector<1x1x16xf32>,
      %get3A_1570 = vector.shape_cast %get3A_1569 : vector<1x1x16xf32> to vector<16xf32>
      %add3A_1571 = arith.addf %scan3A_1541, %get3A_1570 : vector<16xf32>
      %add3A_1572 = arith.constant 48 : i32
      %add3A_1573 = arith.addi %mul3A_1544, %add3A_1572 : i32
      %get3A_1574 = arith.constant 1 : i32
      %get3A_1575 = arith.constant 1 : i32
      %get3A_1576 = arith.index_cast %get3A_1574 : i32 to index
      %get3A_1577 = arith.index_cast %get3A_1575 : i32 to index
      %get3A_1578 = arith.index_cast %add3A_1573 : i32 to index
      %get3A_1579 = tpu.vector_load %arg4[%get3A_1576, %get3A_1577, %get3A_1578] {strides = array<i32>} : memref<2x4x8192xf32, #tpu.memory_space<vmem>>, vector<1x1x16xf32>,
      %get3A_1580 = vector.shape_cast %get3A_1579 : vector<1x1x16xf32> to vector<16xf32>
      %add3A_1581 = arith.addf %scan3A_1542, %get3A_1580 : vector<16xf32>
      scf.yield %add3A_1551, %add3A_1561, %add3A_1571, %add3A_1581 : vector<16xf32>, vector<16xf32>, vector<16xf32>, vector<16xf32>
    }
    %scan3A_931 = arith.constant 128 : i32
    %add3A_932 = arith.addf %scan3A_930#0, %scan3A_930#1 : vector<16xf32>
    %add3A_933 = arith.addf %scan3A_930#2, %scan3A_930#3 : vector<16xf32>
    %add3A_934 = arith.addf %add3A_932, %add3A_933 : vector<16xf32>
    %swap3A_935 = arith.constant 37 : i32
    %swap3A_936 = arith.index_cast %swap3A_935 : i32 to index
    %swap3A_937 = arith.constant 0 : index
    %swap3A_938 = tpu.vector_load %arg5[%swap3A_936, %swap3A_937] {strides = array<i32>} : memref<64x16xf32, #tpu.memory_space<vmem>>, vector<1x16xf32>,
    %swap3A_939 = vector.shape_cast %swap3A_938 : vector<1x16xf32> to vector<16xf32>
    %swap3A_940 = vector.shape_cast %add3A_934 : vector<16xf32> to vector<1x16xf32>
    tpu.vector_store %arg5[%swap3A_936, %swap3A_937], %swap3A_940 {strides = array<i32>} : memref<64x16xf32, #tpu.memory_space<vmem>>, vector<1x16xf32>,
    %broadcast_in_dim3A_941 = arith.constant 0.000000e+00 : f32
    %broadcast_in_dim3A_942 = vector.broadcast %broadcast_in_dim3A_941 : f32 to vector<16xf32>
    %scan3A_943 = arith.constant 0 : i32
    %scan3A_944 = arith.constant 128 : i32
    %scan3A_945 = arith.addi %scan3A_943, %scan3A_944 : i32
    %scan3A_946 = arith.constant 1 : i32
    %scan3A_947:4 = scf.for %scan3A_1538 = %scan3A_943 to %scan3A_945 step %scan3A_946 iter_args(%scan3A_1539 = %broadcast_in_dim3A_942, %scan3A_1540 = %broadcast_in_dim3A_942, %scan3A_1541 = %broadcast_in_dim3A_942, %scan3A_1542 = %broadcast_in_dim3A_942) -> (vector<16xf32>, vector<16xf32>, vector<16xf32>, vector<16xf32>)  : i32 {
      %mul3A_1543 = arith.constant 64 : i32
      %mul3A_1544 = arith.muli %scan3A_1538, %mul3A_1543 : i32
      %get3A = arith.constant 1 : i32
      %get3A_1545 = arith.constant 2 : i32
      %get3A_1546 = arith.index_cast %get3A : i32 to index
      %get3A_1547 = arith.index_cast %get3A_1545 : i32 to index
      %get3A_1548 = arith.index_cast %mul3A_1544 : i32 to index
      %get3A_1549 = tpu.vector_load %arg4[%get3A_1546, %get3A_1547, %get3A_1548] {strides = array<i32>} : memref<2x4x8192xf32, #tpu.memory_space<vmem>>, vector<1x1x16xf32>,
      %get3A_1550 = vector.shape_cast %get3A_1549 : vector<1x1x16xf32> to vector<16xf32>
      %add3A_1551 = arith.addf %scan3A_1539, %get3A_1550 : vector<16xf32>
      %add3A_1552 = arith.constant 16 : i32
      %add3A_1553 = arith.addi %mul3A_1544, %add3A_1552 : i32
      %get3A_1554 = arith.constant 1 : i32
      %get3A_1555 = arith.constant 2 : i32
      %get3A_1556 = arith.index_cast %get3A_1554 : i32 to index
      %get3A_1557 = arith.index_cast %get3A_1555 : i32 to index
      %get3A_1558 = arith.index_cast %add3A_1553 : i32 to index
      %get3A_1559 = tpu.vector_load %arg4[%get3A_1556, %get3A_1557, %get3A_1558] {strides = array<i32>} : memref<2x4x8192xf32, #tpu.memory_space<vmem>>, vector<1x1x16xf32>,
      %get3A_1560 = vector.shape_cast %get3A_1559 : vector<1x1x16xf32> to vector<16xf32>
      %add3A_1561 = arith.addf %scan3A_1540, %get3A_1560 : vector<16xf32>
      %add3A_1562 = arith.constant 32 : i32
      %add3A_1563 = arith.addi %mul3A_1544, %add3A_1562 : i32
      %get3A_1564 = arith.constant 1 : i32
      %get3A_1565 = arith.constant 2 : i32
      %get3A_1566 = arith.index_cast %get3A_1564 : i32 to index
      %get3A_1567 = arith.index_cast %get3A_1565 : i32 to index
      %get3A_1568 = arith.index_cast %add3A_1563 : i32 to index
      %get3A_1569 = tpu.vector_load %arg4[%get3A_1566, %get3A_1567, %get3A_1568] {strides = array<i32>} : memref<2x4x8192xf32, #tpu.memory_space<vmem>>, vector<1x1x16xf32>,
      %get3A_1570 = vector.shape_cast %get3A_1569 : vector<1x1x16xf32> to vector<16xf32>
      %add3A_1571 = arith.addf %scan3A_1541, %get3A_1570 : vector<16xf32>
      %add3A_1572 = arith.constant 48 : i32
      %add3A_1573 = arith.addi %mul3A_1544, %add3A_1572 : i32
      %get3A_1574 = arith.constant 1 : i32
      %get3A_1575 = arith.constant 2 : i32
      %get3A_1576 = arith.index_cast %get3A_1574 : i32 to index
      %get3A_1577 = arith.index_cast %get3A_1575 : i32 to index
      %get3A_1578 = arith.index_cast %add3A_1573 : i32 to index
      %get3A_1579 = tpu.vector_load %arg4[%get3A_1576, %get3A_1577, %get3A_1578] {strides = array<i32>} : memref<2x4x8192xf32, #tpu.memory_space<vmem>>, vector<1x1x16xf32>,
      %get3A_1580 = vector.shape_cast %get3A_1579 : vector<1x1x16xf32> to vector<16xf32>
      %add3A_1581 = arith.addf %scan3A_1542, %get3A_1580 : vector<16xf32>
      scf.yield %add3A_1551, %add3A_1561, %add3A_1571, %add3A_1581 : vector<16xf32>, vector<16xf32>, vector<16xf32>, vector<16xf32>
    }
    %scan3A_948 = arith.constant 128 : i32
    %add3A_949 = arith.addf %scan3A_947#0, %scan3A_947#1 : vector<16xf32>
    %add3A_950 = arith.addf %scan3A_947#2, %scan3A_947#3 : vector<16xf32>
    %add3A_951 = arith.addf %add3A_949, %add3A_950 : vector<16xf32>
    %swap3A_952 = arith.constant 38 : i32
    %swap3A_953 = arith.index_cast %swap3A_952 : i32 to index
    %swap3A_954 = arith.constant 0 : index
    %swap3A_955 = tpu.vector_load %arg5[%swap3A_953, %swap3A_954] {strides = array<i32>} : memref<64x16xf32, #tpu.memory_space<vmem>>, vector<1x16xf32>,
    %swap3A_956 = vector.shape_cast %swap3A_955 : vector<1x16xf32> to vector<16xf32>
    %swap3A_957 = vector.shape_cast %add3A_951 : vector<16xf32> to vector<1x16xf32>
    tpu.vector_store %arg5[%swap3A_953, %swap3A_954], %swap3A_957 {strides = array<i32>} : memref<64x16xf32, #tpu.memory_space<vmem>>, vector<1x16xf32>,
    %broadcast_in_dim3A_958 = arith.constant 0.000000e+00 : f32
    %broadcast_in_dim3A_959 = vector.broadcast %broadcast_in_dim3A_958 : f32 to vector<16xf32>
    %scan3A_960 = arith.constant 0 : i32
    %scan3A_961 = arith.constant 128 : i32
    %scan3A_962 = arith.addi %scan3A_960, %scan3A_961 : i32
    %scan3A_963 = arith.constant 1 : i32
    %scan3A_964:4 = scf.for %scan3A_1538 = %scan3A_960 to %scan3A_962 step %scan3A_963 iter_args(%scan3A_1539 = %broadcast_in_dim3A_959, %scan3A_1540 = %broadcast_in_dim3A_959, %scan3A_1541 = %broadcast_in_dim3A_959, %scan3A_1542 = %broadcast_in_dim3A_959) -> (vector<16xf32>, vector<16xf32>, vector<16xf32>, vector<16xf32>)  : i32 {
      %mul3A_1543 = arith.constant 64 : i32
      %mul3A_1544 = arith.muli %scan3A_1538, %mul3A_1543 : i32
      %get3A = arith.constant 1 : i32
      %get3A_1545 = arith.constant 3 : i32
      %get3A_1546 = arith.index_cast %get3A : i32 to index
      %get3A_1547 = arith.index_cast %get3A_1545 : i32 to index
      %get3A_1548 = arith.index_cast %mul3A_1544 : i32 to index
      %get3A_1549 = tpu.vector_load %arg4[%get3A_1546, %get3A_1547, %get3A_1548] {strides = array<i32>} : memref<2x4x8192xf32, #tpu.memory_space<vmem>>, vector<1x1x16xf32>,
      %get3A_1550 = vector.shape_cast %get3A_1549 : vector<1x1x16xf32> to vector<16xf32>
      %add3A_1551 = arith.addf %scan3A_1539, %get3A_1550 : vector<16xf32>
      %add3A_1552 = arith.constant 16 : i32
      %add3A_1553 = arith.addi %mul3A_1544, %add3A_1552 : i32
      %get3A_1554 = arith.constant 1 : i32
      %get3A_1555 = arith.constant 3 : i32
      %get3A_1556 = arith.index_cast %get3A_1554 : i32 to index
      %get3A_1557 = arith.index_cast %get3A_1555 : i32 to index
      %get3A_1558 = arith.index_cast %add3A_1553 : i32 to index
      %get3A_1559 = tpu.vector_load %arg4[%get3A_1556, %get3A_1557, %get3A_1558] {strides = array<i32>} : memref<2x4x8192xf32, #tpu.memory_space<vmem>>, vector<1x1x16xf32>,
      %get3A_1560 = vector.shape_cast %get3A_1559 : vector<1x1x16xf32> to vector<16xf32>
      %add3A_1561 = arith.addf %scan3A_1540, %get3A_1560 : vector<16xf32>
      %add3A_1562 = arith.constant 32 : i32
      %add3A_1563 = arith.addi %mul3A_1544, %add3A_1562 : i32
      %get3A_1564 = arith.constant 1 : i32
      %get3A_1565 = arith.constant 3 : i32
      %get3A_1566 = arith.index_cast %get3A_1564 : i32 to index
      %get3A_1567 = arith.index_cast %get3A_1565 : i32 to index
      %get3A_1568 = arith.index_cast %add3A_1563 : i32 to index
      %get3A_1569 = tpu.vector_load %arg4[%get3A_1566, %get3A_1567, %get3A_1568] {strides = array<i32>} : memref<2x4x8192xf32, #tpu.memory_space<vmem>>, vector<1x1x16xf32>,
      %get3A_1570 = vector.shape_cast %get3A_1569 : vector<1x1x16xf32> to vector<16xf32>
      %add3A_1571 = arith.addf %scan3A_1541, %get3A_1570 : vector<16xf32>
      %add3A_1572 = arith.constant 48 : i32
      %add3A_1573 = arith.addi %mul3A_1544, %add3A_1572 : i32
      %get3A_1574 = arith.constant 1 : i32
      %get3A_1575 = arith.constant 3 : i32
      %get3A_1576 = arith.index_cast %get3A_1574 : i32 to index
      %get3A_1577 = arith.index_cast %get3A_1575 : i32 to index
      %get3A_1578 = arith.index_cast %add3A_1573 : i32 to index
      %get3A_1579 = tpu.vector_load %arg4[%get3A_1576, %get3A_1577, %get3A_1578] {strides = array<i32>} : memref<2x4x8192xf32, #tpu.memory_space<vmem>>, vector<1x1x16xf32>,
      %get3A_1580 = vector.shape_cast %get3A_1579 : vector<1x1x16xf32> to vector<16xf32>
      %add3A_1581 = arith.addf %scan3A_1542, %get3A_1580 : vector<16xf32>
      scf.yield %add3A_1551, %add3A_1561, %add3A_1571, %add3A_1581 : vector<16xf32>, vector<16xf32>, vector<16xf32>, vector<16xf32>
    }
    %scan3A_965 = arith.constant 128 : i32
    %add3A_966 = arith.addf %scan3A_964#0, %scan3A_964#1 : vector<16xf32>
    %add3A_967 = arith.addf %scan3A_964#2, %scan3A_964#3 : vector<16xf32>
    %add3A_968 = arith.addf %add3A_966, %add3A_967 : vector<16xf32>
    %swap3A_969 = arith.constant 39 : i32
    %swap3A_970 = arith.index_cast %swap3A_969 : i32 to index
    %swap3A_971 = arith.constant 0 : index
    %swap3A_972 = tpu.vector_load %arg5[%swap3A_970, %swap3A_971] {strides = array<i32>} : memref<64x16xf32, #tpu.memory_space<vmem>>, vector<1x16xf32>,
    %swap3A_973 = vector.shape_cast %swap3A_972 : vector<1x16xf32> to vector<16xf32>
    %swap3A_974 = vector.shape_cast %add3A_968 : vector<16xf32> to vector<1x16xf32>
    tpu.vector_store %arg5[%swap3A_970, %swap3A_971], %swap3A_974 {strides = array<i32>} : memref<64x16xf32, #tpu.memory_space<vmem>>, vector<1x16xf32>,
    %add3A_975 = arith.constant 44 : i32
    %add3A_976 = arith.addi %add3A_4, %add3A_975 : i32
    %dma_start3A_977 = arith.constant 1 : i32
    %dma_start3A_978 = arith.constant 0 : i32
    %dma_start3A_979 = arith.constant 0 : i32
    %dma_start3A_980 = tpu.memref_slice %arg4[%dma_start3A_977, %dma_start3A_978, %dma_start3A_979] : memref<2x4x8192xf32, #tpu.memory_space<vmem>> -> memref<1x4x8192xf32, #tpu.memory_space<vmem>>
    %dma_start3A_981 = tpu.memref_squeeze %dma_start3A_980 : memref<1x4x8192xf32, #tpu.memory_space<vmem>> -> memref<4x8192xf32, #tpu.memory_space<vmem>>
    %dma_start3A_982 = arith.constant 0 : i32
    %dma_start3A_983 = tpu.memref_slice %arg2[%add3A_976, %dma_start3A_982] : memref<8192x8192xf32, #tpu.memory_space<hbm>> -> memref<4x8192xf32, #tpu.memory_space<hbm>>
    %dma_start3A_984 = arith.constant 0 : i32
    %dma_start3A_985 = arith.constant 0 : i32
    %dma_start3A_986 = tpu.memref_slice %arg4[%dma_start3A_977, %dma_start3A_984, %dma_start3A_985] : memref<2x4x8192xf32, #tpu.memory_space<vmem>> -> memref<1x4x8192xf32, #tpu.memory_space<vmem>>
    %dma_start3A_987 = tpu.memref_squeeze %dma_start3A_986 : memref<1x4x8192xf32, #tpu.memory_space<vmem>> -> memref<4x8192xf32, #tpu.memory_space<vmem>>
    %dma_start3A_988 = arith.constant 0 : i32
    %dma_start3A_989 = tpu.memref_slice %arg2[%add3A_976, %dma_start3A_988] : memref<8192x8192xf32, #tpu.memory_space<hbm>> -> memref<4x8192xf32, #tpu.memory_space<hbm>>
    tpu.enqueue_dma source(%dma_start3A_989 : memref<4x8192xf32, #tpu.memory_space<hbm>>) target(%dma_start3A_987 : memref<4x8192xf32, #tpu.memory_space<vmem>>) target_semaphore(%arg7 : memref<!tpu.dma_semaphore, #tpu.memory_space<semaphore_mem>>)
    %dma_wait3A_990 = arith.constant 0 : i32
    %dma_wait3A_991 = arith.constant 0 : i32
    %dma_wait3A_992 = arith.constant 0 : i32
    %dma_wait3A_993 = tpu.memref_slice %arg4[%dma_wait3A_990, %dma_wait3A_991, %dma_wait3A_992] : memref<2x4x8192xf32, #tpu.memory_space<vmem>> -> memref<1x4x8192xf32, #tpu.memory_space<vmem>>
    %dma_wait3A_994 = tpu.memref_squeeze %dma_wait3A_993 : memref<1x4x8192xf32, #tpu.memory_space<vmem>> -> memref<4x8192xf32, #tpu.memory_space<vmem>>
    %dma_wait3A_995 = arith.constant 0 : i32
    %dma_wait3A_996 = tpu.memref_slice %arg2[%add3A_880, %dma_wait3A_995] : memref<8192x8192xf32, #tpu.memory_space<hbm>> -> memref<4x8192xf32, #tpu.memory_space<hbm>>
    %dma_wait3A_997 = arith.constant 0 : i32
    %dma_wait3A_998 = arith.constant 0 : i32
    %dma_wait3A_999 = tpu.memref_slice %arg4[%dma_wait3A_990, %dma_wait3A_997, %dma_wait3A_998] : memref<2x4x8192xf32, #tpu.memory_space<vmem>> -> memref<1x4x8192xf32, #tpu.memory_space<vmem>>
    %dma_wait3A_1000 = tpu.memref_squeeze %dma_wait3A_999 : memref<1x4x8192xf32, #tpu.memory_space<vmem>> -> memref<4x8192xf32, #tpu.memory_space<vmem>>
    %dma_wait3A_1001 = arith.constant 0 : i32
    %dma_wait3A_1002 = tpu.memref_slice %arg2[%add3A_880, %dma_wait3A_1001] : memref<8192x8192xf32, #tpu.memory_space<hbm>> -> memref<4x8192xf32, #tpu.memory_space<hbm>>
    tpu.wait_dma2 semaphore(%arg6 : memref<!tpu.dma_semaphore, #tpu.memory_space<semaphore_mem>>) src(%dma_wait3A_1002 : memref<4x8192xf32, #tpu.memory_space<hbm>>) dst(%dma_wait3A_1000 : memref<4x8192xf32, #tpu.memory_space<vmem>>)
    %broadcast_in_dim3A_1003 = arith.constant 0.000000e+00 : f32
    %broadcast_in_dim3A_1004 = vector.broadcast %broadcast_in_dim3A_1003 : f32 to vector<16xf32>
    %scan3A_1005 = arith.constant 0 : i32
    %scan3A_1006 = arith.constant 128 : i32
    %scan3A_1007 = arith.addi %scan3A_1005, %scan3A_1006 : i32
    %scan3A_1008 = arith.constant 1 : i32
    %scan3A_1009:4 = scf.for %scan3A_1538 = %scan3A_1005 to %scan3A_1007 step %scan3A_1008 iter_args(%scan3A_1539 = %broadcast_in_dim3A_1004, %scan3A_1540 = %broadcast_in_dim3A_1004, %scan3A_1541 = %broadcast_in_dim3A_1004, %scan3A_1542 = %broadcast_in_dim3A_1004) -> (vector<16xf32>, vector<16xf32>, vector<16xf32>, vector<16xf32>)  : i32 {
      %mul3A_1543 = arith.constant 64 : i32
      %mul3A_1544 = arith.muli %scan3A_1538, %mul3A_1543 : i32
      %get3A = arith.constant 0 : i32
      %get3A_1545 = arith.constant 0 : i32
      %get3A_1546 = arith.index_cast %get3A : i32 to index
      %get3A_1547 = arith.index_cast %get3A_1545 : i32 to index
      %get3A_1548 = arith.index_cast %mul3A_1544 : i32 to index
      %get3A_1549 = tpu.vector_load %arg4[%get3A_1546, %get3A_1547, %get3A_1548] {strides = array<i32>} : memref<2x4x8192xf32, #tpu.memory_space<vmem>>, vector<1x1x16xf32>,
      %get3A_1550 = vector.shape_cast %get3A_1549 : vector<1x1x16xf32> to vector<16xf32>
      %add3A_1551 = arith.addf %scan3A_1539, %get3A_1550 : vector<16xf32>
      %add3A_1552 = arith.constant 16 : i32
      %add3A_1553 = arith.addi %mul3A_1544, %add3A_1552 : i32
      %get3A_1554 = arith.constant 0 : i32
      %get3A_1555 = arith.constant 0 : i32
      %get3A_1556 = arith.index_cast %get3A_1554 : i32 to index
      %get3A_1557 = arith.index_cast %get3A_1555 : i32 to index
      %get3A_1558 = arith.index_cast %add3A_1553 : i32 to index
      %get3A_1559 = tpu.vector_load %arg4[%get3A_1556, %get3A_1557, %get3A_1558] {strides = array<i32>} : memref<2x4x8192xf32, #tpu.memory_space<vmem>>, vector<1x1x16xf32>,
      %get3A_1560 = vector.shape_cast %get3A_1559 : vector<1x1x16xf32> to vector<16xf32>
      %add3A_1561 = arith.addf %scan3A_1540, %get3A_1560 : vector<16xf32>
      %add3A_1562 = arith.constant 32 : i32
      %add3A_1563 = arith.addi %mul3A_1544, %add3A_1562 : i32
      %get3A_1564 = arith.constant 0 : i32
      %get3A_1565 = arith.constant 0 : i32
      %get3A_1566 = arith.index_cast %get3A_1564 : i32 to index
      %get3A_1567 = arith.index_cast %get3A_1565 : i32 to index
      %get3A_1568 = arith.index_cast %add3A_1563 : i32 to index
      %get3A_1569 = tpu.vector_load %arg4[%get3A_1566, %get3A_1567, %get3A_1568] {strides = array<i32>} : memref<2x4x8192xf32, #tpu.memory_space<vmem>>, vector<1x1x16xf32>,
      %get3A_1570 = vector.shape_cast %get3A_1569 : vector<1x1x16xf32> to vector<16xf32>
      %add3A_1571 = arith.addf %scan3A_1541, %get3A_1570 : vector<16xf32>
      %add3A_1572 = arith.constant 48 : i32
      %add3A_1573 = arith.addi %mul3A_1544, %add3A_1572 : i32
      %get3A_1574 = arith.constant 0 : i32
      %get3A_1575 = arith.constant 0 : i32
      %get3A_1576 = arith.index_cast %get3A_1574 : i32 to index
      %get3A_1577 = arith.index_cast %get3A_1575 : i32 to index
      %get3A_1578 = arith.index_cast %add3A_1573 : i32 to index
      %get3A_1579 = tpu.vector_load %arg4[%get3A_1576, %get3A_1577, %get3A_1578] {strides = array<i32>} : memref<2x4x8192xf32, #tpu.memory_space<vmem>>, vector<1x1x16xf32>,
      %get3A_1580 = vector.shape_cast %get3A_1579 : vector<1x1x16xf32> to vector<16xf32>
      %add3A_1581 = arith.addf %scan3A_1542, %get3A_1580 : vector<16xf32>
      scf.yield %add3A_1551, %add3A_1561, %add3A_1571, %add3A_1581 : vector<16xf32>, vector<16xf32>, vector<16xf32>, vector<16xf32>
    }
    %scan3A_1010 = arith.constant 128 : i32
    %add3A_1011 = arith.addf %scan3A_1009#0, %scan3A_1009#1 : vector<16xf32>
    %add3A_1012 = arith.addf %scan3A_1009#2, %scan3A_1009#3 : vector<16xf32>
    %add3A_1013 = arith.addf %add3A_1011, %add3A_1012 : vector<16xf32>
    %swap3A_1014 = arith.constant 40 : i32
    %swap3A_1015 = arith.index_cast %swap3A_1014 : i32 to index
    %swap3A_1016 = arith.constant 0 : index
    %swap3A_1017 = tpu.vector_load %arg5[%swap3A_1015, %swap3A_1016] {strides = array<i32>} : memref<64x16xf32, #tpu.memory_space<vmem>>, vector<1x16xf32>,
    %swap3A_1018 = vector.shape_cast %swap3A_1017 : vector<1x16xf32> to vector<16xf32>
    %swap3A_1019 = vector.shape_cast %add3A_1013 : vector<16xf32> to vector<1x16xf32>
    tpu.vector_store %arg5[%swap3A_1015, %swap3A_1016], %swap3A_1019 {strides = array<i32>} : memref<64x16xf32, #tpu.memory_space<vmem>>, vector<1x16xf32>,
    %broadcast_in_dim3A_1020 = arith.constant 0.000000e+00 : f32
    %broadcast_in_dim3A_1021 = vector.broadcast %broadcast_in_dim3A_1020 : f32 to vector<16xf32>
    %scan3A_1022 = arith.constant 0 : i32
    %scan3A_1023 = arith.constant 128 : i32
    %scan3A_1024 = arith.addi %scan3A_1022, %scan3A_1023 : i32
    %scan3A_1025 = arith.constant 1 : i32
    %scan3A_1026:4 = scf.for %scan3A_1538 = %scan3A_1022 to %scan3A_1024 step %scan3A_1025 iter_args(%scan3A_1539 = %broadcast_in_dim3A_1021, %scan3A_1540 = %broadcast_in_dim3A_1021, %scan3A_1541 = %broadcast_in_dim3A_1021, %scan3A_1542 = %broadcast_in_dim3A_1021) -> (vector<16xf32>, vector<16xf32>, vector<16xf32>, vector<16xf32>)  : i32 {
      %mul3A_1543 = arith.constant 64 : i32
      %mul3A_1544 = arith.muli %scan3A_1538, %mul3A_1543 : i32
      %get3A = arith.constant 0 : i32
      %get3A_1545 = arith.constant 1 : i32
      %get3A_1546 = arith.index_cast %get3A : i32 to index
      %get3A_1547 = arith.index_cast %get3A_1545 : i32 to index
      %get3A_1548 = arith.index_cast %mul3A_1544 : i32 to index
      %get3A_1549 = tpu.vector_load %arg4[%get3A_1546, %get3A_1547, %get3A_1548] {strides = array<i32>} : memref<2x4x8192xf32, #tpu.memory_space<vmem>>, vector<1x1x16xf32>,
      %get3A_1550 = vector.shape_cast %get3A_1549 : vector<1x1x16xf32> to vector<16xf32>
      %add3A_1551 = arith.addf %scan3A_1539, %get3A_1550 : vector<16xf32>
      %add3A_1552 = arith.constant 16 : i32
      %add3A_1553 = arith.addi %mul3A_1544, %add3A_1552 : i32
      %get3A_1554 = arith.constant 0 : i32
      %get3A_1555 = arith.constant 1 : i32
      %get3A_1556 = arith.index_cast %get3A_1554 : i32 to index
      %get3A_1557 = arith.index_cast %get3A_1555 : i32 to index
      %get3A_1558 = arith.index_cast %add3A_1553 : i32 to index
      %get3A_1559 = tpu.vector_load %arg4[%get3A_1556, %get3A_1557, %get3A_1558] {strides = array<i32>} : memref<2x4x8192xf32, #tpu.memory_space<vmem>>, vector<1x1x16xf32>,
      %get3A_1560 = vector.shape_cast %get3A_1559 : vector<1x1x16xf32> to vector<16xf32>
      %add3A_1561 = arith.addf %scan3A_1540, %get3A_1560 : vector<16xf32>
      %add3A_1562 = arith.constant 32 : i32
      %add3A_1563 = arith.addi %mul3A_1544, %add3A_1562 : i32
      %get3A_1564 = arith.constant 0 : i32
      %get3A_1565 = arith.constant 1 : i32
      %get3A_1566 = arith.index_cast %get3A_1564 : i32 to index
      %get3A_1567 = arith.index_cast %get3A_1565 : i32 to index
      %get3A_1568 = arith.index_cast %add3A_1563 : i32 to index
      %get3A_1569 = tpu.vector_load %arg4[%get3A_1566, %get3A_1567, %get3A_1568] {strides = array<i32>} : memref<2x4x8192xf32, #tpu.memory_space<vmem>>, vector<1x1x16xf32>,
      %get3A_1570 = vector.shape_cast %get3A_1569 : vector<1x1x16xf32> to vector<16xf32>
      %add3A_1571 = arith.addf %scan3A_1541, %get3A_1570 : vector<16xf32>
      %add3A_1572 = arith.constant 48 : i32
      %add3A_1573 = arith.addi %mul3A_1544, %add3A_1572 : i32
      %get3A_1574 = arith.constant 0 : i32
      %get3A_1575 = arith.constant 1 : i32
      %get3A_1576 = arith.index_cast %get3A_1574 : i32 to index
      %get3A_1577 = arith.index_cast %get3A_1575 : i32 to index
      %get3A_1578 = arith.index_cast %add3A_1573 : i32 to index
      %get3A_1579 = tpu.vector_load %arg4[%get3A_1576, %get3A_1577, %get3A_1578] {strides = array<i32>} : memref<2x4x8192xf32, #tpu.memory_space<vmem>>, vector<1x1x16xf32>,
      %get3A_1580 = vector.shape_cast %get3A_1579 : vector<1x1x16xf32> to vector<16xf32>
      %add3A_1581 = arith.addf %scan3A_1542, %get3A_1580 : vector<16xf32>
      scf.yield %add3A_1551, %add3A_1561, %add3A_1571, %add3A_1581 : vector<16xf32>, vector<16xf32>, vector<16xf32>, vector<16xf32>
    }
    %scan3A_1027 = arith.constant 128 : i32
    %add3A_1028 = arith.addf %scan3A_1026#0, %scan3A_1026#1 : vector<16xf32>
    %add3A_1029 = arith.addf %scan3A_1026#2, %scan3A_1026#3 : vector<16xf32>
    %add3A_1030 = arith.addf %add3A_1028, %add3A_1029 : vector<16xf32>
    %swap3A_1031 = arith.constant 41 : i32
    %swap3A_1032 = arith.index_cast %swap3A_1031 : i32 to index
    %swap3A_1033 = arith.constant 0 : index
    %swap3A_1034 = tpu.vector_load %arg5[%swap3A_1032, %swap3A_1033] {strides = array<i32>} : memref<64x16xf32, #tpu.memory_space<vmem>>, vector<1x16xf32>,
    %swap3A_1035 = vector.shape_cast %swap3A_1034 : vector<1x16xf32> to vector<16xf32>
    %swap3A_1036 = vector.shape_cast %add3A_1030 : vector<16xf32> to vector<1x16xf32>
    tpu.vector_store %arg5[%swap3A_1032, %swap3A_1033], %swap3A_1036 {strides = array<i32>} : memref<64x16xf32, #tpu.memory_space<vmem>>, vector<1x16xf32>,
    %broadcast_in_dim3A_1037 = arith.constant 0.000000e+00 : f32
    %broadcast_in_dim3A_1038 = vector.broadcast %broadcast_in_dim3A_1037 : f32 to vector<16xf32>
    %scan3A_1039 = arith.constant 0 : i32
    %scan3A_1040 = arith.constant 128 : i32
    %scan3A_1041 = arith.addi %scan3A_1039, %scan3A_1040 : i32
    %scan3A_1042 = arith.constant 1 : i32
    %scan3A_1043:4 = scf.for %scan3A_1538 = %scan3A_1039 to %scan3A_1041 step %scan3A_1042 iter_args(%scan3A_1539 = %broadcast_in_dim3A_1038, %scan3A_1540 = %broadcast_in_dim3A_1038, %scan3A_1541 = %broadcast_in_dim3A_1038, %scan3A_1542 = %broadcast_in_dim3A_1038) -> (vector<16xf32>, vector<16xf32>, vector<16xf32>, vector<16xf32>)  : i32 {
      %mul3A_1543 = arith.constant 64 : i32
      %mul3A_1544 = arith.muli %scan3A_1538, %mul3A_1543 : i32
      %get3A = arith.constant 0 : i32
      %get3A_1545 = arith.constant 2 : i32
      %get3A_1546 = arith.index_cast %get3A : i32 to index
      %get3A_1547 = arith.index_cast %get3A_1545 : i32 to index
      %get3A_1548 = arith.index_cast %mul3A_1544 : i32 to index
      %get3A_1549 = tpu.vector_load %arg4[%get3A_1546, %get3A_1547, %get3A_1548] {strides = array<i32>} : memref<2x4x8192xf32, #tpu.memory_space<vmem>>, vector<1x1x16xf32>,
      %get3A_1550 = vector.shape_cast %get3A_1549 : vector<1x1x16xf32> to vector<16xf32>
      %add3A_1551 = arith.addf %scan3A_1539, %get3A_1550 : vector<16xf32>
      %add3A_1552 = arith.constant 16 : i32
      %add3A_1553 = arith.addi %mul3A_1544, %add3A_1552 : i32
      %get3A_1554 = arith.constant 0 : i32
      %get3A_1555 = arith.constant 2 : i32
      %get3A_1556 = arith.index_cast %get3A_1554 : i32 to index
      %get3A_1557 = arith.index_cast %get3A_1555 : i32 to index
      %get3A_1558 = arith.index_cast %add3A_1553 : i32 to index
      %get3A_1559 = tpu.vector_load %arg4[%get3A_1556, %get3A_1557, %get3A_1558] {strides = array<i32>} : memref<2x4x8192xf32, #tpu.memory_space<vmem>>, vector<1x1x16xf32>,
      %get3A_1560 = vector.shape_cast %get3A_1559 : vector<1x1x16xf32> to vector<16xf32>
      %add3A_1561 = arith.addf %scan3A_1540, %get3A_1560 : vector<16xf32>
      %add3A_1562 = arith.constant 32 : i32
      %add3A_1563 = arith.addi %mul3A_1544, %add3A_1562 : i32
      %get3A_1564 = arith.constant 0 : i32
      %get3A_1565 = arith.constant 2 : i32
      %get3A_1566 = arith.index_cast %get3A_1564 : i32 to index
      %get3A_1567 = arith.index_cast %get3A_1565 : i32 to index
      %get3A_1568 = arith.index_cast %add3A_1563 : i32 to index
      %get3A_1569 = tpu.vector_load %arg4[%get3A_1566, %get3A_1567, %get3A_1568] {strides = array<i32>} : memref<2x4x8192xf32, #tpu.memory_space<vmem>>, vector<1x1x16xf32>,
      %get3A_1570 = vector.shape_cast %get3A_1569 : vector<1x1x16xf32> to vector<16xf32>
      %add3A_1571 = arith.addf %scan3A_1541, %get3A_1570 : vector<16xf32>
      %add3A_1572 = arith.constant 48 : i32
      %add3A_1573 = arith.addi %mul3A_1544, %add3A_1572 : i32
      %get3A_1574 = arith.constant 0 : i32
      %get3A_1575 = arith.constant 2 : i32
      %get3A_1576 = arith.index_cast %get3A_1574 : i32 to index
      %get3A_1577 = arith.index_cast %get3A_1575 : i32 to index
      %get3A_1578 = arith.index_cast %add3A_1573 : i32 to index
      %get3A_1579 = tpu.vector_load %arg4[%get3A_1576, %get3A_1577, %get3A_1578] {strides = array<i32>} : memref<2x4x8192xf32, #tpu.memory_space<vmem>>, vector<1x1x16xf32>,
      %get3A_1580 = vector.shape_cast %get3A_1579 : vector<1x1x16xf32> to vector<16xf32>
      %add3A_1581 = arith.addf %scan3A_1542, %get3A_1580 : vector<16xf32>
      scf.yield %add3A_1551, %add3A_1561, %add3A_1571, %add3A_1581 : vector<16xf32>, vector<16xf32>, vector<16xf32>, vector<16xf32>
    }
    %scan3A_1044 = arith.constant 128 : i32
    %add3A_1045 = arith.addf %scan3A_1043#0, %scan3A_1043#1 : vector<16xf32>
    %add3A_1046 = arith.addf %scan3A_1043#2, %scan3A_1043#3 : vector<16xf32>
    %add3A_1047 = arith.addf %add3A_1045, %add3A_1046 : vector<16xf32>
    %swap3A_1048 = arith.constant 42 : i32
    %swap3A_1049 = arith.index_cast %swap3A_1048 : i32 to index
    %swap3A_1050 = arith.constant 0 : index
    %swap3A_1051 = tpu.vector_load %arg5[%swap3A_1049, %swap3A_1050] {strides = array<i32>} : memref<64x16xf32, #tpu.memory_space<vmem>>, vector<1x16xf32>,
    %swap3A_1052 = vector.shape_cast %swap3A_1051 : vector<1x16xf32> to vector<16xf32>
    %swap3A_1053 = vector.shape_cast %add3A_1047 : vector<16xf32> to vector<1x16xf32>
    tpu.vector_store %arg5[%swap3A_1049, %swap3A_1050], %swap3A_1053 {strides = array<i32>} : memref<64x16xf32, #tpu.memory_space<vmem>>, vector<1x16xf32>,
    %broadcast_in_dim3A_1054 = arith.constant 0.000000e+00 : f32
    %broadcast_in_dim3A_1055 = vector.broadcast %broadcast_in_dim3A_1054 : f32 to vector<16xf32>
    %scan3A_1056 = arith.constant 0 : i32
    %scan3A_1057 = arith.constant 128 : i32
    %scan3A_1058 = arith.addi %scan3A_1056, %scan3A_1057 : i32
    %scan3A_1059 = arith.constant 1 : i32
    %scan3A_1060:4 = scf.for %scan3A_1538 = %scan3A_1056 to %scan3A_1058 step %scan3A_1059 iter_args(%scan3A_1539 = %broadcast_in_dim3A_1055, %scan3A_1540 = %broadcast_in_dim3A_1055, %scan3A_1541 = %broadcast_in_dim3A_1055, %scan3A_1542 = %broadcast_in_dim3A_1055) -> (vector<16xf32>, vector<16xf32>, vector<16xf32>, vector<16xf32>)  : i32 {
      %mul3A_1543 = arith.constant 64 : i32
      %mul3A_1544 = arith.muli %scan3A_1538, %mul3A_1543 : i32
      %get3A = arith.constant 0 : i32
      %get3A_1545 = arith.constant 3 : i32
      %get3A_1546 = arith.index_cast %get3A : i32 to index
      %get3A_1547 = arith.index_cast %get3A_1545 : i32 to index
      %get3A_1548 = arith.index_cast %mul3A_1544 : i32 to index
      %get3A_1549 = tpu.vector_load %arg4[%get3A_1546, %get3A_1547, %get3A_1548] {strides = array<i32>} : memref<2x4x8192xf32, #tpu.memory_space<vmem>>, vector<1x1x16xf32>,
      %get3A_1550 = vector.shape_cast %get3A_1549 : vector<1x1x16xf32> to vector<16xf32>
      %add3A_1551 = arith.addf %scan3A_1539, %get3A_1550 : vector<16xf32>
      %add3A_1552 = arith.constant 16 : i32
      %add3A_1553 = arith.addi %mul3A_1544, %add3A_1552 : i32
      %get3A_1554 = arith.constant 0 : i32
      %get3A_1555 = arith.constant 3 : i32
      %get3A_1556 = arith.index_cast %get3A_1554 : i32 to index
      %get3A_1557 = arith.index_cast %get3A_1555 : i32 to index
      %get3A_1558 = arith.index_cast %add3A_1553 : i32 to index
      %get3A_1559 = tpu.vector_load %arg4[%get3A_1556, %get3A_1557, %get3A_1558] {strides = array<i32>} : memref<2x4x8192xf32, #tpu.memory_space<vmem>>, vector<1x1x16xf32>,
      %get3A_1560 = vector.shape_cast %get3A_1559 : vector<1x1x16xf32> to vector<16xf32>
      %add3A_1561 = arith.addf %scan3A_1540, %get3A_1560 : vector<16xf32>
      %add3A_1562 = arith.constant 32 : i32
      %add3A_1563 = arith.addi %mul3A_1544, %add3A_1562 : i32
      %get3A_1564 = arith.constant 0 : i32
      %get3A_1565 = arith.constant 3 : i32
      %get3A_1566 = arith.index_cast %get3A_1564 : i32 to index
      %get3A_1567 = arith.index_cast %get3A_1565 : i32 to index
      %get3A_1568 = arith.index_cast %add3A_1563 : i32 to index
      %get3A_1569 = tpu.vector_load %arg4[%get3A_1566, %get3A_1567, %get3A_1568] {strides = array<i32>} : memref<2x4x8192xf32, #tpu.memory_space<vmem>>, vector<1x1x16xf32>,
      %get3A_1570 = vector.shape_cast %get3A_1569 : vector<1x1x16xf32> to vector<16xf32>
      %add3A_1571 = arith.addf %scan3A_1541, %get3A_1570 : vector<16xf32>
      %add3A_1572 = arith.constant 48 : i32
      %add3A_1573 = arith.addi %mul3A_1544, %add3A_1572 : i32
      %get3A_1574 = arith.constant 0 : i32
      %get3A_1575 = arith.constant 3 : i32
      %get3A_1576 = arith.index_cast %get3A_1574 : i32 to index
      %get3A_1577 = arith.index_cast %get3A_1575 : i32 to index
      %get3A_1578 = arith.index_cast %add3A_1573 : i32 to index
      %get3A_1579 = tpu.vector_load %arg4[%get3A_1576, %get3A_1577, %get3A_1578] {strides = array<i32>} : memref<2x4x8192xf32, #tpu.memory_space<vmem>>, vector<1x1x16xf32>,
      %get3A_1580 = vector.shape_cast %get3A_1579 : vector<1x1x16xf32> to vector<16xf32>
      %add3A_1581 = arith.addf %scan3A_1542, %get3A_1580 : vector<16xf32>
      scf.yield %add3A_1551, %add3A_1561, %add3A_1571, %add3A_1581 : vector<16xf32>, vector<16xf32>, vector<16xf32>, vector<16xf32>
    }
    %scan3A_1061 = arith.constant 128 : i32
    %add3A_1062 = arith.addf %scan3A_1060#0, %scan3A_1060#1 : vector<16xf32>
    %add3A_1063 = arith.addf %scan3A_1060#2, %scan3A_1060#3 : vector<16xf32>
    %add3A_1064 = arith.addf %add3A_1062, %add3A_1063 : vector<16xf32>
    %swap3A_1065 = arith.constant 43 : i32
    %swap3A_1066 = arith.index_cast %swap3A_1065 : i32 to index
    %swap3A_1067 = arith.constant 0 : index
    %swap3A_1068 = tpu.vector_load %arg5[%swap3A_1066, %swap3A_1067] {strides = array<i32>} : memref<64x16xf32, #tpu.memory_space<vmem>>, vector<1x16xf32>,
    %swap3A_1069 = vector.shape_cast %swap3A_1068 : vector<1x16xf32> to vector<16xf32>
    %swap3A_1070 = vector.shape_cast %add3A_1064 : vector<16xf32> to vector<1x16xf32>
    tpu.vector_store %arg5[%swap3A_1066, %swap3A_1067], %swap3A_1070 {strides = array<i32>} : memref<64x16xf32, #tpu.memory_space<vmem>>, vector<1x16xf32>,
    %add3A_1071 = arith.constant 48 : i32
    %add3A_1072 = arith.addi %add3A_4, %add3A_1071 : i32
    %dma_start3A_1073 = arith.constant 0 : i32
    %dma_start3A_1074 = arith.constant 0 : i32
    %dma_start3A_1075 = arith.constant 0 : i32
    %dma_start3A_1076 = tpu.memref_slice %arg4[%dma_start3A_1073, %dma_start3A_1074, %dma_start3A_1075] : memref<2x4x8192xf32, #tpu.memory_space<vmem>> -> memref<1x4x8192xf32, #tpu.memory_space<vmem>>
    %dma_start3A_1077 = tpu.memref_squeeze %dma_start3A_1076 : memref<1x4x8192xf32, #tpu.memory_space<vmem>> -> memref<4x8192xf32, #tpu.memory_space<vmem>>
    %dma_start3A_1078 = arith.constant 0 : i32
    %dma_start3A_1079 = tpu.memref_slice %arg2[%add3A_1072, %dma_start3A_1078] : memref<8192x8192xf32, #tpu.memory_space<hbm>> -> memref<4x8192xf32, #tpu.memory_space<hbm>>
    %dma_start3A_1080 = arith.constant 0 : i32
    %dma_start3A_1081 = arith.constant 0 : i32
    %dma_start3A_1082 = tpu.memref_slice %arg4[%dma_start3A_1073, %dma_start3A_1080, %dma_start3A_1081] : memref<2x4x8192xf32, #tpu.memory_space<vmem>> -> memref<1x4x8192xf32, #tpu.memory_space<vmem>>
    %dma_start3A_1083 = tpu.memref_squeeze %dma_start3A_1082 : memref<1x4x8192xf32, #tpu.memory_space<vmem>> -> memref<4x8192xf32, #tpu.memory_space<vmem>>
    %dma_start3A_1084 = arith.constant 0 : i32
    %dma_start3A_1085 = tpu.memref_slice %arg2[%add3A_1072, %dma_start3A_1084] : memref<8192x8192xf32, #tpu.memory_space<hbm>> -> memref<4x8192xf32, #tpu.memory_space<hbm>>
    tpu.enqueue_dma source(%dma_start3A_1085 : memref<4x8192xf32, #tpu.memory_space<hbm>>) target(%dma_start3A_1083 : memref<4x8192xf32, #tpu.memory_space<vmem>>) target_semaphore(%arg6 : memref<!tpu.dma_semaphore, #tpu.memory_space<semaphore_mem>>)
    %dma_wait3A_1086 = arith.constant 1 : i32
    %dma_wait3A_1087 = arith.constant 0 : i32
    %dma_wait3A_1088 = arith.constant 0 : i32
    %dma_wait3A_1089 = tpu.memref_slice %arg4[%dma_wait3A_1086, %dma_wait3A_1087, %dma_wait3A_1088] : memref<2x4x8192xf32, #tpu.memory_space<vmem>> -> memref<1x4x8192xf32, #tpu.memory_space<vmem>>
    %dma_wait3A_1090 = tpu.memref_squeeze %dma_wait3A_1089 : memref<1x4x8192xf32, #tpu.memory_space<vmem>> -> memref<4x8192xf32, #tpu.memory_space<vmem>>
    %dma_wait3A_1091 = arith.constant 0 : i32
    %dma_wait3A_1092 = tpu.memref_slice %arg2[%add3A_976, %dma_wait3A_1091] : memref<8192x8192xf32, #tpu.memory_space<hbm>> -> memref<4x8192xf32, #tpu.memory_space<hbm>>
    %dma_wait3A_1093 = arith.constant 0 : i32
    %dma_wait3A_1094 = arith.constant 0 : i32
    %dma_wait3A_1095 = tpu.memref_slice %arg4[%dma_wait3A_1086, %dma_wait3A_1093, %dma_wait3A_1094] : memref<2x4x8192xf32, #tpu.memory_space<vmem>> -> memref<1x4x8192xf32, #tpu.memory_space<vmem>>
    %dma_wait3A_1096 = tpu.memref_squeeze %dma_wait3A_1095 : memref<1x4x8192xf32, #tpu.memory_space<vmem>> -> memref<4x8192xf32, #tpu.memory_space<vmem>>
    %dma_wait3A_1097 = arith.constant 0 : i32
    %dma_wait3A_1098 = tpu.memref_slice %arg2[%add3A_976, %dma_wait3A_1097] : memref<8192x8192xf32, #tpu.memory_space<hbm>> -> memref<4x8192xf32, #tpu.memory_space<hbm>>
    tpu.wait_dma2 semaphore(%arg7 : memref<!tpu.dma_semaphore, #tpu.memory_space<semaphore_mem>>) src(%dma_wait3A_1098 : memref<4x8192xf32, #tpu.memory_space<hbm>>) dst(%dma_wait3A_1096 : memref<4x8192xf32, #tpu.memory_space<vmem>>)
    %broadcast_in_dim3A_1099 = arith.constant 0.000000e+00 : f32
    %broadcast_in_dim3A_1100 = vector.broadcast %broadcast_in_dim3A_1099 : f32 to vector<16xf32>
    %scan3A_1101 = arith.constant 0 : i32
    %scan3A_1102 = arith.constant 128 : i32
    %scan3A_1103 = arith.addi %scan3A_1101, %scan3A_1102 : i32
    %scan3A_1104 = arith.constant 1 : i32
    %scan3A_1105:4 = scf.for %scan3A_1538 = %scan3A_1101 to %scan3A_1103 step %scan3A_1104 iter_args(%scan3A_1539 = %broadcast_in_dim3A_1100, %scan3A_1540 = %broadcast_in_dim3A_1100, %scan3A_1541 = %broadcast_in_dim3A_1100, %scan3A_1542 = %broadcast_in_dim3A_1100) -> (vector<16xf32>, vector<16xf32>, vector<16xf32>, vector<16xf32>)  : i32 {
      %mul3A_1543 = arith.constant 64 : i32
      %mul3A_1544 = arith.muli %scan3A_1538, %mul3A_1543 : i32
      %get3A = arith.constant 1 : i32
      %get3A_1545 = arith.constant 0 : i32
      %get3A_1546 = arith.index_cast %get3A : i32 to index
      %get3A_1547 = arith.index_cast %get3A_1545 : i32 to index
      %get3A_1548 = arith.index_cast %mul3A_1544 : i32 to index
      %get3A_1549 = tpu.vector_load %arg4[%get3A_1546, %get3A_1547, %get3A_1548] {strides = array<i32>} : memref<2x4x8192xf32, #tpu.memory_space<vmem>>, vector<1x1x16xf32>,
      %get3A_1550 = vector.shape_cast %get3A_1549 : vector<1x1x16xf32> to vector<16xf32>
      %add3A_1551 = arith.addf %scan3A_1539, %get3A_1550 : vector<16xf32>
      %add3A_1552 = arith.constant 16 : i32
      %add3A_1553 = arith.addi %mul3A_1544, %add3A_1552 : i32
      %get3A_1554 = arith.constant 1 : i32
      %get3A_1555 = arith.constant 0 : i32
      %get3A_1556 = arith.index_cast %get3A_1554 : i32 to index
      %get3A_1557 = arith.index_cast %get3A_1555 : i32 to index
      %get3A_1558 = arith.index_cast %add3A_1553 : i32 to index
      %get3A_1559 = tpu.vector_load %arg4[%get3A_1556, %get3A_1557, %get3A_1558] {strides = array<i32>} : memref<2x4x8192xf32, #tpu.memory_space<vmem>>, vector<1x1x16xf32>,
      %get3A_1560 = vector.shape_cast %get3A_1559 : vector<1x1x16xf32> to vector<16xf32>
      %add3A_1561 = arith.addf %scan3A_1540, %get3A_1560 : vector<16xf32>
      %add3A_1562 = arith.constant 32 : i32
      %add3A_1563 = arith.addi %mul3A_1544, %add3A_1562 : i32
      %get3A_1564 = arith.constant 1 : i32
      %get3A_1565 = arith.constant 0 : i32
      %get3A_1566 = arith.index_cast %get3A_1564 : i32 to index
      %get3A_1567 = arith.index_cast %get3A_1565 : i32 to index
      %get3A_1568 = arith.index_cast %add3A_1563 : i32 to index
      %get3A_1569 = tpu.vector_load %arg4[%get3A_1566, %get3A_1567, %get3A_1568] {strides = array<i32>} : memref<2x4x8192xf32, #tpu.memory_space<vmem>>, vector<1x1x16xf32>,
      %get3A_1570 = vector.shape_cast %get3A_1569 : vector<1x1x16xf32> to vector<16xf32>
      %add3A_1571 = arith.addf %scan3A_1541, %get3A_1570 : vector<16xf32>
      %add3A_1572 = arith.constant 48 : i32
      %add3A_1573 = arith.addi %mul3A_1544, %add3A_1572 : i32
      %get3A_1574 = arith.constant 1 : i32
      %get3A_1575 = arith.constant 0 : i32
      %get3A_1576 = arith.index_cast %get3A_1574 : i32 to index
      %get3A_1577 = arith.index_cast %get3A_1575 : i32 to index
      %get3A_1578 = arith.index_cast %add3A_1573 : i32 to index
      %get3A_1579 = tpu.vector_load %arg4[%get3A_1576, %get3A_1577, %get3A_1578] {strides = array<i32>} : memref<2x4x8192xf32, #tpu.memory_space<vmem>>, vector<1x1x16xf32>,
      %get3A_1580 = vector.shape_cast %get3A_1579 : vector<1x1x16xf32> to vector<16xf32>
      %add3A_1581 = arith.addf %scan3A_1542, %get3A_1580 : vector<16xf32>
      scf.yield %add3A_1551, %add3A_1561, %add3A_1571, %add3A_1581 : vector<16xf32>, vector<16xf32>, vector<16xf32>, vector<16xf32>
    }
    %scan3A_1106 = arith.constant 128 : i32
    %add3A_1107 = arith.addf %scan3A_1105#0, %scan3A_1105#1 : vector<16xf32>
    %add3A_1108 = arith.addf %scan3A_1105#2, %scan3A_1105#3 : vector<16xf32>
    %add3A_1109 = arith.addf %add3A_1107, %add3A_1108 : vector<16xf32>
    %swap3A_1110 = arith.constant 44 : i32
    %swap3A_1111 = arith.index_cast %swap3A_1110 : i32 to index
    %swap3A_1112 = arith.constant 0 : index
    %swap3A_1113 = tpu.vector_load %arg5[%swap3A_1111, %swap3A_1112] {strides = array<i32>} : memref<64x16xf32, #tpu.memory_space<vmem>>, vector<1x16xf32>,
    %swap3A_1114 = vector.shape_cast %swap3A_1113 : vector<1x16xf32> to vector<16xf32>
    %swap3A_1115 = vector.shape_cast %add3A_1109 : vector<16xf32> to vector<1x16xf32>
    tpu.vector_store %arg5[%swap3A_1111, %swap3A_1112], %swap3A_1115 {strides = array<i32>} : memref<64x16xf32, #tpu.memory_space<vmem>>, vector<1x16xf32>,
    %broadcast_in_dim3A_1116 = arith.constant 0.000000e+00 : f32
    %broadcast_in_dim3A_1117 = vector.broadcast %broadcast_in_dim3A_1116 : f32 to vector<16xf32>
    %scan3A_1118 = arith.constant 0 : i32
    %scan3A_1119 = arith.constant 128 : i32
    %scan3A_1120 = arith.addi %scan3A_1118, %scan3A_1119 : i32
    %scan3A_1121 = arith.constant 1 : i32
    %scan3A_1122:4 = scf.for %scan3A_1538 = %scan3A_1118 to %scan3A_1120 step %scan3A_1121 iter_args(%scan3A_1539 = %broadcast_in_dim3A_1117, %scan3A_1540 = %broadcast_in_dim3A_1117, %scan3A_1541 = %broadcast_in_dim3A_1117, %scan3A_1542 = %broadcast_in_dim3A_1117) -> (vector<16xf32>, vector<16xf32>, vector<16xf32>, vector<16xf32>)  : i32 {
      %mul3A_1543 = arith.constant 64 : i32
      %mul3A_1544 = arith.muli %scan3A_1538, %mul3A_1543 : i32
      %get3A = arith.constant 1 : i32
      %get3A_1545 = arith.constant 1 : i32
      %get3A_1546 = arith.index_cast %get3A : i32 to index
      %get3A_1547 = arith.index_cast %get3A_1545 : i32 to index
      %get3A_1548 = arith.index_cast %mul3A_1544 : i32 to index
      %get3A_1549 = tpu.vector_load %arg4[%get3A_1546, %get3A_1547, %get3A_1548] {strides = array<i32>} : memref<2x4x8192xf32, #tpu.memory_space<vmem>>, vector<1x1x16xf32>,
      %get3A_1550 = vector.shape_cast %get3A_1549 : vector<1x1x16xf32> to vector<16xf32>
      %add3A_1551 = arith.addf %scan3A_1539, %get3A_1550 : vector<16xf32>
      %add3A_1552 = arith.constant 16 : i32
      %add3A_1553 = arith.addi %mul3A_1544, %add3A_1552 : i32
      %get3A_1554 = arith.constant 1 : i32
      %get3A_1555 = arith.constant 1 : i32
      %get3A_1556 = arith.index_cast %get3A_1554 : i32 to index
      %get3A_1557 = arith.index_cast %get3A_1555 : i32 to index
      %get3A_1558 = arith.index_cast %add3A_1553 : i32 to index
      %get3A_1559 = tpu.vector_load %arg4[%get3A_1556, %get3A_1557, %get3A_1558] {strides = array<i32>} : memref<2x4x8192xf32, #tpu.memory_space<vmem>>, vector<1x1x16xf32>,
      %get3A_1560 = vector.shape_cast %get3A_1559 : vector<1x1x16xf32> to vector<16xf32>
      %add3A_1561 = arith.addf %scan3A_1540, %get3A_1560 : vector<16xf32>
      %add3A_1562 = arith.constant 32 : i32
      %add3A_1563 = arith.addi %mul3A_1544, %add3A_1562 : i32
      %get3A_1564 = arith.constant 1 : i32
      %get3A_1565 = arith.constant 1 : i32
      %get3A_1566 = arith.index_cast %get3A_1564 : i32 to index
      %get3A_1567 = arith.index_cast %get3A_1565 : i32 to index
      %get3A_1568 = arith.index_cast %add3A_1563 : i32 to index
      %get3A_1569 = tpu.vector_load %arg4[%get3A_1566, %get3A_1567, %get3A_1568] {strides = array<i32>} : memref<2x4x8192xf32, #tpu.memory_space<vmem>>, vector<1x1x16xf32>,
      %get3A_1570 = vector.shape_cast %get3A_1569 : vector<1x1x16xf32> to vector<16xf32>
      %add3A_1571 = arith.addf %scan3A_1541, %get3A_1570 : vector<16xf32>
      %add3A_1572 = arith.constant 48 : i32
      %add3A_1573 = arith.addi %mul3A_1544, %add3A_1572 : i32
      %get3A_1574 = arith.constant 1 : i32
      %get3A_1575 = arith.constant 1 : i32
      %get3A_1576 = arith.index_cast %get3A_1574 : i32 to index
      %get3A_1577 = arith.index_cast %get3A_1575 : i32 to index
      %get3A_1578 = arith.index_cast %add3A_1573 : i32 to index
      %get3A_1579 = tpu.vector_load %arg4[%get3A_1576, %get3A_1577, %get3A_1578] {strides = array<i32>} : memref<2x4x8192xf32, #tpu.memory_space<vmem>>, vector<1x1x16xf32>,
      %get3A_1580 = vector.shape_cast %get3A_1579 : vector<1x1x16xf32> to vector<16xf32>
      %add3A_1581 = arith.addf %scan3A_1542, %get3A_1580 : vector<16xf32>
      scf.yield %add3A_1551, %add3A_1561, %add3A_1571, %add3A_1581 : vector<16xf32>, vector<16xf32>, vector<16xf32>, vector<16xf32>
    }
    %scan3A_1123 = arith.constant 128 : i32
    %add3A_1124 = arith.addf %scan3A_1122#0, %scan3A_1122#1 : vector<16xf32>
    %add3A_1125 = arith.addf %scan3A_1122#2, %scan3A_1122#3 : vector<16xf32>
    %add3A_1126 = arith.addf %add3A_1124, %add3A_1125 : vector<16xf32>
    %swap3A_1127 = arith.constant 45 : i32
    %swap3A_1128 = arith.index_cast %swap3A_1127 : i32 to index
    %swap3A_1129 = arith.constant 0 : index
    %swap3A_1130 = tpu.vector_load %arg5[%swap3A_1128, %swap3A_1129] {strides = array<i32>} : memref<64x16xf32, #tpu.memory_space<vmem>>, vector<1x16xf32>,
    %swap3A_1131 = vector.shape_cast %swap3A_1130 : vector<1x16xf32> to vector<16xf32>
    %swap3A_1132 = vector.shape_cast %add3A_1126 : vector<16xf32> to vector<1x16xf32>
    tpu.vector_store %arg5[%swap3A_1128, %swap3A_1129], %swap3A_1132 {strides = array<i32>} : memref<64x16xf32, #tpu.memory_space<vmem>>, vector<1x16xf32>,
    %broadcast_in_dim3A_1133 = arith.constant 0.000000e+00 : f32
    %broadcast_in_dim3A_1134 = vector.broadcast %broadcast_in_dim3A_1133 : f32 to vector<16xf32>
    %scan3A_1135 = arith.constant 0 : i32
    %scan3A_1136 = arith.constant 128 : i32
    %scan3A_1137 = arith.addi %scan3A_1135, %scan3A_1136 : i32
    %scan3A_1138 = arith.constant 1 : i32
    %scan3A_1139:4 = scf.for %scan3A_1538 = %scan3A_1135 to %scan3A_1137 step %scan3A_1138 iter_args(%scan3A_1539 = %broadcast_in_dim3A_1134, %scan3A_1540 = %broadcast_in_dim3A_1134, %scan3A_1541 = %broadcast_in_dim3A_1134, %scan3A_1542 = %broadcast_in_dim3A_1134) -> (vector<16xf32>, vector<16xf32>, vector<16xf32>, vector<16xf32>)  : i32 {
      %mul3A_1543 = arith.constant 64 : i32
      %mul3A_1544 = arith.muli %scan3A_1538, %mul3A_1543 : i32
      %get3A = arith.constant 1 : i32
      %get3A_1545 = arith.constant 2 : i32
      %get3A_1546 = arith.index_cast %get3A : i32 to index
      %get3A_1547 = arith.index_cast %get3A_1545 : i32 to index
      %get3A_1548 = arith.index_cast %mul3A_1544 : i32 to index
      %get3A_1549 = tpu.vector_load %arg4[%get3A_1546, %get3A_1547, %get3A_1548] {strides = array<i32>} : memref<2x4x8192xf32, #tpu.memory_space<vmem>>, vector<1x1x16xf32>,
      %get3A_1550 = vector.shape_cast %get3A_1549 : vector<1x1x16xf32> to vector<16xf32>
      %add3A_1551 = arith.addf %scan3A_1539, %get3A_1550 : vector<16xf32>
      %add3A_1552 = arith.constant 16 : i32
      %add3A_1553 = arith.addi %mul3A_1544, %add3A_1552 : i32
      %get3A_1554 = arith.constant 1 : i32
      %get3A_1555 = arith.constant 2 : i32
      %get3A_1556 = arith.index_cast %get3A_1554 : i32 to index
      %get3A_1557 = arith.index_cast %get3A_1555 : i32 to index
      %get3A_1558 = arith.index_cast %add3A_1553 : i32 to index
      %get3A_1559 = tpu.vector_load %arg4[%get3A_1556, %get3A_1557, %get3A_1558] {strides = array<i32>} : memref<2x4x8192xf32, #tpu.memory_space<vmem>>, vector<1x1x16xf32>,
      %get3A_1560 = vector.shape_cast %get3A_1559 : vector<1x1x16xf32> to vector<16xf32>
      %add3A_1561 = arith.addf %scan3A_1540, %get3A_1560 : vector<16xf32>
      %add3A_1562 = arith.constant 32 : i32
      %add3A_1563 = arith.addi %mul3A_1544, %add3A_1562 : i32
      %get3A_1564 = arith.constant 1 : i32
      %get3A_1565 = arith.constant 2 : i32
      %get3A_1566 = arith.index_cast %get3A_1564 : i32 to index
      %get3A_1567 = arith.index_cast %get3A_1565 : i32 to index
      %get3A_1568 = arith.index_cast %add3A_1563 : i32 to index
      %get3A_1569 = tpu.vector_load %arg4[%get3A_1566, %get3A_1567, %get3A_1568] {strides = array<i32>} : memref<2x4x8192xf32, #tpu.memory_space<vmem>>, vector<1x1x16xf32>,
      %get3A_1570 = vector.shape_cast %get3A_1569 : vector<1x1x16xf32> to vector<16xf32>
      %add3A_1571 = arith.addf %scan3A_1541, %get3A_1570 : vector<16xf32>
      %add3A_1572 = arith.constant 48 : i32
      %add3A_1573 = arith.addi %mul3A_1544, %add3A_1572 : i32
      %get3A_1574 = arith.constant 1 : i32
      %get3A_1575 = arith.constant 2 : i32
      %get3A_1576 = arith.index_cast %get3A_1574 : i32 to index
      %get3A_1577 = arith.index_cast %get3A_1575 : i32 to index
      %get3A_1578 = arith.index_cast %add3A_1573 : i32 to index
      %get3A_1579 = tpu.vector_load %arg4[%get3A_1576, %get3A_1577, %get3A_1578] {strides = array<i32>} : memref<2x4x8192xf32, #tpu.memory_space<vmem>>, vector<1x1x16xf32>,
      %get3A_1580 = vector.shape_cast %get3A_1579 : vector<1x1x16xf32> to vector<16xf32>
      %add3A_1581 = arith.addf %scan3A_1542, %get3A_1580 : vector<16xf32>
      scf.yield %add3A_1551, %add3A_1561, %add3A_1571, %add3A_1581 : vector<16xf32>, vector<16xf32>, vector<16xf32>, vector<16xf32>
    }
    %scan3A_1140 = arith.constant 128 : i32
    %add3A_1141 = arith.addf %scan3A_1139#0, %scan3A_1139#1 : vector<16xf32>
    %add3A_1142 = arith.addf %scan3A_1139#2, %scan3A_1139#3 : vector<16xf32>
    %add3A_1143 = arith.addf %add3A_1141, %add3A_1142 : vector<16xf32>
    %swap3A_1144 = arith.constant 46 : i32
    %swap3A_1145 = arith.index_cast %swap3A_1144 : i32 to index
    %swap3A_1146 = arith.constant 0 : index
    %swap3A_1147 = tpu.vector_load %arg5[%swap3A_1145, %swap3A_1146] {strides = array<i32>} : memref<64x16xf32, #tpu.memory_space<vmem>>, vector<1x16xf32>,
    %swap3A_1148 = vector.shape_cast %swap3A_1147 : vector<1x16xf32> to vector<16xf32>
    %swap3A_1149 = vector.shape_cast %add3A_1143 : vector<16xf32> to vector<1x16xf32>
    tpu.vector_store %arg5[%swap3A_1145, %swap3A_1146], %swap3A_1149 {strides = array<i32>} : memref<64x16xf32, #tpu.memory_space<vmem>>, vector<1x16xf32>,
    %broadcast_in_dim3A_1150 = arith.constant 0.000000e+00 : f32
    %broadcast_in_dim3A_1151 = vector.broadcast %broadcast_in_dim3A_1150 : f32 to vector<16xf32>
    %scan3A_1152 = arith.constant 0 : i32
    %scan3A_1153 = arith.constant 128 : i32
    %scan3A_1154 = arith.addi %scan3A_1152, %scan3A_1153 : i32
    %scan3A_1155 = arith.constant 1 : i32
    %scan3A_1156:4 = scf.for %scan3A_1538 = %scan3A_1152 to %scan3A_1154 step %scan3A_1155 iter_args(%scan3A_1539 = %broadcast_in_dim3A_1151, %scan3A_1540 = %broadcast_in_dim3A_1151, %scan3A_1541 = %broadcast_in_dim3A_1151, %scan3A_1542 = %broadcast_in_dim3A_1151) -> (vector<16xf32>, vector<16xf32>, vector<16xf32>, vector<16xf32>)  : i32 {
      %mul3A_1543 = arith.constant 64 : i32
      %mul3A_1544 = arith.muli %scan3A_1538, %mul3A_1543 : i32
      %get3A = arith.constant 1 : i32
      %get3A_1545 = arith.constant 3 : i32
      %get3A_1546 = arith.index_cast %get3A : i32 to index
      %get3A_1547 = arith.index_cast %get3A_1545 : i32 to index
      %get3A_1548 = arith.index_cast %mul3A_1544 : i32 to index
      %get3A_1549 = tpu.vector_load %arg4[%get3A_1546, %get3A_1547, %get3A_1548] {strides = array<i32>} : memref<2x4x8192xf32, #tpu.memory_space<vmem>>, vector<1x1x16xf32>,
      %get3A_1550 = vector.shape_cast %get3A_1549 : vector<1x1x16xf32> to vector<16xf32>
      %add3A_1551 = arith.addf %scan3A_1539, %get3A_1550 : vector<16xf32>
      %add3A_1552 = arith.constant 16 : i32
      %add3A_1553 = arith.addi %mul3A_1544, %add3A_1552 : i32
      %get3A_1554 = arith.constant 1 : i32
      %get3A_1555 = arith.constant 3 : i32
      %get3A_1556 = arith.index_cast %get3A_1554 : i32 to index
      %get3A_1557 = arith.index_cast %get3A_1555 : i32 to index
      %get3A_1558 = arith.index_cast %add3A_1553 : i32 to index
      %get3A_1559 = tpu.vector_load %arg4[%get3A_1556, %get3A_1557, %get3A_1558] {strides = array<i32>} : memref<2x4x8192xf32, #tpu.memory_space<vmem>>, vector<1x1x16xf32>,
      %get3A_1560 = vector.shape_cast %get3A_1559 : vector<1x1x16xf32> to vector<16xf32>
      %add3A_1561 = arith.addf %scan3A_1540, %get3A_1560 : vector<16xf32>
      %add3A_1562 = arith.constant 32 : i32
      %add3A_1563 = arith.addi %mul3A_1544, %add3A_1562 : i32
      %get3A_1564 = arith.constant 1 : i32
      %get3A_1565 = arith.constant 3 : i32
      %get3A_1566 = arith.index_cast %get3A_1564 : i32 to index
      %get3A_1567 = arith.index_cast %get3A_1565 : i32 to index
      %get3A_1568 = arith.index_cast %add3A_1563 : i32 to index
      %get3A_1569 = tpu.vector_load %arg4[%get3A_1566, %get3A_1567, %get3A_1568] {strides = array<i32>} : memref<2x4x8192xf32, #tpu.memory_space<vmem>>, vector<1x1x16xf32>,
      %get3A_1570 = vector.shape_cast %get3A_1569 : vector<1x1x16xf32> to vector<16xf32>
      %add3A_1571 = arith.addf %scan3A_1541, %get3A_1570 : vector<16xf32>
      %add3A_1572 = arith.constant 48 : i32
      %add3A_1573 = arith.addi %mul3A_1544, %add3A_1572 : i32
      %get3A_1574 = arith.constant 1 : i32
      %get3A_1575 = arith.constant 3 : i32
      %get3A_1576 = arith.index_cast %get3A_1574 : i32 to index
      %get3A_1577 = arith.index_cast %get3A_1575 : i32 to index
      %get3A_1578 = arith.index_cast %add3A_1573 : i32 to index
      %get3A_1579 = tpu.vector_load %arg4[%get3A_1576, %get3A_1577, %get3A_1578] {strides = array<i32>} : memref<2x4x8192xf32, #tpu.memory_space<vmem>>, vector<1x1x16xf32>,
      %get3A_1580 = vector.shape_cast %get3A_1579 : vector<1x1x16xf32> to vector<16xf32>
      %add3A_1581 = arith.addf %scan3A_1542, %get3A_1580 : vector<16xf32>
      scf.yield %add3A_1551, %add3A_1561, %add3A_1571, %add3A_1581 : vector<16xf32>, vector<16xf32>, vector<16xf32>, vector<16xf32>
    }
    %scan3A_1157 = arith.constant 128 : i32
    %add3A_1158 = arith.addf %scan3A_1156#0, %scan3A_1156#1 : vector<16xf32>
    %add3A_1159 = arith.addf %scan3A_1156#2, %scan3A_1156#3 : vector<16xf32>
    %add3A_1160 = arith.addf %add3A_1158, %add3A_1159 : vector<16xf32>
    %swap3A_1161 = arith.constant 47 : i32
    %swap3A_1162 = arith.index_cast %swap3A_1161 : i32 to index
    %swap3A_1163 = arith.constant 0 : index
    %swap3A_1164 = tpu.vector_load %arg5[%swap3A_1162, %swap3A_1163] {strides = array<i32>} : memref<64x16xf32, #tpu.memory_space<vmem>>, vector<1x16xf32>,
    %swap3A_1165 = vector.shape_cast %swap3A_1164 : vector<1x16xf32> to vector<16xf32>
    %swap3A_1166 = vector.shape_cast %add3A_1160 : vector<16xf32> to vector<1x16xf32>
    tpu.vector_store %arg5[%swap3A_1162, %swap3A_1163], %swap3A_1166 {strides = array<i32>} : memref<64x16xf32, #tpu.memory_space<vmem>>, vector<1x16xf32>,
    %add3A_1167 = arith.constant 52 : i32
    %add3A_1168 = arith.addi %add3A_4, %add3A_1167 : i32
    %dma_start3A_1169 = arith.constant 1 : i32
    %dma_start3A_1170 = arith.constant 0 : i32
    %dma_start3A_1171 = arith.constant 0 : i32
    %dma_start3A_1172 = tpu.memref_slice %arg4[%dma_start3A_1169, %dma_start3A_1170, %dma_start3A_1171] : memref<2x4x8192xf32, #tpu.memory_space<vmem>> -> memref<1x4x8192xf32, #tpu.memory_space<vmem>>
    %dma_start3A_1173 = tpu.memref_squeeze %dma_start3A_1172 : memref<1x4x8192xf32, #tpu.memory_space<vmem>> -> memref<4x8192xf32, #tpu.memory_space<vmem>>
    %dma_start3A_1174 = arith.constant 0 : i32
    %dma_start3A_1175 = tpu.memref_slice %arg2[%add3A_1168, %dma_start3A_1174] : memref<8192x8192xf32, #tpu.memory_space<hbm>> -> memref<4x8192xf32, #tpu.memory_space<hbm>>
    %dma_start3A_1176 = arith.constant 0 : i32
    %dma_start3A_1177 = arith.constant 0 : i32
    %dma_start3A_1178 = tpu.memref_slice %arg4[%dma_start3A_1169, %dma_start3A_1176, %dma_start3A_1177] : memref<2x4x8192xf32, #tpu.memory_space<vmem>> -> memref<1x4x8192xf32, #tpu.memory_space<vmem>>
    %dma_start3A_1179 = tpu.memref_squeeze %dma_start3A_1178 : memref<1x4x8192xf32, #tpu.memory_space<vmem>> -> memref<4x8192xf32, #tpu.memory_space<vmem>>
    %dma_start3A_1180 = arith.constant 0 : i32
    %dma_start3A_1181 = tpu.memref_slice %arg2[%add3A_1168, %dma_start3A_1180] : memref<8192x8192xf32, #tpu.memory_space<hbm>> -> memref<4x8192xf32, #tpu.memory_space<hbm>>
    tpu.enqueue_dma source(%dma_start3A_1181 : memref<4x8192xf32, #tpu.memory_space<hbm>>) target(%dma_start3A_1179 : memref<4x8192xf32, #tpu.memory_space<vmem>>) target_semaphore(%arg7 : memref<!tpu.dma_semaphore, #tpu.memory_space<semaphore_mem>>)
    %dma_wait3A_1182 = arith.constant 0 : i32
    %dma_wait3A_1183 = arith.constant 0 : i32
    %dma_wait3A_1184 = arith.constant 0 : i32
    %dma_wait3A_1185 = tpu.memref_slice %arg4[%dma_wait3A_1182, %dma_wait3A_1183, %dma_wait3A_1184] : memref<2x4x8192xf32, #tpu.memory_space<vmem>> -> memref<1x4x8192xf32, #tpu.memory_space<vmem>>
    %dma_wait3A_1186 = tpu.memref_squeeze %dma_wait3A_1185 : memref<1x4x8192xf32, #tpu.memory_space<vmem>> -> memref<4x8192xf32, #tpu.memory_space<vmem>>
    %dma_wait3A_1187 = arith.constant 0 : i32
    %dma_wait3A_1188 = tpu.memref_slice %arg2[%add3A_1072, %dma_wait3A_1187] : memref<8192x8192xf32, #tpu.memory_space<hbm>> -> memref<4x8192xf32, #tpu.memory_space<hbm>>
    %dma_wait3A_1189 = arith.constant 0 : i32
    %dma_wait3A_1190 = arith.constant 0 : i32
    %dma_wait3A_1191 = tpu.memref_slice %arg4[%dma_wait3A_1182, %dma_wait3A_1189, %dma_wait3A_1190] : memref<2x4x8192xf32, #tpu.memory_space<vmem>> -> memref<1x4x8192xf32, #tpu.memory_space<vmem>>
    %dma_wait3A_1192 = tpu.memref_squeeze %dma_wait3A_1191 : memref<1x4x8192xf32, #tpu.memory_space<vmem>> -> memref<4x8192xf32, #tpu.memory_space<vmem>>
    %dma_wait3A_1193 = arith.constant 0 : i32
    %dma_wait3A_1194 = tpu.memref_slice %arg2[%add3A_1072, %dma_wait3A_1193] : memref<8192x8192xf32, #tpu.memory_space<hbm>> -> memref<4x8192xf32, #tpu.memory_space<hbm>>
    tpu.wait_dma2 semaphore(%arg6 : memref<!tpu.dma_semaphore, #tpu.memory_space<semaphore_mem>>) src(%dma_wait3A_1194 : memref<4x8192xf32, #tpu.memory_space<hbm>>) dst(%dma_wait3A_1192 : memref<4x8192xf32, #tpu.memory_space<vmem>>)
    %broadcast_in_dim3A_1195 = arith.constant 0.000000e+00 : f32
    %broadcast_in_dim3A_1196 = vector.broadcast %broadcast_in_dim3A_1195 : f32 to vector<16xf32>
    %scan3A_1197 = arith.constant 0 : i32
    %scan3A_1198 = arith.constant 128 : i32
    %scan3A_1199 = arith.addi %scan3A_1197, %scan3A_1198 : i32
    %scan3A_1200 = arith.constant 1 : i32
    %scan3A_1201:4 = scf.for %scan3A_1538 = %scan3A_1197 to %scan3A_1199 step %scan3A_1200 iter_args(%scan3A_1539 = %broadcast_in_dim3A_1196, %scan3A_1540 = %broadcast_in_dim3A_1196, %scan3A_1541 = %broadcast_in_dim3A_1196, %scan3A_1542 = %broadcast_in_dim3A_1196) -> (vector<16xf32>, vector<16xf32>, vector<16xf32>, vector<16xf32>)  : i32 {
      %mul3A_1543 = arith.constant 64 : i32
      %mul3A_1544 = arith.muli %scan3A_1538, %mul3A_1543 : i32
      %get3A = arith.constant 0 : i32
      %get3A_1545 = arith.constant 0 : i32
      %get3A_1546 = arith.index_cast %get3A : i32 to index
      %get3A_1547 = arith.index_cast %get3A_1545 : i32 to index
      %get3A_1548 = arith.index_cast %mul3A_1544 : i32 to index
      %get3A_1549 = tpu.vector_load %arg4[%get3A_1546, %get3A_1547, %get3A_1548] {strides = array<i32>} : memref<2x4x8192xf32, #tpu.memory_space<vmem>>, vector<1x1x16xf32>,
      %get3A_1550 = vector.shape_cast %get3A_1549 : vector<1x1x16xf32> to vector<16xf32>
      %add3A_1551 = arith.addf %scan3A_1539, %get3A_1550 : vector<16xf32>
      %add3A_1552 = arith.constant 16 : i32
      %add3A_1553 = arith.addi %mul3A_1544, %add3A_1552 : i32
      %get3A_1554 = arith.constant 0 : i32
      %get3A_1555 = arith.constant 0 : i32
      %get3A_1556 = arith.index_cast %get3A_1554 : i32 to index
      %get3A_1557 = arith.index_cast %get3A_1555 : i32 to index
      %get3A_1558 = arith.index_cast %add3A_1553 : i32 to index
      %get3A_1559 = tpu.vector_load %arg4[%get3A_1556, %get3A_1557, %get3A_1558] {strides = array<i32>} : memref<2x4x8192xf32, #tpu.memory_space<vmem>>, vector<1x1x16xf32>,
      %get3A_1560 = vector.shape_cast %get3A_1559 : vector<1x1x16xf32> to vector<16xf32>
      %add3A_1561 = arith.addf %scan3A_1540, %get3A_1560 : vector<16xf32>
      %add3A_1562 = arith.constant 32 : i32
      %add3A_1563 = arith.addi %mul3A_1544, %add3A_1562 : i32
      %get3A_1564 = arith.constant 0 : i32
      %get3A_1565 = arith.constant 0 : i32
      %get3A_1566 = arith.index_cast %get3A_1564 : i32 to index
      %get3A_1567 = arith.index_cast %get3A_1565 : i32 to index
      %get3A_1568 = arith.index_cast %add3A_1563 : i32 to index
      %get3A_1569 = tpu.vector_load %arg4[%get3A_1566, %get3A_1567, %get3A_1568] {strides = array<i32>} : memref<2x4x8192xf32, #tpu.memory_space<vmem>>, vector<1x1x16xf32>,
      %get3A_1570 = vector.shape_cast %get3A_1569 : vector<1x1x16xf32> to vector<16xf32>
      %add3A_1571 = arith.addf %scan3A_1541, %get3A_1570 : vector<16xf32>
      %add3A_1572 = arith.constant 48 : i32
      %add3A_1573 = arith.addi %mul3A_1544, %add3A_1572 : i32
      %get3A_1574 = arith.constant 0 : i32
      %get3A_1575 = arith.constant 0 : i32
      %get3A_1576 = arith.index_cast %get3A_1574 : i32 to index
      %get3A_1577 = arith.index_cast %get3A_1575 : i32 to index
      %get3A_1578 = arith.index_cast %add3A_1573 : i32 to index
      %get3A_1579 = tpu.vector_load %arg4[%get3A_1576, %get3A_1577, %get3A_1578] {strides = array<i32>} : memref<2x4x8192xf32, #tpu.memory_space<vmem>>, vector<1x1x16xf32>,
      %get3A_1580 = vector.shape_cast %get3A_1579 : vector<1x1x16xf32> to vector<16xf32>
      %add3A_1581 = arith.addf %scan3A_1542, %get3A_1580 : vector<16xf32>
      scf.yield %add3A_1551, %add3A_1561, %add3A_1571, %add3A_1581 : vector<16xf32>, vector<16xf32>, vector<16xf32>, vector<16xf32>
    }
    %scan3A_1202 = arith.constant 128 : i32
    %add3A_1203 = arith.addf %scan3A_1201#0, %scan3A_1201#1 : vector<16xf32>
    %add3A_1204 = arith.addf %scan3A_1201#2, %scan3A_1201#3 : vector<16xf32>
    %add3A_1205 = arith.addf %add3A_1203, %add3A_1204 : vector<16xf32>
    %swap3A_1206 = arith.constant 48 : i32
    %swap3A_1207 = arith.index_cast %swap3A_1206 : i32 to index
    %swap3A_1208 = arith.constant 0 : index
    %swap3A_1209 = tpu.vector_load %arg5[%swap3A_1207, %swap3A_1208] {strides = array<i32>} : memref<64x16xf32, #tpu.memory_space<vmem>>, vector<1x16xf32>,
    %swap3A_1210 = vector.shape_cast %swap3A_1209 : vector<1x16xf32> to vector<16xf32>
    %swap3A_1211 = vector.shape_cast %add3A_1205 : vector<16xf32> to vector<1x16xf32>
    tpu.vector_store %arg5[%swap3A_1207, %swap3A_1208], %swap3A_1211 {strides = array<i32>} : memref<64x16xf32, #tpu.memory_space<vmem>>, vector<1x16xf32>,
    %broadcast_in_dim3A_1212 = arith.constant 0.000000e+00 : f32
    %broadcast_in_dim3A_1213 = vector.broadcast %broadcast_in_dim3A_1212 : f32 to vector<16xf32>
    %scan3A_1214 = arith.constant 0 : i32
    %scan3A_1215 = arith.constant 128 : i32
    %scan3A_1216 = arith.addi %scan3A_1214, %scan3A_1215 : i32
    %scan3A_1217 = arith.constant 1 : i32
    %scan3A_1218:4 = scf.for %scan3A_1538 = %scan3A_1214 to %scan3A_1216 step %scan3A_1217 iter_args(%scan3A_1539 = %broadcast_in_dim3A_1213, %scan3A_1540 = %broadcast_in_dim3A_1213, %scan3A_1541 = %broadcast_in_dim3A_1213, %scan3A_1542 = %broadcast_in_dim3A_1213) -> (vector<16xf32>, vector<16xf32>, vector<16xf32>, vector<16xf32>)  : i32 {
      %mul3A_1543 = arith.constant 64 : i32
      %mul3A_1544 = arith.muli %scan3A_1538, %mul3A_1543 : i32
      %get3A = arith.constant 0 : i32
      %get3A_1545 = arith.constant 1 : i32
      %get3A_1546 = arith.index_cast %get3A : i32 to index
      %get3A_1547 = arith.index_cast %get3A_1545 : i32 to index
      %get3A_1548 = arith.index_cast %mul3A_1544 : i32 to index
      %get3A_1549 = tpu.vector_load %arg4[%get3A_1546, %get3A_1547, %get3A_1548] {strides = array<i32>} : memref<2x4x8192xf32, #tpu.memory_space<vmem>>, vector<1x1x16xf32>,
      %get3A_1550 = vector.shape_cast %get3A_1549 : vector<1x1x16xf32> to vector<16xf32>
      %add3A_1551 = arith.addf %scan3A_1539, %get3A_1550 : vector<16xf32>
      %add3A_1552 = arith.constant 16 : i32
      %add3A_1553 = arith.addi %mul3A_1544, %add3A_1552 : i32
      %get3A_1554 = arith.constant 0 : i32
      %get3A_1555 = arith.constant 1 : i32
      %get3A_1556 = arith.index_cast %get3A_1554 : i32 to index
      %get3A_1557 = arith.index_cast %get3A_1555 : i32 to index
      %get3A_1558 = arith.index_cast %add3A_1553 : i32 to index
      %get3A_1559 = tpu.vector_load %arg4[%get3A_1556, %get3A_1557, %get3A_1558] {strides = array<i32>} : memref<2x4x8192xf32, #tpu.memory_space<vmem>>, vector<1x1x16xf32>,
      %get3A_1560 = vector.shape_cast %get3A_1559 : vector<1x1x16xf32> to vector<16xf32>
      %add3A_1561 = arith.addf %scan3A_1540, %get3A_1560 : vector<16xf32>
      %add3A_1562 = arith.constant 32 : i32
      %add3A_1563 = arith.addi %mul3A_1544, %add3A_1562 : i32
      %get3A_1564 = arith.constant 0 : i32
      %get3A_1565 = arith.constant 1 : i32
      %get3A_1566 = arith.index_cast %get3A_1564 : i32 to index
      %get3A_1567 = arith.index_cast %get3A_1565 : i32 to index
      %get3A_1568 = arith.index_cast %add3A_1563 : i32 to index
      %get3A_1569 = tpu.vector_load %arg4[%get3A_1566, %get3A_1567, %get3A_1568] {strides = array<i32>} : memref<2x4x8192xf32, #tpu.memory_space<vmem>>, vector<1x1x16xf32>,
      %get3A_1570 = vector.shape_cast %get3A_1569 : vector<1x1x16xf32> to vector<16xf32>
      %add3A_1571 = arith.addf %scan3A_1541, %get3A_1570 : vector<16xf32>
      %add3A_1572 = arith.constant 48 : i32
      %add3A_1573 = arith.addi %mul3A_1544, %add3A_1572 : i32
      %get3A_1574 = arith.constant 0 : i32
      %get3A_1575 = arith.constant 1 : i32
      %get3A_1576 = arith.index_cast %get3A_1574 : i32 to index
      %get3A_1577 = arith.index_cast %get3A_1575 : i32 to index
      %get3A_1578 = arith.index_cast %add3A_1573 : i32 to index
      %get3A_1579 = tpu.vector_load %arg4[%get3A_1576, %get3A_1577, %get3A_1578] {strides = array<i32>} : memref<2x4x8192xf32, #tpu.memory_space<vmem>>, vector<1x1x16xf32>,
      %get3A_1580 = vector.shape_cast %get3A_1579 : vector<1x1x16xf32> to vector<16xf32>
      %add3A_1581 = arith.addf %scan3A_1542, %get3A_1580 : vector<16xf32>
      scf.yield %add3A_1551, %add3A_1561, %add3A_1571, %add3A_1581 : vector<16xf32>, vector<16xf32>, vector<16xf32>, vector<16xf32>
    }
    %scan3A_1219 = arith.constant 128 : i32
    %add3A_1220 = arith.addf %scan3A_1218#0, %scan3A_1218#1 : vector<16xf32>
    %add3A_1221 = arith.addf %scan3A_1218#2, %scan3A_1218#3 : vector<16xf32>
    %add3A_1222 = arith.addf %add3A_1220, %add3A_1221 : vector<16xf32>
    %swap3A_1223 = arith.constant 49 : i32
    %swap3A_1224 = arith.index_cast %swap3A_1223 : i32 to index
    %swap3A_1225 = arith.constant 0 : index
    %swap3A_1226 = tpu.vector_load %arg5[%swap3A_1224, %swap3A_1225] {strides = array<i32>} : memref<64x16xf32, #tpu.memory_space<vmem>>, vector<1x16xf32>,
    %swap3A_1227 = vector.shape_cast %swap3A_1226 : vector<1x16xf32> to vector<16xf32>
    %swap3A_1228 = vector.shape_cast %add3A_1222 : vector<16xf32> to vector<1x16xf32>
    tpu.vector_store %arg5[%swap3A_1224, %swap3A_1225], %swap3A_1228 {strides = array<i32>} : memref<64x16xf32, #tpu.memory_space<vmem>>, vector<1x16xf32>,
    %broadcast_in_dim3A_1229 = arith.constant 0.000000e+00 : f32
    %broadcast_in_dim3A_1230 = vector.broadcast %broadcast_in_dim3A_1229 : f32 to vector<16xf32>
    %scan3A_1231 = arith.constant 0 : i32
    %scan3A_1232 = arith.constant 128 : i32
    %scan3A_1233 = arith.addi %scan3A_1231, %scan3A_1232 : i32
    %scan3A_1234 = arith.constant 1 : i32
    %scan3A_1235:4 = scf.for %scan3A_1538 = %scan3A_1231 to %scan3A_1233 step %scan3A_1234 iter_args(%scan3A_1539 = %broadcast_in_dim3A_1230, %scan3A_1540 = %broadcast_in_dim3A_1230, %scan3A_1541 = %broadcast_in_dim3A_1230, %scan3A_1542 = %broadcast_in_dim3A_1230) -> (vector<16xf32>, vector<16xf32>, vector<16xf32>, vector<16xf32>)  : i32 {
      %mul3A_1543 = arith.constant 64 : i32
      %mul3A_1544 = arith.muli %scan3A_1538, %mul3A_1543 : i32
      %get3A = arith.constant 0 : i32
      %get3A_1545 = arith.constant 2 : i32
      %get3A_1546 = arith.index_cast %get3A : i32 to index
      %get3A_1547 = arith.index_cast %get3A_1545 : i32 to index
      %get3A_1548 = arith.index_cast %mul3A_1544 : i32 to index
      %get3A_1549 = tpu.vector_load %arg4[%get3A_1546, %get3A_1547, %get3A_1548] {strides = array<i32>} : memref<2x4x8192xf32, #tpu.memory_space<vmem>>, vector<1x1x16xf32>,
      %get3A_1550 = vector.shape_cast %get3A_1549 : vector<1x1x16xf32> to vector<16xf32>
      %add3A_1551 = arith.addf %scan3A_1539, %get3A_1550 : vector<16xf32>
      %add3A_1552 = arith.constant 16 : i32
      %add3A_1553 = arith.addi %mul3A_1544, %add3A_1552 : i32
      %get3A_1554 = arith.constant 0 : i32
      %get3A_1555 = arith.constant 2 : i32
      %get3A_1556 = arith.index_cast %get3A_1554 : i32 to index
      %get3A_1557 = arith.index_cast %get3A_1555 : i32 to index
      %get3A_1558 = arith.index_cast %add3A_1553 : i32 to index
      %get3A_1559 = tpu.vector_load %arg4[%get3A_1556, %get3A_1557, %get3A_1558] {strides = array<i32>} : memref<2x4x8192xf32, #tpu.memory_space<vmem>>, vector<1x1x16xf32>,
      %get3A_1560 = vector.shape_cast %get3A_1559 : vector<1x1x16xf32> to vector<16xf32>
      %add3A_1561 = arith.addf %scan3A_1540, %get3A_1560 : vector<16xf32>
      %add3A_1562 = arith.constant 32 : i32
      %add3A_1563 = arith.addi %mul3A_1544, %add3A_1562 : i32
      %get3A_1564 = arith.constant 0 : i32
      %get3A_1565 = arith.constant 2 : i32
      %get3A_1566 = arith.index_cast %get3A_1564 : i32 to index
      %get3A_1567 = arith.index_cast %get3A_1565 : i32 to index
      %get3A_1568 = arith.index_cast %add3A_1563 : i32 to index
      %get3A_1569 = tpu.vector_load %arg4[%get3A_1566, %get3A_1567, %get3A_1568] {strides = array<i32>} : memref<2x4x8192xf32, #tpu.memory_space<vmem>>, vector<1x1x16xf32>,
      %get3A_1570 = vector.shape_cast %get3A_1569 : vector<1x1x16xf32> to vector<16xf32>
      %add3A_1571 = arith.addf %scan3A_1541, %get3A_1570 : vector<16xf32>
      %add3A_1572 = arith.constant 48 : i32
      %add3A_1573 = arith.addi %mul3A_1544, %add3A_1572 : i32
      %get3A_1574 = arith.constant 0 : i32
      %get3A_1575 = arith.constant 2 : i32
      %get3A_1576 = arith.index_cast %get3A_1574 : i32 to index
      %get3A_1577 = arith.index_cast %get3A_1575 : i32 to index
      %get3A_1578 = arith.index_cast %add3A_1573 : i32 to index
      %get3A_1579 = tpu.vector_load %arg4[%get3A_1576, %get3A_1577, %get3A_1578] {strides = array<i32>} : memref<2x4x8192xf32, #tpu.memory_space<vmem>>, vector<1x1x16xf32>,
      %get3A_1580 = vector.shape_cast %get3A_1579 : vector<1x1x16xf32> to vector<16xf32>
      %add3A_1581 = arith.addf %scan3A_1542, %get3A_1580 : vector<16xf32>
      scf.yield %add3A_1551, %add3A_1561, %add3A_1571, %add3A_1581 : vector<16xf32>, vector<16xf32>, vector<16xf32>, vector<16xf32>
    }
    %scan3A_1236 = arith.constant 128 : i32
    %add3A_1237 = arith.addf %scan3A_1235#0, %scan3A_1235#1 : vector<16xf32>
    %add3A_1238 = arith.addf %scan3A_1235#2, %scan3A_1235#3 : vector<16xf32>
    %add3A_1239 = arith.addf %add3A_1237, %add3A_1238 : vector<16xf32>
    %swap3A_1240 = arith.constant 50 : i32
    %swap3A_1241 = arith.index_cast %swap3A_1240 : i32 to index
    %swap3A_1242 = arith.constant 0 : index
    %swap3A_1243 = tpu.vector_load %arg5[%swap3A_1241, %swap3A_1242] {strides = array<i32>} : memref<64x16xf32, #tpu.memory_space<vmem>>, vector<1x16xf32>,
    %swap3A_1244 = vector.shape_cast %swap3A_1243 : vector<1x16xf32> to vector<16xf32>
    %swap3A_1245 = vector.shape_cast %add3A_1239 : vector<16xf32> to vector<1x16xf32>
    tpu.vector_store %arg5[%swap3A_1241, %swap3A_1242], %swap3A_1245 {strides = array<i32>} : memref<64x16xf32, #tpu.memory_space<vmem>>, vector<1x16xf32>,
    %broadcast_in_dim3A_1246 = arith.constant 0.000000e+00 : f32
    %broadcast_in_dim3A_1247 = vector.broadcast %broadcast_in_dim3A_1246 : f32 to vector<16xf32>
    %scan3A_1248 = arith.constant 0 : i32
    %scan3A_1249 = arith.constant 128 : i32
    %scan3A_1250 = arith.addi %scan3A_1248, %scan3A_1249 : i32
    %scan3A_1251 = arith.constant 1 : i32
    %scan3A_1252:4 = scf.for %scan3A_1538 = %scan3A_1248 to %scan3A_1250 step %scan3A_1251 iter_args(%scan3A_1539 = %broadcast_in_dim3A_1247, %scan3A_1540 = %broadcast_in_dim3A_1247, %scan3A_1541 = %broadcast_in_dim3A_1247, %scan3A_1542 = %broadcast_in_dim3A_1247) -> (vector<16xf32>, vector<16xf32>, vector<16xf32>, vector<16xf32>)  : i32 {
      %mul3A_1543 = arith.constant 64 : i32
      %mul3A_1544 = arith.muli %scan3A_1538, %mul3A_1543 : i32
      %get3A = arith.constant 0 : i32
      %get3A_1545 = arith.constant 3 : i32
      %get3A_1546 = arith.index_cast %get3A : i32 to index
      %get3A_1547 = arith.index_cast %get3A_1545 : i32 to index
      %get3A_1548 = arith.index_cast %mul3A_1544 : i32 to index
      %get3A_1549 = tpu.vector_load %arg4[%get3A_1546, %get3A_1547, %get3A_1548] {strides = array<i32>} : memref<2x4x8192xf32, #tpu.memory_space<vmem>>, vector<1x1x16xf32>,
      %get3A_1550 = vector.shape_cast %get3A_1549 : vector<1x1x16xf32> to vector<16xf32>
      %add3A_1551 = arith.addf %scan3A_1539, %get3A_1550 : vector<16xf32>
      %add3A_1552 = arith.constant 16 : i32
      %add3A_1553 = arith.addi %mul3A_1544, %add3A_1552 : i32
      %get3A_1554 = arith.constant 0 : i32
      %get3A_1555 = arith.constant 3 : i32
      %get3A_1556 = arith.index_cast %get3A_1554 : i32 to index
      %get3A_1557 = arith.index_cast %get3A_1555 : i32 to index
      %get3A_1558 = arith.index_cast %add3A_1553 : i32 to index
      %get3A_1559 = tpu.vector_load %arg4[%get3A_1556, %get3A_1557, %get3A_1558] {strides = array<i32>} : memref<2x4x8192xf32, #tpu.memory_space<vmem>>, vector<1x1x16xf32>,
      %get3A_1560 = vector.shape_cast %get3A_1559 : vector<1x1x16xf32> to vector<16xf32>
      %add3A_1561 = arith.addf %scan3A_1540, %get3A_1560 : vector<16xf32>
      %add3A_1562 = arith.constant 32 : i32
      %add3A_1563 = arith.addi %mul3A_1544, %add3A_1562 : i32
      %get3A_1564 = arith.constant 0 : i32
      %get3A_1565 = arith.constant 3 : i32
      %get3A_1566 = arith.index_cast %get3A_1564 : i32 to index
      %get3A_1567 = arith.index_cast %get3A_1565 : i32 to index
      %get3A_1568 = arith.index_cast %add3A_1563 : i32 to index
      %get3A_1569 = tpu.vector_load %arg4[%get3A_1566, %get3A_1567, %get3A_1568] {strides = array<i32>} : memref<2x4x8192xf32, #tpu.memory_space<vmem>>, vector<1x1x16xf32>,
      %get3A_1570 = vector.shape_cast %get3A_1569 : vector<1x1x16xf32> to vector<16xf32>
      %add3A_1571 = arith.addf %scan3A_1541, %get3A_1570 : vector<16xf32>
      %add3A_1572 = arith.constant 48 : i32
      %add3A_1573 = arith.addi %mul3A_1544, %add3A_1572 : i32
      %get3A_1574 = arith.constant 0 : i32
      %get3A_1575 = arith.constant 3 : i32
      %get3A_1576 = arith.index_cast %get3A_1574 : i32 to index
      %get3A_1577 = arith.index_cast %get3A_1575 : i32 to index
      %get3A_1578 = arith.index_cast %add3A_1573 : i32 to index
      %get3A_1579 = tpu.vector_load %arg4[%get3A_1576, %get3A_1577, %get3A_1578] {strides = array<i32>} : memref<2x4x8192xf32, #tpu.memory_space<vmem>>, vector<1x1x16xf32>,
      %get3A_1580 = vector.shape_cast %get3A_1579 : vector<1x1x16xf32> to vector<16xf32>
      %add3A_1581 = arith.addf %scan3A_1542, %get3A_1580 : vector<16xf32>
      scf.yield %add3A_1551, %add3A_1561, %add3A_1571, %add3A_1581 : vector<16xf32>, vector<16xf32>, vector<16xf32>, vector<16xf32>
    }
    %scan3A_1253 = arith.constant 128 : i32
    %add3A_1254 = arith.addf %scan3A_1252#0, %scan3A_1252#1 : vector<16xf32>
    %add3A_1255 = arith.addf %scan3A_1252#2, %scan3A_1252#3 : vector<16xf32>
    %add3A_1256 = arith.addf %add3A_1254, %add3A_1255 : vector<16xf32>
    %swap3A_1257 = arith.constant 51 : i32
    %swap3A_1258 = arith.index_cast %swap3A_1257 : i32 to index
    %swap3A_1259 = arith.constant 0 : index
    %swap3A_1260 = tpu.vector_load %arg5[%swap3A_1258, %swap3A_1259] {strides = array<i32>} : memref<64x16xf32, #tpu.memory_space<vmem>>, vector<1x16xf32>,
    %swap3A_1261 = vector.shape_cast %swap3A_1260 : vector<1x16xf32> to vector<16xf32>
    %swap3A_1262 = vector.shape_cast %add3A_1256 : vector<16xf32> to vector<1x16xf32>
    tpu.vector_store %arg5[%swap3A_1258, %swap3A_1259], %swap3A_1262 {strides = array<i32>} : memref<64x16xf32, #tpu.memory_space<vmem>>, vector<1x16xf32>,
    %add3A_1263 = arith.constant 56 : i32
    %add3A_1264 = arith.addi %add3A_4, %add3A_1263 : i32
    %dma_start3A_1265 = arith.constant 0 : i32
    %dma_start3A_1266 = arith.constant 0 : i32
    %dma_start3A_1267 = arith.constant 0 : i32
    %dma_start3A_1268 = tpu.memref_slice %arg4[%dma_start3A_1265, %dma_start3A_1266, %dma_start3A_1267] : memref<2x4x8192xf32, #tpu.memory_space<vmem>> -> memref<1x4x8192xf32, #tpu.memory_space<vmem>>
    %dma_start3A_1269 = tpu.memref_squeeze %dma_start3A_1268 : memref<1x4x8192xf32, #tpu.memory_space<vmem>> -> memref<4x8192xf32, #tpu.memory_space<vmem>>
    %dma_start3A_1270 = arith.constant 0 : i32
    %dma_start3A_1271 = tpu.memref_slice %arg2[%add3A_1264, %dma_start3A_1270] : memref<8192x8192xf32, #tpu.memory_space<hbm>> -> memref<4x8192xf32, #tpu.memory_space<hbm>>
    %dma_start3A_1272 = arith.constant 0 : i32
    %dma_start3A_1273 = arith.constant 0 : i32
    %dma_start3A_1274 = tpu.memref_slice %arg4[%dma_start3A_1265, %dma_start3A_1272, %dma_start3A_1273] : memref<2x4x8192xf32, #tpu.memory_space<vmem>> -> memref<1x4x8192xf32, #tpu.memory_space<vmem>>
    %dma_start3A_1275 = tpu.memref_squeeze %dma_start3A_1274 : memref<1x4x8192xf32, #tpu.memory_space<vmem>> -> memref<4x8192xf32, #tpu.memory_space<vmem>>
    %dma_start3A_1276 = arith.constant 0 : i32
    %dma_start3A_1277 = tpu.memref_slice %arg2[%add3A_1264, %dma_start3A_1276] : memref<8192x8192xf32, #tpu.memory_space<hbm>> -> memref<4x8192xf32, #tpu.memory_space<hbm>>
    tpu.enqueue_dma source(%dma_start3A_1277 : memref<4x8192xf32, #tpu.memory_space<hbm>>) target(%dma_start3A_1275 : memref<4x8192xf32, #tpu.memory_space<vmem>>) target_semaphore(%arg6 : memref<!tpu.dma_semaphore, #tpu.memory_space<semaphore_mem>>)
    %dma_wait3A_1278 = arith.constant 1 : i32
    %dma_wait3A_1279 = arith.constant 0 : i32
    %dma_wait3A_1280 = arith.constant 0 : i32
    %dma_wait3A_1281 = tpu.memref_slice %arg4[%dma_wait3A_1278, %dma_wait3A_1279, %dma_wait3A_1280] : memref<2x4x8192xf32, #tpu.memory_space<vmem>> -> memref<1x4x8192xf32, #tpu.memory_space<vmem>>
    %dma_wait3A_1282 = tpu.memref_squeeze %dma_wait3A_1281 : memref<1x4x8192xf32, #tpu.memory_space<vmem>> -> memref<4x8192xf32, #tpu.memory_space<vmem>>
    %dma_wait3A_1283 = arith.constant 0 : i32
    %dma_wait3A_1284 = tpu.memref_slice %arg2[%add3A_1168, %dma_wait3A_1283] : memref<8192x8192xf32, #tpu.memory_space<hbm>> -> memref<4x8192xf32, #tpu.memory_space<hbm>>
    %dma_wait3A_1285 = arith.constant 0 : i32
    %dma_wait3A_1286 = arith.constant 0 : i32
    %dma_wait3A_1287 = tpu.memref_slice %arg4[%dma_wait3A_1278, %dma_wait3A_1285, %dma_wait3A_1286] : memref<2x4x8192xf32, #tpu.memory_space<vmem>> -> memref<1x4x8192xf32, #tpu.memory_space<vmem>>
    %dma_wait3A_1288 = tpu.memref_squeeze %dma_wait3A_1287 : memref<1x4x8192xf32, #tpu.memory_space<vmem>> -> memref<4x8192xf32, #tpu.memory_space<vmem>>
    %dma_wait3A_1289 = arith.constant 0 : i32
    %dma_wait3A_1290 = tpu.memref_slice %arg2[%add3A_1168, %dma_wait3A_1289] : memref<8192x8192xf32, #tpu.memory_space<hbm>> -> memref<4x8192xf32, #tpu.memory_space<hbm>>
    tpu.wait_dma2 semaphore(%arg7 : memref<!tpu.dma_semaphore, #tpu.memory_space<semaphore_mem>>) src(%dma_wait3A_1290 : memref<4x8192xf32, #tpu.memory_space<hbm>>) dst(%dma_wait3A_1288 : memref<4x8192xf32, #tpu.memory_space<vmem>>)
    %broadcast_in_dim3A_1291 = arith.constant 0.000000e+00 : f32
    %broadcast_in_dim3A_1292 = vector.broadcast %broadcast_in_dim3A_1291 : f32 to vector<16xf32>
    %scan3A_1293 = arith.constant 0 : i32
    %scan3A_1294 = arith.constant 128 : i32
    %scan3A_1295 = arith.addi %scan3A_1293, %scan3A_1294 : i32
    %scan3A_1296 = arith.constant 1 : i32
    %scan3A_1297:4 = scf.for %scan3A_1538 = %scan3A_1293 to %scan3A_1295 step %scan3A_1296 iter_args(%scan3A_1539 = %broadcast_in_dim3A_1292, %scan3A_1540 = %broadcast_in_dim3A_1292, %scan3A_1541 = %broadcast_in_dim3A_1292, %scan3A_1542 = %broadcast_in_dim3A_1292) -> (vector<16xf32>, vector<16xf32>, vector<16xf32>, vector<16xf32>)  : i32 {
      %mul3A_1543 = arith.constant 64 : i32
      %mul3A_1544 = arith.muli %scan3A_1538, %mul3A_1543 : i32
      %get3A = arith.constant 1 : i32
      %get3A_1545 = arith.constant 0 : i32
      %get3A_1546 = arith.index_cast %get3A : i32 to index
      %get3A_1547 = arith.index_cast %get3A_1545 : i32 to index
      %get3A_1548 = arith.index_cast %mul3A_1544 : i32 to index
      %get3A_1549 = tpu.vector_load %arg4[%get3A_1546, %get3A_1547, %get3A_1548] {strides = array<i32>} : memref<2x4x8192xf32, #tpu.memory_space<vmem>>, vector<1x1x16xf32>,
      %get3A_1550 = vector.shape_cast %get3A_1549 : vector<1x1x16xf32> to vector<16xf32>
      %add3A_1551 = arith.addf %scan3A_1539, %get3A_1550 : vector<16xf32>
      %add3A_1552 = arith.constant 16 : i32
      %add3A_1553 = arith.addi %mul3A_1544, %add3A_1552 : i32
      %get3A_1554 = arith.constant 1 : i32
      %get3A_1555 = arith.constant 0 : i32
      %get3A_1556 = arith.index_cast %get3A_1554 : i32 to index
      %get3A_1557 = arith.index_cast %get3A_1555 : i32 to index
      %get3A_1558 = arith.index_cast %add3A_1553 : i32 to index
      %get3A_1559 = tpu.vector_load %arg4[%get3A_1556, %get3A_1557, %get3A_1558] {strides = array<i32>} : memref<2x4x8192xf32, #tpu.memory_space<vmem>>, vector<1x1x16xf32>,
      %get3A_1560 = vector.shape_cast %get3A_1559 : vector<1x1x16xf32> to vector<16xf32>
      %add3A_1561 = arith.addf %scan3A_1540, %get3A_1560 : vector<16xf32>
      %add3A_1562 = arith.constant 32 : i32
      %add3A_1563 = arith.addi %mul3A_1544, %add3A_1562 : i32
      %get3A_1564 = arith.constant 1 : i32
      %get3A_1565 = arith.constant 0 : i32
      %get3A_1566 = arith.index_cast %get3A_1564 : i32 to index
      %get3A_1567 = arith.index_cast %get3A_1565 : i32 to index
      %get3A_1568 = arith.index_cast %add3A_1563 : i32 to index
      %get3A_1569 = tpu.vector_load %arg4[%get3A_1566, %get3A_1567, %get3A_1568] {strides = array<i32>} : memref<2x4x8192xf32, #tpu.memory_space<vmem>>, vector<1x1x16xf32>,
      %get3A_1570 = vector.shape_cast %get3A_1569 : vector<1x1x16xf32> to vector<16xf32>
      %add3A_1571 = arith.addf %scan3A_1541, %get3A_1570 : vector<16xf32>
      %add3A_1572 = arith.constant 48 : i32
      %add3A_1573 = arith.addi %mul3A_1544, %add3A_1572 : i32
      %get3A_1574 = arith.constant 1 : i32
      %get3A_1575 = arith.constant 0 : i32
      %get3A_1576 = arith.index_cast %get3A_1574 : i32 to index
      %get3A_1577 = arith.index_cast %get3A_1575 : i32 to index
      %get3A_1578 = arith.index_cast %add3A_1573 : i32 to index
      %get3A_1579 = tpu.vector_load %arg4[%get3A_1576, %get3A_1577, %get3A_1578] {strides = array<i32>} : memref<2x4x8192xf32, #tpu.memory_space<vmem>>, vector<1x1x16xf32>,
      %get3A_1580 = vector.shape_cast %get3A_1579 : vector<1x1x16xf32> to vector<16xf32>
      %add3A_1581 = arith.addf %scan3A_1542, %get3A_1580 : vector<16xf32>
      scf.yield %add3A_1551, %add3A_1561, %add3A_1571, %add3A_1581 : vector<16xf32>, vector<16xf32>, vector<16xf32>, vector<16xf32>
    }
    %scan3A_1298 = arith.constant 128 : i32
    %add3A_1299 = arith.addf %scan3A_1297#0, %scan3A_1297#1 : vector<16xf32>
    %add3A_1300 = arith.addf %scan3A_1297#2, %scan3A_1297#3 : vector<16xf32>
    %add3A_1301 = arith.addf %add3A_1299, %add3A_1300 : vector<16xf32>
    %swap3A_1302 = arith.constant 52 : i32
    %swap3A_1303 = arith.index_cast %swap3A_1302 : i32 to index
    %swap3A_1304 = arith.constant 0 : index
    %swap3A_1305 = tpu.vector_load %arg5[%swap3A_1303, %swap3A_1304] {strides = array<i32>} : memref<64x16xf32, #tpu.memory_space<vmem>>, vector<1x16xf32>,
    %swap3A_1306 = vector.shape_cast %swap3A_1305 : vector<1x16xf32> to vector<16xf32>
    %swap3A_1307 = vector.shape_cast %add3A_1301 : vector<16xf32> to vector<1x16xf32>
    tpu.vector_store %arg5[%swap3A_1303, %swap3A_1304], %swap3A_1307 {strides = array<i32>} : memref<64x16xf32, #tpu.memory_space<vmem>>, vector<1x16xf32>,
    %broadcast_in_dim3A_1308 = arith.constant 0.000000e+00 : f32
    %broadcast_in_dim3A_1309 = vector.broadcast %broadcast_in_dim3A_1308 : f32 to vector<16xf32>
    %scan3A_1310 = arith.constant 0 : i32
    %scan3A_1311 = arith.constant 128 : i32
    %scan3A_1312 = arith.addi %scan3A_1310, %scan3A_1311 : i32
    %scan3A_1313 = arith.constant 1 : i32
    %scan3A_1314:4 = scf.for %scan3A_1538 = %scan3A_1310 to %scan3A_1312 step %scan3A_1313 iter_args(%scan3A_1539 = %broadcast_in_dim3A_1309, %scan3A_1540 = %broadcast_in_dim3A_1309, %scan3A_1541 = %broadcast_in_dim3A_1309, %scan3A_1542 = %broadcast_in_dim3A_1309) -> (vector<16xf32>, vector<16xf32>, vector<16xf32>, vector<16xf32>)  : i32 {
      %mul3A_1543 = arith.constant 64 : i32
      %mul3A_1544 = arith.muli %scan3A_1538, %mul3A_1543 : i32
      %get3A = arith.constant 1 : i32
      %get3A_1545 = arith.constant 1 : i32
      %get3A_1546 = arith.index_cast %get3A : i32 to index
      %get3A_1547 = arith.index_cast %get3A_1545 : i32 to index
      %get3A_1548 = arith.index_cast %mul3A_1544 : i32 to index
      %get3A_1549 = tpu.vector_load %arg4[%get3A_1546, %get3A_1547, %get3A_1548] {strides = array<i32>} : memref<2x4x8192xf32, #tpu.memory_space<vmem>>, vector<1x1x16xf32>,
      %get3A_1550 = vector.shape_cast %get3A_1549 : vector<1x1x16xf32> to vector<16xf32>
      %add3A_1551 = arith.addf %scan3A_1539, %get3A_1550 : vector<16xf32>
      %add3A_1552 = arith.constant 16 : i32
      %add3A_1553 = arith.addi %mul3A_1544, %add3A_1552 : i32
      %get3A_1554 = arith.constant 1 : i32
      %get3A_1555 = arith.constant 1 : i32
      %get3A_1556 = arith.index_cast %get3A_1554 : i32 to index
      %get3A_1557 = arith.index_cast %get3A_1555 : i32 to index
      %get3A_1558 = arith.index_cast %add3A_1553 : i32 to index
      %get3A_1559 = tpu.vector_load %arg4[%get3A_1556, %get3A_1557, %get3A_1558] {strides = array<i32>} : memref<2x4x8192xf32, #tpu.memory_space<vmem>>, vector<1x1x16xf32>,
      %get3A_1560 = vector.shape_cast %get3A_1559 : vector<1x1x16xf32> to vector<16xf32>
      %add3A_1561 = arith.addf %scan3A_1540, %get3A_1560 : vector<16xf32>
      %add3A_1562 = arith.constant 32 : i32
      %add3A_1563 = arith.addi %mul3A_1544, %add3A_1562 : i32
      %get3A_1564 = arith.constant 1 : i32
      %get3A_1565 = arith.constant 1 : i32
      %get3A_1566 = arith.index_cast %get3A_1564 : i32 to index
      %get3A_1567 = arith.index_cast %get3A_1565 : i32 to index
      %get3A_1568 = arith.index_cast %add3A_1563 : i32 to index
      %get3A_1569 = tpu.vector_load %arg4[%get3A_1566, %get3A_1567, %get3A_1568] {strides = array<i32>} : memref<2x4x8192xf32, #tpu.memory_space<vmem>>, vector<1x1x16xf32>,
      %get3A_1570 = vector.shape_cast %get3A_1569 : vector<1x1x16xf32> to vector<16xf32>
      %add3A_1571 = arith.addf %scan3A_1541, %get3A_1570 : vector<16xf32>
      %add3A_1572 = arith.constant 48 : i32
      %add3A_1573 = arith.addi %mul3A_1544, %add3A_1572 : i32
      %get3A_1574 = arith.constant 1 : i32
      %get3A_1575 = arith.constant 1 : i32
      %get3A_1576 = arith.index_cast %get3A_1574 : i32 to index
      %get3A_1577 = arith.index_cast %get3A_1575 : i32 to index
      %get3A_1578 = arith.index_cast %add3A_1573 : i32 to index
      %get3A_1579 = tpu.vector_load %arg4[%get3A_1576, %get3A_1577, %get3A_1578] {strides = array<i32>} : memref<2x4x8192xf32, #tpu.memory_space<vmem>>, vector<1x1x16xf32>,
      %get3A_1580 = vector.shape_cast %get3A_1579 : vector<1x1x16xf32> to vector<16xf32>
      %add3A_1581 = arith.addf %scan3A_1542, %get3A_1580 : vector<16xf32>
      scf.yield %add3A_1551, %add3A_1561, %add3A_1571, %add3A_1581 : vector<16xf32>, vector<16xf32>, vector<16xf32>, vector<16xf32>
    }
    %scan3A_1315 = arith.constant 128 : i32
    %add3A_1316 = arith.addf %scan3A_1314#0, %scan3A_1314#1 : vector<16xf32>
    %add3A_1317 = arith.addf %scan3A_1314#2, %scan3A_1314#3 : vector<16xf32>
    %add3A_1318 = arith.addf %add3A_1316, %add3A_1317 : vector<16xf32>
    %swap3A_1319 = arith.constant 53 : i32
    %swap3A_1320 = arith.index_cast %swap3A_1319 : i32 to index
    %swap3A_1321 = arith.constant 0 : index
    %swap3A_1322 = tpu.vector_load %arg5[%swap3A_1320, %swap3A_1321] {strides = array<i32>} : memref<64x16xf32, #tpu.memory_space<vmem>>, vector<1x16xf32>,
    %swap3A_1323 = vector.shape_cast %swap3A_1322 : vector<1x16xf32> to vector<16xf32>
    %swap3A_1324 = vector.shape_cast %add3A_1318 : vector<16xf32> to vector<1x16xf32>
    tpu.vector_store %arg5[%swap3A_1320, %swap3A_1321], %swap3A_1324 {strides = array<i32>} : memref<64x16xf32, #tpu.memory_space<vmem>>, vector<1x16xf32>,
    %broadcast_in_dim3A_1325 = arith.constant 0.000000e+00 : f32
    %broadcast_in_dim3A_1326 = vector.broadcast %broadcast_in_dim3A_1325 : f32 to vector<16xf32>
    %scan3A_1327 = arith.constant 0 : i32
    %scan3A_1328 = arith.constant 128 : i32
    %scan3A_1329 = arith.addi %scan3A_1327, %scan3A_1328 : i32
    %scan3A_1330 = arith.constant 1 : i32
    %scan3A_1331:4 = scf.for %scan3A_1538 = %scan3A_1327 to %scan3A_1329 step %scan3A_1330 iter_args(%scan3A_1539 = %broadcast_in_dim3A_1326, %scan3A_1540 = %broadcast_in_dim3A_1326, %scan3A_1541 = %broadcast_in_dim3A_1326, %scan3A_1542 = %broadcast_in_dim3A_1326) -> (vector<16xf32>, vector<16xf32>, vector<16xf32>, vector<16xf32>)  : i32 {
      %mul3A_1543 = arith.constant 64 : i32
      %mul3A_1544 = arith.muli %scan3A_1538, %mul3A_1543 : i32
      %get3A = arith.constant 1 : i32
      %get3A_1545 = arith.constant 2 : i32
      %get3A_1546 = arith.index_cast %get3A : i32 to index
      %get3A_1547 = arith.index_cast %get3A_1545 : i32 to index
      %get3A_1548 = arith.index_cast %mul3A_1544 : i32 to index
      %get3A_1549 = tpu.vector_load %arg4[%get3A_1546, %get3A_1547, %get3A_1548] {strides = array<i32>} : memref<2x4x8192xf32, #tpu.memory_space<vmem>>, vector<1x1x16xf32>,
      %get3A_1550 = vector.shape_cast %get3A_1549 : vector<1x1x16xf32> to vector<16xf32>
      %add3A_1551 = arith.addf %scan3A_1539, %get3A_1550 : vector<16xf32>
      %add3A_1552 = arith.constant 16 : i32
      %add3A_1553 = arith.addi %mul3A_1544, %add3A_1552 : i32
      %get3A_1554 = arith.constant 1 : i32
      %get3A_1555 = arith.constant 2 : i32
      %get3A_1556 = arith.index_cast %get3A_1554 : i32 to index
      %get3A_1557 = arith.index_cast %get3A_1555 : i32 to index
      %get3A_1558 = arith.index_cast %add3A_1553 : i32 to index
      %get3A_1559 = tpu.vector_load %arg4[%get3A_1556, %get3A_1557, %get3A_1558] {strides = array<i32>} : memref<2x4x8192xf32, #tpu.memory_space<vmem>>, vector<1x1x16xf32>,
      %get3A_1560 = vector.shape_cast %get3A_1559 : vector<1x1x16xf32> to vector<16xf32>
      %add3A_1561 = arith.addf %scan3A_1540, %get3A_1560 : vector<16xf32>
      %add3A_1562 = arith.constant 32 : i32
      %add3A_1563 = arith.addi %mul3A_1544, %add3A_1562 : i32
      %get3A_1564 = arith.constant 1 : i32
      %get3A_1565 = arith.constant 2 : i32
      %get3A_1566 = arith.index_cast %get3A_1564 : i32 to index
      %get3A_1567 = arith.index_cast %get3A_1565 : i32 to index
      %get3A_1568 = arith.index_cast %add3A_1563 : i32 to index
      %get3A_1569 = tpu.vector_load %arg4[%get3A_1566, %get3A_1567, %get3A_1568] {strides = array<i32>} : memref<2x4x8192xf32, #tpu.memory_space<vmem>>, vector<1x1x16xf32>,
      %get3A_1570 = vector.shape_cast %get3A_1569 : vector<1x1x16xf32> to vector<16xf32>
      %add3A_1571 = arith.addf %scan3A_1541, %get3A_1570 : vector<16xf32>
      %add3A_1572 = arith.constant 48 : i32
      %add3A_1573 = arith.addi %mul3A_1544, %add3A_1572 : i32
      %get3A_1574 = arith.constant 1 : i32
      %get3A_1575 = arith.constant 2 : i32
      %get3A_1576 = arith.index_cast %get3A_1574 : i32 to index
      %get3A_1577 = arith.index_cast %get3A_1575 : i32 to index
      %get3A_1578 = arith.index_cast %add3A_1573 : i32 to index
      %get3A_1579 = tpu.vector_load %arg4[%get3A_1576, %get3A_1577, %get3A_1578] {strides = array<i32>} : memref<2x4x8192xf32, #tpu.memory_space<vmem>>, vector<1x1x16xf32>,
      %get3A_1580 = vector.shape_cast %get3A_1579 : vector<1x1x16xf32> to vector<16xf32>
      %add3A_1581 = arith.addf %scan3A_1542, %get3A_1580 : vector<16xf32>
      scf.yield %add3A_1551, %add3A_1561, %add3A_1571, %add3A_1581 : vector<16xf32>, vector<16xf32>, vector<16xf32>, vector<16xf32>
    }
    %scan3A_1332 = arith.constant 128 : i32
    %add3A_1333 = arith.addf %scan3A_1331#0, %scan3A_1331#1 : vector<16xf32>
    %add3A_1334 = arith.addf %scan3A_1331#2, %scan3A_1331#3 : vector<16xf32>
    %add3A_1335 = arith.addf %add3A_1333, %add3A_1334 : vector<16xf32>
    %swap3A_1336 = arith.constant 54 : i32
    %swap3A_1337 = arith.index_cast %swap3A_1336 : i32 to index
    %swap3A_1338 = arith.constant 0 : index
    %swap3A_1339 = tpu.vector_load %arg5[%swap3A_1337, %swap3A_1338] {strides = array<i32>} : memref<64x16xf32, #tpu.memory_space<vmem>>, vector<1x16xf32>,
    %swap3A_1340 = vector.shape_cast %swap3A_1339 : vector<1x16xf32> to vector<16xf32>
    %swap3A_1341 = vector.shape_cast %add3A_1335 : vector<16xf32> to vector<1x16xf32>
    tpu.vector_store %arg5[%swap3A_1337, %swap3A_1338], %swap3A_1341 {strides = array<i32>} : memref<64x16xf32, #tpu.memory_space<vmem>>, vector<1x16xf32>,
    %broadcast_in_dim3A_1342 = arith.constant 0.000000e+00 : f32
    %broadcast_in_dim3A_1343 = vector.broadcast %broadcast_in_dim3A_1342 : f32 to vector<16xf32>
    %scan3A_1344 = arith.constant 0 : i32
    %scan3A_1345 = arith.constant 128 : i32
    %scan3A_1346 = arith.addi %scan3A_1344, %scan3A_1345 : i32
    %scan3A_1347 = arith.constant 1 : i32
    %scan3A_1348:4 = scf.for %scan3A_1538 = %scan3A_1344 to %scan3A_1346 step %scan3A_1347 iter_args(%scan3A_1539 = %broadcast_in_dim3A_1343, %scan3A_1540 = %broadcast_in_dim3A_1343, %scan3A_1541 = %broadcast_in_dim3A_1343, %scan3A_1542 = %broadcast_in_dim3A_1343) -> (vector<16xf32>, vector<16xf32>, vector<16xf32>, vector<16xf32>)  : i32 {
      %mul3A_1543 = arith.constant 64 : i32
      %mul3A_1544 = arith.muli %scan3A_1538, %mul3A_1543 : i32
      %get3A = arith.constant 1 : i32
      %get3A_1545 = arith.constant 3 : i32
      %get3A_1546 = arith.index_cast %get3A : i32 to index
      %get3A_1547 = arith.index_cast %get3A_1545 : i32 to index
      %get3A_1548 = arith.index_cast %mul3A_1544 : i32 to index
      %get3A_1549 = tpu.vector_load %arg4[%get3A_1546, %get3A_1547, %get3A_1548] {strides = array<i32>} : memref<2x4x8192xf32, #tpu.memory_space<vmem>>, vector<1x1x16xf32>,
      %get3A_1550 = vector.shape_cast %get3A_1549 : vector<1x1x16xf32> to vector<16xf32>
      %add3A_1551 = arith.addf %scan3A_1539, %get3A_1550 : vector<16xf32>
      %add3A_1552 = arith.constant 16 : i32
      %add3A_1553 = arith.addi %mul3A_1544, %add3A_1552 : i32
      %get3A_1554 = arith.constant 1 : i32
      %get3A_1555 = arith.constant 3 : i32
      %get3A_1556 = arith.index_cast %get3A_1554 : i32 to index
      %get3A_1557 = arith.index_cast %get3A_1555 : i32 to index
      %get3A_1558 = arith.index_cast %add3A_1553 : i32 to index
      %get3A_1559 = tpu.vector_load %arg4[%get3A_1556, %get3A_1557, %get3A_1558] {strides = array<i32>} : memref<2x4x8192xf32, #tpu.memory_space<vmem>>, vector<1x1x16xf32>,
      %get3A_1560 = vector.shape_cast %get3A_1559 : vector<1x1x16xf32> to vector<16xf32>
      %add3A_1561 = arith.addf %scan3A_1540, %get3A_1560 : vector<16xf32>
      %add3A_1562 = arith.constant 32 : i32
      %add3A_1563 = arith.addi %mul3A_1544, %add3A_1562 : i32
      %get3A_1564 = arith.constant 1 : i32
      %get3A_1565 = arith.constant 3 : i32
      %get3A_1566 = arith.index_cast %get3A_1564 : i32 to index
      %get3A_1567 = arith.index_cast %get3A_1565 : i32 to index
      %get3A_1568 = arith.index_cast %add3A_1563 : i32 to index
      %get3A_1569 = tpu.vector_load %arg4[%get3A_1566, %get3A_1567, %get3A_1568] {strides = array<i32>} : memref<2x4x8192xf32, #tpu.memory_space<vmem>>, vector<1x1x16xf32>,
      %get3A_1570 = vector.shape_cast %get3A_1569 : vector<1x1x16xf32> to vector<16xf32>
      %add3A_1571 = arith.addf %scan3A_1541, %get3A_1570 : vector<16xf32>
      %add3A_1572 = arith.constant 48 : i32
      %add3A_1573 = arith.addi %mul3A_1544, %add3A_1572 : i32
      %get3A_1574 = arith.constant 1 : i32
      %get3A_1575 = arith.constant 3 : i32
      %get3A_1576 = arith.index_cast %get3A_1574 : i32 to index
      %get3A_1577 = arith.index_cast %get3A_1575 : i32 to index
      %get3A_1578 = arith.index_cast %add3A_1573 : i32 to index
      %get3A_1579 = tpu.vector_load %arg4[%get3A_1576, %get3A_1577, %get3A_1578] {strides = array<i32>} : memref<2x4x8192xf32, #tpu.memory_space<vmem>>, vector<1x1x16xf32>,
      %get3A_1580 = vector.shape_cast %get3A_1579 : vector<1x1x16xf32> to vector<16xf32>
      %add3A_1581 = arith.addf %scan3A_1542, %get3A_1580 : vector<16xf32>
      scf.yield %add3A_1551, %add3A_1561, %add3A_1571, %add3A_1581 : vector<16xf32>, vector<16xf32>, vector<16xf32>, vector<16xf32>
    }
    %scan3A_1349 = arith.constant 128 : i32
    %add3A_1350 = arith.addf %scan3A_1348#0, %scan3A_1348#1 : vector<16xf32>
    %add3A_1351 = arith.addf %scan3A_1348#2, %scan3A_1348#3 : vector<16xf32>
    %add3A_1352 = arith.addf %add3A_1350, %add3A_1351 : vector<16xf32>
    %swap3A_1353 = arith.constant 55 : i32
    %swap3A_1354 = arith.index_cast %swap3A_1353 : i32 to index
    %swap3A_1355 = arith.constant 0 : index
    %swap3A_1356 = tpu.vector_load %arg5[%swap3A_1354, %swap3A_1355] {strides = array<i32>} : memref<64x16xf32, #tpu.memory_space<vmem>>, vector<1x16xf32>,
    %swap3A_1357 = vector.shape_cast %swap3A_1356 : vector<1x16xf32> to vector<16xf32>
    %swap3A_1358 = vector.shape_cast %add3A_1352 : vector<16xf32> to vector<1x16xf32>
    tpu.vector_store %arg5[%swap3A_1354, %swap3A_1355], %swap3A_1358 {strides = array<i32>} : memref<64x16xf32, #tpu.memory_space<vmem>>, vector<1x16xf32>,
    %add3A_1359 = arith.constant 60 : i32
    %add3A_1360 = arith.addi %add3A_4, %add3A_1359 : i32
    %dma_start3A_1361 = arith.constant 1 : i32
    %dma_start3A_1362 = arith.constant 0 : i32
    %dma_start3A_1363 = arith.constant 0 : i32
    %dma_start3A_1364 = tpu.memref_slice %arg4[%dma_start3A_1361, %dma_start3A_1362, %dma_start3A_1363] : memref<2x4x8192xf32, #tpu.memory_space<vmem>> -> memref<1x4x8192xf32, #tpu.memory_space<vmem>>
    %dma_start3A_1365 = tpu.memref_squeeze %dma_start3A_1364 : memref<1x4x8192xf32, #tpu.memory_space<vmem>> -> memref<4x8192xf32, #tpu.memory_space<vmem>>
    %dma_start3A_1366 = arith.constant 0 : i32
    %dma_start3A_1367 = tpu.memref_slice %arg2[%add3A_1360, %dma_start3A_1366] : memref<8192x8192xf32, #tpu.memory_space<hbm>> -> memref<4x8192xf32, #tpu.memory_space<hbm>>
    %dma_start3A_1368 = arith.constant 0 : i32
    %dma_start3A_1369 = arith.constant 0 : i32
    %dma_start3A_1370 = tpu.memref_slice %arg4[%dma_start3A_1361, %dma_start3A_1368, %dma_start3A_1369] : memref<2x4x8192xf32, #tpu.memory_space<vmem>> -> memref<1x4x8192xf32, #tpu.memory_space<vmem>>
    %dma_start3A_1371 = tpu.memref_squeeze %dma_start3A_1370 : memref<1x4x8192xf32, #tpu.memory_space<vmem>> -> memref<4x8192xf32, #tpu.memory_space<vmem>>
    %dma_start3A_1372 = arith.constant 0 : i32
    %dma_start3A_1373 = tpu.memref_slice %arg2[%add3A_1360, %dma_start3A_1372] : memref<8192x8192xf32, #tpu.memory_space<hbm>> -> memref<4x8192xf32, #tpu.memory_space<hbm>>
    tpu.enqueue_dma source(%dma_start3A_1373 : memref<4x8192xf32, #tpu.memory_space<hbm>>) target(%dma_start3A_1371 : memref<4x8192xf32, #tpu.memory_space<vmem>>) target_semaphore(%arg7 : memref<!tpu.dma_semaphore, #tpu.memory_space<semaphore_mem>>)
    %dma_wait3A_1374 = arith.constant 0 : i32
    %dma_wait3A_1375 = arith.constant 0 : i32
    %dma_wait3A_1376 = arith.constant 0 : i32
    %dma_wait3A_1377 = tpu.memref_slice %arg4[%dma_wait3A_1374, %dma_wait3A_1375, %dma_wait3A_1376] : memref<2x4x8192xf32, #tpu.memory_space<vmem>> -> memref<1x4x8192xf32, #tpu.memory_space<vmem>>
    %dma_wait3A_1378 = tpu.memref_squeeze %dma_wait3A_1377 : memref<1x4x8192xf32, #tpu.memory_space<vmem>> -> memref<4x8192xf32, #tpu.memory_space<vmem>>
    %dma_wait3A_1379 = arith.constant 0 : i32
    %dma_wait3A_1380 = tpu.memref_slice %arg2[%add3A_1264, %dma_wait3A_1379] : memref<8192x8192xf32, #tpu.memory_space<hbm>> -> memref<4x8192xf32, #tpu.memory_space<hbm>>
    %dma_wait3A_1381 = arith.constant 0 : i32
    %dma_wait3A_1382 = arith.constant 0 : i32
    %dma_wait3A_1383 = tpu.memref_slice %arg4[%dma_wait3A_1374, %dma_wait3A_1381, %dma_wait3A_1382] : memref<2x4x8192xf32, #tpu.memory_space<vmem>> -> memref<1x4x8192xf32, #tpu.memory_space<vmem>>
    %dma_wait3A_1384 = tpu.memref_squeeze %dma_wait3A_1383 : memref<1x4x8192xf32, #tpu.memory_space<vmem>> -> memref<4x8192xf32, #tpu.memory_space<vmem>>
    %dma_wait3A_1385 = arith.constant 0 : i32
    %dma_wait3A_1386 = tpu.memref_slice %arg2[%add3A_1264, %dma_wait3A_1385] : memref<8192x8192xf32, #tpu.memory_space<hbm>> -> memref<4x8192xf32, #tpu.memory_space<hbm>>
    tpu.wait_dma2 semaphore(%arg6 : memref<!tpu.dma_semaphore, #tpu.memory_space<semaphore_mem>>) src(%dma_wait3A_1386 : memref<4x8192xf32, #tpu.memory_space<hbm>>) dst(%dma_wait3A_1384 : memref<4x8192xf32, #tpu.memory_space<vmem>>)
    %broadcast_in_dim3A_1387 = arith.constant 0.000000e+00 : f32
    %broadcast_in_dim3A_1388 = vector.broadcast %broadcast_in_dim3A_1387 : f32 to vector<16xf32>
    %scan3A_1389 = arith.constant 0 : i32
    %scan3A_1390 = arith.constant 128 : i32
    %scan3A_1391 = arith.addi %scan3A_1389, %scan3A_1390 : i32
    %scan3A_1392 = arith.constant 1 : i32
    %scan3A_1393:4 = scf.for %scan3A_1538 = %scan3A_1389 to %scan3A_1391 step %scan3A_1392 iter_args(%scan3A_1539 = %broadcast_in_dim3A_1388, %scan3A_1540 = %broadcast_in_dim3A_1388, %scan3A_1541 = %broadcast_in_dim3A_1388, %scan3A_1542 = %broadcast_in_dim3A_1388) -> (vector<16xf32>, vector<16xf32>, vector<16xf32>, vector<16xf32>)  : i32 {
      %mul3A_1543 = arith.constant 64 : i32
      %mul3A_1544 = arith.muli %scan3A_1538, %mul3A_1543 : i32
      %get3A = arith.constant 0 : i32
      %get3A_1545 = arith.constant 0 : i32
      %get3A_1546 = arith.index_cast %get3A : i32 to index
      %get3A_1547 = arith.index_cast %get3A_1545 : i32 to index
      %get3A_1548 = arith.index_cast %mul3A_1544 : i32 to index
      %get3A_1549 = tpu.vector_load %arg4[%get3A_1546, %get3A_1547, %get3A_1548] {strides = array<i32>} : memref<2x4x8192xf32, #tpu.memory_space<vmem>>, vector<1x1x16xf32>,
      %get3A_1550 = vector.shape_cast %get3A_1549 : vector<1x1x16xf32> to vector<16xf32>
      %add3A_1551 = arith.addf %scan3A_1539, %get3A_1550 : vector<16xf32>
      %add3A_1552 = arith.constant 16 : i32
      %add3A_1553 = arith.addi %mul3A_1544, %add3A_1552 : i32
      %get3A_1554 = arith.constant 0 : i32
      %get3A_1555 = arith.constant 0 : i32
      %get3A_1556 = arith.index_cast %get3A_1554 : i32 to index
      %get3A_1557 = arith.index_cast %get3A_1555 : i32 to index
      %get3A_1558 = arith.index_cast %add3A_1553 : i32 to index
      %get3A_1559 = tpu.vector_load %arg4[%get3A_1556, %get3A_1557, %get3A_1558] {strides = array<i32>} : memref<2x4x8192xf32, #tpu.memory_space<vmem>>, vector<1x1x16xf32>,
      %get3A_1560 = vector.shape_cast %get3A_1559 : vector<1x1x16xf32> to vector<16xf32>
      %add3A_1561 = arith.addf %scan3A_1540, %get3A_1560 : vector<16xf32>
      %add3A_1562 = arith.constant 32 : i32
      %add3A_1563 = arith.addi %mul3A_1544, %add3A_1562 : i32
      %get3A_1564 = arith.constant 0 : i32
      %get3A_1565 = arith.constant 0 : i32
      %get3A_1566 = arith.index_cast %get3A_1564 : i32 to index
      %get3A_1567 = arith.index_cast %get3A_1565 : i32 to index
      %get3A_1568 = arith.index_cast %add3A_1563 : i32 to index
      %get3A_1569 = tpu.vector_load %arg4[%get3A_1566, %get3A_1567, %get3A_1568] {strides = array<i32>} : memref<2x4x8192xf32, #tpu.memory_space<vmem>>, vector<1x1x16xf32>,
      %get3A_1570 = vector.shape_cast %get3A_1569 : vector<1x1x16xf32> to vector<16xf32>
      %add3A_1571 = arith.addf %scan3A_1541, %get3A_1570 : vector<16xf32>
      %add3A_1572 = arith.constant 48 : i32
      %add3A_1573 = arith.addi %mul3A_1544, %add3A_1572 : i32
      %get3A_1574 = arith.constant 0 : i32
      %get3A_1575 = arith.constant 0 : i32
      %get3A_1576 = arith.index_cast %get3A_1574 : i32 to index
      %get3A_1577 = arith.index_cast %get3A_1575 : i32 to index
      %get3A_1578 = arith.index_cast %add3A_1573 : i32 to index
      %get3A_1579 = tpu.vector_load %arg4[%get3A_1576, %get3A_1577, %get3A_1578] {strides = array<i32>} : memref<2x4x8192xf32, #tpu.memory_space<vmem>>, vector<1x1x16xf32>,
      %get3A_1580 = vector.shape_cast %get3A_1579 : vector<1x1x16xf32> to vector<16xf32>
      %add3A_1581 = arith.addf %scan3A_1542, %get3A_1580 : vector<16xf32>
      scf.yield %add3A_1551, %add3A_1561, %add3A_1571, %add3A_1581 : vector<16xf32>, vector<16xf32>, vector<16xf32>, vector<16xf32>
    }
    %scan3A_1394 = arith.constant 128 : i32
    %add3A_1395 = arith.addf %scan3A_1393#0, %scan3A_1393#1 : vector<16xf32>
    %add3A_1396 = arith.addf %scan3A_1393#2, %scan3A_1393#3 : vector<16xf32>
    %add3A_1397 = arith.addf %add3A_1395, %add3A_1396 : vector<16xf32>
    %swap3A_1398 = arith.constant 56 : i32
    %swap3A_1399 = arith.index_cast %swap3A_1398 : i32 to index
    %swap3A_1400 = arith.constant 0 : index
    %swap3A_1401 = tpu.vector_load %arg5[%swap3A_1399, %swap3A_1400] {strides = array<i32>} : memref<64x16xf32, #tpu.memory_space<vmem>>, vector<1x16xf32>,
    %swap3A_1402 = vector.shape_cast %swap3A_1401 : vector<1x16xf32> to vector<16xf32>
    %swap3A_1403 = vector.shape_cast %add3A_1397 : vector<16xf32> to vector<1x16xf32>
    tpu.vector_store %arg5[%swap3A_1399, %swap3A_1400], %swap3A_1403 {strides = array<i32>} : memref<64x16xf32, #tpu.memory_space<vmem>>, vector<1x16xf32>,
    %broadcast_in_dim3A_1404 = arith.constant 0.000000e+00 : f32
    %broadcast_in_dim3A_1405 = vector.broadcast %broadcast_in_dim3A_1404 : f32 to vector<16xf32>
    %scan3A_1406 = arith.constant 0 : i32
    %scan3A_1407 = arith.constant 128 : i32
    %scan3A_1408 = arith.addi %scan3A_1406, %scan3A_1407 : i32
    %scan3A_1409 = arith.constant 1 : i32
    %scan3A_1410:4 = scf.for %scan3A_1538 = %scan3A_1406 to %scan3A_1408 step %scan3A_1409 iter_args(%scan3A_1539 = %broadcast_in_dim3A_1405, %scan3A_1540 = %broadcast_in_dim3A_1405, %scan3A_1541 = %broadcast_in_dim3A_1405, %scan3A_1542 = %broadcast_in_dim3A_1405) -> (vector<16xf32>, vector<16xf32>, vector<16xf32>, vector<16xf32>)  : i32 {
      %mul3A_1543 = arith.constant 64 : i32
      %mul3A_1544 = arith.muli %scan3A_1538, %mul3A_1543 : i32
      %get3A = arith.constant 0 : i32
      %get3A_1545 = arith.constant 1 : i32
      %get3A_1546 = arith.index_cast %get3A : i32 to index
      %get3A_1547 = arith.index_cast %get3A_1545 : i32 to index
      %get3A_1548 = arith.index_cast %mul3A_1544 : i32 to index
      %get3A_1549 = tpu.vector_load %arg4[%get3A_1546, %get3A_1547, %get3A_1548] {strides = array<i32>} : memref<2x4x8192xf32, #tpu.memory_space<vmem>>, vector<1x1x16xf32>,
      %get3A_1550 = vector.shape_cast %get3A_1549 : vector<1x1x16xf32> to vector<16xf32>
      %add3A_1551 = arith.addf %scan3A_1539, %get3A_1550 : vector<16xf32>
      %add3A_1552 = arith.constant 16 : i32
      %add3A_1553 = arith.addi %mul3A_1544, %add3A_1552 : i32
      %get3A_1554 = arith.constant 0 : i32
      %get3A_1555 = arith.constant 1 : i32
      %get3A_1556 = arith.index_cast %get3A_1554 : i32 to index
      %get3A_1557 = arith.index_cast %get3A_1555 : i32 to index
      %get3A_1558 = arith.index_cast %add3A_1553 : i32 to index
      %get3A_1559 = tpu.vector_load %arg4[%get3A_1556, %get3A_1557, %get3A_1558] {strides = array<i32>} : memref<2x4x8192xf32, #tpu.memory_space<vmem>>, vector<1x1x16xf32>,
      %get3A_1560 = vector.shape_cast %get3A_1559 : vector<1x1x16xf32> to vector<16xf32>
      %add3A_1561 = arith.addf %scan3A_1540, %get3A_1560 : vector<16xf32>
      %add3A_1562 = arith.constant 32 : i32
      %add3A_1563 = arith.addi %mul3A_1544, %add3A_1562 : i32
      %get3A_1564 = arith.constant 0 : i32
      %get3A_1565 = arith.constant 1 : i32
      %get3A_1566 = arith.index_cast %get3A_1564 : i32 to index
      %get3A_1567 = arith.index_cast %get3A_1565 : i32 to index
      %get3A_1568 = arith.index_cast %add3A_1563 : i32 to index
      %get3A_1569 = tpu.vector_load %arg4[%get3A_1566, %get3A_1567, %get3A_1568] {strides = array<i32>} : memref<2x4x8192xf32, #tpu.memory_space<vmem>>, vector<1x1x16xf32>,
      %get3A_1570 = vector.shape_cast %get3A_1569 : vector<1x1x16xf32> to vector<16xf32>
      %add3A_1571 = arith.addf %scan3A_1541, %get3A_1570 : vector<16xf32>
      %add3A_1572 = arith.constant 48 : i32
      %add3A_1573 = arith.addi %mul3A_1544, %add3A_1572 : i32
      %get3A_1574 = arith.constant 0 : i32
      %get3A_1575 = arith.constant 1 : i32
      %get3A_1576 = arith.index_cast %get3A_1574 : i32 to index
      %get3A_1577 = arith.index_cast %get3A_1575 : i32 to index
      %get3A_1578 = arith.index_cast %add3A_1573 : i32 to index
      %get3A_1579 = tpu.vector_load %arg4[%get3A_1576, %get3A_1577, %get3A_1578] {strides = array<i32>} : memref<2x4x8192xf32, #tpu.memory_space<vmem>>, vector<1x1x16xf32>,
      %get3A_1580 = vector.shape_cast %get3A_1579 : vector<1x1x16xf32> to vector<16xf32>
      %add3A_1581 = arith.addf %scan3A_1542, %get3A_1580 : vector<16xf32>
      scf.yield %add3A_1551, %add3A_1561, %add3A_1571, %add3A_1581 : vector<16xf32>, vector<16xf32>, vector<16xf32>, vector<16xf32>
    }
    %scan3A_1411 = arith.constant 128 : i32
    %add3A_1412 = arith.addf %scan3A_1410#0, %scan3A_1410#1 : vector<16xf32>
    %add3A_1413 = arith.addf %scan3A_1410#2, %scan3A_1410#3 : vector<16xf32>
    %add3A_1414 = arith.addf %add3A_1412, %add3A_1413 : vector<16xf32>
    %swap3A_1415 = arith.constant 57 : i32
    %swap3A_1416 = arith.index_cast %swap3A_1415 : i32 to index
    %swap3A_1417 = arith.constant 0 : index
    %swap3A_1418 = tpu.vector_load %arg5[%swap3A_1416, %swap3A_1417] {strides = array<i32>} : memref<64x16xf32, #tpu.memory_space<vmem>>, vector<1x16xf32>,
    %swap3A_1419 = vector.shape_cast %swap3A_1418 : vector<1x16xf32> to vector<16xf32>
    %swap3A_1420 = vector.shape_cast %add3A_1414 : vector<16xf32> to vector<1x16xf32>
    tpu.vector_store %arg5[%swap3A_1416, %swap3A_1417], %swap3A_1420 {strides = array<i32>} : memref<64x16xf32, #tpu.memory_space<vmem>>, vector<1x16xf32>,
    %broadcast_in_dim3A_1421 = arith.constant 0.000000e+00 : f32
    %broadcast_in_dim3A_1422 = vector.broadcast %broadcast_in_dim3A_1421 : f32 to vector<16xf32>
    %scan3A_1423 = arith.constant 0 : i32
    %scan3A_1424 = arith.constant 128 : i32
    %scan3A_1425 = arith.addi %scan3A_1423, %scan3A_1424 : i32
    %scan3A_1426 = arith.constant 1 : i32
    %scan3A_1427:4 = scf.for %scan3A_1538 = %scan3A_1423 to %scan3A_1425 step %scan3A_1426 iter_args(%scan3A_1539 = %broadcast_in_dim3A_1422, %scan3A_1540 = %broadcast_in_dim3A_1422, %scan3A_1541 = %broadcast_in_dim3A_1422, %scan3A_1542 = %broadcast_in_dim3A_1422) -> (vector<16xf32>, vector<16xf32>, vector<16xf32>, vector<16xf32>)  : i32 {
      %mul3A_1543 = arith.constant 64 : i32
      %mul3A_1544 = arith.muli %scan3A_1538, %mul3A_1543 : i32
      %get3A = arith.constant 0 : i32
      %get3A_1545 = arith.constant 2 : i32
      %get3A_1546 = arith.index_cast %get3A : i32 to index
      %get3A_1547 = arith.index_cast %get3A_1545 : i32 to index
      %get3A_1548 = arith.index_cast %mul3A_1544 : i32 to index
      %get3A_1549 = tpu.vector_load %arg4[%get3A_1546, %get3A_1547, %get3A_1548] {strides = array<i32>} : memref<2x4x8192xf32, #tpu.memory_space<vmem>>, vector<1x1x16xf32>,
      %get3A_1550 = vector.shape_cast %get3A_1549 : vector<1x1x16xf32> to vector<16xf32>
      %add3A_1551 = arith.addf %scan3A_1539, %get3A_1550 : vector<16xf32>
      %add3A_1552 = arith.constant 16 : i32
      %add3A_1553 = arith.addi %mul3A_1544, %add3A_1552 : i32
      %get3A_1554 = arith.constant 0 : i32
      %get3A_1555 = arith.constant 2 : i32
      %get3A_1556 = arith.index_cast %get3A_1554 : i32 to index
      %get3A_1557 = arith.index_cast %get3A_1555 : i32 to index
      %get3A_1558 = arith.index_cast %add3A_1553 : i32 to index
      %get3A_1559 = tpu.vector_load %arg4[%get3A_1556, %get3A_1557, %get3A_1558] {strides = array<i32>} : memref<2x4x8192xf32, #tpu.memory_space<vmem>>, vector<1x1x16xf32>,
      %get3A_1560 = vector.shape_cast %get3A_1559 : vector<1x1x16xf32> to vector<16xf32>
      %add3A_1561 = arith.addf %scan3A_1540, %get3A_1560 : vector<16xf32>
      %add3A_1562 = arith.constant 32 : i32
      %add3A_1563 = arith.addi %mul3A_1544, %add3A_1562 : i32
      %get3A_1564 = arith.constant 0 : i32
      %get3A_1565 = arith.constant 2 : i32
      %get3A_1566 = arith.index_cast %get3A_1564 : i32 to index
      %get3A_1567 = arith.index_cast %get3A_1565 : i32 to index
      %get3A_1568 = arith.index_cast %add3A_1563 : i32 to index
      %get3A_1569 = tpu.vector_load %arg4[%get3A_1566, %get3A_1567, %get3A_1568] {strides = array<i32>} : memref<2x4x8192xf32, #tpu.memory_space<vmem>>, vector<1x1x16xf32>,
      %get3A_1570 = vector.shape_cast %get3A_1569 : vector<1x1x16xf32> to vector<16xf32>
      %add3A_1571 = arith.addf %scan3A_1541, %get3A_1570 : vector<16xf32>
      %add3A_1572 = arith.constant 48 : i32
      %add3A_1573 = arith.addi %mul3A_1544, %add3A_1572 : i32
      %get3A_1574 = arith.constant 0 : i32
      %get3A_1575 = arith.constant 2 : i32
      %get3A_1576 = arith.index_cast %get3A_1574 : i32 to index
      %get3A_1577 = arith.index_cast %get3A_1575 : i32 to index
      %get3A_1578 = arith.index_cast %add3A_1573 : i32 to index
      %get3A_1579 = tpu.vector_load %arg4[%get3A_1576, %get3A_1577, %get3A_1578] {strides = array<i32>} : memref<2x4x8192xf32, #tpu.memory_space<vmem>>, vector<1x1x16xf32>,
      %get3A_1580 = vector.shape_cast %get3A_1579 : vector<1x1x16xf32> to vector<16xf32>
      %add3A_1581 = arith.addf %scan3A_1542, %get3A_1580 : vector<16xf32>
      scf.yield %add3A_1551, %add3A_1561, %add3A_1571, %add3A_1581 : vector<16xf32>, vector<16xf32>, vector<16xf32>, vector<16xf32>
    }
    %scan3A_1428 = arith.constant 128 : i32
    %add3A_1429 = arith.addf %scan3A_1427#0, %scan3A_1427#1 : vector<16xf32>
    %add3A_1430 = arith.addf %scan3A_1427#2, %scan3A_1427#3 : vector<16xf32>
    %add3A_1431 = arith.addf %add3A_1429, %add3A_1430 : vector<16xf32>
    %swap3A_1432 = arith.constant 58 : i32
    %swap3A_1433 = arith.index_cast %swap3A_1432 : i32 to index
    %swap3A_1434 = arith.constant 0 : index
    %swap3A_1435 = tpu.vector_load %arg5[%swap3A_1433, %swap3A_1434] {strides = array<i32>} : memref<64x16xf32, #tpu.memory_space<vmem>>, vector<1x16xf32>,
    %swap3A_1436 = vector.shape_cast %swap3A_1435 : vector<1x16xf32> to vector<16xf32>
    %swap3A_1437 = vector.shape_cast %add3A_1431 : vector<16xf32> to vector<1x16xf32>
    tpu.vector_store %arg5[%swap3A_1433, %swap3A_1434], %swap3A_1437 {strides = array<i32>} : memref<64x16xf32, #tpu.memory_space<vmem>>, vector<1x16xf32>,
    %broadcast_in_dim3A_1438 = arith.constant 0.000000e+00 : f32
    %broadcast_in_dim3A_1439 = vector.broadcast %broadcast_in_dim3A_1438 : f32 to vector<16xf32>
    %scan3A_1440 = arith.constant 0 : i32
    %scan3A_1441 = arith.constant 128 : i32
    %scan3A_1442 = arith.addi %scan3A_1440, %scan3A_1441 : i32
    %scan3A_1443 = arith.constant 1 : i32
    %scan3A_1444:4 = scf.for %scan3A_1538 = %scan3A_1440 to %scan3A_1442 step %scan3A_1443 iter_args(%scan3A_1539 = %broadcast_in_dim3A_1439, %scan3A_1540 = %broadcast_in_dim3A_1439, %scan3A_1541 = %broadcast_in_dim3A_1439, %scan3A_1542 = %broadcast_in_dim3A_1439) -> (vector<16xf32>, vector<16xf32>, vector<16xf32>, vector<16xf32>)  : i32 {
      %mul3A_1543 = arith.constant 64 : i32
      %mul3A_1544 = arith.muli %scan3A_1538, %mul3A_1543 : i32
      %get3A = arith.constant 0 : i32
      %get3A_1545 = arith.constant 3 : i32
      %get3A_1546 = arith.index_cast %get3A : i32 to index
      %get3A_1547 = arith.index_cast %get3A_1545 : i32 to index
      %get3A_1548 = arith.index_cast %mul3A_1544 : i32 to index
      %get3A_1549 = tpu.vector_load %arg4[%get3A_1546, %get3A_1547, %get3A_1548] {strides = array<i32>} : memref<2x4x8192xf32, #tpu.memory_space<vmem>>, vector<1x1x16xf32>,
      %get3A_1550 = vector.shape_cast %get3A_1549 : vector<1x1x16xf32> to vector<16xf32>
      %add3A_1551 = arith.addf %scan3A_1539, %get3A_1550 : vector<16xf32>
      %add3A_1552 = arith.constant 16 : i32
      %add3A_1553 = arith.addi %mul3A_1544, %add3A_1552 : i32
      %get3A_1554 = arith.constant 0 : i32
      %get3A_1555 = arith.constant 3 : i32
      %get3A_1556 = arith.index_cast %get3A_1554 : i32 to index
      %get3A_1557 = arith.index_cast %get3A_1555 : i32 to index
      %get3A_1558 = arith.index_cast %add3A_1553 : i32 to index
      %get3A_1559 = tpu.vector_load %arg4[%get3A_1556, %get3A_1557, %get3A_1558] {strides = array<i32>} : memref<2x4x8192xf32, #tpu.memory_space<vmem>>, vector<1x1x16xf32>,
      %get3A_1560 = vector.shape_cast %get3A_1559 : vector<1x1x16xf32> to vector<16xf32>
      %add3A_1561 = arith.addf %scan3A_1540, %get3A_1560 : vector<16xf32>
      %add3A_1562 = arith.constant 32 : i32
      %add3A_1563 = arith.addi %mul3A_1544, %add3A_1562 : i32
      %get3A_1564 = arith.constant 0 : i32
      %get3A_1565 = arith.constant 3 : i32
      %get3A_1566 = arith.index_cast %get3A_1564 : i32 to index
      %get3A_1567 = arith.index_cast %get3A_1565 : i32 to index
      %get3A_1568 = arith.index_cast %add3A_1563 : i32 to index
      %get3A_1569 = tpu.vector_load %arg4[%get3A_1566, %get3A_1567, %get3A_1568] {strides = array<i32>} : memref<2x4x8192xf32, #tpu.memory_space<vmem>>, vector<1x1x16xf32>,
      %get3A_1570 = vector.shape_cast %get3A_1569 : vector<1x1x16xf32> to vector<16xf32>
      %add3A_1571 = arith.addf %scan3A_1541, %get3A_1570 : vector<16xf32>
      %add3A_1572 = arith.constant 48 : i32
      %add3A_1573 = arith.addi %mul3A_1544, %add3A_1572 : i32
      %get3A_1574 = arith.constant 0 : i32
      %get3A_1575 = arith.constant 3 : i32
      %get3A_1576 = arith.index_cast %get3A_1574 : i32 to index
      %get3A_1577 = arith.index_cast %get3A_1575 : i32 to index
      %get3A_1578 = arith.index_cast %add3A_1573 : i32 to index
      %get3A_1579 = tpu.vector_load %arg4[%get3A_1576, %get3A_1577, %get3A_1578] {strides = array<i32>} : memref<2x4x8192xf32, #tpu.memory_space<vmem>>, vector<1x1x16xf32>,
      %get3A_1580 = vector.shape_cast %get3A_1579 : vector<1x1x16xf32> to vector<16xf32>
      %add3A_1581 = arith.addf %scan3A_1542, %get3A_1580 : vector<16xf32>
      scf.yield %add3A_1551, %add3A_1561, %add3A_1571, %add3A_1581 : vector<16xf32>, vector<16xf32>, vector<16xf32>, vector<16xf32>
    }
    %scan3A_1445 = arith.constant 128 : i32
    %add3A_1446 = arith.addf %scan3A_1444#0, %scan3A_1444#1 : vector<16xf32>
    %add3A_1447 = arith.addf %scan3A_1444#2, %scan3A_1444#3 : vector<16xf32>
    %add3A_1448 = arith.addf %add3A_1446, %add3A_1447 : vector<16xf32>
    %swap3A_1449 = arith.constant 59 : i32
    %swap3A_1450 = arith.index_cast %swap3A_1449 : i32 to index
    %swap3A_1451 = arith.constant 0 : index
    %swap3A_1452 = tpu.vector_load %arg5[%swap3A_1450, %swap3A_1451] {strides = array<i32>} : memref<64x16xf32, #tpu.memory_space<vmem>>, vector<1x16xf32>,
    %swap3A_1453 = vector.shape_cast %swap3A_1452 : vector<1x16xf32> to vector<16xf32>
    %swap3A_1454 = vector.shape_cast %add3A_1448 : vector<16xf32> to vector<1x16xf32>
    tpu.vector_store %arg5[%swap3A_1450, %swap3A_1451], %swap3A_1454 {strides = array<i32>} : memref<64x16xf32, #tpu.memory_space<vmem>>, vector<1x16xf32>,
    %dma_wait3A_1455 = arith.constant 1 : i32
    %dma_wait3A_1456 = arith.constant 0 : i32
    %dma_wait3A_1457 = arith.constant 0 : i32
    %dma_wait3A_1458 = tpu.memref_slice %arg4[%dma_wait3A_1455, %dma_wait3A_1456, %dma_wait3A_1457] : memref<2x4x8192xf32, #tpu.memory_space<vmem>> -> memref<1x4x8192xf32, #tpu.memory_space<vmem>>
    %dma_wait3A_1459 = tpu.memref_squeeze %dma_wait3A_1458 : memref<1x4x8192xf32, #tpu.memory_space<vmem>> -> memref<4x8192xf32, #tpu.memory_space<vmem>>
    %dma_wait3A_1460 = arith.constant 0 : i32
    %dma_wait3A_1461 = tpu.memref_slice %arg2[%add3A_1360, %dma_wait3A_1460] : memref<8192x8192xf32, #tpu.memory_space<hbm>> -> memref<4x8192xf32, #tpu.memory_space<hbm>>
    %dma_wait3A_1462 = arith.constant 0 : i32
    %dma_wait3A_1463 = arith.constant 0 : i32
    %dma_wait3A_1464 = tpu.memref_slice %arg4[%dma_wait3A_1455, %dma_wait3A_1462, %dma_wait3A_1463] : memref<2x4x8192xf32, #tpu.memory_space<vmem>> -> memref<1x4x8192xf32, #tpu.memory_space<vmem>>
    %dma_wait3A_1465 = tpu.memref_squeeze %dma_wait3A_1464 : memref<1x4x8192xf32, #tpu.memory_space<vmem>> -> memref<4x8192xf32, #tpu.memory_space<vmem>>
    %dma_wait3A_1466 = arith.constant 0 : i32
    %dma_wait3A_1467 = tpu.memref_slice %arg2[%add3A_1360, %dma_wait3A_1466] : memref<8192x8192xf32, #tpu.memory_space<hbm>> -> memref<4x8192xf32, #tpu.memory_space<hbm>>
    tpu.wait_dma2 semaphore(%arg7 : memref<!tpu.dma_semaphore, #tpu.memory_space<semaphore_mem>>) src(%dma_wait3A_1467 : memref<4x8192xf32, #tpu.memory_space<hbm>>) dst(%dma_wait3A_1465 : memref<4x8192xf32, #tpu.memory_space<vmem>>)
    %broadcast_in_dim3A_1468 = arith.constant 0.000000e+00 : f32
    %broadcast_in_dim3A_1469 = vector.broadcast %broadcast_in_dim3A_1468 : f32 to vector<16xf32>
    %scan3A_1470 = arith.constant 0 : i32
    %scan3A_1471 = arith.constant 128 : i32
    %scan3A_1472 = arith.addi %scan3A_1470, %scan3A_1471 : i32
    %scan3A_1473 = arith.constant 1 : i32
    %scan3A_1474:4 = scf.for %scan3A_1538 = %scan3A_1470 to %scan3A_1472 step %scan3A_1473 iter_args(%scan3A_1539 = %broadcast_in_dim3A_1469, %scan3A_1540 = %broadcast_in_dim3A_1469, %scan3A_1541 = %broadcast_in_dim3A_1469, %scan3A_1542 = %broadcast_in_dim3A_1469) -> (vector<16xf32>, vector<16xf32>, vector<16xf32>, vector<16xf32>)  : i32 {
      %mul3A_1543 = arith.constant 64 : i32
      %mul3A_1544 = arith.muli %scan3A_1538, %mul3A_1543 : i32
      %get3A = arith.constant 1 : i32
      %get3A_1545 = arith.constant 0 : i32
      %get3A_1546 = arith.index_cast %get3A : i32 to index
      %get3A_1547 = arith.index_cast %get3A_1545 : i32 to index
      %get3A_1548 = arith.index_cast %mul3A_1544 : i32 to index
      %get3A_1549 = tpu.vector_load %arg4[%get3A_1546, %get3A_1547, %get3A_1548] {strides = array<i32>} : memref<2x4x8192xf32, #tpu.memory_space<vmem>>, vector<1x1x16xf32>,
      %get3A_1550 = vector.shape_cast %get3A_1549 : vector<1x1x16xf32> to vector<16xf32>
      %add3A_1551 = arith.addf %scan3A_1539, %get3A_1550 : vector<16xf32>
      %add3A_1552 = arith.constant 16 : i32
      %add3A_1553 = arith.addi %mul3A_1544, %add3A_1552 : i32
      %get3A_1554 = arith.constant 1 : i32
      %get3A_1555 = arith.constant 0 : i32
      %get3A_1556 = arith.index_cast %get3A_1554 : i32 to index
      %get3A_1557 = arith.index_cast %get3A_1555 : i32 to index
      %get3A_1558 = arith.index_cast %add3A_1553 : i32 to index
      %get3A_1559 = tpu.vector_load %arg4[%get3A_1556, %get3A_1557, %get3A_1558] {strides = array<i32>} : memref<2x4x8192xf32, #tpu.memory_space<vmem>>, vector<1x1x16xf32>,
      %get3A_1560 = vector.shape_cast %get3A_1559 : vector<1x1x16xf32> to vector<16xf32>
      %add3A_1561 = arith.addf %scan3A_1540, %get3A_1560 : vector<16xf32>
      %add3A_1562 = arith.constant 32 : i32
      %add3A_1563 = arith.addi %mul3A_1544, %add3A_1562 : i32
      %get3A_1564 = arith.constant 1 : i32
      %get3A_1565 = arith.constant 0 : i32
      %get3A_1566 = arith.index_cast %get3A_1564 : i32 to index
      %get3A_1567 = arith.index_cast %get3A_1565 : i32 to index
      %get3A_1568 = arith.index_cast %add3A_1563 : i32 to index
      %get3A_1569 = tpu.vector_load %arg4[%get3A_1566, %get3A_1567, %get3A_1568] {strides = array<i32>} : memref<2x4x8192xf32, #tpu.memory_space<vmem>>, vector<1x1x16xf32>,
      %get3A_1570 = vector.shape_cast %get3A_1569 : vector<1x1x16xf32> to vector<16xf32>
      %add3A_1571 = arith.addf %scan3A_1541, %get3A_1570 : vector<16xf32>
      %add3A_1572 = arith.constant 48 : i32
      %add3A_1573 = arith.addi %mul3A_1544, %add3A_1572 : i32
      %get3A_1574 = arith.constant 1 : i32
      %get3A_1575 = arith.constant 0 : i32
      %get3A_1576 = arith.index_cast %get3A_1574 : i32 to index
      %get3A_1577 = arith.index_cast %get3A_1575 : i32 to index
      %get3A_1578 = arith.index_cast %add3A_1573 : i32 to index
      %get3A_1579 = tpu.vector_load %arg4[%get3A_1576, %get3A_1577, %get3A_1578] {strides = array<i32>} : memref<2x4x8192xf32, #tpu.memory_space<vmem>>, vector<1x1x16xf32>,
      %get3A_1580 = vector.shape_cast %get3A_1579 : vector<1x1x16xf32> to vector<16xf32>
      %add3A_1581 = arith.addf %scan3A_1542, %get3A_1580 : vector<16xf32>
      scf.yield %add3A_1551, %add3A_1561, %add3A_1571, %add3A_1581 : vector<16xf32>, vector<16xf32>, vector<16xf32>, vector<16xf32>
    }
    %scan3A_1475 = arith.constant 128 : i32
    %add3A_1476 = arith.addf %scan3A_1474#0, %scan3A_1474#1 : vector<16xf32>
    %add3A_1477 = arith.addf %scan3A_1474#2, %scan3A_1474#3 : vector<16xf32>
    %add3A_1478 = arith.addf %add3A_1476, %add3A_1477 : vector<16xf32>
    %swap3A_1479 = arith.constant 60 : i32
    %swap3A_1480 = arith.index_cast %swap3A_1479 : i32 to index
    %swap3A_1481 = arith.constant 0 : index
    %swap3A_1482 = tpu.vector_load %arg5[%swap3A_1480, %swap3A_1481] {strides = array<i32>} : memref<64x16xf32, #tpu.memory_space<vmem>>, vector<1x16xf32>,
    %swap3A_1483 = vector.shape_cast %swap3A_1482 : vector<1x16xf32> to vector<16xf32>
    %swap3A_1484 = vector.shape_cast %add3A_1478 : vector<16xf32> to vector<1x16xf32>
    tpu.vector_store %arg5[%swap3A_1480, %swap3A_1481], %swap3A_1484 {strides = array<i32>} : memref<64x16xf32, #tpu.memory_space<vmem>>, vector<1x16xf32>,
    %broadcast_in_dim3A_1485 = arith.constant 0.000000e+00 : f32
    %broadcast_in_dim3A_1486 = vector.broadcast %broadcast_in_dim3A_1485 : f32 to vector<16xf32>
    %scan3A_1487 = arith.constant 0 : i32
    %scan3A_1488 = arith.constant 128 : i32
    %scan3A_1489 = arith.addi %scan3A_1487, %scan3A_1488 : i32
    %scan3A_1490 = arith.constant 1 : i32
    %scan3A_1491:4 = scf.for %scan3A_1538 = %scan3A_1487 to %scan3A_1489 step %scan3A_1490 iter_args(%scan3A_1539 = %broadcast_in_dim3A_1486, %scan3A_1540 = %broadcast_in_dim3A_1486, %scan3A_1541 = %broadcast_in_dim3A_1486, %scan3A_1542 = %broadcast_in_dim3A_1486) -> (vector<16xf32>, vector<16xf32>, vector<16xf32>, vector<16xf32>)  : i32 {
      %mul3A_1543 = arith.constant 64 : i32
      %mul3A_1544 = arith.muli %scan3A_1538, %mul3A_1543 : i32
      %get3A = arith.constant 1 : i32
      %get3A_1545 = arith.constant 1 : i32
      %get3A_1546 = arith.index_cast %get3A : i32 to index
      %get3A_1547 = arith.index_cast %get3A_1545 : i32 to index
      %get3A_1548 = arith.index_cast %mul3A_1544 : i32 to index
      %get3A_1549 = tpu.vector_load %arg4[%get3A_1546, %get3A_1547, %get3A_1548] {strides = array<i32>} : memref<2x4x8192xf32, #tpu.memory_space<vmem>>, vector<1x1x16xf32>,
      %get3A_1550 = vector.shape_cast %get3A_1549 : vector<1x1x16xf32> to vector<16xf32>
      %add3A_1551 = arith.addf %scan3A_1539, %get3A_1550 : vector<16xf32>
      %add3A_1552 = arith.constant 16 : i32
      %add3A_1553 = arith.addi %mul3A_1544, %add3A_1552 : i32
      %get3A_1554 = arith.constant 1 : i32
      %get3A_1555 = arith.constant 1 : i32
      %get3A_1556 = arith.index_cast %get3A_1554 : i32 to index
      %get3A_1557 = arith.index_cast %get3A_1555 : i32 to index
      %get3A_1558 = arith.index_cast %add3A_1553 : i32 to index
      %get3A_1559 = tpu.vector_load %arg4[%get3A_1556, %get3A_1557, %get3A_1558] {strides = array<i32>} : memref<2x4x8192xf32, #tpu.memory_space<vmem>>, vector<1x1x16xf32>,
      %get3A_1560 = vector.shape_cast %get3A_1559 : vector<1x1x16xf32> to vector<16xf32>
      %add3A_1561 = arith.addf %scan3A_1540, %get3A_1560 : vector<16xf32>
      %add3A_1562 = arith.constant 32 : i32
      %add3A_1563 = arith.addi %mul3A_1544, %add3A_1562 : i32
      %get3A_1564 = arith.constant 1 : i32
      %get3A_1565 = arith.constant 1 : i32
      %get3A_1566 = arith.index_cast %get3A_1564 : i32 to index
      %get3A_1567 = arith.index_cast %get3A_1565 : i32 to index
      %get3A_1568 = arith.index_cast %add3A_1563 : i32 to index
      %get3A_1569 = tpu.vector_load %arg4[%get3A_1566, %get3A_1567, %get3A_1568] {strides = array<i32>} : memref<2x4x8192xf32, #tpu.memory_space<vmem>>, vector<1x1x16xf32>,
      %get3A_1570 = vector.shape_cast %get3A_1569 : vector<1x1x16xf32> to vector<16xf32>
      %add3A_1571 = arith.addf %scan3A_1541, %get3A_1570 : vector<16xf32>
      %add3A_1572 = arith.constant 48 : i32
      %add3A_1573 = arith.addi %mul3A_1544, %add3A_1572 : i32
      %get3A_1574 = arith.constant 1 : i32
      %get3A_1575 = arith.constant 1 : i32
      %get3A_1576 = arith.index_cast %get3A_1574 : i32 to index
      %get3A_1577 = arith.index_cast %get3A_1575 : i32 to index
      %get3A_1578 = arith.index_cast %add3A_1573 : i32 to index
      %get3A_1579 = tpu.vector_load %arg4[%get3A_1576, %get3A_1577, %get3A_1578] {strides = array<i32>} : memref<2x4x8192xf32, #tpu.memory_space<vmem>>, vector<1x1x16xf32>,
      %get3A_1580 = vector.shape_cast %get3A_1579 : vector<1x1x16xf32> to vector<16xf32>
      %add3A_1581 = arith.addf %scan3A_1542, %get3A_1580 : vector<16xf32>
      scf.yield %add3A_1551, %add3A_1561, %add3A_1571, %add3A_1581 : vector<16xf32>, vector<16xf32>, vector<16xf32>, vector<16xf32>
    }
    %scan3A_1492 = arith.constant 128 : i32
    %add3A_1493 = arith.addf %scan3A_1491#0, %scan3A_1491#1 : vector<16xf32>
    %add3A_1494 = arith.addf %scan3A_1491#2, %scan3A_1491#3 : vector<16xf32>
    %add3A_1495 = arith.addf %add3A_1493, %add3A_1494 : vector<16xf32>
    %swap3A_1496 = arith.constant 61 : i32
    %swap3A_1497 = arith.index_cast %swap3A_1496 : i32 to index
    %swap3A_1498 = arith.constant 0 : index
    %swap3A_1499 = tpu.vector_load %arg5[%swap3A_1497, %swap3A_1498] {strides = array<i32>} : memref<64x16xf32, #tpu.memory_space<vmem>>, vector<1x16xf32>,
    %swap3A_1500 = vector.shape_cast %swap3A_1499 : vector<1x16xf32> to vector<16xf32>
    %swap3A_1501 = vector.shape_cast %add3A_1495 : vector<16xf32> to vector<1x16xf32>
    tpu.vector_store %arg5[%swap3A_1497, %swap3A_1498], %swap3A_1501 {strides = array<i32>} : memref<64x16xf32, #tpu.memory_space<vmem>>, vector<1x16xf32>,
    %broadcast_in_dim3A_1502 = arith.constant 0.000000e+00 : f32
    %broadcast_in_dim3A_1503 = vector.broadcast %broadcast_in_dim3A_1502 : f32 to vector<16xf32>
    %scan3A_1504 = arith.constant 0 : i32
    %scan3A_1505 = arith.constant 128 : i32
    %scan3A_1506 = arith.addi %scan3A_1504, %scan3A_1505 : i32
    %scan3A_1507 = arith.constant 1 : i32
    %scan3A_1508:4 = scf.for %scan3A_1538 = %scan3A_1504 to %scan3A_1506 step %scan3A_1507 iter_args(%scan3A_1539 = %broadcast_in_dim3A_1503, %scan3A_1540 = %broadcast_in_dim3A_1503, %scan3A_1541 = %broadcast_in_dim3A_1503, %scan3A_1542 = %broadcast_in_dim3A_1503) -> (vector<16xf32>, vector<16xf32>, vector<16xf32>, vector<16xf32>)  : i32 {
      %mul3A_1543 = arith.constant 64 : i32
      %mul3A_1544 = arith.muli %scan3A_1538, %mul3A_1543 : i32
      %get3A = arith.constant 1 : i32
      %get3A_1545 = arith.constant 2 : i32
      %get3A_1546 = arith.index_cast %get3A : i32 to index
      %get3A_1547 = arith.index_cast %get3A_1545 : i32 to index
      %get3A_1548 = arith.index_cast %mul3A_1544 : i32 to index
      %get3A_1549 = tpu.vector_load %arg4[%get3A_1546, %get3A_1547, %get3A_1548] {strides = array<i32>} : memref<2x4x8192xf32, #tpu.memory_space<vmem>>, vector<1x1x16xf32>,
      %get3A_1550 = vector.shape_cast %get3A_1549 : vector<1x1x16xf32> to vector<16xf32>
      %add3A_1551 = arith.addf %scan3A_1539, %get3A_1550 : vector<16xf32>
      %add3A_1552 = arith.constant 16 : i32
      %add3A_1553 = arith.addi %mul3A_1544, %add3A_1552 : i32
      %get3A_1554 = arith.constant 1 : i32
      %get3A_1555 = arith.constant 2 : i32
      %get3A_1556 = arith.index_cast %get3A_1554 : i32 to index
      %get3A_1557 = arith.index_cast %get3A_1555 : i32 to index
      %get3A_1558 = arith.index_cast %add3A_1553 : i32 to index
      %get3A_1559 = tpu.vector_load %arg4[%get3A_1556, %get3A_1557, %get3A_1558] {strides = array<i32>} : memref<2x4x8192xf32, #tpu.memory_space<vmem>>, vector<1x1x16xf32>,
      %get3A_1560 = vector.shape_cast %get3A_1559 : vector<1x1x16xf32> to vector<16xf32>
      %add3A_1561 = arith.addf %scan3A_1540, %get3A_1560 : vector<16xf32>
      %add3A_1562 = arith.constant 32 : i32
      %add3A_1563 = arith.addi %mul3A_1544, %add3A_1562 : i32
      %get3A_1564 = arith.constant 1 : i32
      %get3A_1565 = arith.constant 2 : i32
      %get3A_1566 = arith.index_cast %get3A_1564 : i32 to index
      %get3A_1567 = arith.index_cast %get3A_1565 : i32 to index
      %get3A_1568 = arith.index_cast %add3A_1563 : i32 to index
      %get3A_1569 = tpu.vector_load %arg4[%get3A_1566, %get3A_1567, %get3A_1568] {strides = array<i32>} : memref<2x4x8192xf32, #tpu.memory_space<vmem>>, vector<1x1x16xf32>,
      %get3A_1570 = vector.shape_cast %get3A_1569 : vector<1x1x16xf32> to vector<16xf32>
      %add3A_1571 = arith.addf %scan3A_1541, %get3A_1570 : vector<16xf32>
      %add3A_1572 = arith.constant 48 : i32
      %add3A_1573 = arith.addi %mul3A_1544, %add3A_1572 : i32
      %get3A_1574 = arith.constant 1 : i32
      %get3A_1575 = arith.constant 2 : i32
      %get3A_1576 = arith.index_cast %get3A_1574 : i32 to index
      %get3A_1577 = arith.index_cast %get3A_1575 : i32 to index
      %get3A_1578 = arith.index_cast %add3A_1573 : i32 to index
      %get3A_1579 = tpu.vector_load %arg4[%get3A_1576, %get3A_1577, %get3A_1578] {strides = array<i32>} : memref<2x4x8192xf32, #tpu.memory_space<vmem>>, vector<1x1x16xf32>,
      %get3A_1580 = vector.shape_cast %get3A_1579 : vector<1x1x16xf32> to vector<16xf32>
      %add3A_1581 = arith.addf %scan3A_1542, %get3A_1580 : vector<16xf32>
      scf.yield %add3A_1551, %add3A_1561, %add3A_1571, %add3A_1581 : vector<16xf32>, vector<16xf32>, vector<16xf32>, vector<16xf32>
    }
    %scan3A_1509 = arith.constant 128 : i32
    %add3A_1510 = arith.addf %scan3A_1508#0, %scan3A_1508#1 : vector<16xf32>
    %add3A_1511 = arith.addf %scan3A_1508#2, %scan3A_1508#3 : vector<16xf32>
    %add3A_1512 = arith.addf %add3A_1510, %add3A_1511 : vector<16xf32>
    %swap3A_1513 = arith.constant 62 : i32
    %swap3A_1514 = arith.index_cast %swap3A_1513 : i32 to index
    %swap3A_1515 = arith.constant 0 : index
    %swap3A_1516 = tpu.vector_load %arg5[%swap3A_1514, %swap3A_1515] {strides = array<i32>} : memref<64x16xf32, #tpu.memory_space<vmem>>, vector<1x16xf32>,
    %swap3A_1517 = vector.shape_cast %swap3A_1516 : vector<1x16xf32> to vector<16xf32>
    %swap3A_1518 = vector.shape_cast %add3A_1512 : vector<16xf32> to vector<1x16xf32>
    tpu.vector_store %arg5[%swap3A_1514, %swap3A_1515], %swap3A_1518 {strides = array<i32>} : memref<64x16xf32, #tpu.memory_space<vmem>>, vector<1x16xf32>,
    %broadcast_in_dim3A_1519 = arith.constant 0.000000e+00 : f32
    %broadcast_in_dim3A_1520 = vector.broadcast %broadcast_in_dim3A_1519 : f32 to vector<16xf32>
    %scan3A_1521 = arith.constant 0 : i32
    %scan3A_1522 = arith.constant 128 : i32
    %scan3A_1523 = arith.addi %scan3A_1521, %scan3A_1522 : i32
    %scan3A_1524 = arith.constant 1 : i32
    %scan3A_1525:4 = scf.for %scan3A_1538 = %scan3A_1521 to %scan3A_1523 step %scan3A_1524 iter_args(%scan3A_1539 = %broadcast_in_dim3A_1520, %scan3A_1540 = %broadcast_in_dim3A_1520, %scan3A_1541 = %broadcast_in_dim3A_1520, %scan3A_1542 = %broadcast_in_dim3A_1520) -> (vector<16xf32>, vector<16xf32>, vector<16xf32>, vector<16xf32>)  : i32 {
      %mul3A_1543 = arith.constant 64 : i32
      %mul3A_1544 = arith.muli %scan3A_1538, %mul3A_1543 : i32
      %get3A = arith.constant 1 : i32
      %get3A_1545 = arith.constant 3 : i32
      %get3A_1546 = arith.index_cast %get3A : i32 to index
      %get3A_1547 = arith.index_cast %get3A_1545 : i32 to index
      %get3A_1548 = arith.index_cast %mul3A_1544 : i32 to index
      %get3A_1549 = tpu.vector_load %arg4[%get3A_1546, %get3A_1547, %get3A_1548] {strides = array<i32>} : memref<2x4x8192xf32, #tpu.memory_space<vmem>>, vector<1x1x16xf32>,
      %get3A_1550 = vector.shape_cast %get3A_1549 : vector<1x1x16xf32> to vector<16xf32>
      %add3A_1551 = arith.addf %scan3A_1539, %get3A_1550 : vector<16xf32>
      %add3A_1552 = arith.constant 16 : i32
      %add3A_1553 = arith.addi %mul3A_1544, %add3A_1552 : i32
      %get3A_1554 = arith.constant 1 : i32
      %get3A_1555 = arith.constant 3 : i32
      %get3A_1556 = arith.index_cast %get3A_1554 : i32 to index
      %get3A_1557 = arith.index_cast %get3A_1555 : i32 to index
      %get3A_1558 = arith.index_cast %add3A_1553 : i32 to index
      %get3A_1559 = tpu.vector_load %arg4[%get3A_1556, %get3A_1557, %get3A_1558] {strides = array<i32>} : memref<2x4x8192xf32, #tpu.memory_space<vmem>>, vector<1x1x16xf32>,
      %get3A_1560 = vector.shape_cast %get3A_1559 : vector<1x1x16xf32> to vector<16xf32>
      %add3A_1561 = arith.addf %scan3A_1540, %get3A_1560 : vector<16xf32>
      %add3A_1562 = arith.constant 32 : i32
      %add3A_1563 = arith.addi %mul3A_1544, %add3A_1562 : i32
      %get3A_1564 = arith.constant 1 : i32
      %get3A_1565 = arith.constant 3 : i32
      %get3A_1566 = arith.index_cast %get3A_1564 : i32 to index
      %get3A_1567 = arith.index_cast %get3A_1565 : i32 to index
      %get3A_1568 = arith.index_cast %add3A_1563 : i32 to index
      %get3A_1569 = tpu.vector_load %arg4[%get3A_1566, %get3A_1567, %get3A_1568] {strides = array<i32>} : memref<2x4x8192xf32, #tpu.memory_space<vmem>>, vector<1x1x16xf32>,
      %get3A_1570 = vector.shape_cast %get3A_1569 : vector<1x1x16xf32> to vector<16xf32>
      %add3A_1571 = arith.addf %scan3A_1541, %get3A_1570 : vector<16xf32>
      %add3A_1572 = arith.constant 48 : i32
      %add3A_1573 = arith.addi %mul3A_1544, %add3A_1572 : i32
      %get3A_1574 = arith.constant 1 : i32
      %get3A_1575 = arith.constant 3 : i32
      %get3A_1576 = arith.index_cast %get3A_1574 : i32 to index
      %get3A_1577 = arith.index_cast %get3A_1575 : i32 to index
      %get3A_1578 = arith.index_cast %add3A_1573 : i32 to index
      %get3A_1579 = tpu.vector_load %arg4[%get3A_1576, %get3A_1577, %get3A_1578] {strides = array<i32>} : memref<2x4x8192xf32, #tpu.memory_space<vmem>>, vector<1x1x16xf32>,
      %get3A_1580 = vector.shape_cast %get3A_1579 : vector<1x1x16xf32> to vector<16xf32>
      %add3A_1581 = arith.addf %scan3A_1542, %get3A_1580 : vector<16xf32>
      scf.yield %add3A_1551, %add3A_1561, %add3A_1571, %add3A_1581 : vector<16xf32>, vector<16xf32>, vector<16xf32>, vector<16xf32>
    }
    %scan3A_1526 = arith.constant 128 : i32
    %add3A_1527 = arith.addf %scan3A_1525#0, %scan3A_1525#1 : vector<16xf32>
    %add3A_1528 = arith.addf %scan3A_1525#2, %scan3A_1525#3 : vector<16xf32>
    %add3A_1529 = arith.addf %add3A_1527, %add3A_1528 : vector<16xf32>
    %swap3A_1530 = arith.constant 63 : i32
    %swap3A_1531 = arith.index_cast %swap3A_1530 : i32 to index
    %swap3A_1532 = arith.constant 0 : index
    %swap3A_1533 = tpu.vector_load %arg5[%swap3A_1531, %swap3A_1532] {strides = array<i32>} : memref<64x16xf32, #tpu.memory_space<vmem>>, vector<1x16xf32>,
    %swap3A_1534 = vector.shape_cast %swap3A_1533 : vector<1x16xf32> to vector<16xf32>
    %swap3A_1535 = vector.shape_cast %add3A_1529 : vector<16xf32> to vector<1x16xf32>
    tpu.vector_store %arg5[%swap3A_1531, %swap3A_1532], %swap3A_1535 {strides = array<i32>} : memref<64x16xf32, #tpu.memory_space<vmem>>, vector<1x16xf32>,
    %mul3A_1536 = arith.constant 64 : i32
    %mul3A_1537 = arith.muli %add3A, %mul3A_1536 : i32
    "tpu.region"() ({
      %run_scoped3A = tpu.sem_alloc : memref<!tpu.dma_semaphore, #tpu.memory_space<semaphore_mem>>
      %dma_start3A_1538 = arith.constant 0 : i32
      %dma_start3A_1539 = tpu.memref_slice %arg3[%mul3A_1537, %dma_start3A_1538] : memref<2048x16xf32, #tpu.memory_space<hbm>> -> memref<64x16xf32, #tpu.memory_space<hbm>>
      %dma_start3A_1540 = arith.constant 0 : i32
      %dma_start3A_1541 = tpu.memref_slice %arg3[%mul3A_1537, %dma_start3A_1540] : memref<2048x16xf32, #tpu.memory_space<hbm>> -> memref<64x16xf32, #tpu.memory_space<hbm>>
      tpu.enqueue_dma source(%arg5 : memref<64x16xf32, #tpu.memory_space<vmem>>) target(%dma_start3A_1541 : memref<64x16xf32, #tpu.memory_space<hbm>>) target_semaphore(%run_scoped3A : memref<!tpu.dma_semaphore, #tpu.memory_space<semaphore_mem>>)
      %dma_wait3A_1542 = arith.constant 0 : i32
      %dma_wait3A_1543 = tpu.memref_slice %arg3[%mul3A_1537, %dma_wait3A_1542] : memref<2048x16xf32, #tpu.memory_space<hbm>> -> memref<64x16xf32, #tpu.memory_space<hbm>>
      %dma_wait3A_1544 = arith.constant 0 : i32
      %dma_wait3A_1545 = tpu.memref_slice %arg3[%mul3A_1537, %dma_wait3A_1544] : memref<2048x16xf32, #tpu.memory_space<hbm>> -> memref<64x16xf32, #tpu.memory_space<hbm>>
      tpu.wait_dma2 semaphore(%run_scoped3A : memref<!tpu.dma_semaphore, #tpu.memory_space<semaphore_mem>>) src(%arg5 : memref<64x16xf32, #tpu.memory_space<vmem>>) dst(%dma_wait3A_1545 : memref<64x16xf32, #tpu.memory_space<hbm>>)
      tpu.yield
    }) : () -> ()
    return
  }
}

module attributes {stable_mosaic.version = 14 : i64} {
  func.func @_tc_deg_kernel(%arg0: i32, %arg1: memref<256x8192xf32, #tpu.memory_space<vmem>>, %arg2: memref<256x1xf32, #tpu.memory_space<vmem>>) attributes {dimension_semantics = [#tpu.dimension_semantics<arbitrary>], iteration_bounds = array<i64: 24>, scalar_prefetch = 0 : i64, scratch_operands = 0 : i64, tpu.core_type = #tpu.core_type<tc>, window_params = [{transform_indices = @transform_0, window_bounds = array<i64: 256, 8192>}, {transform_indices = @transform_1, window_bounds = array<i64: 256, 1>}]} {
    %get3A = arith.constant 0 : index
    %get3A_0 = arith.constant 0 : index
    %get3A_1 = vector.load %arg1[%get3A, %get3A_0] : memref<256x8192xf32, #tpu.memory_space<vmem>>, vector<256x8192xf32>
    %reduce_sum3A = arith.constant dense<0.000000e+00> : vector<256xf32>
    %reduce_sum3A_2 = vector.multi_reduction <add>, %get3A_1, %reduce_sum3A [1] : vector<256x8192xf32> to vector<256xf32>
    %broadcast_in_dim3A = vector.shape_cast %reduce_sum3A_2 : vector<256xf32> to vector<256x1xf32>
    %add3A = arith.constant 1.000000e+00 : f32
    %add3A_3 = vector.broadcast %add3A : f32 to vector<256x1xf32>
    %add3A_4 = arith.addf %broadcast_in_dim3A, %add3A_3 : vector<256x1xf32>
    %gt3A = arith.constant 0.000000e+00 : f32
    %gt3A_5 = vector.broadcast %gt3A : f32 to vector<256x1xf32>
    %gt3A_6 = arith.cmpf ogt, %add3A_4, %gt3A_5 : vector<256x1xf32>
    %rsqrt3A = math.rsqrt %add3A_4 : vector<256x1xf32>
    %jit3A = arith.constant 0.000000e+00 : f32
    %broadcast_in_dim3A_7 = vector.broadcast %jit3A : f32 to vector<256x1xf32>
    %select_n3A = arith.select %gt3A_6, %rsqrt3A, %broadcast_in_dim3A_7 : vector<256x1xi1>, vector<256x1xf32>
    %swap3A = arith.constant 0 : index
    %swap3A_8 = arith.constant 0 : index
    %swap3A_9 = vector.load %arg2[%swap3A, %swap3A_8] : memref<256x1xf32, #tpu.memory_space<vmem>>, vector<256x1xf32>
    tpu.vector_store %arg2[%swap3A, %swap3A_8], %select_n3A {strides = array<i32>} : memref<256x1xf32, #tpu.memory_space<vmem>>, vector<256x1xf32>,
    return
  }
  func.func @transform_0(%arg0: i32) -> (i32, i32) {
    %c0_i32 = arith.constant 0 : i32
    %c0_i32_0 = arith.constant 0 : i32
    return %arg0, %c0_i32 : i32, i32
  }
  func.func @transform_1(%arg0: i32) -> (i32, i32) {
    %c0_i32 = arith.constant 0 : i32
    %c0_i32_0 = arith.constant 0 : i32
    return %arg0, %c0_i32 : i32, i32
  }
}

module attributes {stable_mosaic.version = 14 : i64} {
  func.func @_tc_main_kernel(%arg0: i32, %arg1: memref<256x8192xf32, #tpu.memory_space<vmem>>, %arg2: memref<8192x128xf32, #tpu.memory_space<vmem>>, %arg3: memref<128x128xf32, #tpu.memory_space<vmem>>, %arg4: memref<128x128xf32, #tpu.memory_space<vmem>>, %arg5: memref<1x128xf32, #tpu.memory_space<vmem>>, %arg6: memref<6144x1xf32, #tpu.memory_space<vmem>>, %arg7: memref<2048x16xf32, #tpu.memory_space<vmem>>, %arg8: memref<256x128xf32, #tpu.memory_space<vmem>>, %arg9: memref<8192x128xf32, #tpu.memory_space<vmem>>, %arg10: memref<8192x1xf32, #tpu.memory_space<vmem>>) attributes {dimension_semantics = [#tpu.dimension_semantics<arbitrary>], iteration_bounds = array<i64: 33>, scalar_prefetch = 0 : i64, scratch_operands = 2 : i64, tpu.core_type = #tpu.core_type<tc>, window_params = [{transform_indices = @transform_0, window_bounds = array<i64: 256, 8192>}, {pipeline_mode = #tpu.pipeline_mode<synchronous>, transform_indices = @transform_1, window_bounds = array<i64: 8192, 128>}, {pipeline_mode = #tpu.pipeline_mode<synchronous>, transform_indices = @transform_2, window_bounds = array<i64: 128, 128>}, {pipeline_mode = #tpu.pipeline_mode<synchronous>, transform_indices = @transform_3, window_bounds = array<i64: 128, 128>}, {pipeline_mode = #tpu.pipeline_mode<synchronous>, transform_indices = @transform_4, window_bounds = array<i64: 1, 128>}, {pipeline_mode = #tpu.pipeline_mode<synchronous>, transform_indices = @transform_5, window_bounds = array<i64: 6144, 1>}, {pipeline_mode = #tpu.pipeline_mode<synchronous>, transform_indices = @transform_6, window_bounds = array<i64: 2048, 16>}, {transform_indices = @transform_7, window_bounds = array<i64: 256, 128>}]} {
    %eq3A = arith.constant 0 : i32
    %eq3A_0 = arith.cmpi eq, %arg0, %eq3A : i32
    %convert_element_type3A = arith.extui %eq3A_0 : i1 to i32
    %cond3A = arith.constant 0 : i32
    %cond3A_1 = arith.cmpi ne, %convert_element_type3A, %cond3A : i32
    scf.if %cond3A_1 {
      %get3A = arith.constant 0 : index
      %get3A_6 = arith.constant 0 : index
      %get3A_7 = vector.load %arg7[%get3A, %get3A_6] : memref<2048x16xf32, #tpu.memory_space<vmem>>, vector<2048x16xf32>
      %reduce_sum3A = arith.constant dense<0.000000e+00> : vector<2048xf32>
      %reduce_sum3A_8 = vector.multi_reduction <add>, %get3A_7, %reduce_sum3A [1] : vector<2048x16xf32> to vector<2048xf32>
      %broadcast_in_dim3A = vector.shape_cast %reduce_sum3A_8 : vector<2048xf32> to vector<2048x1xf32>
      %add3A = arith.constant 1.000000e+00 : f32
      %add3A_9 = vector.broadcast %add3A : f32 to vector<2048x1xf32>
      %add3A_10 = arith.addf %broadcast_in_dim3A, %add3A_9 : vector<2048x1xf32>
      %gt3A_11 = arith.constant 0.000000e+00 : f32
      %gt3A_12 = vector.broadcast %gt3A_11 : f32 to vector<2048x1xf32>
      %gt3A_13 = arith.cmpf ogt, %add3A_10, %gt3A_12 : vector<2048x1xf32>
      %rsqrt3A = math.rsqrt %add3A_10 : vector<2048x1xf32>
      %jit3A = arith.constant 0.000000e+00 : f32
      %broadcast_in_dim3A_14 = vector.broadcast %jit3A : f32 to vector<2048x1xf32>
      %select_n3A = arith.select %gt3A_13, %rsqrt3A, %broadcast_in_dim3A_14 : vector<2048x1xi1>, vector<2048x1xf32>
      %get3A_15 = arith.constant 0 : index
      %get3A_16 = arith.constant 0 : index
      %get3A_17 = vector.load %arg6[%get3A_15, %get3A_16] : memref<6144x1xf32, #tpu.memory_space<vmem>>, vector<6144x1xf32>
      %swap3A = arith.constant 0 : index
      %swap3A_18 = arith.constant 0 : index
      %swap3A_19 = vector.load %arg10[%swap3A, %swap3A_18] : memref<8192x1xf32, #tpu.memory_space<vmem>>, vector<6144x1xf32>
      tpu.vector_store %arg10[%swap3A, %swap3A_18], %get3A_17 {strides = array<i32>} : memref<8192x1xf32, #tpu.memory_space<vmem>>, vector<6144x1xf32>,
      %swap3A_20 = arith.constant 6144 : index
      %swap3A_21 = arith.constant 0 : index
      %swap3A_22 = vector.load %arg10[%swap3A_20, %swap3A_21] : memref<8192x1xf32, #tpu.memory_space<vmem>>, vector<2048x1xf32>
      tpu.vector_store %arg10[%swap3A_20, %swap3A_21], %select_n3A {strides = array<i32>} : memref<8192x1xf32, #tpu.memory_space<vmem>>, vector<2048x1xf32>,
      %get3A_23 = arith.constant 0 : index
      %get3A_24 = arith.constant 0 : index
      %get3A_25 = vector.load %arg2[%get3A_23, %get3A_24] : memref<8192x128xf32, #tpu.memory_space<vmem>>, vector<4096x128xf32>
      %get3A_26 = arith.constant 0 : index
      %get3A_27 = arith.constant 0 : index
      %get3A_28 = vector.load %arg3[%get3A_26, %get3A_27] : memref<128x128xf32, #tpu.memory_space<vmem>>, vector<128x128xf32>
      %dot_general3A = arith.constant dense<0.000000e+00> : vector<4096x128xf32>
      %dot_general3A_29 = tpu.matmul %get3A_25, %get3A_28, %dot_general3A {dimension_numbers = #tpu.dot_dimension_numbers<[1], [0], [0], [1], [0, 0, 1, 1], [], []>, transpose_lhs_hint = false} : vector<4096x128xf32>, vector<128x128xf32>, vector<4096x128xf32> -> vector<4096x128xf32>
      %get3A_30 = arith.constant 0 : index
      %get3A_31 = arith.constant 0 : index
      %get3A_32 = vector.load %arg6[%get3A_30, %get3A_31] : memref<6144x1xf32, #tpu.memory_space<vmem>>, vector<4096x1xf32>
      %mul3A = vector.broadcast %get3A_32 : vector<4096x1xf32> to vector<4096x128xf32>
      %mul3A_33 = arith.mulf %mul3A, %dot_general3A_29 : vector<4096x128xf32>
      %swap3A_34 = arith.constant 0 : index
      %swap3A_35 = arith.constant 0 : index
      %swap3A_36 = vector.load %arg9[%swap3A_34, %swap3A_35] : memref<8192x128xf32, #tpu.memory_space<vmem>>, vector<4096x128xf32>
      tpu.vector_store %arg9[%swap3A_34, %swap3A_35], %mul3A_33 {strides = array<i32>} : memref<8192x128xf32, #tpu.memory_space<vmem>>, vector<4096x128xf32>,
      %get3A_37 = arith.constant 4096 : index
      %get3A_38 = arith.constant 0 : index
      %get3A_39 = vector.load %arg2[%get3A_37, %get3A_38] : memref<8192x128xf32, #tpu.memory_space<vmem>>, vector<2048x128xf32>
      %get3A_40 = arith.constant 0 : index
      %get3A_41 = arith.constant 0 : index
      %get3A_42 = vector.load %arg4[%get3A_40, %get3A_41] : memref<128x128xf32, #tpu.memory_space<vmem>>, vector<128x128xf32>
      %dot_general3A_43 = arith.constant dense<0.000000e+00> : vector<2048x128xf32>
      %dot_general3A_44 = tpu.matmul %get3A_39, %get3A_42, %dot_general3A_43 {dimension_numbers = #tpu.dot_dimension_numbers<[1], [0], [0], [1], [0, 0, 1, 1], [], []>, transpose_lhs_hint = false} : vector<2048x128xf32>, vector<128x128xf32>, vector<2048x128xf32> -> vector<2048x128xf32>
      %get3A_45 = arith.constant 4096 : index
      %get3A_46 = arith.constant 0 : index
      %get3A_47 = vector.load %arg6[%get3A_45, %get3A_46] : memref<6144x1xf32, #tpu.memory_space<vmem>>, vector<2048x1xf32>
      %mul3A_48 = vector.broadcast %get3A_47 : vector<2048x1xf32> to vector<2048x128xf32>
      %mul3A_49 = arith.mulf %mul3A_48, %dot_general3A_44 : vector<2048x128xf32>
      %swap3A_50 = arith.constant 4096 : index
      %swap3A_51 = arith.constant 0 : index
      %swap3A_52 = vector.load %arg9[%swap3A_50, %swap3A_51] : memref<8192x128xf32, #tpu.memory_space<vmem>>, vector<2048x128xf32>
      tpu.vector_store %arg9[%swap3A_50, %swap3A_51], %mul3A_49 {strides = array<i32>} : memref<8192x128xf32, #tpu.memory_space<vmem>>, vector<2048x128xf32>,
      %get3A_53 = arith.constant 6144 : index
      %get3A_54 = arith.constant 0 : index
      %get3A_55 = vector.load %arg2[%get3A_53, %get3A_54] : memref<8192x128xf32, #tpu.memory_space<vmem>>, vector<2048x128xf32>
      %get3A_56 = arith.constant 0 : index
      %get3A_57 = arith.constant 0 : index
      %get3A_58 = vector.load %arg4[%get3A_56, %get3A_57] : memref<128x128xf32, #tpu.memory_space<vmem>>, vector<128x128xf32>
      %dot_general3A_59 = arith.constant dense<0.000000e+00> : vector<2048x128xf32>
      %dot_general3A_60 = tpu.matmul %get3A_55, %get3A_58, %dot_general3A_59 {dimension_numbers = #tpu.dot_dimension_numbers<[1], [0], [0], [1], [0, 0, 1, 1], [], []>, transpose_lhs_hint = false} : vector<2048x128xf32>, vector<128x128xf32>, vector<2048x128xf32> -> vector<2048x128xf32>
      %mul3A_61 = vector.broadcast %select_n3A : vector<2048x1xf32> to vector<2048x128xf32>
      %mul3A_62 = arith.mulf %mul3A_61, %dot_general3A_60 : vector<2048x128xf32>
      %swap3A_63 = arith.constant 6144 : index
      %swap3A_64 = arith.constant 0 : index
      %swap3A_65 = vector.load %arg9[%swap3A_63, %swap3A_64] : memref<8192x128xf32, #tpu.memory_space<vmem>>, vector<2048x128xf32>
      tpu.vector_store %arg9[%swap3A_63, %swap3A_64], %mul3A_62 {strides = array<i32>} : memref<8192x128xf32, #tpu.memory_space<vmem>>, vector<2048x128xf32>,
    } else {
    }
    %gt3A = arith.constant 0 : i32
    %gt3A_2 = arith.cmpi sgt, %arg0, %gt3A : i32
    %convert_element_type3A_3 = arith.extui %gt3A_2 : i1 to i32
    %cond3A_4 = arith.constant 0 : i32
    %cond3A_5 = arith.cmpi ne, %convert_element_type3A_3, %cond3A_4 : i32
    scf.if %cond3A_5 {
      %sub3A = arith.constant 1 : i32
      %sub3A_6 = arith.subi %arg0, %sub3A : i32
      %get3A = arith.constant 0 : index
      %get3A_7 = arith.constant 0 : index
      %get3A_8 = vector.load %arg1[%get3A, %get3A_7] : memref<256x8192xf32, #tpu.memory_space<vmem>>, vector<256x8192xf32>
      %get3A_9 = arith.constant 0 : index
      %get3A_10 = arith.constant 0 : index
      %get3A_11 = vector.load %arg9[%get3A_9, %get3A_10] : memref<8192x128xf32, #tpu.memory_space<vmem>>, vector<8192x128xf32>
      %dot_general3A = arith.constant dense<0.000000e+00> : vector<256x128xf32>
      %dot_general3A_12 = tpu.matmul %get3A_8, %get3A_11, %dot_general3A {dimension_numbers = #tpu.dot_dimension_numbers<[1], [0], [0], [1], [0, 0, 1, 1], [], []>, transpose_lhs_hint = false} : vector<256x8192xf32>, vector<8192x128xf32>, vector<256x128xf32> -> vector<256x128xf32>
      %mul3A = arith.constant 256 : i32
      %mul3A_13 = arith.muli %sub3A_6, %mul3A : i32
      %get3A_14 = arith.index_cast %mul3A_13 : i32 to index
      %get3A_15 = arith.constant 0 : index
      %get3A_16 = vector.load %arg10[%get3A_14, %get3A_15] : memref<8192x1xf32, #tpu.memory_space<vmem>>, vector<256x1xf32>
      %mul3A_17 = arith.constant 256 : i32
      %mul3A_18 = arith.muli %sub3A_6, %mul3A_17 : i32
      %get3A_19 = arith.index_cast %mul3A_18 : i32 to index
      %get3A_20 = arith.constant 0 : index
      %get3A_21 = vector.load %arg9[%get3A_19, %get3A_20] : memref<8192x128xf32, #tpu.memory_space<vmem>>, vector<256x128xf32>
      %add3A = arith.addf %dot_general3A_12, %get3A_21 : vector<256x128xf32>
      %mul3A_22 = vector.broadcast %get3A_16 : vector<256x1xf32> to vector<256x128xf32>
      %mul3A_23 = arith.mulf %mul3A_22, %add3A : vector<256x128xf32>
      %get3A_24 = arith.constant 0 : index
      %get3A_25 = arith.constant 0 : index
      %get3A_26 = vector.load %arg5[%get3A_24, %get3A_25] : memref<1x128xf32, #tpu.memory_space<vmem>>, vector<1x128xf32>
      %add3A_27 = vector.broadcast %get3A_26 : vector<1x128xf32> to vector<256x128xf32>
      %add3A_28 = arith.addf %mul3A_23, %add3A_27 : vector<256x128xf32>
      %ge3A = arith.constant 0.000000e+00 : f32
      %ge3A_29 = vector.broadcast %ge3A : f32 to vector<256x128xf32>
      %ge3A_30 = arith.cmpf oge, %add3A_28, %ge3A_29 : vector<256x128xf32>
      %mul3A_31 = arith.constant 0.00999999977 : f32
      %mul3A_32 = vector.broadcast %mul3A_31 : f32 to vector<256x128xf32>
      %mul3A_33 = arith.mulf %mul3A_32, %add3A_28 : vector<256x128xf32>
      %select_n3A = arith.select %ge3A_30, %add3A_28, %mul3A_33 : vector<256x128xi1>, vector<256x128xf32>
      %swap3A = arith.constant 0 : index
      %swap3A_34 = arith.constant 0 : index
      %swap3A_35 = vector.load %arg8[%swap3A, %swap3A_34] : memref<256x128xf32, #tpu.memory_space<vmem>>, vector<256x128xf32>
      tpu.vector_store %arg8[%swap3A, %swap3A_34], %select_n3A {strides = array<i32>} : memref<256x128xf32, #tpu.memory_space<vmem>>, vector<256x128xf32>,
    } else {
    }
    return
  }
  func.func @transform_0(%arg0: i32) -> (i32, i32) {
    %eq3A = arith.constant 0 : i32
    %eq3A_0 = arith.cmpi eq, %arg0, %eq3A : i32
    %sub3A = arith.constant 1 : i32
    %sub3A_1 = arith.subi %arg0, %sub3A : i32
    %jit3A = arith.constant 0 : i32
    %select_n3A = arith.select %eq3A_0, %jit3A, %sub3A_1 : i32
    %c0_i32 = arith.constant 0 : i32
    %c0_i32_2 = arith.constant 0 : i32
    return %select_n3A, %c0_i32 : i32, i32
  }
  func.func @transform_1(%arg0: i32) -> (i32, i32) {
    %c0_i32 = arith.constant 0 : i32
    %c0_i32_0 = arith.constant 0 : i32
    %c0_i32_1 = arith.constant 0 : i32
    return %c0_i32, %c0_i32_0 : i32, i32
  }
  func.func @transform_2(%arg0: i32) -> (i32, i32) {
    %c0_i32 = arith.constant 0 : i32
    %c0_i32_0 = arith.constant 0 : i32
    %c0_i32_1 = arith.constant 0 : i32
    return %c0_i32, %c0_i32_0 : i32, i32
  }
  func.func @transform_3(%arg0: i32) -> (i32, i32) {
    %c0_i32 = arith.constant 0 : i32
    %c0_i32_0 = arith.constant 0 : i32
    %c0_i32_1 = arith.constant 0 : i32
    return %c0_i32, %c0_i32_0 : i32, i32
  }
  func.func @transform_4(%arg0: i32) -> (i32, i32) {
    %c0_i32 = arith.constant 0 : i32
    %c0_i32_0 = arith.constant 0 : i32
    %c0_i32_1 = arith.constant 0 : i32
    return %c0_i32, %c0_i32_0 : i32, i32
  }
  func.func @transform_5(%arg0: i32) -> (i32, i32) {
    %c0_i32 = arith.constant 0 : i32
    %c0_i32_0 = arith.constant 0 : i32
    %c0_i32_1 = arith.constant 0 : i32
    return %c0_i32, %c0_i32_0 : i32, i32
  }
  func.func @transform_6(%arg0: i32) -> (i32, i32) {
    %c0_i32 = arith.constant 0 : i32
    %c0_i32_0 = arith.constant 0 : i32
    %c0_i32_1 = arith.constant 0 : i32
    return %c0_i32, %c0_i32_0 : i32, i32
  }
  func.func @transform_7(%arg0: i32) -> (i32, i32) {
    %eq3A = arith.constant 0 : i32
    %eq3A_0 = arith.cmpi eq, %arg0, %eq3A : i32
    %sub3A = arith.constant 1 : i32
    %sub3A_1 = arith.subi %arg0, %sub3A : i32
    %jit3A = arith.constant 0 : i32
    %select_n3A = arith.select %eq3A_0, %jit3A, %sub3A_1 : i32
    %c0_i32 = arith.constant 0 : i32
    %c0_i32_2 = arith.constant 0 : i32
    return %select_n3A, %c0_i32 : i32, i32
  }
}

</mosaic_0001>

<sc_bundles>
// kernel: kernel.5.cloned.1.call-start
scs
__scs_entry_jumppad:
0x0: {  	(pc) =	sbr.rel $0x88, $3  }
0x1: {  	(tag) =	ssettag $0x0;
	lr =	simm.s32 $0x1  }
0x2: {  	[smem:$0x3F9C] =	sst lr;
	_ =	strace $0xD0000000  }
0x3: {  	_ = 	snop  }
0x4: {  	_ = 	snop  }
0x5: {  	_ = 	snop  }
0x6: {  	_ = 	snop  }
0x7: {  	_ = 	snop  }
__scs_overlays_trampoline_lowered:
0x8: {  	[smem:$0x3FAB] =	sst s0  }
0x9: {  	[smem:$0x3FAC] =	sst s1  }
0xa: {  	[smem:$0x3FAD] =	sst s2  }
0xb: {  	[smem:$0x3FAE] =	sst s3  }
0xc: {  	[smem:$0x3FAF] =	sst s4  }
0xd: {  	[smem:$0x3FB0] =	sst s5  }
0xe: {  	[smem:$0x3FB1] =	sst s6  }
0xf: {  	[smem:$0x3FB2] =	sst s7  }
0x10: {  	[smem:$0x3FB3] =	sst s8  }
0x11: {  	[smem:$0x3FB4] =	sst s9;
	s0 =	simm.s32 @!p0 $0x0  }
0x12: {  	s1 =	sld [smem:$0x3F9A];
	s0 =	simm.s32 @p0 $0x1  }
0x13: {  	[smem:$0x3FB5] =	sst s0;
	s0 =	simm.s32 @!p1 $0x0  }
0x14: {  	s2 =	sld [smem:$0x3F99];
	s0 =	simm.s32 @p1 $0x1  }
0x15: {  	[smem:$0x3FB6] =	sst s0;
	s0 =	simm.s32 @!p2 $0x0  }
0x16: {  	s3 =	sld [smem:$0x3FDB];
	s0 =	simm.s32 @p2 $0x1  }
0x17: {  	s4 =	simm.s32 $0x1BF5;
	[smem:$0x3FB8] =	sst s0  }
0x18: {  	s0 =	sld [smem:$0x3F9B];
	_ =	swait.ge [sflag:s4], $0x0  }
0x19: {  	s7 =	sld [smem:$0x3F9C]  }
0x1a: {  	s8 =	sadd.s32 $0xFFFFE003, lr  }
0x1b: {  	s9 =	sadd.s32 $0xFFFFFEF7, lr;
	s5 =	simm.s32 $0xFFFFFFFF;
	p2 =	slt.u32 s8, $0xFFFFF086  }
0x1c: {  	p1 =	slt.u32 s9, $0xF7A;
	s5 =	simm.s32 @!p2 $0x0  }
0x1d: {  	s5 =	simm.s32 @p1 $0x1;
	p0 =	seq.s32 s7, s2  }
0x1e: {  	s7 =	smul.u32 @!p0 $0xF7A, s2;
	p2 =	seq.s32 @!p0 s5, $0x0  }
0x1f: {  	s9 =	smul.u32 $0xF7A, s1;
	s8 =	simm.s32 @!p0 $0x1BF5;
	p2 =	por !p2, p0  }
0x20: {  	[sflag:s8] =	ssyncset.s32 @!p0 $0xFFFFF086;
	s6 =	sadd.s32 @!p0 s3, s7;
	s7 =	simm.s32 @!p0 $0x108  }
0x21: {  	s3 =	sadd.s32 s3, s9;
	s6 =	sadd.s32 @!p0 $0x88, s6;
	s7 =	simm.s32 @p2 $0x1082  }
0x22: {  	[simem:s7], [sflag:s8] =	dma.local @!p0 [hbm:s6], $0xF7A  }
0x23: {  	s9 =	sor.u32 $0xD0000000, s2;
	s6 =	simm.s32 $0x108;
	_ =	swait.ge @!p0 [sflag:s8], $0x0  }
0x24: {  	s3 =	sadd.s32 $0x88, s3;
	s6 =	simm.s32 @!p1 $0x1082;
	[sflag:s4] =	ssyncset.s32 $0xFFFFF086  }
0x25: {  	[simem:s6], [sflag:s4] =	dma.local [hbm:s3], $0xF7A  }
0x26: {  	[smem:$0x3F9C] =	sst s1;
	(tag) =	ssettag s2;
	_ =	strace s9  }
0x27: {  	s1 =	sld [smem:$0x3FAC]  }
0x28: {  	s2 =	sld [smem:$0x3FAD]  }
0x29: {  	s4 =	sld [smem:$0x3FAF]  }
0x2a: {  	p0 =	seq.s32 s5, $0x0;
	s5 =	sld [smem:$0x3FB0]  }
0x2b: {  	s6 =	sld [smem:$0x3FB1]  }
0x2c: {  	s7 =	sld [smem:$0x3FB2]  }
0x2d: {  	s3 =	simm.s32 $0x108;
	s8 =	sld [smem:$0x3FB3]  }
0x2e: {  	s3 =	simm.s32 @!p0 $0x1082;
	s9 =	sld [smem:$0x3FB4]  }
0x2f: {  	lr =	sadd.s32 s0, s3;
	s0 =	sld [smem:$0x3FAB]  }
0x30: {  	s3 =	sld [smem:$0x3FAE]  }
0x31: {  	[smem:$0x3FB7] =	sst s10  }
0x32: {  	s10 =	sld [smem:$0x3FB5];
	_ =	sdelay $0x3  }
0x33: {  	p0 =	seq.s32 s10, $0x1;
	s10 =	sld [smem:$0x3FB7];
	_ =	sdelay $0x3  }
0x34: {  	[smem:$0x3FB7] =	sst s10  }
0x35: {  	s10 =	sld [smem:$0x3FB6];
	_ =	sdelay $0x3  }
0x36: {  	p1 =	seq.s32 s10, $0x1;
	s10 =	sld [smem:$0x3FB7];
	_ =	sdelay $0x3  }
0x37: {  	[smem:$0x3FB7] =	sst s10  }
0x38: {  	s10 =	sld [smem:$0x3FB8]  }
0x39: {  	_ = 	snop;
	(pc) =	sbr.ind lr, $3  }
0x3a: {  	_ = 	snop  }
0x3b: {  	_ = 	snop  }
0x3c: {  	p2 =	seq.s32 s10, $0x1;
	s10 =	sld [smem:$0x3FB7]  }
0x3d: {  	_ =	shalt  }
0x3e: {  	_ =	shalt  }
0x3f: {  	_ =	shalt  }
0x40: {  	_ =	shalt  }
0x41: {  	_ =	shalt  }
0x42: {  	_ =	shalt  }
0x43: {  	_ =	shalt  }
0x44: {  	_ =	shalt  }
0x45: {  	_ =	shalt  }
0x46: {  	_ =	shalt  }
0x47: {  	_ =	shalt  }
0x48: {  	_ =	shalt  }
0x49: {  	_ =	shalt  }
0x4a: {  	_ =	shalt  }
0x4b: {  	_ =	shalt  }
0x4c: {  	_ =	shalt  }
0x4d: {  	_ =	shalt  }
0x4e: {  	_ =	shalt  }
0x4f: {  	_ =	shalt  }
0x50: {  	_ =	shalt  }
0x51: {  	_ =	shalt  }
0x52: {  	_ =	shalt  }
0x53: {  	_ =	shalt  }
0x54: {  	_ =	shalt  }
0x55: {  	_ =	shalt  }
0x56: {  	_ =	shalt  }
0x57: {  	_ =	shalt  }
0x58: {  	_ =	shalt  }
0x59: {  	_ =	shalt  }
0x5a: {  	_ =	shalt  }
0x5b: {  	_ =	shalt  }
0x5c: {  	_ =	shalt  }
0x5d: {  	_ =	shalt  }
0x5e: {  	_ =	shalt  }
0x5f: {  	_ =	shalt  }
0x60: {  	_ =	shalt  }
0x61: {  	_ =	shalt  }
0x62: {  	_ =	shalt  }
0x63: {  	_ =	shalt  }
0x64: {  	_ =	shalt  }
0x65: {  	_ =	shalt  }
0x66: {  	_ =	shalt  }
0x67: {  	_ =	shalt  }
0x68: {  	_ =	shalt  }
0x69: {  	_ =	shalt  }
0x6a: {  	_ =	shalt  }
0x6b: {  	_ =	shalt  }
0x6c: {  	_ =	shalt  }
0x6d: {  	_ =	shalt  }
0x6e: {  	_ =	shalt  }
0x6f: {  	_ =	shalt  }
0x70: {  	_ =	shalt  }
0x71: {  	_ =	shalt  }
0x72: {  	_ =	shalt  }
0x73: {  	_ =	shalt  }
0x74: {  	_ =	shalt  }
0x75: {  	_ =	shalt  }
0x76: {  	_ =	shalt  }
0x77: {  	_ =	shalt  }
0x78: {  	_ =	shalt  }
0x79: {  	_ =	shalt  }
0x7a: {  	_ =	shalt  }
0x7b: {  	_ =	shalt  }
0x7c: {  	_ =	shalt  }
0x7d: {  	_ =	shalt  }
0x7e: {  	_ =	shalt  }
0x7f: {  	_ =	shalt  }
0x80: {  	_ =	shalt  }
0x81: {  	_ =	shalt  }
0x82: {  	_ =	shalt  }
0x83: {  	_ =	shalt  }
0x84: {  	_ =	shalt  }
0x85: {  	_ =	shalt  }
0x86: {  	_ =	shalt  }
0x87: {  	_ =	shalt  }
.Lfunc_end0:
.L_simem_size_0:
called_computation_lowered:
.L_overlay_start_0:
0x88: {  	s2 =	sld [smem:$0x3FD9]  }
0x89: {  	s3 =	sld [smem:$0x3FFE];
	_ =	sdelay $0x1  }
0x8a: {  	s1 =	srdreg.scid  }
0x8b: {  	s0 =	sand.u32 $0x1, s1  }
0x8c: {  	s18 =	sshll.u32 s0, $0xA;
	s2 =	sadd.s32 s3, s2  }
0x8d: {  	s2 =	sadd.s32 s2, s18  }
0x8e: {  	[smem:$0x3FC3] =	sst s2  }
0x8f: {  	_ = 	snop  }
0x90: {  	s2 =	sld [smem:$0x3FC8]  }
0x91: {  	s19 =	sld [smem:$0x3FD0];
	(tm) =	ssettm $0x1  }
0x92: {  	s4 =	sld [smem:$0x3FFB];
	_ =	sdelay $0x3  }
0x93: {  	_ =	strace s4  }
0x94: {  	s4 =	sld [smem:$0x3FFC];
	_ =	sdelay $0x3  }
0x95: {  	_ =	strace s4  }
0x96: {  	s4 =	sld [smem:$0x3FFD];
	_ =	sdelay $0x3  }
0x97: {  	_ =	strace s4  }
0x98: {  	_ =	strace $0x8FFFFFFF  }
0x99: {  	s20 =	sld [smem:$0x3FDB];
	_ =	sdelay $0x1  }
0x9a: {  	s5 =	simm.s32 $_scs_section_size  }
0x9b: {  	s6 =	simm.s32 $_size__tile_overlayer_lowered;
	s7 =	simm.s32 $_tile_overlayer_lowered  }
0x9c: {  	s23 =	simm.s32 $0x1BFF;
	s22 =	sshll.u32 s7, $0x1;
	s4 =	sadd.s32 s5, s20  }
0x9d: {  	s8 =	simm.s32 $0x0;
	s21 =	sshll.u32 s6, $0x1;
	s6 =	sadd.s32 s22, s4  }
0x9e: {  	[timem:s8], [sflag:s23] =	dma.local [hbm:s6], s21  }
0x9f: {  	_ =	swait.ge [sflag:s23], s21  }
0xa0: {  	s5 =	ssub.s32 $0x0, s21;
	[sflag:s23] =	ssyncset.done $0x0  }
0xa1: {  	[sflag:s23] =	ssyncadd.s32 s5;
	_ =	sdelay $0x1  }
0xa2: {  	s24 =	simm.s32 $0x1B8B  }
0xa3: {  	_ =	swait.ge [sflag:s24], $0x1  }
0xa4: {  	[sflag:s24] =	ssyncset.done $0x0  }
0xa5: {  	s25 =	simm.s32 $0x1B8E;
	[sflag:s24] =	ssyncadd.s32 $0xFFFFFFFF  }
0xa6: {  	s26 =	simm.s32 $execute0_lowered;
	[smem:$0x3FD2] =	sst s25  }
0xa7: {  	s5 =	sshll.u32 s26, $0x1;
	_ =	strace $0x80000046;
	[dreg:$0x1] =	wrdreg $0xFFFFFFFF  }
0xa8: {  	s28 =	simm.s32 $_size_execute0_lowered;
	s4 =	sadd.s32 s4, s5;
	[dreg:$0x0] =	wrdreg $0x0  }
0xa9: {  	s5 =	sshll.u32 s28, $0x1;
	[dreg:$0x2] =	wrdreg s4  }
0xaa: {  	[dreg:$0x3] =	wrdreg s5  }
0xab: {  	[dreg:$0x4] =	wrdreg $0xC0  }
0xac: {  	_ =	task [dreg:s8], $0x5FFFF  }
0xad: {  	[dreg:$0x1] =	wrdreg $0xFFFFFFFF  }
0xae: {  	[dreg:$0x0] =	wrdreg $0x60  }
0xaf: {  	[dreg:$0x2] =	wrdreg s2  }
0xb0: {  	[dreg:$0x3] =	wrdreg s19  }
0xb1: {  	[dreg:$0x4] =	wrdreg $0x9  }
0xb2: {  	_ =	task.clear_ibuf [dreg:s8], $0x5FFFF;
	_ =	strace $0x90000046  }
0xb3: {  	s29 =	simm.s32 $0x9;
	_ =	strace $0x80000048  }
0xb4: {  	_ =	swait.ge [sflag:s29], $0x1  }
0xb5: {  	[sflag:s29] =	ssyncadd.s32 $0xFFFFFFFF  }
0xb6: {  	_ =	strace $0x90000048  }
0xb7: {  	_ =	sfence  }
0xb8: {  	s30 =	sld [smem:$0x0];
	_ =	sdelay $0x2  }
0xb9: {  	s31 =	sshll.u32 s1, $0xD;
	s1 =	sshrl.u32 s1, $0x2  }
0xba: {  	s3 =	sand.u32 $0x4000, s31;
	s1 =	sadd.s32 s1, s30  }
0xbb: {  	s0 =	sor.u32 s3, s0;
	s1 =	sshll.u32 s1, $0x11  }
0xbc: {  	s0 =	sor.u32 s1, s0  }
0xbd: {  	s0 =	sadd.s32 $0x8F2B, s0  }
0xbe: {  	[sflag:s0] =	ssyncadd.remote.s32 $0x1  }
0xbf: {  	_ =	sfence.sel $0xFFFF  }
0xc0: {  	[dreg:$0x0] =	wrdreg $0xFFFFFFFF;
	(pc) =	sbr.abs _section_cstart, $3  }
0xc1: {  	[dreg:$0x1] =	wrdreg $0xFFFFFFFF  }
0xc2: {  	_ =	task.clear_ibuf [dreg:s8], $0x2FFFF;
	_ =	strace $0x9FFFFFFF  }
0xc3: {  	(tm) =	ssettm $0x7FFFFFFF  }
tec
execute0_lowered:
.L_overlay_start_1:
0x0: {  	(tag) =	ssettag $0x1  }
0x1: {  	s0 =	srdreg.scid;
	s1 =	rddreg [dreg:$0x0]  }
0x2: {  	s2 =	stileid.u32;
	s19 =	rddreg [dreg:$0x1]  }
0x3: {  	s21 =	simm.s32 $0x200;
	s22 =	simm.s32 $0x400;
	s23 =	simm.s32 $0x8000  }
0x4: {  	s24 =	simm.s32 $0x1;
	s25 =	simm.s32 $0x2;
	s0 =	sand.u32 $0x1, s0  }
0x5: {  	s28 =	simm.s32 $0x3;
	s2 =	sshll.u32 s2, $0x7;
	s3 =	sshll.u32 s0, $0x6  }
0x6: {  	s29 =	simm.s32 $0x0;
	s0 =	ssub.s32 $0x2, s0;
	s17 =	sor.u32 s3, s2  }
0x7: {  	s2 =	simm.s32 $0x0;
	s10 =	sshrl.u32 s0, $0x1;
	s3 =	sshll.u32 s17, $0xA  }
0x8: {  	[smem:$0x7FF] =	sst s2;
	s0 =	ssub.s32 s0, s10;
	s1 =	sadd.s32 s3, s1  }
0x9: {  	s20 =	sshll.u32 s17, $0x4;
	_ =	strace $0x80000047;
	s3 =	sadd.s32 $0x600040, s1  }
0xa: {  	s19 =	sadd.s32 s19, s20;
	s4 =	sadd.s32 $0x600000, s1;
	s6 =	sadd.s32 $0x602040, s1  }
0xb: {  	s5 =	sadd.s32 $0x602000, s1;
	s7 =	sadd.s32 $0x604000, s1;
	s8 =	sadd.s32 $0x604040, s1  }
0xc: {  	s20 =	smax.u32 s0, $0x1;
	s10 =	sadd.s32 $0x606040, s1;
	s11 =	sadd.s32 $0x608040, s1  }
0xd: {  	s9 =	sadd.s32 $0x606000, s1;
	s12 =	sadd.s32 $0x608000, s1;
	s14 =	sadd.s32 $0x60A040, s1  }
0xe: {  	s13 =	sadd.s32 $0x60A000, s1;
	s15 =	sadd.s32 $0x60C000, s1;
	s16 =	sadd.s32 $0x60C040, s1  }
0xf: {  	s17 =	sadd.s32 $0x60E000, s1;
	s18 =	sadd.s32 $0x60E040, s1;
	[dreg:$0x3] =	wrdreg s3  }
.LBB2_1:
0x10: {  	[tilespmem:s2], [sflag:$0x1] =	stream.strided.gather [hbm4b:s4+s21], $0x8000, s22, s21, $0x38;
	[tilespmem:$0x12000] =	vst v63  }
0x11: {  	s0 =	rddreg [dreg:$0x3]  }
0x12: {  	[tilespmem:s23], [sflag:$0x2] =	stream.strided.gather [hbm4b:s0+s21], $0x8000, s22, s21, $0x38;
	[tilespmem:$0x12000] =	vst v63  }
0x13: {  	_ =	swait.ge [sflag:s24], $0x8000  }
0x14: {  	s26 =	sand.u32 $0x40, s2;
	s1 =	sand.u32 $0x7E00, s2;
	[sflag:s24] =	ssyncset.done $0x0  }
0x15: {  	s31 =	sor.u32 s26, s1;
	[sflag:s24] =	ssyncadd.s32 $0xFFFF8000  }
0x16: {  	v1 =	vld [tilespmem:s31+$0x30]  }
0x17: {  	v0 =	vimm.f32 $0.0e+00;
	v2 =	vld [tilespmem:s31+$0x0]  }
0x18: {  	s30 =	simm.s32 $0x40;
	v4 =	vimm.f32 $0.0e+00;
	v5 =	vimm.f32 $0.0e+00;
	v6 =	vimm.f32 $0.0e+00;
	s1 =	simm.s32 $0x0;
	v3 =	vld [tilespmem:s31+$0x10]  }
.LBB2_2:
0x19: {  	s0 =	sand.u32 $0x40, s30;
	v7 =	vld [tilespmem:s31+$0x20];
	s1 =	sadd.s32 $0x100, s1;
	p0 =	sne.s32 s30, $0x1FC0  }
.Ltmp0:
0x1a: {  	s30 =	sadd.s32 $0x40, s30;
	s31 =	sand.u32 $0x7E00, s1;
	(pc) =	sbr.rel @p0 .LBB2_2-.Ltmp0, $4  }
0x1b: {  	s31 =	sor.u32 s0, s31;
	v0 =	vadd.f32 v1, v0  }
0x1c: {  	v1 =	vld [tilespmem:s31+$0x30];
	v4 =	vadd.f32 v2, v4  }
0x1d: {  	v2 =	vld [tilespmem:s31+$0x0];
	v5 =	vadd.f32 v3, v5  }
0x1e: {  	v3 =	vld [tilespmem:s31+$0x10];
	v6 =	vadd.f32 v7, v6  }
0x1f: {  	v7 =	vld [tilespmem:s31+$0x20];
	_ =	sdelay $0x3  }
0x20: {  	v0 =	vadd.f32 v1, v0;
	v1 =	vadd.f32 v2, v4  }
0x21: {  	v2 =	vadd.f32 v3, v5;
	v3 =	vadd.f32 v7, v6;
	_ =	sdelay $0x1  }
0x22: {  	v1 =	vadd.f32 v2, v1;
	v0 =	vadd.f32 v0, v3;
	_ =	sdelay $0x1  }
0x23: {  	s30 =	simm.s32 $0x0;
	v0 =	vadd.f32 v0, v1  }
0x24: {  	s0 =	sand.u32 $0x40, s30;
	s1 =	sand.u32 $0x7E00, s30  }
0x25: {  	s1 =	sor.u32 s0, s1;
	[tilespmem:$0x10000] =	vst v0  }
0x26: {  	v1 =	vld [tilespmem:s1+$0xB0]  }
0x27: {  	v4 =	vimm.f32 $0.0e+00;
	v2 =	vld [tilespmem:s1+$0x80]  }
0x28: {  	s31 =	simm.s32 $0x40;
	v6 =	vimm.f32 $0.0e+00;
	v3 =	vimm.f32 $0.0e+00;
	v0 =	vimm.f32 $0.0e+00;
	v5 =	vld [tilespmem:s1+$0x90]  }
.LBB2_4:
0x29: {  	s0 =	sand.u32 $0x40, s31;
	v7 =	vld [tilespmem:s1+$0xA0];
	s30 =	sadd.s32 $0x100, s30;
	p0 =	sne.s32 s31, $0x1FC0  }
.Ltmp1:
0x2a: {  	s31 =	sadd.s32 $0x40, s31;
	s1 =	sand.u32 $0x7E00, s30;
	(pc) =	sbr.rel @p0 .LBB2_4-.Ltmp1, $4  }
0x2b: {  	s1 =	sor.u32 s0, s1;
	v0 =	vadd.f32 v1, v0  }
0x2c: {  	v1 =	vld [tilespmem:s1+$0xB0];
	v3 =	vadd.f32 v2, v3  }
0x2d: {  	v2 =	vld [tilespmem:s1+$0x80];
	v4 =	vadd.f32 v5, v4  }
0x2e: {  	v5 =	vld [tilespmem:s1+$0x90];
	v6 =	vadd.f32 v7, v6  }
0x2f: {  	v7 =	vld [tilespmem:s1+$0xA0];
	_ =	sdelay $0x3  }
0x30: {  	v0 =	vadd.f32 v1, v0;
	v1 =	vadd.f32 v2, v3  }
0x31: {  	v2 =	vadd.f32 v5, v4;
	v3 =	vadd.f32 v7, v6;
	_ =	sdelay $0x1  }
0x32: {  	p0 =	por $0x0, $0x0;
	s0 =	simm.s32 $0x1;
	v1 =	vadd.f32 v2, v1;
	v0 =	vadd.f32 v0, v3  }
0x33: {  	s0 =	simm.s32 @!p0 $0x0  }
0x34: {  	s0 =	sshll.u32 s0, $0x6;
	v0 =	vadd.f32 v0, v1  }
0x35: {  	s0 =	sadd.s32 $0x0, s0  }
0x36: {  	s26 =	sor.u32 $0x130, s0;
	[tilespmem:$0x10080] =	vst v0  }
0x37: {  	s30 =	sor.u32 $0x100, s0;
	v2 =	vld [tilespmem:s26+$0x0]  }
0x38: {  	p0 =	por !p0, !p0;
	s3 =	sor.u32 $0x110, s0;
	v3 =	vld [tilespmem:s30+$0x0];
	s30 =	simm.s32 $0x1  }
0x39: {  	v5 =	vld [tilespmem:s3+$0x0];
	s30 =	simm.s32 @!p0 $0x0  }
0x3a: {  	s0 =	sor.u32 $0x120, s0;
	s26 =	sshll.u32 s30, $0x6  }
0x3b: {  	v1 =	vld [tilespmem:s0+$0x0];
	s26 =	sadd.s32 $0x100, s26  }
0x3c: {  	v0 =	vimm.f32 $0.0e+00;
	s1 =	sor.u32 $0x130, s26  }
0x3d: {  	s31 =	simm.s32 $0x100;
	p0 =	por !p0, !p0;
	s3 =	sor.u32 $0x100, s26;
	v2 =	vadd.f32 v2, v0;
	v4 =	vld [tilespmem:s1+$0x0]  }
0x3e: {  	s30 =	simm.s32 $0x80;
	s0 =	sor.u32 $0x120, s26;
	s1 =	sor.u32 $0x110, s26;
	v3 =	vadd.f32 v3, v0;
	v6 =	vld [tilespmem:s3+$0x0];
	v5 =	vadd.f32 v5, v0  }
.LBB2_6:
0x3f: {  	s3 =	simm.s32 $0x1  }
0x40: {  	p1 =	sne.s32 s30, $0x1FC0;
	s30 =	sadd.s32 $0x40, s30;
	v7 =	vld [tilespmem:s1+$0x0];
	v0 =	vadd.f32 v1, v0;
	s3 =	simm.s32 @!p0 $0x0  }
.Ltmp2:
0x41: {  	s31 =	sadd.s32 $0x100, s31;
	s1 =	sshll.u32 s3, $0x6;
	v1 =	vld [tilespmem:s0+$0x0];
	(pc) =	sbr.rel @p1 .LBB2_6-.Ltmp2, $4  }
0x42: {  	s0 =	sadd.s32 s1, s31  }
0x43: {  	v2 =	vadd.f32 v4, v2;
	s3 =	sor.u32 $0x100, s0;
	s1 =	sor.u32 $0x110, s0;
	s26 =	sor.u32 $0x130, s0  }
0x44: {  	s0 =	sor.u32 $0x120, s0;
	v3 =	vadd.f32 v6, v3;
	v4 =	vld [tilespmem:s26+$0x0]  }
0x45: {  	p0 =	por !p0, !p0;
	v5 =	vadd.f32 v7, v5;
	v6 =	vld [tilespmem:s3+$0x0]  }
0x46: {  	v7 =	vld [tilespmem:s1+$0x0]  }
0x47: {  	v8 =	vld [tilespmem:s0+$0x0];
	_ =	sdelay $0x2  }
0x48: {  	v0 =	vadd.f32 v1, v0  }
0x49: {  	v1 =	vadd.f32 v4, v2;
	v2 =	vadd.f32 v6, v3  }
0x4a: {  	v3 =	vadd.f32 v7, v5;
	v0 =	vadd.f32 v8, v0;
	_ =	sdelay $0x1  }
0x4b: {  	p0 =	por $0x0, $0x0;
	s0 =	simm.s32 $0x1;
	v2 =	vadd.f32 v3, v2;
	v0 =	vadd.f32 v1, v0  }
0x4c: {  	s0 =	simm.s32 @!p0 $0x0  }
0x4d: {  	s0 =	sshll.u32 s0, $0x6;
	v0 =	vadd.f32 v0, v2  }
0x4e: {  	s0 =	sadd.s32 $0x0, s0  }
0x4f: {  	s26 =	sor.u32 $0x1B0, s0;
	[tilespmem:$0x10100] =	vst v0  }
0x50: {  	s3 =	sor.u32 $0x180, s0;
	v2 =	vld [tilespmem:s26+$0x0]  }
0x51: {  	p0 =	por !p0, !p0;
	s26 =	sor.u32 $0x190, s0;
	v3 =	vld [tilespmem:s3+$0x0];
	s3 =	simm.s32 $0x1  }
0x52: {  	s3 =	simm.s32 @!p0 $0x0;
	v5 =	vld [tilespmem:s26+$0x0]  }
0x53: {  	s0 =	sor.u32 $0x1A0, s0;
	s26 =	sshll.u32 s3, $0x6  }
0x54: {  	v1 =	vld [tilespmem:s0+$0x0];
	s1 =	sadd.s32 $0x100, s26  }
0x55: {  	v0 =	vimm.f32 $0.0e+00;
	s3 =	sor.u32 $0x1B0, s1  }
0x56: {  	s30 =	simm.s32 $0x80;
	s31 =	simm.s32 $0x100;
	s26 =	sor.u32 $0x180, s1;
	v2 =	vadd.f32 v2, v0;
	v4 =	vld [tilespmem:s3+$0x0]  }
0x57: {  	p0 =	por !p0, !p0;
	s0 =	sor.u32 $0x190, s1;
	s1 =	sor.u32 $0x1A0, s1;
	v3 =	vadd.f32 v3, v0;
	v6 =	vld [tilespmem:s26+$0x0];
	v5 =	vadd.f32 v5, v0  }
.LBB2_8:
0x58: {  	s3 =	simm.s32 $0x1  }
0x59: {  	p1 =	sne.s32 s30, $0x1FC0;
	s30 =	sadd.s32 $0x40, s30;
	v7 =	vld [tilespmem:s0+$0x0];
	v0 =	vadd.f32 v1, v0;
	s3 =	simm.s32 @!p0 $0x0  }
.Ltmp3:
0x5a: {  	s31 =	sadd.s32 $0x100, s31;
	s0 =	sshll.u32 s3, $0x6;
	v1 =	vld [tilespmem:s1+$0x0];
	(pc) =	sbr.rel @p1 .LBB2_8-.Ltmp3, $4  }
0x5b: {  	s1 =	sadd.s32 s0, s31  }
0x5c: {  	v2 =	vadd.f32 v4, v2;
	s3 =	sor.u32 $0x180, s1;
	s0 =	sor.u32 $0x190, s1;
	s26 =	sor.u32 $0x1B0, s1  }
0x5d: {  	s1 =	sor.u32 $0x1A0, s1;
	v3 =	vadd.f32 v6, v3;
	v4 =	vld [tilespmem:s26+$0x0]  }
0x5e: {  	p0 =	por !p0, !p0;
	v5 =	vadd.f32 v7, v5;
	v6 =	vld [tilespmem:s3+$0x0]  }
0x5f: {  	v7 =	vld [tilespmem:s0+$0x0]  }
0x60: {  	v8 =	vld [tilespmem:s1+$0x0];
	_ =	sdelay $0x2  }
0x61: {  	v0 =	vadd.f32 v1, v0  }
0x62: {  	v1 =	vadd.f32 v4, v2;
	v2 =	vadd.f32 v6, v3  }
0x63: {  	v3 =	vadd.f32 v7, v5;
	v0 =	vadd.f32 v8, v0;
	_ =	sdelay $0x1  }
0x64: {  	v2 =	vadd.f32 v3, v2;
	v0 =	vadd.f32 v1, v0;
	_ =	sdelay $0x1  }
0x65: {  	v0 =	vadd.f32 v0, v2;
	_ =	sdelay $0x1  }
0x66: {  	s30 =	simm.s32 $0x0;
	[tilespmem:$0x10180] =	vst v0  }
0x67: {  	[tilespmem:s30], [sflag:$0x1] =	stream.strided.gather [hbm4b:s5+s21], $0x8000, s22, s21, $0x38;
	[tilespmem:$0x12000] =	vst v63  }
0x68: {  	_ =	swait.ge [sflag:s25], $0x8000  }
0x69: {  	s3 =	sand.u32 $0x40, s30;
	s26 =	sand.u32 $0x7E00, s30;
	[sflag:s25] =	ssyncset.done $0x0  }
0x6a: {  	s0 =	sor.u32 s3, s26;
	[sflag:s25] =	ssyncadd.s32 $0xFFFF8000  }
0x6b: {  	v1 =	vld [tilespmem:s0+$0x8030]  }
0x6c: {  	v4 =	vimm.f32 $0.0e+00;
	v2 =	vld [tilespmem:s0+$0x8000]  }
0x6d: {  	s31 =	simm.s32 $0x40;
	v6 =	vimm.f32 $0.0e+00;
	v3 =	vimm.f32 $0.0e+00;
	v0 =	vimm.f32 $0.0e+00;
	v5 =	vld [tilespmem:s0+$0x8010]  }
.LBB2_10:
0x6e: {  	s1 =	sand.u32 $0x40, s31;
	v7 =	vld [tilespmem:s0+$0x8020];
	s30 =	sadd.s32 $0x100, s30;
	p0 =	sne.s32 s31, $0x1FC0  }
.Ltmp4:
0x6f: {  	s31 =	sadd.s32 $0x40, s31;
	s0 =	sand.u32 $0x7E00, s30;
	(pc) =	sbr.rel @p0 .LBB2_10-.Ltmp4, $4  }
0x70: {  	s0 =	sor.u32 s1, s0;
	v0 =	vadd.f32 v1, v0  }
0x71: {  	v1 =	vld [tilespmem:s0+$0x8030];
	v3 =	vadd.f32 v2, v3  }
0x72: {  	v2 =	vld [tilespmem:s0+$0x8000];
	v4 =	vadd.f32 v5, v4  }
0x73: {  	v5 =	vld [tilespmem:s0+$0x8010];
	v6 =	vadd.f32 v7, v6  }
0x74: {  	v7 =	vld [tilespmem:s0+$0x8020];
	_ =	sdelay $0x3  }
0x75: {  	v0 =	vadd.f32 v1, v0;
	v1 =	vadd.f32 v2, v3  }
0x76: {  	v2 =	vadd.f32 v5, v4;
	v3 =	vadd.f32 v7, v6;
	_ =	sdelay $0x1  }
0x77: {  	v1 =	vadd.f32 v2, v1;
	v0 =	vadd.f32 v0, v3;
	_ =	sdelay $0x1  }
0x78: {  	s30 =	simm.s32 $0x0;
	v0 =	vadd.f32 v0, v1  }
0x79: {  	s26 =	sand.u32 $0x40, s30;
	s1 =	sand.u32 $0x7E00, s30  }
0x7a: {  	s0 =	sor.u32 s26, s1;
	[tilespmem:$0x10200] =	vst v0  }
0x7b: {  	v1 =	vld [tilespmem:s0+$0x80B0]  }
0x7c: {  	v4 =	vimm.f32 $0.0e+00;
	v2 =	vld [tilespmem:s0+$0x8080]  }
0x7d: {  	s31 =	simm.s32 $0x40;
	v6 =	vimm.f32 $0.0e+00;
	v3 =	vimm.f32 $0.0e+00;
	v0 =	vimm.f32 $0.0e+00;
	v5 =	vld [tilespmem:s0+$0x8090]  }
.LBB2_12:
0x7e: {  	s1 =	sand.u32 $0x40, s31;
	v7 =	vld [tilespmem:s0+$0x80A0];
	s30 =	sadd.s32 $0x100, s30;
	p0 =	sne.s32 s31, $0x1FC0  }
.Ltmp5:
0x7f: {  	s31 =	sadd.s32 $0x40, s31;
	s0 =	sand.u32 $0x7E00, s30;
	(pc) =	sbr.rel @p0 .LBB2_12-.Ltmp5, $4  }
0x80: {  	s0 =	sor.u32 s1, s0;
	v0 =	vadd.f32 v1, v0  }
0x81: {  	v1 =	vld [tilespmem:s0+$0x80B0];
	v3 =	vadd.f32 v2, v3  }
0x82: {  	v2 =	vld [tilespmem:s0+$0x8080];
	v4 =	vadd.f32 v5, v4  }
0x83: {  	v5 =	vld [tilespmem:s0+$0x8090];
	v6 =	vadd.f32 v7, v6  }
0x84: {  	v7 =	vld [tilespmem:s0+$0x80A0];
	_ =	sdelay $0x3  }
0x85: {  	v0 =	vadd.f32 v1, v0;
	v1 =	vadd.f32 v2, v3  }
0x86: {  	v2 =	vadd.f32 v5, v4;
	v3 =	vadd.f32 v7, v6;
	_ =	sdelay $0x1  }
0x87: {  	v1 =	vadd.f32 v2, v1;
	v0 =	vadd.f32 v0, v3;
	_ =	sdelay $0x1  }
0x88: {  	s30 =	simm.s32 $0x0;
	v0 =	vadd.f32 v0, v1  }
0x89: {  	s26 =	sand.u32 $0x40, s30;
	s1 =	sand.u32 $0x7E00, s30  }
0x8a: {  	s0 =	sor.u32 s26, s1;
	[tilespmem:$0x10280] =	vst v0  }
0x8b: {  	v1 =	vld [tilespmem:s0+$0x8130]  }
0x8c: {  	v4 =	vimm.f32 $0.0e+00;
	v2 =	vld [tilespmem:s0+$0x8100]  }
0x8d: {  	s31 =	simm.s32 $0x40;
	v6 =	vimm.f32 $0.0e+00;
	v3 =	vimm.f32 $0.0e+00;
	v0 =	vimm.f32 $0.0e+00;
	v5 =	vld [tilespmem:s0+$0x8110]  }
.LBB2_14:
0x8e: {  	s1 =	sand.u32 $0x40, s31;
	v7 =	vld [tilespmem:s0+$0x8120];
	s30 =	sadd.s32 $0x100, s30;
	p0 =	sne.s32 s31, $0x1FC0  }
.Ltmp6:
0x8f: {  	s31 =	sadd.s32 $0x40, s31;
	s0 =	sand.u32 $0x7E00, s30;
	(pc) =	sbr.rel @p0 .LBB2_14-.Ltmp6, $4  }
0x90: {  	s0 =	sor.u32 s1, s0;
	v0 =	vadd.f32 v1, v0  }
0x91: {  	v1 =	vld [tilespmem:s0+$0x8130];
	v3 =	vadd.f32 v2, v3  }
0x92: {  	v2 =	vld [tilespmem:s0+$0x8100];
	v4 =	vadd.f32 v5, v4  }
0x93: {  	v5 =	vld [tilespmem:s0+$0x8110];
	v6 =	vadd.f32 v7, v6  }
0x94: {  	v7 =	vld [tilespmem:s0+$0x8120];
	_ =	sdelay $0x3  }
0x95: {  	v0 =	vadd.f32 v1, v0;
	v1 =	vadd.f32 v2, v3  }
0x96: {  	v2 =	vadd.f32 v5, v4;
	v3 =	vadd.f32 v7, v6;
	_ =	sdelay $0x1  }
0x97: {  	v1 =	vadd.f32 v2, v1;
	v0 =	vadd.f32 v0, v3;
	_ =	sdelay $0x1  }
0x98: {  	s30 =	simm.s32 $0x0;
	v0 =	vadd.f32 v0, v1  }
0x99: {  	s26 =	sand.u32 $0x40, s30;
	s1 =	sand.u32 $0x7E00, s30  }
0x9a: {  	s0 =	sor.u32 s26, s1;
	[tilespmem:$0x10300] =	vst v0  }
0x9b: {  	v1 =	vld [tilespmem:s0+$0x81B0]  }
0x9c: {  	v4 =	vimm.f32 $0.0e+00;
	v2 =	vld [tilespmem:s0+$0x8180]  }
0x9d: {  	s31 =	simm.s32 $0x40;
	v6 =	vimm.f32 $0.0e+00;
	v3 =	vimm.f32 $0.0e+00;
	v0 =	vimm.f32 $0.0e+00;
	v5 =	vld [tilespmem:s0+$0x8190]  }
.LBB2_16:
0x9e: {  	s1 =	sand.u32 $0x40, s31;
	v7 =	vld [tilespmem:s0+$0x81A0];
	s30 =	sadd.s32 $0x100, s30;
	p0 =	sne.s32 s31, $0x1FC0  }
.Ltmp7:
0x9f: {  	s31 =	sadd.s32 $0x40, s31;
	s0 =	sand.u32 $0x7E00, s30;
	(pc) =	sbr.rel @p0 .LBB2_16-.Ltmp7, $4  }
0xa0: {  	s0 =	sor.u32 s1, s0;
	v0 =	vadd.f32 v1, v0  }
0xa1: {  	v1 =	vld [tilespmem:s0+$0x81B0];
	v3 =	vadd.f32 v2, v3  }
0xa2: {  	v2 =	vld [tilespmem:s0+$0x8180];
	v4 =	vadd.f32 v5, v4  }
0xa3: {  	v5 =	vld [tilespmem:s0+$0x8190];
	v6 =	vadd.f32 v7, v6  }
0xa4: {  	v7 =	vld [tilespmem:s0+$0x81A0];
	_ =	sdelay $0x3  }
0xa5: {  	v0 =	vadd.f32 v1, v0;
	v1 =	vadd.f32 v2, v3  }
0xa6: {  	v2 =	vadd.f32 v5, v4;
	v3 =	vadd.f32 v7, v6;
	_ =	sdelay $0x1  }
0xa7: {  	v1 =	vadd.f32 v2, v1;
	v0 =	vadd.f32 v0, v3;
	_ =	sdelay $0x1  }
0xa8: {  	v0 =	vadd.f32 v0, v1;
	_ =	sdelay $0x1  }
0xa9: {  	[tilespmem:$0x10380] =	vst v0  }
0xaa: {  	[tilespmem:s23], [sflag:$0x2] =	stream.strided.gather [hbm4b:s6+s21], $0x8000, s22, s21, $0x38;
	[tilespmem:$0x12000] =	vst v63  }
0xab: {  	s30 =	simm.s32 $0x0;
	_ =	swait.ge [sflag:s24], $0x8000  }
0xac: {  	s26 =	sand.u32 $0x40, s30;
	s1 =	sand.u32 $0x7E00, s30;
	[sflag:s24] =	ssyncset.done $0x0  }
0xad: {  	s0 =	sor.u32 s26, s1;
	[sflag:s24] =	ssyncadd.s32 $0xFFFF8000  }
0xae: {  	v1 =	vld [tilespmem:s0+$0x30]  }
0xaf: {  	v4 =	vimm.f32 $0.0e+00;
	v2 =	vld [tilespmem:s0+$0x0]  }
0xb0: {  	s31 =	simm.s32 $0x40;
	v6 =	vimm.f32 $0.0e+00;
	v3 =	vimm.f32 $0.0e+00;
	v0 =	vimm.f32 $0.0e+00;
	v5 =	vld [tilespmem:s0+$0x10]  }
.LBB2_18:
0xb1: {  	s1 =	sand.u32 $0x40, s31;
	v7 =	vld [tilespmem:s0+$0x20];
	s30 =	sadd.s32 $0x100, s30;
	p0 =	sne.s32 s31, $0x1FC0  }
.Ltmp8:
0xb2: {  	s31 =	sadd.s32 $0x40, s31;
	s0 =	sand.u32 $0x7E00, s30;
	(pc) =	sbr.rel @p0 .LBB2_18-.Ltmp8, $4  }
0xb3: {  	s0 =	sor.u32 s1, s0;
	v0 =	vadd.f32 v1, v0  }
0xb4: {  	v1 =	vld [tilespmem:s0+$0x30];
	v3 =	vadd.f32 v2, v3  }
0xb5: {  	v2 =	vld [tilespmem:s0+$0x0];
	v4 =	vadd.f32 v5, v4  }
0xb6: {  	v5 =	vld [tilespmem:s0+$0x10];
	v6 =	vadd.f32 v7, v6  }
0xb7: {  	v7 =	vld [tilespmem:s0+$0x20];
	_ =	sdelay $0x3  }
0xb8: {  	v0 =	vadd.f32 v1, v0;
	v1 =	vadd.f32 v2, v3  }
0xb9: {  	v2 =	vadd.f32 v5, v4;
	v3 =	vadd.f32 v7, v6;
	_ =	sdelay $0x1  }
0xba: {  	v1 =	vadd.f32 v2, v1;
	v0 =	vadd.f32 v0, v3;
	_ =	sdelay $0x1  }
0xbb: {  	s30 =	simm.s32 $0x0;
	v0 =	vadd.f32 v0, v1  }
0xbc: {  	s26 =	sand.u32 $0x40, s30;
	s1 =	sand.u32 $0x7E00, s30  }
0xbd: {  	s0 =	sor.u32 s26, s1;
	[tilespmem:$0x10400] =	vst v0  }
0xbe: {  	v1 =	vld [tilespmem:s0+$0xB0]  }
0xbf: {  	v4 =	vimm.f32 $0.0e+00;
	v2 =	vld [tilespmem:s0+$0x80]  }
0xc0: {  	s31 =	simm.s32 $0x40;
	v6 =	vimm.f32 $0.0e+00;
	v3 =	vimm.f32 $0.0e+00;
	v0 =	vimm.f32 $0.0e+00;
	v5 =	vld [tilespmem:s0+$0x90]  }
.LBB2_20:
0xc1: {  	s1 =	sand.u32 $0x40, s31;
	v7 =	vld [tilespmem:s0+$0xA0];
	s30 =	sadd.s32 $0x100, s30;
	p0 =	sne.s32 s31, $0x1FC0  }
.Ltmp9:
0xc2: {  	s31 =	sadd.s32 $0x40, s31;
	s0 =	sand.u32 $0x7E00, s30;
	(pc) =	sbr.rel @p0 .LBB2_20-.Ltmp9, $4  }
0xc3: {  	s0 =	sor.u32 s1, s0;
	v0 =	vadd.f32 v1, v0  }
0xc4: {  	v1 =	vld [tilespmem:s0+$0xB0];
	v3 =	vadd.f32 v2, v3  }
0xc5: {  	v2 =	vld [tilespmem:s0+$0x80];
	v4 =	vadd.f32 v5, v4  }
0xc6: {  	v5 =	vld [tilespmem:s0+$0x90];
	v6 =	vadd.f32 v7, v6  }
0xc7: {  	v7 =	vld [tilespmem:s0+$0xA0];
	_ =	sdelay $0x3  }
0xc8: {  	v0 =	vadd.f32 v1, v0;
	v1 =	vadd.f32 v2, v3  }
0xc9: {  	v2 =	vadd.f32 v5, v4;
	v3 =	vadd.f32 v7, v6;
	_ =	sdelay $0x1  }
0xca: {  	p0 =	por $0x0, $0x0;
	s0 =	simm.s32 $0x1;
	v1 =	vadd.f32 v2, v1;
	v0 =	vadd.f32 v0, v3  }
0xcb: {  	s0 =	simm.s32 @!p0 $0x0  }
0xcc: {  	s0 =	sshll.u32 s0, $0x6;
	v0 =	vadd.f32 v0, v1  }
0xcd: {  	s0 =	sadd.s32 $0x0, s0  }
0xce: {  	s1 =	sor.u32 $0x130, s0;
	[tilespmem:$0x10480] =	vst v0  }
0xcf: {  	s3 =	sor.u32 $0x100, s0;
	v2 =	vld [tilespmem:s1+$0x0]  }
0xd0: {  	p0 =	por !p0, !p0;
	s26 =	sor.u32 $0x110, s0;
	v3 =	vld [tilespmem:s3+$0x0];
	s3 =	simm.s32 $0x1  }
0xd1: {  	v5 =	vld [tilespmem:s26+$0x0];
	s3 =	simm.s32 @!p0 $0x0  }
0xd2: {  	s0 =	sor.u32 $0x120, s0;
	s26 =	sshll.u32 s3, $0x6  }
0xd3: {  	v1 =	vld [tilespmem:s0+$0x0];
	s1 =	sadd.s32 $0x100, s26  }
0xd4: {  	v0 =	vimm.f32 $0.0e+00;
	s3 =	sor.u32 $0x130, s1  }
0xd5: {  	s30 =	simm.s32 $0x80;
	s31 =	simm.s32 $0x100;
	s26 =	sor.u32 $0x100, s1;
	v2 =	vadd.f32 v2, v0;
	v4 =	vld [tilespmem:s3+$0x0]  }
0xd6: {  	p0 =	por !p0, !p0;
	s0 =	sor.u32 $0x110, s1;
	s1 =	sor.u32 $0x120, s1;
	v3 =	vadd.f32 v3, v0;
	v6 =	vld [tilespmem:s26+$0x0];
	v5 =	vadd.f32 v5, v0  }
.LBB2_22:
0xd7: {  	s3 =	simm.s32 $0x1  }
0xd8: {  	p1 =	sne.s32 s30, $0x1FC0;
	s30 =	sadd.s32 $0x40, s30;
	v7 =	vld [tilespmem:s0+$0x0];
	v0 =	vadd.f32 v1, v0;
	s3 =	simm.s32 @!p0 $0x0  }
.Ltmp10:
0xd9: {  	s31 =	sadd.s32 $0x100, s31;
	s0 =	sshll.u32 s3, $0x6;
	v1 =	vld [tilespmem:s1+$0x0];
	(pc) =	sbr.rel @p1 .LBB2_22-.Ltmp10, $4  }
0xda: {  	s1 =	sadd.s32 s0, s31  }
0xdb: {  	v2 =	vadd.f32 v4, v2;
	s3 =	sor.u32 $0x100, s1;
	s0 =	sor.u32 $0x110, s1;
	s26 =	sor.u32 $0x130, s1  }
0xdc: {  	s1 =	sor.u32 $0x120, s1;
	v3 =	vadd.f32 v6, v3;
	v4 =	vld [tilespmem:s26+$0x0]  }
0xdd: {  	p0 =	por !p0, !p0;
	v5 =	vadd.f32 v7, v5;
	v6 =	vld [tilespmem:s3+$0x0]  }
0xde: {  	v7 =	vld [tilespmem:s0+$0x0]  }
0xdf: {  	v8 =	vld [tilespmem:s1+$0x0];
	_ =	sdelay $0x2  }
0xe0: {  	v0 =	vadd.f32 v1, v0  }
0xe1: {  	v1 =	vadd.f32 v4, v2;
	v2 =	vadd.f32 v6, v3  }
0xe2: {  	v3 =	vadd.f32 v7, v5;
	v0 =	vadd.f32 v8, v0;
	_ =	sdelay $0x1  }
0xe3: {  	p0 =	por $0x0, $0x0;
	s0 =	simm.s32 $0x1;
	v2 =	vadd.f32 v3, v2;
	v0 =	vadd.f32 v1, v0  }
0xe4: {  	s0 =	simm.s32 @!p0 $0x0  }
0xe5: {  	s0 =	sshll.u32 s0, $0x6;
	v0 =	vadd.f32 v0, v2  }
0xe6: {  	s0 =	sadd.s32 $0x0, s0  }
0xe7: {  	s26 =	sor.u32 $0x1B0, s0;
	[tilespmem:$0x10500] =	vst v0  }
0xe8: {  	s3 =	sor.u32 $0x180, s0;
	v2 =	vld [tilespmem:s26+$0x0]  }
0xe9: {  	p0 =	por !p0, !p0;
	s26 =	sor.u32 $0x190, s0;
	v3 =	vld [tilespmem:s3+$0x0];
	s3 =	simm.s32 $0x1  }
0xea: {  	s3 =	simm.s32 @!p0 $0x0;
	v5 =	vld [tilespmem:s26+$0x0]  }
0xeb: {  	s0 =	sor.u32 $0x1A0, s0;
	s26 =	sshll.u32 s3, $0x6  }
0xec: {  	v1 =	vld [tilespmem:s0+$0x0];
	s1 =	sadd.s32 $0x100, s26  }
0xed: {  	v0 =	vimm.f32 $0.0e+00;
	s3 =	sor.u32 $0x1B0, s1  }
0xee: {  	s30 =	simm.s32 $0x80;
	s31 =	simm.s32 $0x100;
	s26 =	sor.u32 $0x180, s1;
	v2 =	vadd.f32 v2, v0;
	v4 =	vld [tilespmem:s3+$0x0]  }
0xef: {  	p0 =	por !p0, !p0;
	s0 =	sor.u32 $0x190, s1;
	s1 =	sor.u32 $0x1A0, s1;
	v3 =	vadd.f32 v3, v0;
	v6 =	vld [tilespmem:s26+$0x0];
	v5 =	vadd.f32 v5, v0  }
.LBB2_24:
0xf0: {  	s3 =	simm.s32 $0x1  }
0xf1: {  	p1 =	sne.s32 s30, $0x1FC0;
	s30 =	sadd.s32 $0x40, s30;
	v7 =	vld [tilespmem:s0+$0x0];
	v0 =	vadd.f32 v1, v0;
	s3 =	simm.s32 @!p0 $0x0  }
.Ltmp11:
0xf2: {  	s31 =	sadd.s32 $0x100, s31;
	s0 =	sshll.u32 s3, $0x6;
	v1 =	vld [tilespmem:s1+$0x0];
	(pc) =	sbr.rel @p1 .LBB2_24-.Ltmp11, $4  }
0xf3: {  	s1 =	sadd.s32 s0, s31  }
0xf4: {  	v2 =	vadd.f32 v4, v2;
	s3 =	sor.u32 $0x180, s1;
	s0 =	sor.u32 $0x190, s1;
	s26 =	sor.u32 $0x1B0, s1  }
0xf5: {  	s1 =	sor.u32 $0x1A0, s1;
	v3 =	vadd.f32 v6, v3;
	v4 =	vld [tilespmem:s26+$0x0]  }
0xf6: {  	p0 =	por !p0, !p0;
	v5 =	vadd.f32 v7, v5;
	v6 =	vld [tilespmem:s3+$0x0]  }
0xf7: {  	v7 =	vld [tilespmem:s0+$0x0]  }
0xf8: {  	v8 =	vld [tilespmem:s1+$0x0];
	_ =	sdelay $0x2  }
0xf9: {  	v0 =	vadd.f32 v1, v0  }
0xfa: {  	v1 =	vadd.f32 v4, v2;
	v2 =	vadd.f32 v6, v3  }
0xfb: {  	v3 =	vadd.f32 v7, v5;
	v0 =	vadd.f32 v8, v0;
	_ =	sdelay $0x1  }
0xfc: {  	v2 =	vadd.f32 v3, v2;
	v0 =	vadd.f32 v1, v0;
	_ =	sdelay $0x1  }
0xfd: {  	v0 =	vadd.f32 v0, v2;
	_ =	sdelay $0x1  }
0xfe: {  	s30 =	simm.s32 $0x0;
	[tilespmem:$0x10580] =	vst v0  }
0xff: {  	[tilespmem:s30], [sflag:$0x1] =	stream.strided.gather [hbm4b:s7+s21], $0x8000, s22, s21, $0x38;
	[tilespmem:$0x12000] =	vst v63  }
0x100: {  	_ =	swait.ge [sflag:s25], $0x8000  }
0x101: {  	s3 =	sand.u32 $0x40, s30;
	s26 =	sand.u32 $0x7E00, s30;
	[sflag:s25] =	ssyncset.done $0x0  }
0x102: {  	s0 =	sor.u32 s3, s26;
	[sflag:s25] =	ssyncadd.s32 $0xFFFF8000  }
0x103: {  	v1 =	vld [tilespmem:s0+$0x8030]  }
0x104: {  	v4 =	vimm.f32 $0.0e+00;
	v2 =	vld [tilespmem:s0+$0x8000]  }
0x105: {  	s31 =	simm.s32 $0x40;
	v6 =	vimm.f32 $0.0e+00;
	v3 =	vimm.f32 $0.0e+00;
	v0 =	vimm.f32 $0.0e+00;
	v5 =	vld [tilespmem:s0+$0x8010]  }
.LBB2_26:
0x106: {  	s1 =	sand.u32 $0x40, s31;
	v7 =	vld [tilespmem:s0+$0x8020];
	s30 =	sadd.s32 $0x100, s30;
	p0 =	sne.s32 s31, $0x1FC0  }
.Ltmp12:
0x107: {  	s31 =	sadd.s32 $0x40, s31;
	s0 =	sand.u32 $0x7E00, s30;
	(pc) =	sbr.rel @p0 .LBB2_26-.Ltmp12, $4  }
0x108: {  	s0 =	sor.u32 s1, s0;
	v0 =	vadd.f32 v1, v0  }
0x109: {  	v1 =	vld [tilespmem:s0+$0x8030];
	v3 =	vadd.f32 v2, v3  }
0x10a: {  	v2 =	vld [tilespmem:s0+$0x8000];
	v4 =	vadd.f32 v5, v4  }
0x10b: {  	v5 =	vld [tilespmem:s0+$0x8010];
	v6 =	vadd.f32 v7, v6  }
0x10c: {  	v7 =	vld [tilespmem:s0+$0x8020];
	_ =	sdelay $0x3  }
0x10d: {  	v0 =	vadd.f32 v1, v0;
	v1 =	vadd.f32 v2, v3  }
0x10e: {  	v2 =	vadd.f32 v5, v4;
	v3 =	vadd.f32 v7, v6;
	_ =	sdelay $0x1  }
0x10f: {  	v1 =	vadd.f32 v2, v1;
	v0 =	vadd.f32 v0, v3;
	_ =	sdelay $0x1  }
0x110: {  	s30 =	simm.s32 $0x0;
	v0 =	vadd.f32 v0, v1  }
0x111: {  	s26 =	sand.u32 $0x40, s30;
	s1 =	sand.u32 $0x7E00, s30  }
0x112: {  	s0 =	sor.u32 s26, s1;
	[tilespmem:$0x10600] =	vst v0  }
0x113: {  	v1 =	vld [tilespmem:s0+$0x80B0]  }
0x114: {  	v4 =	vimm.f32 $0.0e+00;
	v2 =	vld [tilespmem:s0+$0x8080]  }
0x115: {  	s31 =	simm.s32 $0x40;
	v6 =	vimm.f32 $0.0e+00;
	v3 =	vimm.f32 $0.0e+00;
	v0 =	vimm.f32 $0.0e+00;
	v5 =	vld [tilespmem:s0+$0x8090]  }
.LBB2_28:
0x116: {  	s1 =	sand.u32 $0x40, s31;
	v7 =	vld [tilespmem:s0+$0x80A0];
	s30 =	sadd.s32 $0x100, s30;
	p0 =	sne.s32 s31, $0x1FC0  }
.Ltmp13:
0x117: {  	s31 =	sadd.s32 $0x40, s31;
	s0 =	sand.u32 $0x7E00, s30;
	(pc) =	sbr.rel @p0 .LBB2_28-.Ltmp13, $4  }
0x118: {  	s0 =	sor.u32 s1, s0;
	v0 =	vadd.f32 v1, v0  }
0x119: {  	v1 =	vld [tilespmem:s0+$0x80B0];
	v3 =	vadd.f32 v2, v3  }
0x11a: {  	v2 =	vld [tilespmem:s0+$0x8080];
	v4 =	vadd.f32 v5, v4  }
0x11b: {  	v5 =	vld [tilespmem:s0+$0x8090];
	v6 =	vadd.f32 v7, v6  }
0x11c: {  	v7 =	vld [tilespmem:s0+$0x80A0];
	_ =	sdelay $0x3  }
0x11d: {  	v0 =	vadd.f32 v1, v0;
	v1 =	vadd.f32 v2, v3  }
0x11e: {  	v2 =	vadd.f32 v5, v4;
	v3 =	vadd.f32 v7, v6;
	_ =	sdelay $0x1  }
0x11f: {  	v1 =	vadd.f32 v2, v1;
	v0 =	vadd.f32 v0, v3;
	_ =	sdelay $0x1  }
0x120: {  	s30 =	simm.s32 $0x0;
	v0 =	vadd.f32 v0, v1  }
0x121: {  	s26 =	sand.u32 $0x40, s30;
	s1 =	sand.u32 $0x7E00, s30  }
0x122: {  	s0 =	sor.u32 s26, s1;
	[tilespmem:$0x10680] =	vst v0  }
0x123: {  	v1 =	vld [tilespmem:s0+$0x8130]  }
0x124: {  	v4 =	vimm.f32 $0.0e+00;
	v2 =	vld [tilespmem:s0+$0x8100]  }
0x125: {  	s31 =	simm.s32 $0x40;
	v6 =	vimm.f32 $0.0e+00;
	v3 =	vimm.f32 $0.0e+00;
	v0 =	vimm.f32 $0.0e+00;
	v5 =	vld [tilespmem:s0+$0x8110]  }
.LBB2_30:
0x126: {  	s1 =	sand.u32 $0x40, s31;
	v7 =	vld [tilespmem:s0+$0x8120];
	s30 =	sadd.s32 $0x100, s30;
	p0 =	sne.s32 s31, $0x1FC0  }
.Ltmp14:
0x127: {  	s31 =	sadd.s32 $0x40, s31;
	s0 =	sand.u32 $0x7E00, s30;
	(pc) =	sbr.rel @p0 .LBB2_30-.Ltmp14, $4  }
0x128: {  	s0 =	sor.u32 s1, s0;
	v0 =	vadd.f32 v1, v0  }
0x129: {  	v1 =	vld [tilespmem:s0+$0x8130];
	v3 =	vadd.f32 v2, v3  }
0x12a: {  	v2 =	vld [tilespmem:s0+$0x8100];
	v4 =	vadd.f32 v5, v4  }
0x12b: {  	v5 =	vld [tilespmem:s0+$0x8110];
	v6 =	vadd.f32 v7, v6  }
0x12c: {  	v7 =	vld [tilespmem:s0+$0x8120];
	_ =	sdelay $0x3  }
0x12d: {  	v0 =	vadd.f32 v1, v0;
	v1 =	vadd.f32 v2, v3  }
0x12e: {  	v2 =	vadd.f32 v5, v4;
	v3 =	vadd.f32 v7, v6;
	_ =	sdelay $0x1  }
0x12f: {  	v1 =	vadd.f32 v2, v1;
	v0 =	vadd.f32 v0, v3;
	_ =	sdelay $0x1  }
0x130: {  	s30 =	simm.s32 $0x0;
	v0 =	vadd.f32 v0, v1  }
0x131: {  	s26 =	sand.u32 $0x40, s30;
	s1 =	sand.u32 $0x7E00, s30  }
0x132: {  	s0 =	sor.u32 s26, s1;
	[tilespmem:$0x10700] =	vst v0  }
0x133: {  	v1 =	vld [tilespmem:s0+$0x81B0]  }
0x134: {  	v4 =	vimm.f32 $0.0e+00;
	v2 =	vld [tilespmem:s0+$0x8180]  }
0x135: {  	s31 =	simm.s32 $0x40;
	v6 =	vimm.f32 $0.0e+00;
	v3 =	vimm.f32 $0.0e+00;
	v0 =	vimm.f32 $0.0e+00;
	v5 =	vld [tilespmem:s0+$0x8190]  }
.LBB2_32:
0x136: {  	s1 =	sand.u32 $0x40, s31;
	v7 =	vld [tilespmem:s0+$0x81A0];
	s30 =	sadd.s32 $0x100, s30;
	p0 =	sne.s32 s31, $0x1FC0  }
.Ltmp15:
0x137: {  	s31 =	sadd.s32 $0x40, s31;
	s0 =	sand.u32 $0x7E00, s30;
	(pc) =	sbr.rel @p0 .LBB2_32-.Ltmp15, $4  }
0x138: {  	s0 =	sor.u32 s1, s0;
	v0 =	vadd.f32 v1, v0  }
0x139: {  	v1 =	vld [tilespmem:s0+$0x81B0];
	v3 =	vadd.f32 v2, v3  }
0x13a: {  	v2 =	vld [tilespmem:s0+$0x8180];
	v4 =	vadd.f32 v5, v4  }
0x13b: {  	v5 =	vld [tilespmem:s0+$0x8190];
	v6 =	vadd.f32 v7, v6  }
0x13c: {  	v7 =	vld [tilespmem:s0+$0x81A0];
	_ =	sdelay $0x3  }
0x13d: {  	v0 =	vadd.f32 v1, v0;
	v1 =	vadd.f32 v2, v3  }
0x13e: {  	v2 =	vadd.f32 v5, v4;
	v3 =	vadd.f32 v7, v6;
	_ =	sdelay $0x1  }
0x13f: {  	v1 =	vadd.f32 v2, v1;
	v0 =	vadd.f32 v0, v3;
	_ =	sdelay $0x1  }
0x140: {  	v0 =	vadd.f32 v0, v1;
	_ =	sdelay $0x1  }
0x141: {  	[tilespmem:$0x10780] =	vst v0  }
0x142: {  	[tilespmem:s23], [sflag:$0x2] =	stream.strided.gather [hbm4b:s8+s21], $0x8000, s22, s21, $0x38;
	[tilespmem:$0x12000] =	vst v63  }
0x143: {  	s30 =	simm.s32 $0x0;
	_ =	swait.ge [sflag:s24], $0x8000  }
0x144: {  	s26 =	sand.u32 $0x40, s30;
	s1 =	sand.u32 $0x7E00, s30;
	[sflag:s24] =	ssyncset.done $0x0  }
0x145: {  	s0 =	sor.u32 s26, s1;
	[sflag:s24] =	ssyncadd.s32 $0xFFFF8000  }
0x146: {  	v1 =	vld [tilespmem:s0+$0x30]  }
0x147: {  	v4 =	vimm.f32 $0.0e+00;
	v2 =	vld [tilespmem:s0+$0x0]  }
0x148: {  	s31 =	simm.s32 $0x40;
	v6 =	vimm.f32 $0.0e+00;
	v3 =	vimm.f32 $0.0e+00;
	v0 =	vimm.f32 $0.0e+00;
	v5 =	vld [tilespmem:s0+$0x10]  }
.LBB2_34:
0x149: {  	s1 =	sand.u32 $0x40, s31;
	v7 =	vld [tilespmem:s0+$0x20];
	s30 =	sadd.s32 $0x100, s30;
	p0 =	sne.s32 s31, $0x1FC0  }
.Ltmp16:
0x14a: {  	s31 =	sadd.s32 $0x40, s31;
	s0 =	sand.u32 $0x7E00, s30;
	(pc) =	sbr.rel @p0 .LBB2_34-.Ltmp16, $4  }
0x14b: {  	s0 =	sor.u32 s1, s0;
	v0 =	vadd.f32 v1, v0  }
0x14c: {  	v1 =	vld [tilespmem:s0+$0x30];
	v3 =	vadd.f32 v2, v3  }
0x14d: {  	v2 =	vld [tilespmem:s0+$0x0];
	v4 =	vadd.f32 v5, v4  }
0x14e: {  	v5 =	vld [tilespmem:s0+$0x10];
	v6 =	vadd.f32 v7, v6  }
0x14f: {  	v7 =	vld [tilespmem:s0+$0x20];
	_ =	sdelay $0x3  }
0x150: {  	v0 =	vadd.f32 v1, v0;
	v1 =	vadd.f32 v2, v3  }
0x151: {  	v2 =	vadd.f32 v5, v4;
	v3 =	vadd.f32 v7, v6;
	_ =	sdelay $0x1  }
0x152: {  	v1 =	vadd.f32 v2, v1;
	v0 =	vadd.f32 v0, v3;
	_ =	sdelay $0x1  }
0x153: {  	s30 =	simm.s32 $0x0;
	v0 =	vadd.f32 v0, v1  }
0x154: {  	s26 =	sand.u32 $0x40, s30;
	s1 =	sand.u32 $0x7E00, s30  }
0x155: {  	s0 =	sor.u32 s26, s1;
	[tilespmem:$0x10800] =	vst v0  }
0x156: {  	v1 =	vld [tilespmem:s0+$0xB0]  }
0x157: {  	v4 =	vimm.f32 $0.0e+00;
	v2 =	vld [tilespmem:s0+$0x80]  }
0x158: {  	s31 =	simm.s32 $0x40;
	v6 =	vimm.f32 $0.0e+00;
	v3 =	vimm.f32 $0.0e+00;
	v0 =	vimm.f32 $0.0e+00;
	v5 =	vld [tilespmem:s0+$0x90]  }
.LBB2_36:
0x159: {  	s1 =	sand.u32 $0x40, s31;
	v7 =	vld [tilespmem:s0+$0xA0];
	s30 =	sadd.s32 $0x100, s30;
	p0 =	sne.s32 s31, $0x1FC0  }
.Ltmp17:
0x15a: {  	s31 =	sadd.s32 $0x40, s31;
	s0 =	sand.u32 $0x7E00, s30;
	(pc) =	sbr.rel @p0 .LBB2_36-.Ltmp17, $4  }
0x15b: {  	s0 =	sor.u32 s1, s0;
	v0 =	vadd.f32 v1, v0  }
0x15c: {  	v1 =	vld [tilespmem:s0+$0xB0];
	v3 =	vadd.f32 v2, v3  }
0x15d: {  	v2 =	vld [tilespmem:s0+$0x80];
	v4 =	vadd.f32 v5, v4  }
0x15e: {  	v5 =	vld [tilespmem:s0+$0x90];
	v6 =	vadd.f32 v7, v6  }
0x15f: {  	v7 =	vld [tilespmem:s0+$0xA0];
	_ =	sdelay $0x3  }
0x160: {  	v0 =	vadd.f32 v1, v0;
	v1 =	vadd.f32 v2, v3  }
0x161: {  	v2 =	vadd.f32 v5, v4;
	v3 =	vadd.f32 v7, v6;
	_ =	sdelay $0x1  }
0x162: {  	p0 =	por $0x0, $0x0;
	s0 =	simm.s32 $0x1;
	v1 =	vadd.f32 v2, v1;
	v0 =	vadd.f32 v0, v3  }
0x163: {  	s0 =	simm.s32 @!p0 $0x0  }
0x164: {  	s0 =	sshll.u32 s0, $0x6;
	v0 =	vadd.f32 v0, v1  }
0x165: {  	s0 =	sadd.s32 $0x0, s0  }
0x166: {  	s1 =	sor.u32 $0x130, s0;
	[tilespmem:$0x10880] =	vst v0  }
0x167: {  	s3 =	sor.u32 $0x100, s0;
	v2 =	vld [tilespmem:s1+$0x0]  }
0x168: {  	p0 =	por !p0, !p0;
	s26 =	sor.u32 $0x110, s0;
	v3 =	vld [tilespmem:s3+$0x0];
	s3 =	simm.s32 $0x1  }
0x169: {  	v5 =	vld [tilespmem:s26+$0x0];
	s3 =	simm.s32 @!p0 $0x0  }
0x16a: {  	s0 =	sor.u32 $0x120, s0;
	s26 =	sshll.u32 s3, $0x6  }
0x16b: {  	v1 =	vld [tilespmem:s0+$0x0];
	s1 =	sadd.s32 $0x100, s26  }
0x16c: {  	v0 =	vimm.f32 $0.0e+00;
	s3 =	sor.u32 $0x130, s1  }
0x16d: {  	s30 =	simm.s32 $0x80;
	s31 =	simm.s32 $0x100;
	s26 =	sor.u32 $0x100, s1;
	v2 =	vadd.f32 v2, v0;
	v4 =	vld [tilespmem:s3+$0x0]  }
0x16e: {  	p0 =	por !p0, !p0;
	s0 =	sor.u32 $0x110, s1;
	s1 =	sor.u32 $0x120, s1;
	v3 =	vadd.f32 v3, v0;
	v6 =	vld [tilespmem:s26+$0x0];
	v5 =	vadd.f32 v5, v0  }
.LBB2_38:
0x16f: {  	s3 =	simm.s32 $0x1  }
0x170: {  	p1 =	sne.s32 s30, $0x1FC0;
	s30 =	sadd.s32 $0x40, s30;
	v7 =	vld [tilespmem:s0+$0x0];
	v0 =	vadd.f32 v1, v0;
	s3 =	simm.s32 @!p0 $0x0  }
.Ltmp18:
0x171: {  	s31 =	sadd.s32 $0x100, s31;
	s0 =	sshll.u32 s3, $0x6;
	v1 =	vld [tilespmem:s1+$0x0];
	(pc) =	sbr.rel @p1 .LBB2_38-.Ltmp18, $4  }
0x172: {  	s1 =	sadd.s32 s0, s31  }
0x173: {  	v2 =	vadd.f32 v4, v2;
	s3 =	sor.u32 $0x100, s1;
	s0 =	sor.u32 $0x110, s1;
	s26 =	sor.u32 $0x130, s1  }
0x174: {  	s1 =	sor.u32 $0x120, s1;
	v3 =	vadd.f32 v6, v3;
	v4 =	vld [tilespmem:s26+$0x0]  }
0x175: {  	p0 =	por !p0, !p0;
	v5 =	vadd.f32 v7, v5;
	v6 =	vld [tilespmem:s3+$0x0]  }
0x176: {  	v7 =	vld [tilespmem:s0+$0x0]  }
0x177: {  	v8 =	vld [tilespmem:s1+$0x0];
	_ =	sdelay $0x2  }
0x178: {  	v0 =	vadd.f32 v1, v0  }
0x179: {  	v1 =	vadd.f32 v4, v2;
	v2 =	vadd.f32 v6, v3  }
0x17a: {  	v3 =	vadd.f32 v7, v5;
	v0 =	vadd.f32 v8, v0;
	_ =	sdelay $0x1  }
0x17b: {  	p0 =	por $0x0, $0x0;
	s0 =	simm.s32 $0x1;
	v2 =	vadd.f32 v3, v2;
	v0 =	vadd.f32 v1, v0  }
0x17c: {  	s0 =	simm.s32 @!p0 $0x0  }
0x17d: {  	s0 =	sshll.u32 s0, $0x6;
	v0 =	vadd.f32 v0, v2  }
0x17e: {  	s0 =	sadd.s32 $0x0, s0  }
0x17f: {  	s26 =	sor.u32 $0x1B0, s0;
	[tilespmem:$0x10900] =	vst v0  }
0x180: {  	s3 =	sor.u32 $0x180, s0;
	v2 =	vld [tilespmem:s26+$0x0]  }
0x181: {  	p0 =	por !p0, !p0;
	s26 =	sor.u32 $0x190, s0;
	v3 =	vld [tilespmem:s3+$0x0];
	s3 =	simm.s32 $0x1  }
0x182: {  	s3 =	simm.s32 @!p0 $0x0;
	v5 =	vld [tilespmem:s26+$0x0]  }
0x183: {  	s0 =	sor.u32 $0x1A0, s0;
	s26 =	sshll.u32 s3, $0x6  }
0x184: {  	v1 =	vld [tilespmem:s0+$0x0];
	s1 =	sadd.s32 $0x100, s26  }
0x185: {  	v0 =	vimm.f32 $0.0e+00;
	s3 =	sor.u32 $0x1B0, s1  }
0x186: {  	s30 =	simm.s32 $0x80;
	s31 =	simm.s32 $0x100;
	s26 =	sor.u32 $0x180, s1;
	v2 =	vadd.f32 v2, v0;
	v4 =	vld [tilespmem:s3+$0x0]  }
0x187: {  	p0 =	por !p0, !p0;
	s0 =	sor.u32 $0x190, s1;
	s1 =	sor.u32 $0x1A0, s1;
	v3 =	vadd.f32 v3, v0;
	v6 =	vld [tilespmem:s26+$0x0];
	v5 =	vadd.f32 v5, v0  }
.LBB2_40:
0x188: {  	s3 =	simm.s32 $0x1  }
0x189: {  	p1 =	sne.s32 s30, $0x1FC0;
	s30 =	sadd.s32 $0x40, s30;
	v7 =	vld [tilespmem:s0+$0x0];
	v0 =	vadd.f32 v1, v0;
	s3 =	simm.s32 @!p0 $0x0  }
.Ltmp19:
0x18a: {  	s31 =	sadd.s32 $0x100, s31;
	s0 =	sshll.u32 s3, $0x6;
	v1 =	vld [tilespmem:s1+$0x0];
	(pc) =	sbr.rel @p1 .LBB2_40-.Ltmp19, $4  }
0x18b: {  	s1 =	sadd.s32 s0, s31  }
0x18c: {  	v2 =	vadd.f32 v4, v2;
	s3 =	sor.u32 $0x180, s1;
	s0 =	sor.u32 $0x190, s1;
	s26 =	sor.u32 $0x1B0, s1  }
0x18d: {  	s1 =	sor.u32 $0x1A0, s1;
	v3 =	vadd.f32 v6, v3;
	v4 =	vld [tilespmem:s26+$0x0]  }
0x18e: {  	p0 =	por !p0, !p0;
	v5 =	vadd.f32 v7, v5;
	v6 =	vld [tilespmem:s3+$0x0]  }
0x18f: {  	v7 =	vld [tilespmem:s0+$0x0]  }
0x190: {  	v8 =	vld [tilespmem:s1+$0x0];
	_ =	sdelay $0x2  }
0x191: {  	v0 =	vadd.f32 v1, v0  }
0x192: {  	v1 =	vadd.f32 v4, v2;
	v2 =	vadd.f32 v6, v3  }
0x193: {  	v3 =	vadd.f32 v7, v5;
	v0 =	vadd.f32 v8, v0;
	_ =	sdelay $0x1  }
0x194: {  	v2 =	vadd.f32 v3, v2;
	v0 =	vadd.f32 v1, v0;
	_ =	sdelay $0x1  }
0x195: {  	v0 =	vadd.f32 v0, v2;
	_ =	sdelay $0x1  }
0x196: {  	s30 =	simm.s32 $0x0;
	[tilespmem:$0x10980] =	vst v0  }
0x197: {  	[tilespmem:s30], [sflag:$0x1] =	stream.strided.gather [hbm4b:s9+s21], $0x8000, s22, s21, $0x38;
	[tilespmem:$0x12000] =	vst v63  }
0x198: {  	_ =	swait.ge [sflag:s25], $0x8000  }
0x199: {  	s3 =	sand.u32 $0x40, s30;
	s26 =	sand.u32 $0x7E00, s30;
	[sflag:s25] =	ssyncset.done $0x0  }
0x19a: {  	s0 =	sor.u32 s3, s26;
	[sflag:s25] =	ssyncadd.s32 $0xFFFF8000  }
0x19b: {  	v1 =	vld [tilespmem:s0+$0x8030]  }
0x19c: {  	v4 =	vimm.f32 $0.0e+00;
	v2 =	vld [tilespmem:s0+$0x8000]  }
0x19d: {  	s31 =	simm.s32 $0x40;
	v6 =	vimm.f32 $0.0e+00;
	v3 =	vimm.f32 $0.0e+00;
	v0 =	vimm.f32 $0.0e+00;
	v5 =	vld [tilespmem:s0+$0x8010]  }
.LBB2_42:
0x19e: {  	s1 =	sand.u32 $0x40, s31;
	v7 =	vld [tilespmem:s0+$0x8020];
	s30 =	sadd.s32 $0x100, s30;
	p0 =	sne.s32 s31, $0x1FC0  }
.Ltmp20:
0x19f: {  	s31 =	sadd.s32 $0x40, s31;
	s0 =	sand.u32 $0x7E00, s30;
	(pc) =	sbr.rel @p0 .LBB2_42-.Ltmp20, $4  }
0x1a0: {  	s0 =	sor.u32 s1, s0;
	v0 =	vadd.f32 v1, v0  }
0x1a1: {  	v1 =	vld [tilespmem:s0+$0x8030];
	v3 =	vadd.f32 v2, v3  }
0x1a2: {  	v2 =	vld [tilespmem:s0+$0x8000];
	v4 =	vadd.f32 v5, v4  }
0x1a3: {  	v5 =	vld [tilespmem:s0+$0x8010];
	v6 =	vadd.f32 v7, v6  }
0x1a4: {  	v7 =	vld [tilespmem:s0+$0x8020];
	_ =	sdelay $0x3  }
0x1a5: {  	v0 =	vadd.f32 v1, v0;
	v1 =	vadd.f32 v2, v3  }
0x1a6: {  	v2 =	vadd.f32 v5, v4;
	v3 =	vadd.f32 v7, v6;
	_ =	sdelay $0x1  }
0x1a7: {  	v1 =	vadd.f32 v2, v1;
	v0 =	vadd.f32 v0, v3;
	_ =	sdelay $0x1  }
0x1a8: {  	s30 =	simm.s32 $0x0;
	v0 =	vadd.f32 v0, v1  }
0x1a9: {  	s26 =	sand.u32 $0x40, s30;
	s1 =	sand.u32 $0x7E00, s30  }
0x1aa: {  	s0 =	sor.u32 s26, s1;
	[tilespmem:$0x10A00] =	vst v0  }
0x1ab: {  	v1 =	vld [tilespmem:s0+$0x80B0]  }
0x1ac: {  	v4 =	vimm.f32 $0.0e+00;
	v2 =	vld [tilespmem:s0+$0x8080]  }
0x1ad: {  	s31 =	simm.s32 $0x40;
	v6 =	vimm.f32 $0.0e+00;
	v3 =	vimm.f32 $0.0e+00;
	v0 =	vimm.f32 $0.0e+00;
	v5 =	vld [tilespmem:s0+$0x8090]  }
.LBB2_44:
0x1ae: {  	s1 =	sand.u32 $0x40, s31;
	v7 =	vld [tilespmem:s0+$0x80A0];
	s30 =	sadd.s32 $0x100, s30;
	p0 =	sne.s32 s31, $0x1FC0  }
.Ltmp21:
0x1af: {  	s31 =	sadd.s32 $0x40, s31;
	s0 =	sand.u32 $0x7E00, s30;
	(pc) =	sbr.rel @p0 .LBB2_44-.Ltmp21, $4  }
0x1b0: {  	s0 =	sor.u32 s1, s0;
	v0 =	vadd.f32 v1, v0  }
0x1b1: {  	v1 =	vld [tilespmem:s0+$0x80B0];
	v3 =	vadd.f32 v2, v3  }
0x1b2: {  	v2 =	vld [tilespmem:s0+$0x8080];
	v4 =	vadd.f32 v5, v4  }
0x1b3: {  	v5 =	vld [tilespmem:s0+$0x8090];
	v6 =	vadd.f32 v7, v6  }
0x1b4: {  	v7 =	vld [tilespmem:s0+$0x80A0];
	_ =	sdelay $0x3  }
0x1b5: {  	v0 =	vadd.f32 v1, v0;
	v1 =	vadd.f32 v2, v3  }
0x1b6: {  	v2 =	vadd.f32 v5, v4;
	v3 =	vadd.f32 v7, v6;
	_ =	sdelay $0x1  }
0x1b7: {  	v1 =	vadd.f32 v2, v1;
	v0 =	vadd.f32 v0, v3;
	_ =	sdelay $0x1  }
0x1b8: {  	s30 =	simm.s32 $0x0;
	v0 =	vadd.f32 v0, v1  }
0x1b9: {  	s26 =	sand.u32 $0x40, s30;
	s1 =	sand.u32 $0x7E00, s30  }
0x1ba: {  	s0 =	sor.u32 s26, s1;
	[tilespmem:$0x10A80] =	vst v0  }
0x1bb: {  	v1 =	vld [tilespmem:s0+$0x8130]  }
0x1bc: {  	v4 =	vimm.f32 $0.0e+00;
	v2 =	vld [tilespmem:s0+$0x8100]  }
0x1bd: {  	s31 =	simm.s32 $0x40;
	v6 =	vimm.f32 $0.0e+00;
	v3 =	vimm.f32 $0.0e+00;
	v0 =	vimm.f32 $0.0e+00;
	v5 =	vld [tilespmem:s0+$0x8110]  }
.LBB2_46:
0x1be: {  	s1 =	sand.u32 $0x40, s31;
	v7 =	vld [tilespmem:s0+$0x8120];
	s30 =	sadd.s32 $0x100, s30;
	p0 =	sne.s32 s31, $0x1FC0  }
.Ltmp22:
0x1bf: {  	s31 =	sadd.s32 $0x40, s31;
	s0 =	sand.u32 $0x7E00, s30;
	(pc) =	sbr.rel @p0 .LBB2_46-.Ltmp22, $4  }
0x1c0: {  	s0 =	sor.u32 s1, s0;
	v0 =	vadd.f32 v1, v0  }
0x1c1: {  	v1 =	vld [tilespmem:s0+$0x8130];
	v3 =	vadd.f32 v2, v3  }
0x1c2: {  	v2 =	vld [tilespmem:s0+$0x8100];
	v4 =	vadd.f32 v5, v4  }
0x1c3: {  	v5 =	vld [tilespmem:s0+$0x8110];
	v6 =	vadd.f32 v7, v6  }
0x1c4: {  	v7 =	vld [tilespmem:s0+$0x8120];
	_ =	sdelay $0x3  }
0x1c5: {  	v0 =	vadd.f32 v1, v0;
	v1 =	vadd.f32 v2, v3  }
0x1c6: {  	v2 =	vadd.f32 v5, v4;
	v3 =	vadd.f32 v7, v6;
	_ =	sdelay $0x1  }
0x1c7: {  	v1 =	vadd.f32 v2, v1;
	v0 =	vadd.f32 v0, v3;
	_ =	sdelay $0x1  }
0x1c8: {  	s30 =	simm.s32 $0x0;
	v0 =	vadd.f32 v0, v1  }
0x1c9: {  	s26 =	sand.u32 $0x40, s30;
	s1 =	sand.u32 $0x7E00, s30  }
0x1ca: {  	s0 =	sor.u32 s26, s1;
	[tilespmem:$0x10B00] =	vst v0  }
0x1cb: {  	v1 =	vld [tilespmem:s0+$0x81B0]  }
0x1cc: {  	v4 =	vimm.f32 $0.0e+00;
	v2 =	vld [tilespmem:s0+$0x8180]  }
0x1cd: {  	s31 =	simm.s32 $0x40;
	v6 =	vimm.f32 $0.0e+00;
	v3 =	vimm.f32 $0.0e+00;
	v0 =	vimm.f32 $0.0e+00;
	v5 =	vld [tilespmem:s0+$0x8190]  }
.LBB2_48:
0x1ce: {  	s1 =	sand.u32 $0x40, s31;
	v7 =	vld [tilespmem:s0+$0x81A0];
	s30 =	sadd.s32 $0x100, s30;
	p0 =	sne.s32 s31, $0x1FC0  }
.Ltmp23:
0x1cf: {  	s31 =	sadd.s32 $0x40, s31;
	s0 =	sand.u32 $0x7E00, s30;
	(pc) =	sbr.rel @p0 .LBB2_48-.Ltmp23, $4  }
0x1d0: {  	s0 =	sor.u32 s1, s0;
	v0 =	vadd.f32 v1, v0  }
0x1d1: {  	v1 =	vld [tilespmem:s0+$0x81B0];
	v3 =	vadd.f32 v2, v3  }
0x1d2: {  	v2 =	vld [tilespmem:s0+$0x8180];
	v4 =	vadd.f32 v5, v4  }
0x1d3: {  	v5 =	vld [tilespmem:s0+$0x8190];
	v6 =	vadd.f32 v7, v6  }
0x1d4: {  	v7 =	vld [tilespmem:s0+$0x81A0];
	_ =	sdelay $0x3  }
0x1d5: {  	v0 =	vadd.f32 v1, v0;
	v1 =	vadd.f32 v2, v3  }
0x1d6: {  	v2 =	vadd.f32 v5, v4;
	v3 =	vadd.f32 v7, v6;
	_ =	sdelay $0x1  }
0x1d7: {  	v1 =	vadd.f32 v2, v1;
	v0 =	vadd.f32 v0, v3;
	_ =	sdelay $0x1  }
0x1d8: {  	v0 =	vadd.f32 v0, v1;
	_ =	sdelay $0x1  }
0x1d9: {  	[tilespmem:$0x10B80] =	vst v0  }
0x1da: {  	[tilespmem:s23], [sflag:$0x2] =	stream.strided.gather [hbm4b:s10+s21], $0x8000, s22, s21, $0x38;
	[tilespmem:$0x12000] =	vst v63  }
0x1db: {  	s30 =	simm.s32 $0x0;
	_ =	swait.ge [sflag:s24], $0x8000  }
0x1dc: {  	s26 =	sand.u32 $0x40, s30;
	s1 =	sand.u32 $0x7E00, s30;
	[sflag:s24] =	ssyncset.done $0x0  }
0x1dd: {  	s0 =	sor.u32 s26, s1;
	[sflag:s24] =	ssyncadd.s32 $0xFFFF8000  }
0x1de: {  	v1 =	vld [tilespmem:s0+$0x30]  }
0x1df: {  	v4 =	vimm.f32 $0.0e+00;
	v2 =	vld [tilespmem:s0+$0x0]  }
0x1e0: {  	s31 =	simm.s32 $0x40;
	v6 =	vimm.f32 $0.0e+00;
	v3 =	vimm.f32 $0.0e+00;
	v0 =	vimm.f32 $0.0e+00;
	v5 =	vld [tilespmem:s0+$0x10]  }
.LBB2_50:
0x1e1: {  	s1 =	sand.u32 $0x40, s31;
	v7 =	vld [tilespmem:s0+$0x20];
	s30 =	sadd.s32 $0x100, s30;
	p0 =	sne.s32 s31, $0x1FC0  }
.Ltmp24:
0x1e2: {  	s31 =	sadd.s32 $0x40, s31;
	s0 =	sand.u32 $0x7E00, s30;
	(pc) =	sbr.rel @p0 .LBB2_50-.Ltmp24, $4  }
0x1e3: {  	s0 =	sor.u32 s1, s0;
	v0 =	vadd.f32 v1, v0  }
0x1e4: {  	v1 =	vld [tilespmem:s0+$0x30];
	v3 =	vadd.f32 v2, v3  }
0x1e5: {  	v2 =	vld [tilespmem:s0+$0x0];
	v4 =	vadd.f32 v5, v4  }
0x1e6: {  	v5 =	vld [tilespmem:s0+$0x10];
	v6 =	vadd.f32 v7, v6  }
0x1e7: {  	v7 =	vld [tilespmem:s0+$0x20];
	_ =	sdelay $0x3  }
0x1e8: {  	v0 =	vadd.f32 v1, v0;
	v1 =	vadd.f32 v2, v3  }
0x1e9: {  	v2 =	vadd.f32 v5, v4;
	v3 =	vadd.f32 v7, v6;
	_ =	sdelay $0x1  }
0x1ea: {  	v1 =	vadd.f32 v2, v1;
	v0 =	vadd.f32 v0, v3;
	_ =	sdelay $0x1  }
0x1eb: {  	s30 =	simm.s32 $0x0;
	v0 =	vadd.f32 v0, v1  }
0x1ec: {  	s26 =	sand.u32 $0x40, s30;
	s1 =	sand.u32 $0x7E00, s30  }
0x1ed: {  	s0 =	sor.u32 s26, s1;
	[tilespmem:$0x10C00] =	vst v0  }
0x1ee: {  	v1 =	vld [tilespmem:s0+$0xB0]  }
0x1ef: {  	v4 =	vimm.f32 $0.0e+00;
	v2 =	vld [tilespmem:s0+$0x80]  }
0x1f0: {  	s31 =	simm.s32 $0x40;
	v6 =	vimm.f32 $0.0e+00;
	v3 =	vimm.f32 $0.0e+00;
	v0 =	vimm.f32 $0.0e+00;
	v5 =	vld [tilespmem:s0+$0x90]  }
.LBB2_52:
0x1f1: {  	s1 =	sand.u32 $0x40, s31;
	v7 =	vld [tilespmem:s0+$0xA0];
	s30 =	sadd.s32 $0x100, s30;
	p0 =	sne.s32 s31, $0x1FC0  }
.Ltmp25:
0x1f2: {  	s31 =	sadd.s32 $0x40, s31;
	s0 =	sand.u32 $0x7E00, s30;
	(pc) =	sbr.rel @p0 .LBB2_52-.Ltmp25, $4  }
0x1f3: {  	s0 =	sor.u32 s1, s0;
	v0 =	vadd.f32 v1, v0  }
0x1f4: {  	v1 =	vld [tilespmem:s0+$0xB0];
	v3 =	vadd.f32 v2, v3  }
0x1f5: {  	v2 =	vld [tilespmem:s0+$0x80];
	v4 =	vadd.f32 v5, v4  }
0x1f6: {  	v5 =	vld [tilespmem:s0+$0x90];
	v6 =	vadd.f32 v7, v6  }
0x1f7: {  	v7 =	vld [tilespmem:s0+$0xA0];
	_ =	sdelay $0x3  }
0x1f8: {  	v0 =	vadd.f32 v1, v0;
	v1 =	vadd.f32 v2, v3  }
0x1f9: {  	v2 =	vadd.f32 v5, v4;
	v3 =	vadd.f32 v7, v6;
	_ =	sdelay $0x1  }
0x1fa: {  	p0 =	por $0x0, $0x0;
	s0 =	simm.s32 $0x1;
	v1 =	vadd.f32 v2, v1;
	v0 =	vadd.f32 v0, v3  }
0x1fb: {  	s0 =	simm.s32 @!p0 $0x0  }
0x1fc: {  	s0 =	sshll.u32 s0, $0x6;
	v0 =	vadd.f32 v0, v1  }
0x1fd: {  	s0 =	sadd.s32 $0x0, s0  }
0x1fe: {  	s1 =	sor.u32 $0x130, s0;
	[tilespmem:$0x10C80] =	vst v0  }
0x1ff: {  	s3 =	sor.u32 $0x100, s0;
	v2 =	vld [tilespmem:s1+$0x0]  }
0x200: {  	p0 =	por !p0, !p0;
	s26 =	sor.u32 $0x110, s0;
	v3 =	vld [tilespmem:s3+$0x0];
	s3 =	simm.s32 $0x1  }
0x201: {  	v5 =	vld [tilespmem:s26+$0x0];
	s3 =	simm.s32 @!p0 $0x0  }
0x202: {  	s0 =	sor.u32 $0x120, s0;
	s26 =	sshll.u32 s3, $0x6  }
0x203: {  	v1 =	vld [tilespmem:s0+$0x0];
	s1 =	sadd.s32 $0x100, s26  }
0x204: {  	v0 =	vimm.f32 $0.0e+00;
	s3 =	sor.u32 $0x130, s1  }
0x205: {  	s30 =	simm.s32 $0x80;
	s31 =	simm.s32 $0x100;
	s26 =	sor.u32 $0x100, s1;
	v2 =	vadd.f32 v2, v0;
	v4 =	vld [tilespmem:s3+$0x0]  }
0x206: {  	p0 =	por !p0, !p0;
	s0 =	sor.u32 $0x110, s1;
	s1 =	sor.u32 $0x120, s1;
	v3 =	vadd.f32 v3, v0;
	v6 =	vld [tilespmem:s26+$0x0];
	v5 =	vadd.f32 v5, v0  }
.LBB2_54:
0x207: {  	s3 =	simm.s32 $0x1  }
0x208: {  	p1 =	sne.s32 s30, $0x1FC0;
	s30 =	sadd.s32 $0x40, s30;
	v7 =	vld [tilespmem:s0+$0x0];
	v0 =	vadd.f32 v1, v0;
	s3 =	simm.s32 @!p0 $0x0  }
.Ltmp26:
0x209: {  	s31 =	sadd.s32 $0x100, s31;
	s0 =	sshll.u32 s3, $0x6;
	v1 =	vld [tilespmem:s1+$0x0];
	(pc) =	sbr.rel @p1 .LBB2_54-.Ltmp26, $4  }
0x20a: {  	s1 =	sadd.s32 s0, s31  }
0x20b: {  	v2 =	vadd.f32 v4, v2;
	s3 =	sor.u32 $0x100, s1;
	s0 =	sor.u32 $0x110, s1;
	s26 =	sor.u32 $0x130, s1  }
0x20c: {  	s1 =	sor.u32 $0x120, s1;
	v3 =	vadd.f32 v6, v3;
	v4 =	vld [tilespmem:s26+$0x0]  }
0x20d: {  	p0 =	por !p0, !p0;
	v5 =	vadd.f32 v7, v5;
	v6 =	vld [tilespmem:s3+$0x0]  }
0x20e: {  	v7 =	vld [tilespmem:s0+$0x0]  }
0x20f: {  	v8 =	vld [tilespmem:s1+$0x0];
	_ =	sdelay $0x2  }
0x210: {  	v0 =	vadd.f32 v1, v0  }
0x211: {  	v1 =	vadd.f32 v4, v2;
	v2 =	vadd.f32 v6, v3  }
0x212: {  	v3 =	vadd.f32 v7, v5;
	v0 =	vadd.f32 v8, v0;
	_ =	sdelay $0x1  }
0x213: {  	p0 =	por $0x0, $0x0;
	s0 =	simm.s32 $0x1;
	v2 =	vadd.f32 v3, v2;
	v0 =	vadd.f32 v1, v0  }
0x214: {  	s0 =	simm.s32 @!p0 $0x0  }
0x215: {  	s0 =	sshll.u32 s0, $0x6;
	v0 =	vadd.f32 v0, v2  }
0x216: {  	s0 =	sadd.s32 $0x0, s0  }
0x217: {  	s26 =	sor.u32 $0x1B0, s0;
	[tilespmem:$0x10D00] =	vst v0  }
0x218: {  	s3 =	sor.u32 $0x180, s0;
	v2 =	vld [tilespmem:s26+$0x0]  }
0x219: {  	p0 =	por !p0, !p0;
	s26 =	sor.u32 $0x190, s0;
	v3 =	vld [tilespmem:s3+$0x0];
	s3 =	simm.s32 $0x1  }
0x21a: {  	s3 =	simm.s32 @!p0 $0x0;
	v5 =	vld [tilespmem:s26+$0x0]  }
0x21b: {  	s0 =	sor.u32 $0x1A0, s0;
	s26 =	sshll.u32 s3, $0x6  }
0x21c: {  	v1 =	vld [tilespmem:s0+$0x0];
	s1 =	sadd.s32 $0x100, s26  }
0x21d: {  	v0 =	vimm.f32 $0.0e+00;
	s3 =	sor.u32 $0x1B0, s1  }
0x21e: {  	s30 =	simm.s32 $0x80;
	s31 =	simm.s32 $0x100;
	s26 =	sor.u32 $0x180, s1;
	v2 =	vadd.f32 v2, v0;
	v4 =	vld [tilespmem:s3+$0x0]  }
0x21f: {  	p0 =	por !p0, !p0;
	s0 =	sor.u32 $0x190, s1;
	s1 =	sor.u32 $0x1A0, s1;
	v3 =	vadd.f32 v3, v0;
	v6 =	vld [tilespmem:s26+$0x0];
	v5 =	vadd.f32 v5, v0  }
.LBB2_56:
0x220: {  	s3 =	simm.s32 $0x1  }
0x221: {  	p1 =	sne.s32 s30, $0x1FC0;
	s30 =	sadd.s32 $0x40, s30;
	v7 =	vld [tilespmem:s0+$0x0];
	v0 =	vadd.f32 v1, v0;
	s3 =	simm.s32 @!p0 $0x0  }
.Ltmp27:
0x222: {  	s31 =	sadd.s32 $0x100, s31;
	s0 =	sshll.u32 s3, $0x6;
	v1 =	vld [tilespmem:s1+$0x0];
	(pc) =	sbr.rel @p1 .LBB2_56-.Ltmp27, $4  }
0x223: {  	s1 =	sadd.s32 s0, s31  }
0x224: {  	v2 =	vadd.f32 v4, v2;
	s3 =	sor.u32 $0x180, s1;
	s0 =	sor.u32 $0x190, s1;
	s26 =	sor.u32 $0x1B0, s1  }
0x225: {  	s1 =	sor.u32 $0x1A0, s1;
	v3 =	vadd.f32 v6, v3;
	v4 =	vld [tilespmem:s26+$0x0]  }
0x226: {  	p0 =	por !p0, !p0;
	v5 =	vadd.f32 v7, v5;
	v6 =	vld [tilespmem:s3+$0x0]  }
0x227: {  	v7 =	vld [tilespmem:s0+$0x0]  }
0x228: {  	v8 =	vld [tilespmem:s1+$0x0];
	_ =	sdelay $0x2  }
0x229: {  	v0 =	vadd.f32 v1, v0  }
0x22a: {  	v1 =	vadd.f32 v4, v2;
	v2 =	vadd.f32 v6, v3  }
0x22b: {  	v3 =	vadd.f32 v7, v5;
	v0 =	vadd.f32 v8, v0;
	_ =	sdelay $0x1  }
0x22c: {  	v2 =	vadd.f32 v3, v2;
	v0 =	vadd.f32 v1, v0;
	_ =	sdelay $0x1  }
0x22d: {  	v0 =	vadd.f32 v0, v2;
	_ =	sdelay $0x1  }
0x22e: {  	s30 =	simm.s32 $0x0;
	[tilespmem:$0x10D80] =	vst v0  }
0x22f: {  	[tilespmem:s30], [sflag:$0x1] =	stream.strided.gather [hbm4b:s12+s21], $0x8000, s22, s21, $0x38;
	[tilespmem:$0x12000] =	vst v63  }
0x230: {  	_ =	swait.ge [sflag:s25], $0x8000  }
0x231: {  	s3 =	sand.u32 $0x40, s30;
	s26 =	sand.u32 $0x7E00, s30;
	[sflag:s25] =	ssyncset.done $0x0  }
0x232: {  	s0 =	sor.u32 s3, s26;
	[sflag:s25] =	ssyncadd.s32 $0xFFFF8000  }
0x233: {  	v1 =	vld [tilespmem:s0+$0x8030]  }
0x234: {  	v4 =	vimm.f32 $0.0e+00;
	v2 =	vld [tilespmem:s0+$0x8000]  }
0x235: {  	s31 =	simm.s32 $0x40;
	v6 =	vimm.f32 $0.0e+00;
	v3 =	vimm.f32 $0.0e+00;
	v0 =	vimm.f32 $0.0e+00;
	v5 =	vld [tilespmem:s0+$0x8010]  }
.LBB2_58:
0x236: {  	s1 =	sand.u32 $0x40, s31;
	v7 =	vld [tilespmem:s0+$0x8020];
	s30 =	sadd.s32 $0x100, s30;
	p0 =	sne.s32 s31, $0x1FC0  }
.Ltmp28:
0x237: {  	s31 =	sadd.s32 $0x40, s31;
	s0 =	sand.u32 $0x7E00, s30;
	(pc) =	sbr.rel @p0 .LBB2_58-.Ltmp28, $4  }
0x238: {  	s0 =	sor.u32 s1, s0;
	v0 =	vadd.f32 v1, v0  }
0x239: {  	v1 =	vld [tilespmem:s0+$0x8030];
	v3 =	vadd.f32 v2, v3  }
0x23a: {  	v2 =	vld [tilespmem:s0+$0x8000];
	v4 =	vadd.f32 v5, v4  }
0x23b: {  	v5 =	vld [tilespmem:s0+$0x8010];
	v6 =	vadd.f32 v7, v6  }
0x23c: {  	v7 =	vld [tilespmem:s0+$0x8020];
	_ =	sdelay $0x3  }
0x23d: {  	v0 =	vadd.f32 v1, v0;
	v1 =	vadd.f32 v2, v3  }
0x23e: {  	v2 =	vadd.f32 v5, v4;
	v3 =	vadd.f32 v7, v6;
	_ =	sdelay $0x1  }
0x23f: {  	v1 =	vadd.f32 v2, v1;
	v0 =	vadd.f32 v0, v3;
	_ =	sdelay $0x1  }
0x240: {  	s30 =	simm.s32 $0x0;
	v0 =	vadd.f32 v0, v1  }
0x241: {  	s26 =	sand.u32 $0x40, s30;
	s1 =	sand.u32 $0x7E00, s30  }
0x242: {  	s0 =	sor.u32 s26, s1;
	[tilespmem:$0x10E00] =	vst v0  }
0x243: {  	v1 =	vld [tilespmem:s0+$0x80B0]  }
0x244: {  	v4 =	vimm.f32 $0.0e+00;
	v2 =	vld [tilespmem:s0+$0x8080]  }
0x245: {  	s31 =	simm.s32 $0x40;
	v6 =	vimm.f32 $0.0e+00;
	v3 =	vimm.f32 $0.0e+00;
	v0 =	vimm.f32 $0.0e+00;
	v5 =	vld [tilespmem:s0+$0x8090]  }
.LBB2_60:
0x246: {  	s1 =	sand.u32 $0x40, s31;
	v7 =	vld [tilespmem:s0+$0x80A0];
	s30 =	sadd.s32 $0x100, s30;
	p0 =	sne.s32 s31, $0x1FC0  }
.Ltmp29:
0x247: {  	s31 =	sadd.s32 $0x40, s31;
	s0 =	sand.u32 $0x7E00, s30;
	(pc) =	sbr.rel @p0 .LBB2_60-.Ltmp29, $4  }
0x248: {  	s0 =	sor.u32 s1, s0;
	v0 =	vadd.f32 v1, v0  }
0x249: {  	v1 =	vld [tilespmem:s0+$0x80B0];
	v3 =	vadd.f32 v2, v3  }
0x24a: {  	v2 =	vld [tilespmem:s0+$0x8080];
	v4 =	vadd.f32 v5, v4  }
0x24b: {  	v5 =	vld [tilespmem:s0+$0x8090];
	v6 =	vadd.f32 v7, v6  }
0x24c: {  	v7 =	vld [tilespmem:s0+$0x80A0];
	_ =	sdelay $0x3  }
0x24d: {  	v0 =	vadd.f32 v1, v0;
	v1 =	vadd.f32 v2, v3  }
0x24e: {  	v2 =	vadd.f32 v5, v4;
	v3 =	vadd.f32 v7, v6;
	_ =	sdelay $0x1  }
0x24f: {  	v1 =	vadd.f32 v2, v1;
	v0 =	vadd.f32 v0, v3;
	_ =	sdelay $0x1  }
0x250: {  	s30 =	simm.s32 $0x0;
	v0 =	vadd.f32 v0, v1  }
0x251: {  	s26 =	sand.u32 $0x40, s30;
	s1 =	sand.u32 $0x7E00, s30  }
0x252: {  	s0 =	sor.u32 s26, s1;
	[tilespmem:$0x10E80] =	vst v0  }
0x253: {  	v1 =	vld [tilespmem:s0+$0x8130]  }
0x254: {  	v4 =	vimm.f32 $0.0e+00;
	v2 =	vld [tilespmem:s0+$0x8100]  }
0x255: {  	s31 =	simm.s32 $0x40;
	v6 =	vimm.f32 $0.0e+00;
	v3 =	vimm.f32 $0.0e+00;
	v0 =	vimm.f32 $0.0e+00;
	v5 =	vld [tilespmem:s0+$0x8110]  }
.LBB2_62:
0x256: {  	s1 =	sand.u32 $0x40, s31;
	v7 =	vld [tilespmem:s0+$0x8120];
	s30 =	sadd.s32 $0x100, s30;
	p0 =	sne.s32 s31, $0x1FC0  }
.Ltmp30:
0x257: {  	s31 =	sadd.s32 $0x40, s31;
	s0 =	sand.u32 $0x7E00, s30;
	(pc) =	sbr.rel @p0 .LBB2_62-.Ltmp30, $4  }
0x258: {  	s0 =	sor.u32 s1, s0;
	v0 =	vadd.f32 v1, v0  }
0x259: {  	v1 =	vld [tilespmem:s0+$0x8130];
	v3 =	vadd.f32 v2, v3  }
0x25a: {  	v2 =	vld [tilespmem:s0+$0x8100];
	v4 =	vadd.f32 v5, v4  }
0x25b: {  	v5 =	vld [tilespmem:s0+$0x8110];
	v6 =	vadd.f32 v7, v6  }
0x25c: {  	v7 =	vld [tilespmem:s0+$0x8120];
	_ =	sdelay $0x3  }
0x25d: {  	v0 =	vadd.f32 v1, v0;
	v1 =	vadd.f32 v2, v3  }
0x25e: {  	v2 =	vadd.f32 v5, v4;
	v3 =	vadd.f32 v7, v6;
	_ =	sdelay $0x1  }
0x25f: {  	v1 =	vadd.f32 v2, v1;
	v0 =	vadd.f32 v0, v3;
	_ =	sdelay $0x1  }
0x260: {  	s30 =	simm.s32 $0x0;
	v0 =	vadd.f32 v0, v1  }
0x261: {  	s26 =	sand.u32 $0x40, s30;
	s1 =	sand.u32 $0x7E00, s30  }
0x262: {  	s0 =	sor.u32 s26, s1;
	[tilespmem:$0x10F00] =	vst v0  }
0x263: {  	v1 =	vld [tilespmem:s0+$0x81B0]  }
0x264: {  	v4 =	vimm.f32 $0.0e+00;
	v2 =	vld [tilespmem:s0+$0x8180]  }
0x265: {  	s31 =	simm.s32 $0x40;
	v6 =	vimm.f32 $0.0e+00;
	v3 =	vimm.f32 $0.0e+00;
	v0 =	vimm.f32 $0.0e+00;
	v5 =	vld [tilespmem:s0+$0x8190]  }
.LBB2_64:
0x266: {  	s1 =	sand.u32 $0x40, s31;
	v7 =	vld [tilespmem:s0+$0x81A0];
	s30 =	sadd.s32 $0x100, s30;
	p0 =	sne.s32 s31, $0x1FC0  }
.Ltmp31:
0x267: {  	s31 =	sadd.s32 $0x40, s31;
	s0 =	sand.u32 $0x7E00, s30;
	(pc) =	sbr.rel @p0 .LBB2_64-.Ltmp31, $4  }
0x268: {  	s0 =	sor.u32 s1, s0;
	v0 =	vadd.f32 v1, v0  }
0x269: {  	v1 =	vld [tilespmem:s0+$0x81B0];
	v3 =	vadd.f32 v2, v3  }
0x26a: {  	v2 =	vld [tilespmem:s0+$0x8180];
	v4 =	vadd.f32 v5, v4  }
0x26b: {  	v5 =	vld [tilespmem:s0+$0x8190];
	v6 =	vadd.f32 v7, v6  }
0x26c: {  	v7 =	vld [tilespmem:s0+$0x81A0];
	_ =	sdelay $0x3  }
0x26d: {  	v0 =	vadd.f32 v1, v0;
	v1 =	vadd.f32 v2, v3  }
0x26e: {  	v2 =	vadd.f32 v5, v4;
	v3 =	vadd.f32 v7, v6;
	_ =	sdelay $0x1  }
0x26f: {  	v1 =	vadd.f32 v2, v1;
	v0 =	vadd.f32 v0, v3;
	_ =	sdelay $0x1  }
0x270: {  	v0 =	vadd.f32 v0, v1;
	_ =	sdelay $0x1  }
0x271: {  	[tilespmem:$0x10F80] =	vst v0  }
0x272: {  	[tilespmem:s23], [sflag:$0x2] =	stream.strided.gather [hbm4b:s11+s21], $0x8000, s22, s21, $0x38;
	[tilespmem:$0x12000] =	vst v63  }
0x273: {  	s30 =	simm.s32 $0x0;
	_ =	swait.ge [sflag:s24], $0x8000  }
0x274: {  	s26 =	sand.u32 $0x40, s30;
	s1 =	sand.u32 $0x7E00, s30;
	[sflag:s24] =	ssyncset.done $0x0  }
0x275: {  	s0 =	sor.u32 s26, s1;
	[sflag:s24] =	ssyncadd.s32 $0xFFFF8000  }
0x276: {  	v1 =	vld [tilespmem:s0+$0x30]  }
0x277: {  	v4 =	vimm.f32 $0.0e+00;
	v2 =	vld [tilespmem:s0+$0x0]  }
0x278: {  	s31 =	simm.s32 $0x40;
	v6 =	vimm.f32 $0.0e+00;
	v3 =	vimm.f32 $0.0e+00;
	v0 =	vimm.f32 $0.0e+00;
	v5 =	vld [tilespmem:s0+$0x10]  }
.LBB2_66:
0x279: {  	s1 =	sand.u32 $0x40, s31;
	v7 =	vld [tilespmem:s0+$0x20];
	s30 =	sadd.s32 $0x100, s30;
	p0 =	sne.s32 s31, $0x1FC0  }
.Ltmp32:
0x27a: {  	s31 =	sadd.s32 $0x40, s31;
	s0 =	sand.u32 $0x7E00, s30;
	(pc) =	sbr.rel @p0 .LBB2_66-.Ltmp32, $4  }
0x27b: {  	s0 =	sor.u32 s1, s0;
	v0 =	vadd.f32 v1, v0  }
0x27c: {  	v1 =	vld [tilespmem:s0+$0x30];
	v3 =	vadd.f32 v2, v3  }
0x27d: {  	v2 =	vld [tilespmem:s0+$0x0];
	v4 =	vadd.f32 v5, v4  }
0x27e: {  	v5 =	vld [tilespmem:s0+$0x10];
	v6 =	vadd.f32 v7, v6  }
0x27f: {  	v7 =	vld [tilespmem:s0+$0x20];
	_ =	sdelay $0x3  }
0x280: {  	v0 =	vadd.f32 v1, v0;
	v1 =	vadd.f32 v2, v3  }
0x281: {  	v2 =	vadd.f32 v5, v4;
	v3 =	vadd.f32 v7, v6;
	_ =	sdelay $0x1  }
0x282: {  	v1 =	vadd.f32 v2, v1;
	v0 =	vadd.f32 v0, v3;
	_ =	sdelay $0x1  }
0x283: {  	s30 =	simm.s32 $0x0;
	v0 =	vadd.f32 v0, v1  }
0x284: {  	s26 =	sand.u32 $0x40, s30;
	s1 =	sand.u32 $0x7E00, s30  }
0x285: {  	s0 =	sor.u32 s26, s1;
	[tilespmem:$0x11000] =	vst v0  }
0x286: {  	v1 =	vld [tilespmem:s0+$0xB0]  }
0x287: {  	v4 =	vimm.f32 $0.0e+00;
	v2 =	vld [tilespmem:s0+$0x80]  }
0x288: {  	s31 =	simm.s32 $0x40;
	v6 =	vimm.f32 $0.0e+00;
	v3 =	vimm.f32 $0.0e+00;
	v0 =	vimm.f32 $0.0e+00;
	v5 =	vld [tilespmem:s0+$0x90]  }
.LBB2_68:
0x289: {  	s1 =	sand.u32 $0x40, s31;
	v7 =	vld [tilespmem:s0+$0xA0];
	s30 =	sadd.s32 $0x100, s30;
	p0 =	sne.s32 s31, $0x1FC0  }
.Ltmp33:
0x28a: {  	s31 =	sadd.s32 $0x40, s31;
	s0 =	sand.u32 $0x7E00, s30;
	(pc) =	sbr.rel @p0 .LBB2_68-.Ltmp33, $4  }
0x28b: {  	s0 =	sor.u32 s1, s0;
	v0 =	vadd.f32 v1, v0  }
0x28c: {  	v1 =	vld [tilespmem:s0+$0xB0];
	v3 =	vadd.f32 v2, v3  }
0x28d: {  	v2 =	vld [tilespmem:s0+$0x80];
	v4 =	vadd.f32 v5, v4  }
0x28e: {  	v5 =	vld [tilespmem:s0+$0x90];
	v6 =	vadd.f32 v7, v6  }
0x28f: {  	v7 =	vld [tilespmem:s0+$0xA0];
	_ =	sdelay $0x3  }
0x290: {  	v0 =	vadd.f32 v1, v0;
	v1 =	vadd.f32 v2, v3  }
0x291: {  	v2 =	vadd.f32 v5, v4;
	v3 =	vadd.f32 v7, v6;
	_ =	sdelay $0x1  }
0x292: {  	p0 =	por $0x0, $0x0;
	s0 =	simm.s32 $0x1;
	v1 =	vadd.f32 v2, v1;
	v0 =	vadd.f32 v0, v3  }
0x293: {  	s0 =	simm.s32 @!p0 $0x0  }
0x294: {  	s0 =	sshll.u32 s0, $0x6;
	v0 =	vadd.f32 v0, v1  }
0x295: {  	s0 =	sadd.s32 $0x0, s0  }
0x296: {  	s1 =	sor.u32 $0x130, s0;
	[tilespmem:$0x11080] =	vst v0  }
0x297: {  	s3 =	sor.u32 $0x100, s0;
	v2 =	vld [tilespmem:s1+$0x0]  }
0x298: {  	p0 =	por !p0, !p0;
	s26 =	sor.u32 $0x110, s0;
	v3 =	vld [tilespmem:s3+$0x0];
	s3 =	simm.s32 $0x1  }
0x299: {  	v5 =	vld [tilespmem:s26+$0x0];
	s3 =	simm.s32 @!p0 $0x0  }
0x29a: {  	s0 =	sor.u32 $0x120, s0;
	s26 =	sshll.u32 s3, $0x6  }
0x29b: {  	v1 =	vld [tilespmem:s0+$0x0];
	s1 =	sadd.s32 $0x100, s26  }
0x29c: {  	v0 =	vimm.f32 $0.0e+00;
	s3 =	sor.u32 $0x130, s1  }
0x29d: {  	s30 =	simm.s32 $0x80;
	s31 =	simm.s32 $0x100;
	s26 =	sor.u32 $0x100, s1;
	v2 =	vadd.f32 v2, v0;
	v4 =	vld [tilespmem:s3+$0x0]  }
0x29e: {  	p0 =	por !p0, !p0;
	s0 =	sor.u32 $0x110, s1;
	s1 =	sor.u32 $0x120, s1;
	v3 =	vadd.f32 v3, v0;
	v6 =	vld [tilespmem:s26+$0x0];
	v5 =	vadd.f32 v5, v0  }
.LBB2_70:
0x29f: {  	s3 =	simm.s32 $0x1  }
0x2a0: {  	p1 =	sne.s32 s30, $0x1FC0;
	s30 =	sadd.s32 $0x40, s30;
	v7 =	vld [tilespmem:s0+$0x0];
	v0 =	vadd.f32 v1, v0;
	s3 =	simm.s32 @!p0 $0x0  }
.Ltmp34:
0x2a1: {  	s31 =	sadd.s32 $0x100, s31;
	s0 =	sshll.u32 s3, $0x6;
	v1 =	vld [tilespmem:s1+$0x0];
	(pc) =	sbr.rel @p1 .LBB2_70-.Ltmp34, $4  }
0x2a2: {  	s1 =	sadd.s32 s0, s31  }
0x2a3: {  	v2 =	vadd.f32 v4, v2;
	s3 =	sor.u32 $0x100, s1;
	s0 =	sor.u32 $0x110, s1;
	s26 =	sor.u32 $0x130, s1  }
0x2a4: {  	s1 =	sor.u32 $0x120, s1;
	v3 =	vadd.f32 v6, v3;
	v4 =	vld [tilespmem:s26+$0x0]  }
0x2a5: {  	p0 =	por !p0, !p0;
	v5 =	vadd.f32 v7, v5;
	v6 =	vld [tilespmem:s3+$0x0]  }
0x2a6: {  	v7 =	vld [tilespmem:s0+$0x0]  }
0x2a7: {  	v8 =	vld [tilespmem:s1+$0x0];
	_ =	sdelay $0x2  }
0x2a8: {  	v0 =	vadd.f32 v1, v0  }
0x2a9: {  	v1 =	vadd.f32 v4, v2;
	v2 =	vadd.f32 v6, v3  }
0x2aa: {  	v3 =	vadd.f32 v7, v5;
	v0 =	vadd.f32 v8, v0;
	_ =	sdelay $0x1  }
0x2ab: {  	p0 =	por $0x0, $0x0;
	s0 =	simm.s32 $0x1;
	v2 =	vadd.f32 v3, v2;
	v0 =	vadd.f32 v1, v0  }
0x2ac: {  	s0 =	simm.s32 @!p0 $0x0  }
0x2ad: {  	s0 =	sshll.u32 s0, $0x6;
	v0 =	vadd.f32 v0, v2  }
0x2ae: {  	s0 =	sadd.s32 $0x0, s0  }
0x2af: {  	s26 =	sor.u32 $0x1B0, s0;
	[tilespmem:$0x11100] =	vst v0  }
0x2b0: {  	s3 =	sor.u32 $0x180, s0;
	v2 =	vld [tilespmem:s26+$0x0]  }
0x2b1: {  	p0 =	por !p0, !p0;
	s26 =	sor.u32 $0x190, s0;
	v3 =	vld [tilespmem:s3+$0x0];
	s3 =	simm.s32 $0x1  }
0x2b2: {  	s3 =	simm.s32 @!p0 $0x0;
	v5 =	vld [tilespmem:s26+$0x0]  }
0x2b3: {  	s0 =	sor.u32 $0x1A0, s0;
	s26 =	sshll.u32 s3, $0x6  }
0x2b4: {  	v1 =	vld [tilespmem:s0+$0x0];
	s1 =	sadd.s32 $0x100, s26  }
0x2b5: {  	v0 =	vimm.f32 $0.0e+00;
	s3 =	sor.u32 $0x1B0, s1  }
0x2b6: {  	s30 =	simm.s32 $0x80;
	s31 =	simm.s32 $0x100;
	s26 =	sor.u32 $0x180, s1;
	v2 =	vadd.f32 v2, v0;
	v4 =	vld [tilespmem:s3+$0x0]  }
0x2b7: {  	p0 =	por !p0, !p0;
	s0 =	sor.u32 $0x190, s1;
	s1 =	sor.u32 $0x1A0, s1;
	v3 =	vadd.f32 v3, v0;
	v6 =	vld [tilespmem:s26+$0x0];
	v5 =	vadd.f32 v5, v0  }
.LBB2_72:
0x2b8: {  	s3 =	simm.s32 $0x1  }
0x2b9: {  	p1 =	sne.s32 s30, $0x1FC0;
	s30 =	sadd.s32 $0x40, s30;
	v7 =	vld [tilespmem:s0+$0x0];
	v0 =	vadd.f32 v1, v0;
	s3 =	simm.s32 @!p0 $0x0  }
.Ltmp35:
0x2ba: {  	s31 =	sadd.s32 $0x100, s31;
	s0 =	sshll.u32 s3, $0x6;
	v1 =	vld [tilespmem:s1+$0x0];
	(pc) =	sbr.rel @p1 .LBB2_72-.Ltmp35, $4  }
0x2bb: {  	s1 =	sadd.s32 s0, s31  }
0x2bc: {  	v2 =	vadd.f32 v4, v2;
	s3 =	sor.u32 $0x180, s1;
	s0 =	sor.u32 $0x190, s1;
	s26 =	sor.u32 $0x1B0, s1  }
0x2bd: {  	s1 =	sor.u32 $0x1A0, s1;
	v3 =	vadd.f32 v6, v3;
	v4 =	vld [tilespmem:s26+$0x0]  }
0x2be: {  	p0 =	por !p0, !p0;
	v5 =	vadd.f32 v7, v5;
	v6 =	vld [tilespmem:s3+$0x0]  }
0x2bf: {  	v7 =	vld [tilespmem:s0+$0x0]  }
0x2c0: {  	v8 =	vld [tilespmem:s1+$0x0];
	_ =	sdelay $0x2  }
0x2c1: {  	v0 =	vadd.f32 v1, v0  }
0x2c2: {  	v1 =	vadd.f32 v4, v2;
	v2 =	vadd.f32 v6, v3  }
0x2c3: {  	v3 =	vadd.f32 v7, v5;
	v0 =	vadd.f32 v8, v0;
	_ =	sdelay $0x1  }
0x2c4: {  	v2 =	vadd.f32 v3, v2;
	v0 =	vadd.f32 v1, v0;
	_ =	sdelay $0x1  }
0x2c5: {  	v0 =	vadd.f32 v0, v2;
	_ =	sdelay $0x1  }
0x2c6: {  	s30 =	simm.s32 $0x0;
	[tilespmem:$0x11180] =	vst v0  }
0x2c7: {  	[tilespmem:s30], [sflag:$0x1] =	stream.strided.gather [hbm4b:s13+s21], $0x8000, s22, s21, $0x38;
	[tilespmem:$0x12000] =	vst v63  }
0x2c8: {  	_ =	swait.ge [sflag:s25], $0x8000  }
0x2c9: {  	s3 =	sand.u32 $0x40, s30;
	s26 =	sand.u32 $0x7E00, s30;
	[sflag:s25] =	ssyncset.done $0x0  }
0x2ca: {  	s0 =	sor.u32 s3, s26;
	[sflag:s25] =	ssyncadd.s32 $0xFFFF8000  }
0x2cb: {  	v1 =	vld [tilespmem:s0+$0x8030]  }
0x2cc: {  	v4 =	vimm.f32 $0.0e+00;
	v2 =	vld [tilespmem:s0+$0x8000]  }
0x2cd: {  	s31 =	simm.s32 $0x40;
	v6 =	vimm.f32 $0.0e+00;
	v3 =	vimm.f32 $0.0e+00;
	v0 =	vimm.f32 $0.0e+00;
	v5 =	vld [tilespmem:s0+$0x8010]  }
.LBB2_74:
0x2ce: {  	s1 =	sand.u32 $0x40, s31;
	v7 =	vld [tilespmem:s0+$0x8020];
	s30 =	sadd.s32 $0x100, s30;
	p0 =	sne.s32 s31, $0x1FC0  }
.Ltmp36:
0x2cf: {  	s31 =	sadd.s32 $0x40, s31;
	s0 =	sand.u32 $0x7E00, s30;
	(pc) =	sbr.rel @p0 .LBB2_74-.Ltmp36, $4  }
0x2d0: {  	s0 =	sor.u32 s1, s0;
	v0 =	vadd.f32 v1, v0  }
0x2d1: {  	v1 =	vld [tilespmem:s0+$0x8030];
	v3 =	vadd.f32 v2, v3  }
0x2d2: {  	v2 =	vld [tilespmem:s0+$0x8000];
	v4 =	vadd.f32 v5, v4  }
0x2d3: {  	v5 =	vld [tilespmem:s0+$0x8010];
	v6 =	vadd.f32 v7, v6  }
0x2d4: {  	v7 =	vld [tilespmem:s0+$0x8020];
	_ =	sdelay $0x3  }
0x2d5: {  	v0 =	vadd.f32 v1, v0;
	v1 =	vadd.f32 v2, v3  }
0x2d6: {  	v2 =	vadd.f32 v5, v4;
	v3 =	vadd.f32 v7, v6;
	_ =	sdelay $0x1  }
0x2d7: {  	v1 =	vadd.f32 v2, v1;
	v0 =	vadd.f32 v0, v3;
	_ =	sdelay $0x1  }
0x2d8: {  	s30 =	simm.s32 $0x0;
	v0 =	vadd.f32 v0, v1  }
0x2d9: {  	s26 =	sand.u32 $0x40, s30;
	s1 =	sand.u32 $0x7E00, s30  }
0x2da: {  	s0 =	sor.u32 s26, s1;
	[tilespmem:$0x11200] =	vst v0  }
0x2db: {  	v1 =	vld [tilespmem:s0+$0x80B0]  }
0x2dc: {  	v4 =	vimm.f32 $0.0e+00;
	v2 =	vld [tilespmem:s0+$0x8080]  }
0x2dd: {  	s31 =	simm.s32 $0x40;
	v6 =	vimm.f32 $0.0e+00;
	v3 =	vimm.f32 $0.0e+00;
	v0 =	vimm.f32 $0.0e+00;
	v5 =	vld [tilespmem:s0+$0x8090]  }
.LBB2_76:
0x2de: {  	s1 =	sand.u32 $0x40, s31;
	v7 =	vld [tilespmem:s0+$0x80A0];
	s30 =	sadd.s32 $0x100, s30;
	p0 =	sne.s32 s31, $0x1FC0  }
.Ltmp37:
0x2df: {  	s31 =	sadd.s32 $0x40, s31;
	s0 =	sand.u32 $0x7E00, s30;
	(pc) =	sbr.rel @p0 .LBB2_76-.Ltmp37, $4  }
0x2e0: {  	s0 =	sor.u32 s1, s0;
	v0 =	vadd.f32 v1, v0  }
0x2e1: {  	v1 =	vld [tilespmem:s0+$0x80B0];
	v3 =	vadd.f32 v2, v3  }
0x2e2: {  	v2 =	vld [tilespmem:s0+$0x8080];
	v4 =	vadd.f32 v5, v4  }
0x2e3: {  	v5 =	vld [tilespmem:s0+$0x8090];
	v6 =	vadd.f32 v7, v6  }
0x2e4: {  	v7 =	vld [tilespmem:s0+$0x80A0];
	_ =	sdelay $0x3  }
0x2e5: {  	v0 =	vadd.f32 v1, v0;
	v1 =	vadd.f32 v2, v3  }
0x2e6: {  	v2 =	vadd.f32 v5, v4;
	v3 =	vadd.f32 v7, v6;
	_ =	sdelay $0x1  }
0x2e7: {  	v1 =	vadd.f32 v2, v1;
	v0 =	vadd.f32 v0, v3;
	_ =	sdelay $0x1  }
0x2e8: {  	s30 =	simm.s32 $0x0;
	v0 =	vadd.f32 v0, v1  }
0x2e9: {  	s26 =	sand.u32 $0x40, s30;
	s1 =	sand.u32 $0x7E00, s30  }
0x2ea: {  	s0 =	sor.u32 s26, s1;
	[tilespmem:$0x11280] =	vst v0  }
0x2eb: {  	v1 =	vld [tilespmem:s0+$0x8130]  }
0x2ec: {  	v4 =	vimm.f32 $0.0e+00;
	v2 =	vld [tilespmem:s0+$0x8100]  }
0x2ed: {  	s31 =	simm.s32 $0x40;
	v6 =	vimm.f32 $0.0e+00;
	v3 =	vimm.f32 $0.0e+00;
	v0 =	vimm.f32 $0.0e+00;
	v5 =	vld [tilespmem:s0+$0x8110]  }
.LBB2_78:
0x2ee: {  	s1 =	sand.u32 $0x40, s31;
	v7 =	vld [tilespmem:s0+$0x8120];
	s30 =	sadd.s32 $0x100, s30;
	p0 =	sne.s32 s31, $0x1FC0  }
.Ltmp38:
0x2ef: {  	s31 =	sadd.s32 $0x40, s31;
	s0 =	sand.u32 $0x7E00, s30;
	(pc) =	sbr.rel @p0 .LBB2_78-.Ltmp38, $4  }
0x2f0: {  	s0 =	sor.u32 s1, s0;
	v0 =	vadd.f32 v1, v0  }
0x2f1: {  	v1 =	vld [tilespmem:s0+$0x8130];
	v3 =	vadd.f32 v2, v3  }
0x2f2: {  	v2 =	vld [tilespmem:s0+$0x8100];
	v4 =	vadd.f32 v5, v4  }
0x2f3: {  	v5 =	vld [tilespmem:s0+$0x8110];
	v6 =	vadd.f32 v7, v6  }
0x2f4: {  	v7 =	vld [tilespmem:s0+$0x8120];
	_ =	sdelay $0x3  }
0x2f5: {  	v0 =	vadd.f32 v1, v0;
	v1 =	vadd.f32 v2, v3  }
0x2f6: {  	v2 =	vadd.f32 v5, v4;
	v3 =	vadd.f32 v7, v6;
	_ =	sdelay $0x1  }
0x2f7: {  	v1 =	vadd.f32 v2, v1;
	v0 =	vadd.f32 v0, v3;
	_ =	sdelay $0x1  }
0x2f8: {  	s30 =	simm.s32 $0x0;
	v0 =	vadd.f32 v0, v1  }
0x2f9: {  	s26 =	sand.u32 $0x40, s30;
	s1 =	sand.u32 $0x7E00, s30  }
0x2fa: {  	s0 =	sor.u32 s26, s1;
	[tilespmem:$0x11300] =	vst v0  }
0x2fb: {  	v1 =	vld [tilespmem:s0+$0x81B0]  }
0x2fc: {  	v4 =	vimm.f32 $0.0e+00;
	v2 =	vld [tilespmem:s0+$0x8180]  }
0x2fd: {  	s31 =	simm.s32 $0x40;
	v6 =	vimm.f32 $0.0e+00;
	v3 =	vimm.f32 $0.0e+00;
	v0 =	vimm.f32 $0.0e+00;
	v5 =	vld [tilespmem:s0+$0x8190]  }
.LBB2_80:
0x2fe: {  	s1 =	sand.u32 $0x40, s31;
	v7 =	vld [tilespmem:s0+$0x81A0];
	s30 =	sadd.s32 $0x100, s30;
	p0 =	sne.s32 s31, $0x1FC0  }
.Ltmp39:
0x2ff: {  	s31 =	sadd.s32 $0x40, s31;
	s0 =	sand.u32 $0x7E00, s30;
	(pc) =	sbr.rel @p0 .LBB2_80-.Ltmp39, $4  }
0x300: {  	s0 =	sor.u32 s1, s0;
	v0 =	vadd.f32 v1, v0  }
0x301: {  	v1 =	vld [tilespmem:s0+$0x81B0];
	v3 =	vadd.f32 v2, v3  }
0x302: {  	v2 =	vld [tilespmem:s0+$0x8180];
	v4 =	vadd.f32 v5, v4  }
0x303: {  	v5 =	vld [tilespmem:s0+$0x8190];
	v6 =	vadd.f32 v7, v6  }
0x304: {  	v7 =	vld [tilespmem:s0+$0x81A0];
	_ =	sdelay $0x3  }
0x305: {  	v0 =	vadd.f32 v1, v0;
	v1 =	vadd.f32 v2, v3  }
0x306: {  	v2 =	vadd.f32 v5, v4;
	v3 =	vadd.f32 v7, v6;
	_ =	sdelay $0x1  }
0x307: {  	v1 =	vadd.f32 v2, v1;
	v0 =	vadd.f32 v0, v3;
	_ =	sdelay $0x1  }
0x308: {  	v0 =	vadd.f32 v0, v1;
	_ =	sdelay $0x1  }
0x309: {  	[tilespmem:$0x11380] =	vst v0  }
0x30a: {  	[tilespmem:s23], [sflag:$0x2] =	stream.strided.gather [hbm4b:s14+s21], $0x8000, s22, s21, $0x38;
	[tilespmem:$0x12000] =	vst v63  }
0x30b: {  	s30 =	simm.s32 $0x0;
	_ =	swait.ge [sflag:s24], $0x8000  }
0x30c: {  	s26 =	sand.u32 $0x40, s30;
	s1 =	sand.u32 $0x7E00, s30;
	[sflag:s24] =	ssyncset.done $0x0  }
0x30d: {  	s0 =	sor.u32 s26, s1;
	[sflag:s24] =	ssyncadd.s32 $0xFFFF8000  }
0x30e: {  	v1 =	vld [tilespmem:s0+$0x30]  }
0x30f: {  	v4 =	vimm.f32 $0.0e+00;
	v2 =	vld [tilespmem:s0+$0x0]  }
0x310: {  	s31 =	simm.s32 $0x40;
	v6 =	vimm.f32 $0.0e+00;
	v3 =	vimm.f32 $0.0e+00;
	v0 =	vimm.f32 $0.0e+00;
	v5 =	vld [tilespmem:s0+$0x10]  }
.LBB2_82:
0x311: {  	s1 =	sand.u32 $0x40, s31;
	v7 =	vld [tilespmem:s0+$0x20];
	s30 =	sadd.s32 $0x100, s30;
	p0 =	sne.s32 s31, $0x1FC0  }
.Ltmp40:
0x312: {  	s31 =	sadd.s32 $0x40, s31;
	s0 =	sand.u32 $0x7E00, s30;
	(pc) =	sbr.rel @p0 .LBB2_82-.Ltmp40, $4  }
0x313: {  	s0 =	sor.u32 s1, s0;
	v0 =	vadd.f32 v1, v0  }
0x314: {  	v1 =	vld [tilespmem:s0+$0x30];
	v3 =	vadd.f32 v2, v3  }
0x315: {  	v2 =	vld [tilespmem:s0+$0x0];
	v4 =	vadd.f32 v5, v4  }
0x316: {  	v5 =	vld [tilespmem:s0+$0x10];
	v6 =	vadd.f32 v7, v6  }
0x317: {  	v7 =	vld [tilespmem:s0+$0x20];
	_ =	sdelay $0x3  }
0x318: {  	v0 =	vadd.f32 v1, v0;
	v1 =	vadd.f32 v2, v3  }
0x319: {  	v2 =	vadd.f32 v5, v4;
	v3 =	vadd.f32 v7, v6;
	_ =	sdelay $0x1  }
0x31a: {  	v1 =	vadd.f32 v2, v1;
	v0 =	vadd.f32 v0, v3;
	_ =	sdelay $0x1  }
0x31b: {  	s30 =	simm.s32 $0x0;
	v0 =	vadd.f32 v0, v1  }
0x31c: {  	s26 =	sand.u32 $0x40, s30;
	s1 =	sand.u32 $0x7E00, s30  }
0x31d: {  	s0 =	sor.u32 s26, s1;
	[tilespmem:$0x11400] =	vst v0  }
0x31e: {  	v1 =	vld [tilespmem:s0+$0xB0]  }
0x31f: {  	v4 =	vimm.f32 $0.0e+00;
	v2 =	vld [tilespmem:s0+$0x80]  }
0x320: {  	s31 =	simm.s32 $0x40;
	v6 =	vimm.f32 $0.0e+00;
	v3 =	vimm.f32 $0.0e+00;
	v0 =	vimm.f32 $0.0e+00;
	v5 =	vld [tilespmem:s0+$0x90]  }
.LBB2_84:
0x321: {  	s1 =	sand.u32 $0x40, s31;
	v7 =	vld [tilespmem:s0+$0xA0];
	s30 =	sadd.s32 $0x100, s30;
	p0 =	sne.s32 s31, $0x1FC0  }
.Ltmp41:
0x322: {  	s31 =	sadd.s32 $0x40, s31;
	s0 =	sand.u32 $0x7E00, s30;
	(pc) =	sbr.rel @p0 .LBB2_84-.Ltmp41, $4  }
0x323: {  	s0 =	sor.u32 s1, s0;
	v0 =	vadd.f32 v1, v0  }
0x324: {  	v1 =	vld [tilespmem:s0+$0xB0];
	v3 =	vadd.f32 v2, v3  }
0x325: {  	v2 =	vld [tilespmem:s0+$0x80];
	v4 =	vadd.f32 v5, v4  }
0x326: {  	v5 =	vld [tilespmem:s0+$0x90];
	v6 =	vadd.f32 v7, v6  }
0x327: {  	v7 =	vld [tilespmem:s0+$0xA0];
	_ =	sdelay $0x3  }
0x328: {  	v0 =	vadd.f32 v1, v0;
	v1 =	vadd.f32 v2, v3  }
0x329: {  	v2 =	vadd.f32 v5, v4;
	v3 =	vadd.f32 v7, v6;
	_ =	sdelay $0x1  }
0x32a: {  	p0 =	por $0x0, $0x0;
	s0 =	simm.s32 $0x1;
	v1 =	vadd.f32 v2, v1;
	v0 =	vadd.f32 v0, v3  }
0x32b: {  	s0 =	simm.s32 @!p0 $0x0  }
0x32c: {  	s0 =	sshll.u32 s0, $0x6;
	v0 =	vadd.f32 v0, v1  }
0x32d: {  	s0 =	sadd.s32 $0x0, s0  }
0x32e: {  	s1 =	sor.u32 $0x130, s0;
	[tilespmem:$0x11480] =	vst v0  }
0x32f: {  	s3 =	sor.u32 $0x100, s0;
	v2 =	vld [tilespmem:s1+$0x0]  }
0x330: {  	p0 =	por !p0, !p0;
	s26 =	sor.u32 $0x110, s0;
	v3 =	vld [tilespmem:s3+$0x0];
	s3 =	simm.s32 $0x1  }
0x331: {  	v5 =	vld [tilespmem:s26+$0x0];
	s3 =	simm.s32 @!p0 $0x0  }
0x332: {  	s0 =	sor.u32 $0x120, s0;
	s26 =	sshll.u32 s3, $0x6  }
0x333: {  	v1 =	vld [tilespmem:s0+$0x0];
	s1 =	sadd.s32 $0x100, s26  }
0x334: {  	v0 =	vimm.f32 $0.0e+00;
	s3 =	sor.u32 $0x130, s1  }
0x335: {  	s30 =	simm.s32 $0x80;
	s31 =	simm.s32 $0x100;
	s26 =	sor.u32 $0x100, s1;
	v2 =	vadd.f32 v2, v0;
	v4 =	vld [tilespmem:s3+$0x0]  }
0x336: {  	p0 =	por !p0, !p0;
	s0 =	sor.u32 $0x110, s1;
	s1 =	sor.u32 $0x120, s1;
	v3 =	vadd.f32 v3, v0;
	v6 =	vld [tilespmem:s26+$0x0];
	v5 =	vadd.f32 v5, v0  }
.LBB2_86:
0x337: {  	s3 =	simm.s32 $0x1  }
0x338: {  	p1 =	sne.s32 s30, $0x1FC0;
	s30 =	sadd.s32 $0x40, s30;
	v7 =	vld [tilespmem:s0+$0x0];
	v0 =	vadd.f32 v1, v0;
	s3 =	simm.s32 @!p0 $0x0  }
.Ltmp42:
0x339: {  	s31 =	sadd.s32 $0x100, s31;
	s0 =	sshll.u32 s3, $0x6;
	v1 =	vld [tilespmem:s1+$0x0];
	(pc) =	sbr.rel @p1 .LBB2_86-.Ltmp42, $4  }
0x33a: {  	s1 =	sadd.s32 s0, s31  }
0x33b: {  	v2 =	vadd.f32 v4, v2;
	s3 =	sor.u32 $0x100, s1;
	s0 =	sor.u32 $0x110, s1;
	s26 =	sor.u32 $0x130, s1  }
0x33c: {  	s1 =	sor.u32 $0x120, s1;
	v3 =	vadd.f32 v6, v3;
	v4 =	vld [tilespmem:s26+$0x0]  }
0x33d: {  	p0 =	por !p0, !p0;
	v5 =	vadd.f32 v7, v5;
	v6 =	vld [tilespmem:s3+$0x0]  }
0x33e: {  	v7 =	vld [tilespmem:s0+$0x0]  }
0x33f: {  	v8 =	vld [tilespmem:s1+$0x0];
	_ =	sdelay $0x2  }
0x340: {  	v0 =	vadd.f32 v1, v0  }
0x341: {  	v1 =	vadd.f32 v4, v2;
	v2 =	vadd.f32 v6, v3  }
0x342: {  	v3 =	vadd.f32 v7, v5;
	v0 =	vadd.f32 v8, v0;
	_ =	sdelay $0x1  }
0x343: {  	p0 =	por $0x0, $0x0;
	s0 =	simm.s32 $0x1;
	v2 =	vadd.f32 v3, v2;
	v0 =	vadd.f32 v1, v0  }
0x344: {  	s0 =	simm.s32 @!p0 $0x0  }
0x345: {  	s0 =	sshll.u32 s0, $0x6;
	v0 =	vadd.f32 v0, v2  }
0x346: {  	s0 =	sadd.s32 $0x0, s0  }
0x347: {  	s26 =	sor.u32 $0x1B0, s0;
	[tilespmem:$0x11500] =	vst v0  }
0x348: {  	s3 =	sor.u32 $0x180, s0;
	v2 =	vld [tilespmem:s26+$0x0]  }
0x349: {  	p0 =	por !p0, !p0;
	s26 =	sor.u32 $0x190, s0;
	v3 =	vld [tilespmem:s3+$0x0];
	s3 =	simm.s32 $0x1  }
0x34a: {  	s3 =	simm.s32 @!p0 $0x0;
	v5 =	vld [tilespmem:s26+$0x0]  }
0x34b: {  	s0 =	sor.u32 $0x1A0, s0;
	s26 =	sshll.u32 s3, $0x6  }
0x34c: {  	v1 =	vld [tilespmem:s0+$0x0];
	s1 =	sadd.s32 $0x100, s26  }
0x34d: {  	v0 =	vimm.f32 $0.0e+00;
	s3 =	sor.u32 $0x1B0, s1  }
0x34e: {  	s30 =	simm.s32 $0x80;
	s31 =	simm.s32 $0x100;
	s26 =	sor.u32 $0x180, s1;
	v2 =	vadd.f32 v2, v0;
	v4 =	vld [tilespmem:s3+$0x0]  }
0x34f: {  	p0 =	por !p0, !p0;
	s0 =	sor.u32 $0x190, s1;
	s1 =	sor.u32 $0x1A0, s1;
	v3 =	vadd.f32 v3, v0;
	v6 =	vld [tilespmem:s26+$0x0];
	v5 =	vadd.f32 v5, v0  }
.LBB2_88:
0x350: {  	s3 =	simm.s32 $0x1  }
0x351: {  	p1 =	sne.s32 s30, $0x1FC0;
	s30 =	sadd.s32 $0x40, s30;
	v7 =	vld [tilespmem:s0+$0x0];
	v0 =	vadd.f32 v1, v0;
	s3 =	simm.s32 @!p0 $0x0  }
.Ltmp43:
0x352: {  	s31 =	sadd.s32 $0x100, s31;
	s0 =	sshll.u32 s3, $0x6;
	v1 =	vld [tilespmem:s1+$0x0];
	(pc) =	sbr.rel @p1 .LBB2_88-.Ltmp43, $4  }
0x353: {  	s1 =	sadd.s32 s0, s31  }
0x354: {  	v2 =	vadd.f32 v4, v2;
	s3 =	sor.u32 $0x180, s1;
	s0 =	sor.u32 $0x190, s1;
	s26 =	sor.u32 $0x1B0, s1  }
0x355: {  	s1 =	sor.u32 $0x1A0, s1;
	v3 =	vadd.f32 v6, v3;
	v4 =	vld [tilespmem:s26+$0x0]  }
0x356: {  	p0 =	por !p0, !p0;
	v5 =	vadd.f32 v7, v5;
	v6 =	vld [tilespmem:s3+$0x0]  }
0x357: {  	v7 =	vld [tilespmem:s0+$0x0]  }
0x358: {  	v8 =	vld [tilespmem:s1+$0x0];
	_ =	sdelay $0x2  }
0x359: {  	v0 =	vadd.f32 v1, v0  }
0x35a: {  	v1 =	vadd.f32 v4, v2;
	v2 =	vadd.f32 v6, v3  }
0x35b: {  	v3 =	vadd.f32 v7, v5;
	v0 =	vadd.f32 v8, v0;
	_ =	sdelay $0x1  }
0x35c: {  	v2 =	vadd.f32 v3, v2;
	v0 =	vadd.f32 v1, v0;
	_ =	sdelay $0x1  }
0x35d: {  	v0 =	vadd.f32 v0, v2;
	_ =	sdelay $0x1  }
0x35e: {  	s30 =	simm.s32 $0x0;
	[tilespmem:$0x11580] =	vst v0  }
0x35f: {  	[tilespmem:s30], [sflag:$0x1] =	stream.strided.gather [hbm4b:s15+s21], $0x8000, s22, s21, $0x38;
	[tilespmem:$0x12000] =	vst v63  }
0x360: {  	_ =	swait.ge [sflag:s25], $0x8000  }
0x361: {  	s3 =	sand.u32 $0x40, s30;
	s26 =	sand.u32 $0x7E00, s30;
	[sflag:s25] =	ssyncset.done $0x0  }
0x362: {  	s0 =	sor.u32 s3, s26;
	[sflag:s25] =	ssyncadd.s32 $0xFFFF8000  }
0x363: {  	v1 =	vld [tilespmem:s0+$0x8030]  }
0x364: {  	v4 =	vimm.f32 $0.0e+00;
	v2 =	vld [tilespmem:s0+$0x8000]  }
0x365: {  	s31 =	simm.s32 $0x40;
	v6 =	vimm.f32 $0.0e+00;
	v3 =	vimm.f32 $0.0e+00;
	v0 =	vimm.f32 $0.0e+00;
	v5 =	vld [tilespmem:s0+$0x8010]  }
.LBB2_90:
0x366: {  	s1 =	sand.u32 $0x40, s31;
	v7 =	vld [tilespmem:s0+$0x8020];
	s30 =	sadd.s32 $0x100, s30;
	p0 =	sne.s32 s31, $0x1FC0  }
.Ltmp44:
0x367: {  	s31 =	sadd.s32 $0x40, s31;
	s0 =	sand.u32 $0x7E00, s30;
	(pc) =	sbr.rel @p0 .LBB2_90-.Ltmp44, $4  }
0x368: {  	s0 =	sor.u32 s1, s0;
	v0 =	vadd.f32 v1, v0  }
0x369: {  	v1 =	vld [tilespmem:s0+$0x8030];
	v3 =	vadd.f32 v2, v3  }
0x36a: {  	v2 =	vld [tilespmem:s0+$0x8000];
	v4 =	vadd.f32 v5, v4  }
0x36b: {  	v5 =	vld [tilespmem:s0+$0x8010];
	v6 =	vadd.f32 v7, v6  }
0x36c: {  	v7 =	vld [tilespmem:s0+$0x8020];
	_ =	sdelay $0x3  }
0x36d: {  	v0 =	vadd.f32 v1, v0;
	v1 =	vadd.f32 v2, v3  }
0x36e: {  	v2 =	vadd.f32 v5, v4;
	v3 =	vadd.f32 v7, v6;
	_ =	sdelay $0x1  }
0x36f: {  	v1 =	vadd.f32 v2, v1;
	v0 =	vadd.f32 v0, v3;
	_ =	sdelay $0x1  }
0x370: {  	s30 =	simm.s32 $0x0;
	v0 =	vadd.f32 v0, v1  }
0x371: {  	s26 =	sand.u32 $0x40, s30;
	s1 =	sand.u32 $0x7E00, s30  }
0x372: {  	s0 =	sor.u32 s26, s1;
	[tilespmem:$0x11600] =	vst v0  }
0x373: {  	v1 =	vld [tilespmem:s0+$0x80B0]  }
0x374: {  	v4 =	vimm.f32 $0.0e+00;
	v2 =	vld [tilespmem:s0+$0x8080]  }
0x375: {  	s31 =	simm.s32 $0x40;
	v6 =	vimm.f32 $0.0e+00;
	v3 =	vimm.f32 $0.0e+00;
	v0 =	vimm.f32 $0.0e+00;
	v5 =	vld [tilespmem:s0+$0x8090]  }
.LBB2_92:
0x376: {  	s1 =	sand.u32 $0x40, s31;
	v7 =	vld [tilespmem:s0+$0x80A0];
	s30 =	sadd.s32 $0x100, s30;
	p0 =	sne.s32 s31, $0x1FC0  }
.Ltmp45:
0x377: {  	s31 =	sadd.s32 $0x40, s31;
	s0 =	sand.u32 $0x7E00, s30;
	(pc) =	sbr.rel @p0 .LBB2_92-.Ltmp45, $4  }
0x378: {  	s0 =	sor.u32 s1, s0;
	v0 =	vadd.f32 v1, v0  }
0x379: {  	v1 =	vld [tilespmem:s0+$0x80B0];
	v3 =	vadd.f32 v2, v3  }
0x37a: {  	v2 =	vld [tilespmem:s0+$0x8080];
	v4 =	vadd.f32 v5, v4  }
0x37b: {  	v5 =	vld [tilespmem:s0+$0x8090];
	v6 =	vadd.f32 v7, v6  }
0x37c: {  	v7 =	vld [tilespmem:s0+$0x80A0];
	_ =	sdelay $0x3  }
0x37d: {  	v0 =	vadd.f32 v1, v0;
	v1 =	vadd.f32 v2, v3  }
0x37e: {  	v2 =	vadd.f32 v5, v4;
	v3 =	vadd.f32 v7, v6;
	_ =	sdelay $0x1  }
0x37f: {  	v1 =	vadd.f32 v2, v1;
	v0 =	vadd.f32 v0, v3;
	_ =	sdelay $0x1  }
0x380: {  	s30 =	simm.s32 $0x0;
	v0 =	vadd.f32 v0, v1  }
0x381: {  	s26 =	sand.u32 $0x40, s30;
	s1 =	sand.u32 $0x7E00, s30  }
0x382: {  	s0 =	sor.u32 s26, s1;
	[tilespmem:$0x11680] =	vst v0  }
0x383: {  	v1 =	vld [tilespmem:s0+$0x8130]  }
0x384: {  	v4 =	vimm.f32 $0.0e+00;
	v2 =	vld [tilespmem:s0+$0x8100]  }
0x385: {  	s31 =	simm.s32 $0x40;
	v6 =	vimm.f32 $0.0e+00;
	v3 =	vimm.f32 $0.0e+00;
	v0 =	vimm.f32 $0.0e+00;
	v5 =	vld [tilespmem:s0+$0x8110]  }
.LBB2_94:
0x386: {  	s1 =	sand.u32 $0x40, s31;
	v7 =	vld [tilespmem:s0+$0x8120];
	s30 =	sadd.s32 $0x100, s30;
	p0 =	sne.s32 s31, $0x1FC0  }
.Ltmp46:
0x387: {  	s31 =	sadd.s32 $0x40, s31;
	s0 =	sand.u32 $0x7E00, s30;
	(pc) =	sbr.rel @p0 .LBB2_94-.Ltmp46, $4  }
0x388: {  	s0 =	sor.u32 s1, s0;
	v0 =	vadd.f32 v1, v0  }
0x389: {  	v1 =	vld [tilespmem:s0+$0x8130];
	v3 =	vadd.f32 v2, v3  }
0x38a: {  	v2 =	vld [tilespmem:s0+$0x8100];
	v4 =	vadd.f32 v5, v4  }
0x38b: {  	v5 =	vld [tilespmem:s0+$0x8110];
	v6 =	vadd.f32 v7, v6  }
0x38c: {  	v7 =	vld [tilespmem:s0+$0x8120];
	_ =	sdelay $0x3  }
0x38d: {  	v0 =	vadd.f32 v1, v0;
	v1 =	vadd.f32 v2, v3  }
0x38e: {  	v2 =	vadd.f32 v5, v4;
	v3 =	vadd.f32 v7, v6;
	_ =	sdelay $0x1  }
0x38f: {  	v1 =	vadd.f32 v2, v1;
	v0 =	vadd.f32 v0, v3;
	_ =	sdelay $0x1  }
0x390: {  	s30 =	simm.s32 $0x0;
	v0 =	vadd.f32 v0, v1  }
0x391: {  	s26 =	sand.u32 $0x40, s30;
	s1 =	sand.u32 $0x7E00, s30  }
0x392: {  	s0 =	sor.u32 s26, s1;
	[tilespmem:$0x11700] =	vst v0  }
0x393: {  	v1 =	vld [tilespmem:s0+$0x81B0]  }
0x394: {  	v4 =	vimm.f32 $0.0e+00;
	v2 =	vld [tilespmem:s0+$0x8180]  }
0x395: {  	s31 =	simm.s32 $0x40;
	v6 =	vimm.f32 $0.0e+00;
	v3 =	vimm.f32 $0.0e+00;
	v0 =	vimm.f32 $0.0e+00;
	v5 =	vld [tilespmem:s0+$0x8190]  }
.LBB2_96:
0x396: {  	s1 =	sand.u32 $0x40, s31;
	v7 =	vld [tilespmem:s0+$0x81A0];
	s30 =	sadd.s32 $0x100, s30;
	p0 =	sne.s32 s31, $0x1FC0  }
.Ltmp47:
0x397: {  	s31 =	sadd.s32 $0x40, s31;
	s0 =	sand.u32 $0x7E00, s30;
	(pc) =	sbr.rel @p0 .LBB2_96-.Ltmp47, $4  }
0x398: {  	s0 =	sor.u32 s1, s0;
	v0 =	vadd.f32 v1, v0  }
0x399: {  	v1 =	vld [tilespmem:s0+$0x81B0];
	v3 =	vadd.f32 v2, v3  }
0x39a: {  	v2 =	vld [tilespmem:s0+$0x8180];
	v4 =	vadd.f32 v5, v4  }
0x39b: {  	v5 =	vld [tilespmem:s0+$0x8190];
	v6 =	vadd.f32 v7, v6  }
0x39c: {  	v7 =	vld [tilespmem:s0+$0x81A0];
	_ =	sdelay $0x3  }
0x39d: {  	v0 =	vadd.f32 v1, v0;
	v1 =	vadd.f32 v2, v3  }
0x39e: {  	v2 =	vadd.f32 v5, v4;
	v3 =	vadd.f32 v7, v6;
	_ =	sdelay $0x1  }
0x39f: {  	v1 =	vadd.f32 v2, v1;
	v0 =	vadd.f32 v0, v3;
	_ =	sdelay $0x1  }
0x3a0: {  	v0 =	vadd.f32 v0, v1;
	_ =	sdelay $0x1  }
0x3a1: {  	[tilespmem:$0x11780] =	vst v0  }
0x3a2: {  	[tilespmem:s23], [sflag:$0x2] =	stream.strided.gather [hbm4b:s16+s21], $0x8000, s22, s21, $0x38;
	[tilespmem:$0x12000] =	vst v63  }
0x3a3: {  	s30 =	simm.s32 $0x0;
	_ =	swait.ge [sflag:s24], $0x8000  }
0x3a4: {  	s26 =	sand.u32 $0x40, s30;
	s1 =	sand.u32 $0x7E00, s30;
	[sflag:s24] =	ssyncset.done $0x0  }
0x3a5: {  	s0 =	sor.u32 s26, s1;
	[sflag:s24] =	ssyncadd.s32 $0xFFFF8000  }
0x3a6: {  	v1 =	vld [tilespmem:s0+$0x30]  }
0x3a7: {  	v4 =	vimm.f32 $0.0e+00;
	v2 =	vld [tilespmem:s0+$0x0]  }
0x3a8: {  	s31 =	simm.s32 $0x40;
	v6 =	vimm.f32 $0.0e+00;
	v3 =	vimm.f32 $0.0e+00;
	v0 =	vimm.f32 $0.0e+00;
	v5 =	vld [tilespmem:s0+$0x10]  }
.LBB2_98:
0x3a9: {  	s1 =	sand.u32 $0x40, s31;
	v7 =	vld [tilespmem:s0+$0x20];
	s30 =	sadd.s32 $0x100, s30;
	p0 =	sne.s32 s31, $0x1FC0  }
.Ltmp48:
0x3aa: {  	s31 =	sadd.s32 $0x40, s31;
	s0 =	sand.u32 $0x7E00, s30;
	(pc) =	sbr.rel @p0 .LBB2_98-.Ltmp48, $4  }
0x3ab: {  	s0 =	sor.u32 s1, s0;
	v0 =	vadd.f32 v1, v0  }
0x3ac: {  	v1 =	vld [tilespmem:s0+$0x30];
	v3 =	vadd.f32 v2, v3  }
0x3ad: {  	v2 =	vld [tilespmem:s0+$0x0];
	v4 =	vadd.f32 v5, v4  }
0x3ae: {  	v5 =	vld [tilespmem:s0+$0x10];
	v6 =	vadd.f32 v7, v6  }
0x3af: {  	v7 =	vld [tilespmem:s0+$0x20];
	_ =	sdelay $0x3  }
0x3b0: {  	v0 =	vadd.f32 v1, v0;
	v1 =	vadd.f32 v2, v3  }
0x3b1: {  	v2 =	vadd.f32 v5, v4;
	v3 =	vadd.f32 v7, v6;
	_ =	sdelay $0x1  }
0x3b2: {  	v1 =	vadd.f32 v2, v1;
	v0 =	vadd.f32 v0, v3;
	_ =	sdelay $0x1  }
0x3b3: {  	s30 =	simm.s32 $0x0;
	v0 =	vadd.f32 v0, v1  }
0x3b4: {  	s26 =	sand.u32 $0x40, s30;
	s1 =	sand.u32 $0x7E00, s30  }
0x3b5: {  	s0 =	sor.u32 s26, s1;
	[tilespmem:$0x11800] =	vst v0  }
0x3b6: {  	v1 =	vld [tilespmem:s0+$0xB0]  }
0x3b7: {  	v4 =	vimm.f32 $0.0e+00;
	v2 =	vld [tilespmem:s0+$0x80]  }
0x3b8: {  	s31 =	simm.s32 $0x40;
	v6 =	vimm.f32 $0.0e+00;
	v3 =	vimm.f32 $0.0e+00;
	v0 =	vimm.f32 $0.0e+00;
	v5 =	vld [tilespmem:s0+$0x90]  }
.LBB2_100:
0x3b9: {  	s1 =	sand.u32 $0x40, s31;
	v7 =	vld [tilespmem:s0+$0xA0];
	s30 =	sadd.s32 $0x100, s30;
	p0 =	sne.s32 s31, $0x1FC0  }
.Ltmp49:
0x3ba: {  	s31 =	sadd.s32 $0x40, s31;
	s0 =	sand.u32 $0x7E00, s30;
	(pc) =	sbr.rel @p0 .LBB2_100-.Ltmp49, $4  }
0x3bb: {  	s0 =	sor.u32 s1, s0;
	v0 =	vadd.f32 v1, v0  }
0x3bc: {  	v1 =	vld [tilespmem:s0+$0xB0];
	v3 =	vadd.f32 v2, v3  }
0x3bd: {  	v2 =	vld [tilespmem:s0+$0x80];
	v4 =	vadd.f32 v5, v4  }
0x3be: {  	v5 =	vld [tilespmem:s0+$0x90];
	v6 =	vadd.f32 v7, v6  }
0x3bf: {  	v7 =	vld [tilespmem:s0+$0xA0];
	_ =	sdelay $0x3  }
0x3c0: {  	v0 =	vadd.f32 v1, v0;
	v1 =	vadd.f32 v2, v3  }
0x3c1: {  	v2 =	vadd.f32 v5, v4;
	v3 =	vadd.f32 v7, v6;
	_ =	sdelay $0x1  }
0x3c2: {  	p0 =	por $0x0, $0x0;
	s0 =	simm.s32 $0x1;
	v1 =	vadd.f32 v2, v1;
	v0 =	vadd.f32 v0, v3  }
0x3c3: {  	s0 =	simm.s32 @!p0 $0x0  }
0x3c4: {  	s0 =	sshll.u32 s0, $0x6;
	v0 =	vadd.f32 v0, v1  }
0x3c5: {  	s0 =	sadd.s32 $0x0, s0  }
0x3c6: {  	s1 =	sor.u32 $0x130, s0;
	[tilespmem:$0x11880] =	vst v0  }
0x3c7: {  	s3 =	sor.u32 $0x100, s0;
	v2 =	vld [tilespmem:s1+$0x0]  }
0x3c8: {  	p0 =	por !p0, !p0;
	s26 =	sor.u32 $0x110, s0;
	v3 =	vld [tilespmem:s3+$0x0];
	s3 =	simm.s32 $0x1  }
0x3c9: {  	v5 =	vld [tilespmem:s26+$0x0];
	s3 =	simm.s32 @!p0 $0x0  }
0x3ca: {  	s0 =	sor.u32 $0x120, s0;
	s26 =	sshll.u32 s3, $0x6  }
0x3cb: {  	v1 =	vld [tilespmem:s0+$0x0];
	s1 =	sadd.s32 $0x100, s26  }
0x3cc: {  	v0 =	vimm.f32 $0.0e+00;
	s3 =	sor.u32 $0x130, s1  }
0x3cd: {  	s30 =	simm.s32 $0x80;
	s31 =	simm.s32 $0x100;
	s26 =	sor.u32 $0x100, s1;
	v2 =	vadd.f32 v2, v0;
	v4 =	vld [tilespmem:s3+$0x0]  }
0x3ce: {  	p0 =	por !p0, !p0;
	s0 =	sor.u32 $0x110, s1;
	s1 =	sor.u32 $0x120, s1;
	v3 =	vadd.f32 v3, v0;
	v6 =	vld [tilespmem:s26+$0x0];
	v5 =	vadd.f32 v5, v0  }
.LBB2_102:
0x3cf: {  	s3 =	simm.s32 $0x1  }
0x3d0: {  	p1 =	sne.s32 s30, $0x1FC0;
	s30 =	sadd.s32 $0x40, s30;
	v7 =	vld [tilespmem:s0+$0x0];
	v0 =	vadd.f32 v1, v0;
	s3 =	simm.s32 @!p0 $0x0  }
.Ltmp50:
0x3d1: {  	s31 =	sadd.s32 $0x100, s31;
	s0 =	sshll.u32 s3, $0x6;
	v1 =	vld [tilespmem:s1+$0x0];
	(pc) =	sbr.rel @p1 .LBB2_102-.Ltmp50, $4  }
0x3d2: {  	s1 =	sadd.s32 s0, s31  }
0x3d3: {  	v2 =	vadd.f32 v4, v2;
	s3 =	sor.u32 $0x100, s1;
	s0 =	sor.u32 $0x110, s1;
	s26 =	sor.u32 $0x130, s1  }
0x3d4: {  	s1 =	sor.u32 $0x120, s1;
	v3 =	vadd.f32 v6, v3;
	v4 =	vld [tilespmem:s26+$0x0]  }
0x3d5: {  	p0 =	por !p0, !p0;
	v5 =	vadd.f32 v7, v5;
	v6 =	vld [tilespmem:s3+$0x0]  }
0x3d6: {  	v7 =	vld [tilespmem:s0+$0x0]  }
0x3d7: {  	v8 =	vld [tilespmem:s1+$0x0];
	_ =	sdelay $0x2  }
0x3d8: {  	v0 =	vadd.f32 v1, v0  }
0x3d9: {  	v1 =	vadd.f32 v4, v2;
	v2 =	vadd.f32 v6, v3  }
0x3da: {  	v3 =	vadd.f32 v7, v5;
	v0 =	vadd.f32 v8, v0;
	_ =	sdelay $0x1  }
0x3db: {  	p0 =	por $0x0, $0x0;
	s0 =	simm.s32 $0x1;
	v2 =	vadd.f32 v3, v2;
	v0 =	vadd.f32 v1, v0  }
0x3dc: {  	s0 =	simm.s32 @!p0 $0x0  }
0x3dd: {  	s0 =	sshll.u32 s0, $0x6;
	v0 =	vadd.f32 v0, v2  }
0x3de: {  	s0 =	sadd.s32 $0x0, s0  }
0x3df: {  	s26 =	sor.u32 $0x1B0, s0;
	[tilespmem:$0x11900] =	vst v0  }
0x3e0: {  	s3 =	sor.u32 $0x180, s0;
	v2 =	vld [tilespmem:s26+$0x0]  }
0x3e1: {  	p0 =	por !p0, !p0;
	s26 =	sor.u32 $0x190, s0;
	v3 =	vld [tilespmem:s3+$0x0];
	s3 =	simm.s32 $0x1  }
0x3e2: {  	s3 =	simm.s32 @!p0 $0x0;
	v5 =	vld [tilespmem:s26+$0x0]  }
0x3e3: {  	s0 =	sor.u32 $0x1A0, s0;
	s26 =	sshll.u32 s3, $0x6  }
0x3e4: {  	v1 =	vld [tilespmem:s0+$0x0];
	s1 =	sadd.s32 $0x100, s26  }
0x3e5: {  	v0 =	vimm.f32 $0.0e+00;
	s3 =	sor.u32 $0x1B0, s1  }
0x3e6: {  	s30 =	simm.s32 $0x80;
	s31 =	simm.s32 $0x100;
	s26 =	sor.u32 $0x180, s1;
	v2 =	vadd.f32 v2, v0;
	v4 =	vld [tilespmem:s3+$0x0]  }
0x3e7: {  	p0 =	por !p0, !p0;
	s0 =	sor.u32 $0x190, s1;
	s1 =	sor.u32 $0x1A0, s1;
	v3 =	vadd.f32 v3, v0;
	v6 =	vld [tilespmem:s26+$0x0];
	v5 =	vadd.f32 v5, v0  }
.LBB2_104:
0x3e8: {  	s3 =	simm.s32 $0x1  }
0x3e9: {  	p1 =	sne.s32 s30, $0x1FC0;
	s30 =	sadd.s32 $0x40, s30;
	v7 =	vld [tilespmem:s0+$0x0];
	v0 =	vadd.f32 v1, v0;
	s3 =	simm.s32 @!p0 $0x0  }
.Ltmp51:
0x3ea: {  	s31 =	sadd.s32 $0x100, s31;
	s0 =	sshll.u32 s3, $0x6;
	v1 =	vld [tilespmem:s1+$0x0];
	(pc) =	sbr.rel @p1 .LBB2_104-.Ltmp51, $4  }
0x3eb: {  	s1 =	sadd.s32 s0, s31  }
0x3ec: {  	v2 =	vadd.f32 v4, v2;
	s3 =	sor.u32 $0x180, s1;
	s0 =	sor.u32 $0x190, s1;
	s26 =	sor.u32 $0x1B0, s1  }
0x3ed: {  	s1 =	sor.u32 $0x1A0, s1;
	v3 =	vadd.f32 v6, v3;
	v4 =	vld [tilespmem:s26+$0x0]  }
0x3ee: {  	p0 =	por !p0, !p0;
	v5 =	vadd.f32 v7, v5;
	v6 =	vld [tilespmem:s3+$0x0]  }
0x3ef: {  	v7 =	vld [tilespmem:s0+$0x0]  }
0x3f0: {  	v8 =	vld [tilespmem:s1+$0x0];
	_ =	sdelay $0x2  }
0x3f1: {  	v0 =	vadd.f32 v1, v0  }
0x3f2: {  	v1 =	vadd.f32 v4, v2;
	v2 =	vadd.f32 v6, v3  }
0x3f3: {  	v3 =	vadd.f32 v7, v5;
	v0 =	vadd.f32 v8, v0;
	_ =	sdelay $0x1  }
0x3f4: {  	v2 =	vadd.f32 v3, v2;
	v0 =	vadd.f32 v1, v0;
	_ =	sdelay $0x1  }
0x3f5: {  	v0 =	vadd.f32 v0, v2;
	_ =	sdelay $0x1  }
0x3f6: {  	s30 =	simm.s32 $0x0;
	[tilespmem:$0x11980] =	vst v0  }
0x3f7: {  	[tilespmem:s30], [sflag:$0x1] =	stream.strided.gather [hbm4b:s17+s21], $0x8000, s22, s21, $0x38;
	[tilespmem:$0x12000] =	vst v63  }
0x3f8: {  	_ =	swait.ge [sflag:s25], $0x8000  }
0x3f9: {  	s3 =	sand.u32 $0x40, s30;
	s26 =	sand.u32 $0x7E00, s30;
	[sflag:s25] =	ssyncset.done $0x0  }
0x3fa: {  	s0 =	sor.u32 s3, s26;
	[sflag:s25] =	ssyncadd.s32 $0xFFFF8000  }
0x3fb: {  	v1 =	vld [tilespmem:s0+$0x8030]  }
0x3fc: {  	v4 =	vimm.f32 $0.0e+00;
	v2 =	vld [tilespmem:s0+$0x8000]  }
0x3fd: {  	s31 =	simm.s32 $0x40;
	v6 =	vimm.f32 $0.0e+00;
	v3 =	vimm.f32 $0.0e+00;
	v0 =	vimm.f32 $0.0e+00;
	v5 =	vld [tilespmem:s0+$0x8010]  }
.LBB2_106:
0x3fe: {  	s1 =	sand.u32 $0x40, s31;
	v7 =	vld [tilespmem:s0+$0x8020];
	s30 =	sadd.s32 $0x100, s30;
	p0 =	sne.s32 s31, $0x1FC0  }
.Ltmp52:
0x3ff: {  	s31 =	sadd.s32 $0x40, s31;
	s0 =	sand.u32 $0x7E00, s30;
	(pc) =	sbr.rel @p0 .LBB2_106-.Ltmp52, $4  }
0x400: {  	s0 =	sor.u32 s1, s0;
	v0 =	vadd.f32 v1, v0  }
0x401: {  	v1 =	vld [tilespmem:s0+$0x8030];
	v3 =	vadd.f32 v2, v3  }
0x402: {  	v2 =	vld [tilespmem:s0+$0x8000];
	v4 =	vadd.f32 v5, v4  }
0x403: {  	v5 =	vld [tilespmem:s0+$0x8010];
	v6 =	vadd.f32 v7, v6  }
0x404: {  	v7 =	vld [tilespmem:s0+$0x8020];
	_ =	sdelay $0x3  }
0x405: {  	v0 =	vadd.f32 v1, v0;
	v1 =	vadd.f32 v2, v3  }
0x406: {  	v2 =	vadd.f32 v5, v4;
	v3 =	vadd.f32 v7, v6;
	_ =	sdelay $0x1  }
0x407: {  	v1 =	vadd.f32 v2, v1;
	v0 =	vadd.f32 v0, v3;
	_ =	sdelay $0x1  }
0x408: {  	s30 =	simm.s32 $0x0;
	v0 =	vadd.f32 v0, v1  }
0x409: {  	s26 =	sand.u32 $0x40, s30;
	s1 =	sand.u32 $0x7E00, s30  }
0x40a: {  	s0 =	sor.u32 s26, s1;
	[tilespmem:$0x11A00] =	vst v0  }
0x40b: {  	v1 =	vld [tilespmem:s0+$0x80B0]  }
0x40c: {  	v4 =	vimm.f32 $0.0e+00;
	v2 =	vld [tilespmem:s0+$0x8080]  }
0x40d: {  	s31 =	simm.s32 $0x40;
	v6 =	vimm.f32 $0.0e+00;
	v3 =	vimm.f32 $0.0e+00;
	v0 =	vimm.f32 $0.0e+00;
	v5 =	vld [tilespmem:s0+$0x8090]  }
.LBB2_108:
0x40e: {  	s1 =	sand.u32 $0x40, s31;
	v7 =	vld [tilespmem:s0+$0x80A0];
	s30 =	sadd.s32 $0x100, s30;
	p0 =	sne.s32 s31, $0x1FC0  }
.Ltmp53:
0x40f: {  	s31 =	sadd.s32 $0x40, s31;
	s0 =	sand.u32 $0x7E00, s30;
	(pc) =	sbr.rel @p0 .LBB2_108-.Ltmp53, $4  }
0x410: {  	s0 =	sor.u32 s1, s0;
	v0 =	vadd.f32 v1, v0  }
0x411: {  	v1 =	vld [tilespmem:s0+$0x80B0];
	v3 =	vadd.f32 v2, v3  }
0x412: {  	v2 =	vld [tilespmem:s0+$0x8080];
	v4 =	vadd.f32 v5, v4  }
0x413: {  	v5 =	vld [tilespmem:s0+$0x8090];
	v6 =	vadd.f32 v7, v6  }
0x414: {  	v7 =	vld [tilespmem:s0+$0x80A0];
	_ =	sdelay $0x3  }
0x415: {  	v0 =	vadd.f32 v1, v0;
	v1 =	vadd.f32 v2, v3  }
0x416: {  	v2 =	vadd.f32 v5, v4;
	v3 =	vadd.f32 v7, v6;
	_ =	sdelay $0x1  }
0x417: {  	v1 =	vadd.f32 v2, v1;
	v0 =	vadd.f32 v0, v3;
	_ =	sdelay $0x1  }
0x418: {  	s30 =	simm.s32 $0x0;
	v0 =	vadd.f32 v0, v1  }
0x419: {  	s26 =	sand.u32 $0x40, s30;
	s1 =	sand.u32 $0x7E00, s30  }
0x41a: {  	s0 =	sor.u32 s26, s1;
	[tilespmem:$0x11A80] =	vst v0  }
0x41b: {  	v1 =	vld [tilespmem:s0+$0x8130]  }
0x41c: {  	v4 =	vimm.f32 $0.0e+00;
	v2 =	vld [tilespmem:s0+$0x8100]  }
0x41d: {  	s31 =	simm.s32 $0x40;
	v6 =	vimm.f32 $0.0e+00;
	v3 =	vimm.f32 $0.0e+00;
	v0 =	vimm.f32 $0.0e+00;
	v5 =	vld [tilespmem:s0+$0x8110]  }
.LBB2_110:
0x41e: {  	s1 =	sand.u32 $0x40, s31;
	v7 =	vld [tilespmem:s0+$0x8120];
	s30 =	sadd.s32 $0x100, s30;
	p0 =	sne.s32 s31, $0x1FC0  }
.Ltmp54:
0x41f: {  	s31 =	sadd.s32 $0x40, s31;
	s0 =	sand.u32 $0x7E00, s30;
	(pc) =	sbr.rel @p0 .LBB2_110-.Ltmp54, $4  }
0x420: {  	s0 =	sor.u32 s1, s0;
	v0 =	vadd.f32 v1, v0  }
0x421: {  	v1 =	vld [tilespmem:s0+$0x8130];
	v3 =	vadd.f32 v2, v3  }
0x422: {  	v2 =	vld [tilespmem:s0+$0x8100];
	v4 =	vadd.f32 v5, v4  }
0x423: {  	v5 =	vld [tilespmem:s0+$0x8110];
	v6 =	vadd.f32 v7, v6  }
0x424: {  	v7 =	vld [tilespmem:s0+$0x8120];
	_ =	sdelay $0x3  }
0x425: {  	v0 =	vadd.f32 v1, v0;
	v1 =	vadd.f32 v2, v3  }
0x426: {  	v2 =	vadd.f32 v5, v4;
	v3 =	vadd.f32 v7, v6;
	_ =	sdelay $0x1  }
0x427: {  	v1 =	vadd.f32 v2, v1;
	v0 =	vadd.f32 v0, v3;
	_ =	sdelay $0x1  }
0x428: {  	s30 =	simm.s32 $0x0;
	v0 =	vadd.f32 v0, v1  }
0x429: {  	s26 =	sand.u32 $0x40, s30;
	s1 =	sand.u32 $0x7E00, s30  }
0x42a: {  	s0 =	sor.u32 s26, s1;
	[tilespmem:$0x11B00] =	vst v0  }
0x42b: {  	v1 =	vld [tilespmem:s0+$0x81B0]  }
0x42c: {  	v4 =	vimm.f32 $0.0e+00;
	v2 =	vld [tilespmem:s0+$0x8180]  }
0x42d: {  	s31 =	simm.s32 $0x40;
	v6 =	vimm.f32 $0.0e+00;
	v3 =	vimm.f32 $0.0e+00;
	v0 =	vimm.f32 $0.0e+00;
	v5 =	vld [tilespmem:s0+$0x8190]  }
.LBB2_112:
0x42e: {  	s1 =	sand.u32 $0x40, s31;
	v7 =	vld [tilespmem:s0+$0x81A0];
	s30 =	sadd.s32 $0x100, s30;
	p0 =	sne.s32 s31, $0x1FC0  }
.Ltmp55:
0x42f: {  	s31 =	sadd.s32 $0x40, s31;
	s0 =	sand.u32 $0x7E00, s30;
	(pc) =	sbr.rel @p0 .LBB2_112-.Ltmp55, $4  }
0x430: {  	s0 =	sor.u32 s1, s0;
	v0 =	vadd.f32 v1, v0  }
0x431: {  	v1 =	vld [tilespmem:s0+$0x81B0];
	v3 =	vadd.f32 v2, v3  }
0x432: {  	v2 =	vld [tilespmem:s0+$0x8180];
	v4 =	vadd.f32 v5, v4  }
0x433: {  	v5 =	vld [tilespmem:s0+$0x8190];
	v6 =	vadd.f32 v7, v6  }
0x434: {  	v7 =	vld [tilespmem:s0+$0x81A0];
	_ =	sdelay $0x3  }
0x435: {  	v0 =	vadd.f32 v1, v0;
	v1 =	vadd.f32 v2, v3  }
0x436: {  	v2 =	vadd.f32 v5, v4;
	v3 =	vadd.f32 v7, v6;
	_ =	sdelay $0x1  }
0x437: {  	v1 =	vadd.f32 v2, v1;
	v0 =	vadd.f32 v0, v3;
	_ =	sdelay $0x1  }
0x438: {  	v0 =	vadd.f32 v0, v1;
	_ =	sdelay $0x1  }
0x439: {  	[tilespmem:$0x11B80] =	vst v0  }
0x43a: {  	[tilespmem:s23], [sflag:$0x2] =	stream.strided.gather [hbm4b:s18+s21], $0x8000, s22, s21, $0x38;
	[tilespmem:$0x12000] =	vst v63  }
0x43b: {  	s30 =	simm.s32 $0x0;
	_ =	swait.ge [sflag:s24], $0x8000  }
0x43c: {  	s26 =	sand.u32 $0x40, s30;
	s1 =	sand.u32 $0x7E00, s30;
	[sflag:s24] =	ssyncset.done $0x0  }
0x43d: {  	s0 =	sor.u32 s26, s1;
	[sflag:s24] =	ssyncadd.s32 $0xFFFF8000  }
0x43e: {  	v1 =	vld [tilespmem:s0+$0x30]  }
0x43f: {  	v4 =	vimm.f32 $0.0e+00;
	v2 =	vld [tilespmem:s0+$0x0]  }
0x440: {  	s31 =	simm.s32 $0x40;
	v6 =	vimm.f32 $0.0e+00;
	v3 =	vimm.f32 $0.0e+00;
	v0 =	vimm.f32 $0.0e+00;
	v5 =	vld [tilespmem:s0+$0x10]  }
.LBB2_114:
0x441: {  	s1 =	sand.u32 $0x40, s31;
	v7 =	vld [tilespmem:s0+$0x20];
	s30 =	sadd.s32 $0x100, s30;
	p0 =	sne.s32 s31, $0x1FC0  }
.Ltmp56:
0x442: {  	s31 =	sadd.s32 $0x40, s31;
	s0 =	sand.u32 $0x7E00, s30;
	(pc) =	sbr.rel @p0 .LBB2_114-.Ltmp56, $4  }
0x443: {  	s0 =	sor.u32 s1, s0;
	v0 =	vadd.f32 v1, v0  }
0x444: {  	v1 =	vld [tilespmem:s0+$0x30];
	v3 =	vadd.f32 v2, v3  }
0x445: {  	v2 =	vld [tilespmem:s0+$0x0];
	v4 =	vadd.f32 v5, v4  }
0x446: {  	v5 =	vld [tilespmem:s0+$0x10];
	v6 =	vadd.f32 v7, v6  }
0x447: {  	v7 =	vld [tilespmem:s0+$0x20];
	_ =	sdelay $0x3  }
0x448: {  	v0 =	vadd.f32 v1, v0;
	v1 =	vadd.f32 v2, v3  }
0x449: {  	v2 =	vadd.f32 v5, v4;
	v3 =	vadd.f32 v7, v6;
	_ =	sdelay $0x1  }
0x44a: {  	v1 =	vadd.f32 v2, v1;
	v0 =	vadd.f32 v0, v3;
	_ =	sdelay $0x1  }
0x44b: {  	s30 =	simm.s32 $0x0;
	v0 =	vadd.f32 v0, v1  }
0x44c: {  	s26 =	sand.u32 $0x40, s30;
	s1 =	sand.u32 $0x7E00, s30  }
0x44d: {  	s0 =	sor.u32 s26, s1;
	[tilespmem:$0x11C00] =	vst v0  }
0x44e: {  	v1 =	vld [tilespmem:s0+$0xB0]  }
0x44f: {  	v4 =	vimm.f32 $0.0e+00;
	v2 =	vld [tilespmem:s0+$0x80]  }
0x450: {  	s31 =	simm.s32 $0x40;
	v6 =	vimm.f32 $0.0e+00;
	v3 =	vimm.f32 $0.0e+00;
	v0 =	vimm.f32 $0.0e+00;
	v5 =	vld [tilespmem:s0+$0x90]  }
.LBB2_116:
0x451: {  	s1 =	sand.u32 $0x40, s31;
	v7 =	vld [tilespmem:s0+$0xA0];
	s30 =	sadd.s32 $0x100, s30;
	p0 =	sne.s32 s31, $0x1FC0  }
.Ltmp57:
0x452: {  	s31 =	sadd.s32 $0x40, s31;
	s0 =	sand.u32 $0x7E00, s30;
	(pc) =	sbr.rel @p0 .LBB2_116-.Ltmp57, $4  }
0x453: {  	s0 =	sor.u32 s1, s0;
	v0 =	vadd.f32 v1, v0  }
0x454: {  	v1 =	vld [tilespmem:s0+$0xB0];
	v3 =	vadd.f32 v2, v3  }
0x455: {  	v2 =	vld [tilespmem:s0+$0x80];
	v4 =	vadd.f32 v5, v4  }
0x456: {  	v5 =	vld [tilespmem:s0+$0x90];
	v6 =	vadd.f32 v7, v6  }
0x457: {  	v7 =	vld [tilespmem:s0+$0xA0];
	_ =	sdelay $0x3  }
0x458: {  	v0 =	vadd.f32 v1, v0;
	v1 =	vadd.f32 v2, v3  }
0x459: {  	v2 =	vadd.f32 v5, v4;
	v3 =	vadd.f32 v7, v6;
	_ =	sdelay $0x1  }
0x45a: {  	p0 =	por $0x0, $0x0;
	s0 =	simm.s32 $0x1;
	v1 =	vadd.f32 v2, v1;
	v0 =	vadd.f32 v0, v3  }
0x45b: {  	s0 =	simm.s32 @!p0 $0x0  }
0x45c: {  	s0 =	sshll.u32 s0, $0x6;
	v0 =	vadd.f32 v0, v1  }
0x45d: {  	s0 =	sadd.s32 $0x0, s0  }
0x45e: {  	s1 =	sor.u32 $0x130, s0;
	[tilespmem:$0x11C80] =	vst v0  }
0x45f: {  	s3 =	sor.u32 $0x100, s0;
	v2 =	vld [tilespmem:s1+$0x0]  }
0x460: {  	p0 =	por !p0, !p0;
	s26 =	sor.u32 $0x110, s0;
	v3 =	vld [tilespmem:s3+$0x0];
	s3 =	simm.s32 $0x1  }
0x461: {  	v5 =	vld [tilespmem:s26+$0x0];
	s3 =	simm.s32 @!p0 $0x0  }
0x462: {  	s0 =	sor.u32 $0x120, s0;
	s26 =	sshll.u32 s3, $0x6  }
0x463: {  	v1 =	vld [tilespmem:s0+$0x0];
	s1 =	sadd.s32 $0x100, s26  }
0x464: {  	v0 =	vimm.f32 $0.0e+00;
	s3 =	sor.u32 $0x130, s1  }
0x465: {  	s30 =	simm.s32 $0x80;
	s31 =	simm.s32 $0x100;
	s26 =	sor.u32 $0x100, s1;
	v2 =	vadd.f32 v2, v0;
	v4 =	vld [tilespmem:s3+$0x0]  }
0x466: {  	p0 =	por !p0, !p0;
	s0 =	sor.u32 $0x110, s1;
	s1 =	sor.u32 $0x120, s1;
	v3 =	vadd.f32 v3, v0;
	v6 =	vld [tilespmem:s26+$0x0];
	v5 =	vadd.f32 v5, v0  }
.LBB2_118:
0x467: {  	s3 =	simm.s32 $0x1  }
0x468: {  	p1 =	sne.s32 s30, $0x1FC0;
	s30 =	sadd.s32 $0x40, s30;
	v7 =	vld [tilespmem:s0+$0x0];
	v0 =	vadd.f32 v1, v0;
	s3 =	simm.s32 @!p0 $0x0  }
.Ltmp58:
0x469: {  	s31 =	sadd.s32 $0x100, s31;
	s0 =	sshll.u32 s3, $0x6;
	v1 =	vld [tilespmem:s1+$0x0];
	(pc) =	sbr.rel @p1 .LBB2_118-.Ltmp58, $4  }
0x46a: {  	s1 =	sadd.s32 s0, s31  }
0x46b: {  	v2 =	vadd.f32 v4, v2;
	s3 =	sor.u32 $0x100, s1;
	s0 =	sor.u32 $0x110, s1;
	s26 =	sor.u32 $0x130, s1  }
0x46c: {  	s1 =	sor.u32 $0x120, s1;
	v3 =	vadd.f32 v6, v3;
	v4 =	vld [tilespmem:s26+$0x0]  }
0x46d: {  	p0 =	por !p0, !p0;
	v5 =	vadd.f32 v7, v5;
	v6 =	vld [tilespmem:s3+$0x0]  }
0x46e: {  	v7 =	vld [tilespmem:s0+$0x0]  }
0x46f: {  	v8 =	vld [tilespmem:s1+$0x0];
	_ =	sdelay $0x2  }
0x470: {  	v0 =	vadd.f32 v1, v0  }
0x471: {  	v1 =	vadd.f32 v4, v2;
	v2 =	vadd.f32 v6, v3  }
0x472: {  	v3 =	vadd.f32 v7, v5;
	v0 =	vadd.f32 v8, v0;
	_ =	sdelay $0x1  }
0x473: {  	p0 =	por $0x0, $0x0;
	s0 =	simm.s32 $0x1;
	v2 =	vadd.f32 v3, v2;
	v0 =	vadd.f32 v1, v0  }
0x474: {  	s0 =	simm.s32 @!p0 $0x0  }
0x475: {  	s0 =	sshll.u32 s0, $0x6;
	v0 =	vadd.f32 v0, v2  }
0x476: {  	s0 =	sadd.s32 $0x0, s0  }
0x477: {  	s26 =	sor.u32 $0x1B0, s0;
	[tilespmem:$0x11D00] =	vst v0  }
0x478: {  	s3 =	sor.u32 $0x180, s0;
	v2 =	vld [tilespmem:s26+$0x0]  }
0x479: {  	p0 =	por !p0, !p0;
	s26 =	sor.u32 $0x190, s0;
	v3 =	vld [tilespmem:s3+$0x0];
	s3 =	simm.s32 $0x1  }
0x47a: {  	s3 =	simm.s32 @!p0 $0x0;
	v5 =	vld [tilespmem:s26+$0x0]  }
0x47b: {  	s0 =	sor.u32 $0x1A0, s0;
	s26 =	sshll.u32 s3, $0x6  }
0x47c: {  	v1 =	vld [tilespmem:s0+$0x0];
	s1 =	sadd.s32 $0x100, s26  }
0x47d: {  	v0 =	vimm.f32 $0.0e+00;
	s3 =	sor.u32 $0x1B0, s1  }
0x47e: {  	s30 =	simm.s32 $0x80;
	s31 =	simm.s32 $0x100;
	s26 =	sor.u32 $0x180, s1;
	v2 =	vadd.f32 v2, v0;
	v4 =	vld [tilespmem:s3+$0x0]  }
0x47f: {  	p0 =	por !p0, !p0;
	s0 =	sor.u32 $0x190, s1;
	s1 =	sor.u32 $0x1A0, s1;
	v3 =	vadd.f32 v3, v0;
	v6 =	vld [tilespmem:s26+$0x0];
	v5 =	vadd.f32 v5, v0  }
.LBB2_120:
0x480: {  	s3 =	simm.s32 $0x1  }
0x481: {  	p1 =	sne.s32 s30, $0x1FC0;
	s30 =	sadd.s32 $0x40, s30;
	v7 =	vld [tilespmem:s0+$0x0];
	v0 =	vadd.f32 v1, v0;
	s3 =	simm.s32 @!p0 $0x0  }
.Ltmp59:
0x482: {  	s31 =	sadd.s32 $0x100, s31;
	s0 =	sshll.u32 s3, $0x6;
	v1 =	vld [tilespmem:s1+$0x0];
	(pc) =	sbr.rel @p1 .LBB2_120-.Ltmp59, $4  }
0x483: {  	s1 =	sadd.s32 s0, s31  }
0x484: {  	v2 =	vadd.f32 v4, v2;
	s3 =	sor.u32 $0x180, s1;
	s0 =	sor.u32 $0x190, s1;
	s26 =	sor.u32 $0x1B0, s1  }
0x485: {  	s1 =	sor.u32 $0x1A0, s1;
	v3 =	vadd.f32 v6, v3;
	v4 =	vld [tilespmem:s26+$0x0]  }
0x486: {  	p0 =	por !p0, !p0;
	v5 =	vadd.f32 v7, v5;
	v6 =	vld [tilespmem:s3+$0x0]  }
0x487: {  	v7 =	vld [tilespmem:s0+$0x0]  }
0x488: {  	v8 =	vld [tilespmem:s1+$0x0];
	_ =	sdelay $0x2  }
0x489: {  	v0 =	vadd.f32 v1, v0  }
0x48a: {  	v1 =	vadd.f32 v4, v2;
	v2 =	vadd.f32 v6, v3  }
0x48b: {  	v3 =	vadd.f32 v7, v5;
	v0 =	vadd.f32 v8, v0;
	_ =	sdelay $0x1  }
0x48c: {  	v2 =	vadd.f32 v3, v2;
	v0 =	vadd.f32 v1, v0;
	_ =	sdelay $0x1  }
0x48d: {  	v0 =	vadd.f32 v0, v2;
	_ =	sdelay $0x1  }
0x48e: {  	[tilespmem:$0x11D80] =	vst v0  }
0x48f: {  	s30 =	simm.s32 $0x0;
	_ =	swait.ge [sflag:s25], $0x8000  }
0x490: {  	s3 =	sand.u32 $0x40, s30;
	s26 =	sand.u32 $0x7E00, s30;
	[sflag:s25] =	ssyncset.done $0x0  }
0x491: {  	s0 =	sor.u32 s3, s26;
	[sflag:s25] =	ssyncadd.s32 $0xFFFF8000  }
0x492: {  	v1 =	vld [tilespmem:s0+$0x8030]  }
0x493: {  	v4 =	vimm.f32 $0.0e+00;
	v2 =	vld [tilespmem:s0+$0x8000]  }
0x494: {  	s31 =	simm.s32 $0x40;
	v6 =	vimm.f32 $0.0e+00;
	v3 =	vimm.f32 $0.0e+00;
	v0 =	vimm.f32 $0.0e+00;
	v5 =	vld [tilespmem:s0+$0x8010]  }
.LBB2_122:
0x495: {  	s1 =	sand.u32 $0x40, s31;
	v7 =	vld [tilespmem:s0+$0x8020];
	s30 =	sadd.s32 $0x100, s30;
	p0 =	sne.s32 s31, $0x1FC0  }
.Ltmp60:
0x496: {  	s31 =	sadd.s32 $0x40, s31;
	s0 =	sand.u32 $0x7E00, s30;
	(pc) =	sbr.rel @p0 .LBB2_122-.Ltmp60, $4  }
0x497: {  	s0 =	sor.u32 s1, s0;
	v0 =	vadd.f32 v1, v0  }
0x498: {  	v1 =	vld [tilespmem:s0+$0x8030];
	v3 =	vadd.f32 v2, v3  }
0x499: {  	v2 =	vld [tilespmem:s0+$0x8000];
	v4 =	vadd.f32 v5, v4  }
0x49a: {  	v5 =	vld [tilespmem:s0+$0x8010];
	v6 =	vadd.f32 v7, v6  }
0x49b: {  	v7 =	vld [tilespmem:s0+$0x8020];
	_ =	sdelay $0x3  }
0x49c: {  	v0 =	vadd.f32 v1, v0;
	v1 =	vadd.f32 v2, v3  }
0x49d: {  	v2 =	vadd.f32 v5, v4;
	v3 =	vadd.f32 v7, v6;
	_ =	sdelay $0x1  }
0x49e: {  	v1 =	vadd.f32 v2, v1;
	v0 =	vadd.f32 v0, v3;
	_ =	sdelay $0x1  }
0x49f: {  	s30 =	simm.s32 $0x0;
	v0 =	vadd.f32 v0, v1  }
0x4a0: {  	s26 =	sand.u32 $0x40, s30;
	s1 =	sand.u32 $0x7E00, s30  }
0x4a1: {  	s0 =	sor.u32 s26, s1;
	[tilespmem:$0x11E00] =	vst v0  }
0x4a2: {  	v1 =	vld [tilespmem:s0+$0x80B0]  }
0x4a3: {  	v4 =	vimm.f32 $0.0e+00;
	v2 =	vld [tilespmem:s0+$0x8080]  }
0x4a4: {  	s31 =	simm.s32 $0x40;
	v6 =	vimm.f32 $0.0e+00;
	v3 =	vimm.f32 $0.0e+00;
	v0 =	vimm.f32 $0.0e+00;
	v5 =	vld [tilespmem:s0+$0x8090]  }
.LBB2_124:
0x4a5: {  	s1 =	sand.u32 $0x40, s31;
	v7 =	vld [tilespmem:s0+$0x80A0];
	s30 =	sadd.s32 $0x100, s30;
	p0 =	sne.s32 s31, $0x1FC0  }
.Ltmp61:
0x4a6: {  	s31 =	sadd.s32 $0x40, s31;
	s0 =	sand.u32 $0x7E00, s30;
	(pc) =	sbr.rel @p0 .LBB2_124-.Ltmp61, $4  }
0x4a7: {  	s0 =	sor.u32 s1, s0;
	v0 =	vadd.f32 v1, v0  }
0x4a8: {  	v1 =	vld [tilespmem:s0+$0x80B0];
	v3 =	vadd.f32 v2, v3  }
0x4a9: {  	v2 =	vld [tilespmem:s0+$0x8080];
	v4 =	vadd.f32 v5, v4  }
0x4aa: {  	v5 =	vld [tilespmem:s0+$0x8090];
	v6 =	vadd.f32 v7, v6  }
0x4ab: {  	v7 =	vld [tilespmem:s0+$0x80A0];
	_ =	sdelay $0x3  }
0x4ac: {  	v0 =	vadd.f32 v1, v0;
	v1 =	vadd.f32 v2, v3  }
0x4ad: {  	v2 =	vadd.f32 v5, v4;
	v3 =	vadd.f32 v7, v6;
	_ =	sdelay $0x1  }
0x4ae: {  	v1 =	vadd.f32 v2, v1;
	v0 =	vadd.f32 v0, v3;
	_ =	sdelay $0x1  }
0x4af: {  	s30 =	simm.s32 $0x0;
	v0 =	vadd.f32 v0, v1  }
0x4b0: {  	s26 =	sand.u32 $0x40, s30;
	s1 =	sand.u32 $0x7E00, s30  }
0x4b1: {  	s0 =	sor.u32 s26, s1;
	[tilespmem:$0x11E80] =	vst v0  }
0x4b2: {  	v1 =	vld [tilespmem:s0+$0x8130]  }
0x4b3: {  	v4 =	vimm.f32 $0.0e+00;
	v2 =	vld [tilespmem:s0+$0x8100]  }
0x4b4: {  	s31 =	simm.s32 $0x40;
	v6 =	vimm.f32 $0.0e+00;
	v3 =	vimm.f32 $0.0e+00;
	v0 =	vimm.f32 $0.0e+00;
	v5 =	vld [tilespmem:s0+$0x8110]  }
.LBB2_126:
0x4b5: {  	s1 =	sand.u32 $0x40, s31;
	v7 =	vld [tilespmem:s0+$0x8120];
	s30 =	sadd.s32 $0x100, s30;
	p0 =	sne.s32 s31, $0x1FC0  }
.Ltmp62:
0x4b6: {  	s31 =	sadd.s32 $0x40, s31;
	s0 =	sand.u32 $0x7E00, s30;
	(pc) =	sbr.rel @p0 .LBB2_126-.Ltmp62, $4  }
0x4b7: {  	s0 =	sor.u32 s1, s0;
	v0 =	vadd.f32 v1, v0  }
0x4b8: {  	v1 =	vld [tilespmem:s0+$0x8130];
	v3 =	vadd.f32 v2, v3  }
0x4b9: {  	v2 =	vld [tilespmem:s0+$0x8100];
	v4 =	vadd.f32 v5, v4  }
0x4ba: {  	v5 =	vld [tilespmem:s0+$0x8110];
	v6 =	vadd.f32 v7, v6  }
0x4bb: {  	v7 =	vld [tilespmem:s0+$0x8120];
	_ =	sdelay $0x3  }
0x4bc: {  	v0 =	vadd.f32 v1, v0;
	v1 =	vadd.f32 v2, v3  }
0x4bd: {  	v2 =	vadd.f32 v5, v4;
	v3 =	vadd.f32 v7, v6;
	_ =	sdelay $0x1  }
0x4be: {  	v1 =	vadd.f32 v2, v1;
	v0 =	vadd.f32 v0, v3;
	_ =	sdelay $0x1  }
0x4bf: {  	s30 =	simm.s32 $0x0;
	v0 =	vadd.f32 v0, v1  }
0x4c0: {  	s26 =	sand.u32 $0x40, s30;
	s1 =	sand.u32 $0x7E00, s30  }
0x4c1: {  	s0 =	sor.u32 s26, s1;
	[tilespmem:$0x11F00] =	vst v0  }
0x4c2: {  	v1 =	vld [tilespmem:s0+$0x81B0]  }
0x4c3: {  	v4 =	vimm.f32 $0.0e+00;
	v2 =	vld [tilespmem:s0+$0x8180]  }
0x4c4: {  	s31 =	simm.s32 $0x40;
	v6 =	vimm.f32 $0.0e+00;
	v3 =	vimm.f32 $0.0e+00;
	v0 =	vimm.f32 $0.0e+00;
	v5 =	vld [tilespmem:s0+$0x8190]  }
.LBB2_128:
0x4c5: {  	s1 =	sand.u32 $0x40, s31;
	v7 =	vld [tilespmem:s0+$0x81A0];
	s30 =	sadd.s32 $0x100, s30;
	p0 =	sne.s32 s31, $0x1FC0  }
.Ltmp63:
0x4c6: {  	s31 =	sadd.s32 $0x40, s31;
	s0 =	sand.u32 $0x7E00, s30;
	(pc) =	sbr.rel @p0 .LBB2_128-.Ltmp63, $4  }
0x4c7: {  	s0 =	sor.u32 s1, s0;
	v0 =	vadd.f32 v1, v0  }
0x4c8: {  	v1 =	vld [tilespmem:s0+$0x81B0];
	v3 =	vadd.f32 v2, v3  }
0x4c9: {  	v2 =	vld [tilespmem:s0+$0x8180];
	v4 =	vadd.f32 v5, v4  }
0x4ca: {  	v5 =	vld [tilespmem:s0+$0x8190];
	v6 =	vadd.f32 v7, v6  }
0x4cb: {  	v7 =	vld [tilespmem:s0+$0x81A0];
	_ =	sdelay $0x3  }
0x4cc: {  	v0 =	vadd.f32 v1, v0;
	v61 =	vadd.f32 v2, v3  }
0x4cd: {  	v62 =	vadd.f32 v5, v4;
	v63 =	vadd.f32 v7, v6;
	_ =	sdelay $0x1  }
0x4ce: {  	v1 =	vadd.f32 v62, v61;
	v0 =	vadd.f32 v0, v63;
	_ =	sdelay $0x1  }
0x4cf: {  	s29 =	sadd.s32 $0x1, s29;
	v0 =	vadd.f32 v0, v1  }
0x4d0: {  	p0 =	sne.s32 s29, s20  }
.Ltmp64:
0x4d1: {  	s31 =	simm.s32 $0x10000;
	[tilespmem:$0x11F80] =	vst v0;
	(pc) =	sbr.rel @p0 .LBB2_1-.Ltmp64, $4  }
0x4d2: {  	[hbm4b:s19+s2] =	stream.linear.scatter [tilespmem:s31], [sflag:$0x3], $0x2000, $0x38;
	[tilespmem:$0x12000] =	vst v63  }
0x4d3: {  	_ =	swait.ge [sflag:s28], $0x2000  }
0x4d4: {  	[sflag:s28] =	ssyncset.done $0x0  }
0x4d5: {  	[sflag:s28] =	ssyncadd.s32 $0xFFFFE000  }
0x4d6: {  	_ =	sfence.sel $0x180000  }
0x4d7: {  	[bflag:$0x0] =	sbarrier.arrive $0xFFFF  }
0x4d8: {  	_ =	strace $0x90000047  }
0x4d9: {  	s0 =	stileid.u32;
	[bflag:$0x2] =	sbarrier.arrive $0xFFFF  }
0x4da: {  	p0 =	sne.s32 s0, $0x0;
	s0 =	rddreg [dreg:$0x2]  }
0x4db: {  	s0 =	sadd.s32 @!p0 $0x100000, s0  }
0x4dc: {  	[sflag:s0] =	ssyncadd.tile.s32 @!p0 $0x1;
	_ =	shalt  }
.Lfunc_end2:
_tile_overlayer_lowered:
.L_overlay_start_2:
0x4dd: {  	(tag) =	ssettag $0x2  }
0x4de: {  	s0 =	rddreg [dreg:$0x0];
	s2 =	stileid.u32  }
0x4df: {  	s1 =	rddreg [dreg:$0x1];
	p0 =	sne.s32 s2, $0x0  }
0x4e0: {  	s3 =	rddreg [dreg:$0x2];
	[bflag:$0x3] =	sbarrier.arrive $0xFFFF;
	s2 =	simm.s32 @!p0 $0x1C03  }
0x4e1: {  	[timem:s3], [sflag:s2] =	dma.local @!p0 [hbm:s0], s1  }
0x4e2: {  	s0 =	simm.s32 @!p0 $0x3  }
0x4e3: {  	_ =	swait.ge @!p0 [sflag:s0], s1  }
0x4e4: {  	s1 =	ssub.s32 @!p0 $0x0, s1;
	[sflag:s0] =	ssyncset.done @!p0 $0x0  }
0x4e5: {  	[sflag:s0] =	ssyncadd.s32 @!p0 s1  }
0x4e6: {  	[bflag:$0x3] =	sbarrier.arrive $0xFFFF  }
0x4e7: {  	_ =	shalt  }

</sc_bundles>
